<compile_context>
chip_gen: v7x
topology: tpu7x:2x2x1
jax: 0.10.2.dev20260603
libtpu: 0.0.44.dev20260713+nightly
codegen_flags: <defaults>
</compile_context>

<pallas_src>
import functools

import jax
import jax.numpy as jnp
from jax import lax
from jax.experimental import pallas as pl
from jax.experimental.pallas import tpu as pltpu
from jax.experimental.pallas import tpu_sc as plsc

N = 10000
NPAD = 10240
E = 320000
CH = 128
NC, NS = 2, 16
NW = NC * NS
RPT = NPAD // NS
BR = 512
GRID = NPAD // BR
IN_CH = 128
LAT = 64
BN_EPS = 1e-5

_mesh = plsc.VectorSubcoreMesh(
    core_axis_name="c", subcore_axis_name="s", num_cores=NC, num_subcores=NS
)

DCA = 80
DCB = 80
DMAX = max(DCA, DCB)


@functools.partial(
    pl.kernel,
    out_type=jax.ShapeDtypeStruct((NC, NPAD, 16), jnp.float32),
    mesh=_mesh,
    scratch_types=[
        pltpu.VMEM((DMAX, CH), jnp.int32),
        pltpu.VMEM((CH, 16), jnp.float32),
        pltpu.VMEM_SHARED((NPAD, 16), jnp.float32),
        pltpu.SemaphoreType.DMA,
    ],
    compiler_params=pltpu.CompilerParams(use_tc_tiling_on_sc=False),
)
def _sc_degree(dst_hbm, out_hbm, didx, buf, accum, ssem):
    cid = lax.axis_index("c")
    sid = lax.axis_index("s")
    r0 = sid * RPT
    nch = jnp.where(cid == 0, DCA, DCB)
    cbase = jnp.where(cid == 0, sid * DCA, NS * DCA + sid * DCB)

    pltpu.sync_copy(dst_hbm.at[pl.ds(cbase, DMAX)], didx)

    def zrow(i, _):
        buf[i, :] = jnp.zeros((16,), jnp.float32)
        return 0

    lax.fori_loop(0, CH, zrow, 0)

    def zc(k, _):
        pltpu.sync_copy(buf, accum.at[pl.ds(r0 + k * CH, CH)])
        return 0

    lax.fori_loop(0, RPT // CH, zc, 0)
    plsc.subcore_barrier()

    def orow(i, _):
        buf[i, :] = jnp.ones((16,), jnp.float32)
        return 0

    lax.fori_loop(0, CH, orow, 0)

    def body(j, _):
        pltpu.async_copy(buf, accum.at[didx.at[j]], ssem, add=True)
        return 0

    lax.fori_loop(0, nch, body, 0)

    def drain(j, _):
        pltpu.make_async_copy(buf, accum.at[didx.at[j]], ssem).wait()
        return 0

    lax.fori_loop(0, nch, drain, 0)
    plsc.subcore_barrier()

    def ro(k, _):
        rr = r0 + k * CH
        pltpu.sync_copy(accum.at[pl.ds(rr, CH)], buf)
        pltpu.sync_copy(buf, out_hbm.at[cid, pl.ds(rr, CH)])
        return 0

    lax.fori_loop(0, RPT // CH, ro, 0)


CA = 80
CB = 80
CMAX = max(CA, CB)
TOTAL_CHUNK = NS * (CA + CB)
CHUNK_PAD = TOTAL_CHUNK + CMAX


def _make_sc_msg(D, NB, CHK):
    TPC_A = CA * CH // CHK
    TPC_B = CB * CH // CHK
    TPC_MAX = max(TPC_A, TPC_B)

    @functools.partial(
        pl.kernel,
        out_type=jax.ShapeDtypeStruct((NC, NPAD, D), jnp.float32),
        mesh=_mesh,
        scratch_types=[
            [pltpu.VMEM((CHK,), jnp.int32)] * NB,
            pltpu.VMEM((TPC_MAX, CHK), jnp.int32),
            pltpu.VMEM((NB * CHK, D), jnp.float32),
            pltpu.VMEM_SHARED((NPAD, D), jnp.float32),
            [pltpu.SemaphoreType.DMA] * NB,
            [pltpu.SemaphoreType.DMA] * NB,
            [pltpu.SemaphoreType.DMA] * NB,
        ],
        compiler_params=pltpu.CompilerParams(use_tc_tiling_on_sc=False),
    )
    def msg(
        tab_hbm, src_hbm, dst_hbm, out_hbm,
        sidx, didx, rowsbuf, accum, isem, gsem, ssem,
    ):
        rows = [rowsbuf.at[pl.ds(b * CHK, CHK)] for b in range(NB)]
        zslice = rowsbuf.at[pl.ds(0, CH)]
        cid = lax.axis_index("c")
        sid = lax.axis_index("s")
        r0 = sid * RPT
        nch = jnp.where(cid == 0, TPC_A, TPC_B)
        cbase = jnp.where(cid == 0, sid * TPC_A, NS * TPC_A + sid * TPC_B)

        def start_iload(j, b):
            return pltpu.async_copy(src_hbm.at[cbase + j], sidx[b], isem[b])

        def wait_iload(j, b):
            pltpu.make_async_copy(
                src_hbm.at[cbase + j], sidx[b], isem[b]
            ).wait()

        def start_gather(b):
            return pltpu.async_copy(tab_hbm.at[sidx[b]], rows[b], gsem[b])

        def wait_gather(b):
            pltpu.make_async_copy(
                tab_hbm.at[sidx[b]], rows[b], gsem[b]
            ).wait()

        pltpu.sync_copy(dst_hbm.at[pl.ds(cbase, TPC_MAX)], didx)

        def zrow(i, _):
            def zcol(jj, _):
                rowsbuf[i, pl.ds(jj * 16, 16)] = jnp.zeros((16,), jnp.float32)
                return 0

            lax.fori_loop(0, D // 16, zcol, 0)
            return 0

        lax.fori_loop(0, CH, zrow, 0)

        def zc(k, _):
            pltpu.sync_copy(zslice, accum.at[pl.ds(r0 + k * CH, CH)])
            return 0

        lax.fori_loop(0, RPT // CH, zc, 0)
        plsc.subcore_barrier()

        for b in range(NB):
            start_iload(b, b)
        for b in range(NB):
            wait_iload(b, b)
            start_gather(b)

        def body(g, _):
            base = g * NB
            for b in range(NB):
                j = base + b
                wait_gather(b)
                sdesc = pltpu.async_copy(
                    rows[b], accum.at[didx.at[j]], ssem[b], add=True
                )
                start_iload(j + NB, b)
                sdesc.wait()
                wait_iload(j + NB, b)
                start_gather(b)
            return 0

        lax.fori_loop(0, nch // NB - 1, body, 0)

        base = nch - NB
        sdescs = []
        for b in range(NB):
            wait_gather(b)
            sdescs.append(
                pltpu.async_copy(
                    rows[b], accum.at[didx.at[base + b]], ssem[b], add=True
                )
            )
        for b in range(NB):
            sdescs[b].wait()
        plsc.subcore_barrier()

        def ro(k, _):
            rr = r0 + k * CH
            pltpu.sync_copy(accum.at[pl.ds(rr, CH)], zslice)
            pltpu.sync_copy(zslice, out_hbm.at[cid, pl.ds(rr, CH)])
            return 0

        lax.fori_loop(0, RPT // CH, ro, 0)

    return msg


_sc_msg128 = _make_sc_msg(IN_CH, 4, 64)
_sc_msg64 = _make_sc_msg(LAT, 4, CH)


def _dinv_col(degp_ref, i):
    dp = degp_ref[...]
    deg = dp[0, :, 0:1] + dp[1, :, 0:1] + 1.0
    dinv = lax.rsqrt(deg)
    rows = lax.broadcasted_iota(jnp.int32, (BR, 1), 0) + i * BR
    return jnp.where(rows < N, dinv, 0.0)


def _tc1_body(xp_ref, w1_ref, degp_ref, scaled_ref):
    dinv = _dinv_col(degp_ref, pl.program_id(0))
    xw = jnp.dot(xp_ref[...], w1_ref[...], preferred_element_type=jnp.float32)
    scaled_ref[...] = xw * dinv


def _tc23_body(
    p_ref, s1_ref, degp_ref, b1_ref, g_ref, bt_ref, w2_ref,
    s2_ref, out1_scr, stats_scr,
):
    ph = pl.program_id(0)
    i = pl.program_id(1)
    dinv = _dinv_col(degp_ref, i)

    @pl.when(ph == 0)
    def _():
        p = p_ref[...]
        o = dinv * (p[0] + p[1] + s1_ref[...]) + b1_ref[...]
        out1_scr[pl.ds(i * BR, BR), :] = o
        rows = lax.broadcasted_iota(jnp.int32, (BR, 1), 0) + i * BR
        om = jnp.where(rows < N, o, 0.0)

        @pl.when(i == 0)
        def _():
            stats_scr[...] = jnp.zeros_like(stats_scr)

        stats_scr[0:1, :] += jnp.sum(om, axis=0, keepdims=True)
        stats_scr[1:2, :] += jnp.sum(om * om, axis=0, keepdims=True)

    @pl.when(ph == 1)
    def _():
        st = stats_scr[...]
        mean = st[0:1, :] * (1.0 / N)
        var = st[1:2, :] * (1.0 / N) - mean * mean
        o = out1_scr[pl.ds(i * BR, BR), :]
        h = g_ref[...] * (o - mean) * lax.rsqrt(var + BN_EPS) + bt_ref[...]
        h = jnp.maximum(h, 0.0)
        hw = jnp.dot(h, w2_ref[...], preferred_element_type=jnp.float32)
        s2_ref[...] = hw * dinv


def _tc4_body(p_ref, s2_ref, degp_ref, b2_ref, z_ref):
    p = p_ref[...]
    z_ref[...] = (
        _dinv_col(degp_ref, pl.program_id(0)) * (p[0] + p[1] + s2_ref[...])
        + b2_ref[...]
    )


def _row_spec(d):
    return pl.BlockSpec((BR, d), lambda i: (i, 0))


_degp_spec = pl.BlockSpec((NC, BR, 16), lambda i: (0, i, 0))

_tc1 = pl.pallas_call(
    _tc1_body,
    grid=(GRID,),
    in_specs=[
        _row_spec(IN_CH),
        pl.BlockSpec((IN_CH, IN_CH), lambda i: (0, 0)),
        _degp_spec,
    ],
    out_specs=_row_spec(IN_CH),
    out_shape=jax.ShapeDtypeStruct((NPAD, IN_CH), jnp.float32),
)

_tc23 = pl.pallas_call(
    _tc23_body,
    grid=(2, GRID),
    in_specs=[
        pl.BlockSpec(
            (NC, BR, IN_CH), lambda ph, i: (0, jnp.where(ph == 0, i, 0), 0)
        ),
        pl.BlockSpec((BR, IN_CH), lambda ph, i: (jnp.where(ph == 0, i, 0), 0)),
        pl.BlockSpec((NC, BR, 16), lambda ph, i: (0, i, 0)),
        pl.BlockSpec((1, IN_CH), lambda ph, i: (0, 0)),
        pl.BlockSpec((1, IN_CH), lambda ph, i: (0, 0)),
        pl.BlockSpec((1, IN_CH), lambda ph, i: (0, 0)),
        pl.BlockSpec((IN_CH, LAT), lambda ph, i: (0, 0)),
    ],
    out_specs=pl.BlockSpec((BR, LAT), lambda ph, i: (jnp.where(ph == 0, 0, i), 0)),
    out_shape=jax.ShapeDtypeStruct((NPAD, LAT), jnp.float32),
    scratch_shapes=[
        pltpu.VMEM((NPAD, IN_CH), jnp.float32),
        pltpu.VMEM((8, IN_CH), jnp.float32),
    ],
)

_tc4 = pl.pallas_call(
    _tc4_body,
    grid=(GRID,),
    in_specs=[
        pl.BlockSpec((NC, BR, LAT), lambda i: (0, i, 0)),
        _row_spec(LAT),
        _degp_spec,
        pl.BlockSpec((1, LAT), lambda i: (0, 0)),
    ],
    out_specs=_row_spec(LAT),
    out_shape=jax.ShapeDtypeStruct((NPAD, LAT), jnp.float32),
)


def kernel(x, edge_index, W1, b1, gamma, beta, W2, b2):
    src = edge_index[0].astype(jnp.int32)
    dst = edge_index[1].astype(jnp.int32)
    padi = N + (jnp.arange(CHUNK_PAD * CH - E, dtype=jnp.int32) % (NPAD - N))
    srcp = jnp.concatenate([src, padi])
    dstp = jnp.concatenate([dst, padi])
    xpad = jnp.concatenate([x, jnp.zeros((NPAD - N, IN_CH), jnp.float32)])

    srcp3 = srcp.reshape(CHUNK_PAD, CH)
    dstp3 = dstp.reshape(CHUNK_PAD, CH)
    srcp64 = srcp.reshape(CHUNK_PAD * 2, CH // 2)
    dstp64 = dstp.reshape(CHUNK_PAD * 2, CH // 2)

    degp = _sc_degree(dstp3)
    scaled1 = _tc1(xpad, W1, degp)
    part1 = _sc_msg128(scaled1, srcp64, dstp64)
    scaled2 = _tc23(
        part1,
        scaled1,
        degp,
        b1.reshape(1, IN_CH),
        gamma.reshape(1, IN_CH),
        beta.reshape(1, IN_CH),
        W2,
    )
    part2 = _sc_msg64(scaled2, srcp3, dstp3)
    z = _tc4(part2, scaled2, degp, b2.reshape(1, LAT))
    return z[:N]

# --- scband reference (transcript-rebuilt; emitter-appended) ---
"""Pipeline reference for scband-gaeencoder-11029476016716 (READ-ONLY COPY).

The authoritative reference and input builder live on the scoring server;
editing this copy changes nothing except your own understanding.
"""

import jax, jax.numpy as jnp
import numpy as np

N_NODES = 10000
N_EDGES = 320000
IN_CH = 128
HID_CH = 128
LAT = 64
BN_EPS = 1e-5


def _glorot(key, shape):
    fan_in, fan_out = shape[0], shape[1]
    limit = np.sqrt(6.0 / (fan_in + fan_out))
    return jax.random.uniform(key, shape, jnp.float32, -limit, limit)


def setup_inputs(seed: int = 0) -> dict:
    key = jax.random.key(seed)
    k_x, k_e, k_w1, k_w2 = jax.random.split(key, 4)
    x = jax.random.normal(k_x, (N_NODES, IN_CH), dtype=jnp.float32)
    edge_index = jax.random.randint(k_e, (2, N_EDGES), 0, N_NODES, dtype=jnp.int64)
    W1 = _glorot(k_w1, (IN_CH, HID_CH))
    b1 = jnp.zeros((HID_CH,), jnp.float32)
    gamma = jnp.ones((HID_CH,), jnp.float32)
    beta = jnp.zeros((HID_CH,), jnp.float32)
    W2 = _glorot(k_w2, (HID_CH, LAT))
    b2 = jnp.zeros((LAT,), jnp.float32)
    return {"x": x, "edge_index": edge_index, "W1": W1, "b1": b1, "gamma": gamma, "beta": beta, "W2": W2, "b2": b2}


def gcn_conv(x, edge_index, W, b):
    num_nodes = x.shape[0]
    loop = jnp.arange(num_nodes, dtype=edge_index.dtype)
    src = jnp.concatenate([edge_index[0], loop])
    dst = jnp.concatenate([edge_index[1], loop])
    xw = x @ W
    deg = jnp.zeros((num_nodes,), xw.dtype).at[dst].add(1.0)
    dinv = jax.lax.rsqrt(jnp.maximum(deg, 1.0))
    norm = dinv[src] * dinv[dst]
    msg = jnp.take(xw, src, axis=0) * norm[:, None]
    out = jnp.zeros((num_nodes, xw.shape[1]), xw.dtype).at[dst].add(msg)
    return out + b


def batch_norm(h, gamma, beta):
    mean = jnp.mean(h, axis=0)
    var = jnp.var(h, axis=0)
    return gamma * (h - mean) * jax.lax.rsqrt(var + BN_EPS) + beta


def reference(x, edge_index, W1, b1, gamma, beta, W2, b2):
    h = gcn_conv(x, edge_index, W1, b1)
    h = batch_norm(h, gamma, beta)
    h = jax.nn.relu(h)
    # dropout is a no-op in deterministic/eval reference
    z = gcn_conv(h, edge_index, W2, b2)
    return z

if __name__ == "__main__":
    import jax
    _d = setup_inputs()
    print(jax.jit(kernel)(*tuple(_d.values())))

</pallas_src>

<mosaic_0001>
#map = affine_map<(d0, d1) -> (0, 0)>
#map1 = affine_map<(d0, d1) -> (0, 0, 0)>
module attributes {stable_mosaic.version = 14 : i64} {
  func.func @_sc_degree(%arg0: i32, %arg1: i32, %arg2: memref<2640x128xi32, #tpu.memory_space<hbm>>, %arg3: memref<2x10240x16xf32, #tpu.memory_space<hbm>>, %arg4: memref<80x128xi32, #tpu.memory_space<vmem>>, %arg5: memref<128x16xf32, #tpu.memory_space<vmem>>, %arg6: memref<10240x16xf32, #tpu.memory_space<vmem_shared>>, %arg7: memref<!tpu.dma_semaphore, #tpu.memory_space<semaphore_mem>>) attributes {dimension_semantics = [#tpu.dimension_semantics<core_parallel>, #tpu.dimension_semantics<subcore_parallel>], iteration_bounds = array<i64: 2, 16>, scalar_prefetch = 0 : i64, scratch_operands = 4 : i64, tpu.core_type = #tpu.core_type<sc_vector_subcore>, window_params = [{transform_indices = #map}, {transform_indices = #map1}]} {
    %mul3A = arith.constant 640 : i32
    %mul3A_0 = arith.muli %arg1, %mul3A : i32
    %eq3A = arith.constant 0 : i32
    %eq3A_1 = arith.cmpi eq, %arg0, %eq3A : i32
    %jit3A = arith.constant 80 : i32
    %jit3A_2 = arith.constant 80 : i32
    %select_n3A = arith.select %eq3A_1, %jit3A, %jit3A_2 : i32
    %eq3A_3 = arith.constant 0 : i32
    %eq3A_4 = arith.cmpi eq, %arg0, %eq3A_3 : i32
    %mul3A_5 = arith.constant 80 : i32
    %mul3A_6 = arith.muli %arg1, %mul3A_5 : i32
    %mul3A_7 = arith.constant 80 : i32
    %mul3A_8 = arith.muli %arg1, %mul3A_7 : i32
    %add3A = arith.constant 1280 : i32
    %add3A_9 = arith.addi %add3A, %mul3A_8 : i32
    %select_n3A_10 = arith.select %eq3A_4, %mul3A_6, %add3A_9 : i32
    "tpu.region"() ({
      %run_scoped3A = tpu.sem_alloc : memref<!tpu.dma_semaphore, #tpu.memory_space<semaphore_mem>>
      %dma_start3A = arith.constant 0 : i32
      %dma_start3A_62 = tpu.memref_slice %arg2[%select_n3A_10, %dma_start3A] : memref<2640x128xi32, #tpu.memory_space<hbm>> -> memref<80x128xi32, #tpu.memory_space<hbm>>
      %dma_start3A_63 = arith.constant 0 : i32
      %dma_start3A_64 = tpu.memref_slice %arg2[%select_n3A_10, %dma_start3A_63] : memref<2640x128xi32, #tpu.memory_space<hbm>> -> memref<80x128xi32, #tpu.memory_space<hbm>>
      tpu.enqueue_dma source(%dma_start3A_64 : memref<80x128xi32, #tpu.memory_space<hbm>>) target(%arg4 : memref<80x128xi32, #tpu.memory_space<vmem>>) target_semaphore(%run_scoped3A : memref<!tpu.dma_semaphore, #tpu.memory_space<semaphore_mem>>)
      %dma_wait3A = arith.constant 0 : i32
      %dma_wait3A_65 = tpu.memref_slice %arg2[%select_n3A_10, %dma_wait3A] : memref<2640x128xi32, #tpu.memory_space<hbm>> -> memref<80x128xi32, #tpu.memory_space<hbm>>
      %dma_wait3A_66 = arith.constant 0 : i32
      %dma_wait3A_67 = tpu.memref_slice %arg2[%select_n3A_10, %dma_wait3A_66] : memref<2640x128xi32, #tpu.memory_space<hbm>> -> memref<80x128xi32, #tpu.memory_space<hbm>>
      tpu.wait_dma2 semaphore(%run_scoped3A : memref<!tpu.dma_semaphore, #tpu.memory_space<semaphore_mem>>) src(%dma_wait3A_67 : memref<80x128xi32, #tpu.memory_space<hbm>>) dst(%arg4 : memref<80x128xi32, #tpu.memory_space<vmem>>)
      tpu.yield
    }) : () -> ()
    %scan3A = arith.constant 0 : i32
    %scan3A_11 = arith.constant 0 : i32
    %scan3A_12 = arith.constant 128 : i32
    %scan3A_13 = arith.addi %scan3A_11, %scan3A_12 : i32
    %scan3A_14 = arith.constant 1 : i32
    %scan3A_15 = scf.for %scan3A_62 = %scan3A_11 to %scan3A_13 step %scan3A_14 iter_args(%scan3A_63 = %scan3A) -> (i32)  : i32 {
      %broadcast_in_dim3A = arith.constant 0.000000e+00 : f32
      %broadcast_in_dim3A_64 = vector.broadcast %broadcast_in_dim3A : f32 to vector<16xf32>
      %swap3A = arith.index_cast %scan3A_62 : i32 to index
      %swap3A_65 = arith.constant 0 : index
      %swap3A_66 = tpu.vector_load %arg5[%swap3A, %swap3A_65] {strides = array<i32>} : memref<128x16xf32, #tpu.memory_space<vmem>>, vector<1x16xf32>,
      %swap3A_67 = vector.shape_cast %swap3A_66 : vector<1x16xf32> to vector<16xf32>
      %swap3A_68 = vector.shape_cast %broadcast_in_dim3A_64 : vector<16xf32> to vector<1x16xf32>
      tpu.vector_store %arg5[%swap3A, %swap3A_65], %swap3A_68 {strides = array<i32>} : memref<128x16xf32, #tpu.memory_space<vmem>>, vector<1x16xf32>,
      %scan3A_69 = arith.constant 0 : i32
      scf.yield %scan3A_69 : i32
    }
    %scan3A_16 = arith.constant 128 : i32
    %scan3A_17 = arith.constant 0 : i32
    %scan3A_18 = arith.constant 0 : i32
    %scan3A_19 = arith.constant 5 : i32
    %scan3A_20 = arith.addi %scan3A_18, %scan3A_19 : i32
    %scan3A_21 = arith.constant 1 : i32
    %scan3A_22 = scf.for %scan3A_62 = %scan3A_18 to %scan3A_20 step %scan3A_21 iter_args(%scan3A_63 = %scan3A_17) -> (i32)  : i32 {
      %mul3A_64 = arith.constant 128 : i32
      %mul3A_65 = arith.muli %scan3A_62, %mul3A_64 : i32
      %add3A_66 = arith.addi %mul3A_0, %mul3A_65 : i32
      "tpu.region"() ({
        %run_scoped3A = tpu.sem_alloc : memref<!tpu.dma_semaphore, #tpu.memory_space<semaphore_mem>>
        %dma_start3A = arith.constant 0 : i32
        %dma_start3A_68 = tpu.memref_slice %arg6[%add3A_66, %dma_start3A] : memref<10240x16xf32, #tpu.memory_space<vmem_shared>> -> memref<128x16xf32, #tpu.memory_space<vmem_shared>>
        %dma_start3A_69 = arith.constant 0 : i32
        %dma_start3A_70 = tpu.memref_slice %arg6[%add3A_66, %dma_start3A_69] : memref<10240x16xf32, #tpu.memory_space<vmem_shared>> -> memref<128x16xf32, #tpu.memory_space<vmem_shared>>
        tpu.enqueue_dma source(%arg5 : memref<128x16xf32, #tpu.memory_space<vmem>>) target(%dma_start3A_70 : memref<128x16xf32, #tpu.memory_space<vmem_shared>>) target_semaphore(%run_scoped3A : memref<!tpu.dma_semaphore, #tpu.memory_space<semaphore_mem>>)
        %dma_wait3A = arith.constant 0 : i32
        %dma_wait3A_71 = tpu.memref_slice %arg6[%add3A_66, %dma_wait3A] : memref<10240x16xf32, #tpu.memory_space<vmem_shared>> -> memref<128x16xf32, #tpu.memory_space<vmem_shared>>
        %dma_wait3A_72 = arith.constant 0 : i32
        %dma_wait3A_73 = tpu.memref_slice %arg6[%add3A_66, %dma_wait3A_72] : memref<10240x16xf32, #tpu.memory_space<vmem_shared>> -> memref<128x16xf32, #tpu.memory_space<vmem_shared>>
        tpu.wait_dma2 semaphore(%run_scoped3A : memref<!tpu.dma_semaphore, #tpu.memory_space<semaphore_mem>>) src(%arg5 : memref<128x16xf32, #tpu.memory_space<vmem>>) dst(%dma_wait3A_73 : memref<128x16xf32, #tpu.memory_space<vmem_shared>>)
        tpu.yield
      }) : () -> ()
      %scan3A_67 = arith.constant 0 : i32
      scf.yield %scan3A_67 : i32
    }
    %scan3A_23 = arith.constant 5 : i32
    %barrier3A = arith.constant 0 : index
    tpu.barrier barrier_id(%barrier3A)
    %scan3A_24 = arith.constant 0 : i32
    %scan3A_25 = arith.constant 0 : i32
    %scan3A_26 = arith.constant 128 : i32
    %scan3A_27 = arith.addi %scan3A_25, %scan3A_26 : i32
    %scan3A_28 = arith.constant 1 : i32
    %scan3A_29 = scf.for %scan3A_62 = %scan3A_25 to %scan3A_27 step %scan3A_28 iter_args(%scan3A_63 = %scan3A_24) -> (i32)  : i32 {
      %broadcast_in_dim3A = arith.constant 1.000000e+00 : f32
      %broadcast_in_dim3A_64 = vector.broadcast %broadcast_in_dim3A : f32 to vector<16xf32>
      %swap3A = arith.index_cast %scan3A_62 : i32 to index
      %swap3A_65 = arith.constant 0 : index
      %swap3A_66 = tpu.vector_load %arg5[%swap3A, %swap3A_65] {strides = array<i32>} : memref<128x16xf32, #tpu.memory_space<vmem>>, vector<1x16xf32>,
      %swap3A_67 = vector.shape_cast %swap3A_66 : vector<1x16xf32> to vector<16xf32>
      %swap3A_68 = vector.shape_cast %broadcast_in_dim3A_64 : vector<16xf32> to vector<1x16xf32>
      tpu.vector_store %arg5[%swap3A, %swap3A_65], %swap3A_68 {strides = array<i32>} : memref<128x16xf32, #tpu.memory_space<vmem>>, vector<1x16xf32>,
      %scan3A_69 = arith.constant 0 : i32
      scf.yield %scan3A_69 : i32
    }
    %scan3A_30 = arith.constant 128 : i32
    %while3A = arith.constant 0 : i32
    %while3A_31 = arith.constant 0 : i32
    %while3A_32 = arith.subi %select_n3A, %while3A : i32
    %while3A_33 = arith.addi %while3A, %while3A_32 : i32
    %while3A_34 = arith.constant 1 : i32
    %while3A_35 = arith.divsi %while3A_32, %while3A_34 : i32
    %while3A_36 = arith.muli %while3A_35, %while3A_34 : i32
    %while3A_37 = arith.addi %while3A, %while3A_36 : i32
    %while3A_38 = arith.constant 1 : i32
    %while3A_39 = scf.for %while3A_62 = %while3A to %while3A_37 step %while3A_38 iter_args(%while3A_63 = %while3A_31) -> (i32)  : i32 {
      %dma_start3A = arith.constant 0 : i32
      %dma_start3A_64 = tpu.memref_slice %arg4[%while3A_62, %dma_start3A] : memref<80x128xi32, #tpu.memory_space<vmem>> -> memref<1x128xi32, #tpu.memory_space<vmem>>
      %dma_start3A_65 = tpu.memref_squeeze %dma_start3A_64 : memref<1x128xi32, #tpu.memory_space<vmem>> -> memref<128xi32, #tpu.memory_space<vmem>>
      %dma_start3A_66 = arith.constant 0 : i32
      %dma_start3A_67 = arith.constant 0 : i32
      %dma_start3A_68 = tpu.memref_slice %arg6[%dma_start3A_66, %dma_start3A_67] : memref<10240x16xf32, #tpu.memory_space<vmem_shared>> -> memref<10240x16xf32, #tpu.memory_space<vmem_shared>>
      tpu.enqueue_indirect_dma source(%arg5 : memref<128x16xf32, #tpu.memory_space<vmem>>) target(%dma_start3A_68 : memref<10240x16xf32, #tpu.memory_space<vmem_shared>>) offsets(%dma_start3A_65 : memref<128xi32, #tpu.memory_space<vmem>>) semaphore(%arg7 : memref<!tpu.dma_semaphore, #tpu.memory_space<semaphore_mem>>) {add = true}
      %while3A_69 = arith.constant 0 : i32
      scf.yield %while3A_69 : i32
    }
    %while3A_40 = arith.constant 1 : i32
    %while3A_41 = scf.for %while3A_62 = %while3A_37 to %while3A_33 step %while3A_40 iter_args(%while3A_63 = %while3A_39) -> (i32)  : i32 {
      %dma_start3A = arith.constant 0 : i32
      %dma_start3A_64 = tpu.memref_slice %arg4[%while3A_62, %dma_start3A] : memref<80x128xi32, #tpu.memory_space<vmem>> -> memref<1x128xi32, #tpu.memory_space<vmem>>
      %dma_start3A_65 = tpu.memref_squeeze %dma_start3A_64 : memref<1x128xi32, #tpu.memory_space<vmem>> -> memref<128xi32, #tpu.memory_space<vmem>>
      %dma_start3A_66 = arith.constant 0 : i32
      %dma_start3A_67 = arith.constant 0 : i32
      %dma_start3A_68 = tpu.memref_slice %arg6[%dma_start3A_66, %dma_start3A_67] : memref<10240x16xf32, #tpu.memory_space<vmem_shared>> -> memref<10240x16xf32, #tpu.memory_space<vmem_shared>>
      tpu.enqueue_indirect_dma source(%arg5 : memref<128x16xf32, #tpu.memory_space<vmem>>) target(%dma_start3A_68 : memref<10240x16xf32, #tpu.memory_space<vmem_shared>>) offsets(%dma_start3A_65 : memref<128xi32, #tpu.memory_space<vmem>>) semaphore(%arg7 : memref<!tpu.dma_semaphore, #tpu.memory_space<semaphore_mem>>) {add = true}
      %while3A_69 = arith.constant 0 : i32
      scf.yield %while3A_69 : i32
    }
    %while3A_42 = arith.constant 0 : i32
    %while3A_43 = arith.constant 0 : i32
    %while3A_44 = arith.subi %select_n3A, %while3A_42 : i32
    %while3A_45 = arith.addi %while3A_42, %while3A_44 : i32
    %while3A_46 = arith.constant 1 : i32
    %while3A_47 = arith.divsi %while3A_44, %while3A_46 : i32
    %while3A_48 = arith.muli %while3A_47, %while3A_46 : i32
    %while3A_49 = arith.addi %while3A_42, %while3A_48 : i32
    %while3A_50 = arith.constant 1 : i32
    %while3A_51 = scf.for %while3A_62 = %while3A_42 to %while3A_49 step %while3A_50 iter_args(%while3A_63 = %while3A_43) -> (i32)  : i32 {
      %dma_wait3A = arith.constant 0 : i32
      %dma_wait3A_64 = tpu.memref_slice %arg4[%while3A_62, %dma_wait3A] : memref<80x128xi32, #tpu.memory_space<vmem>> -> memref<1x128xi32, #tpu.memory_space<vmem>>
      %dma_wait3A_65 = tpu.memref_squeeze %dma_wait3A_64 : memref<1x128xi32, #tpu.memory_space<vmem>> -> memref<128xi32, #tpu.memory_space<vmem>>
      %dma_wait3A_66 = arith.constant 0 : i32
      %dma_wait3A_67 = arith.constant 0 : i32
      %dma_wait3A_68 = tpu.memref_slice %arg6[%dma_wait3A_66, %dma_wait3A_67] : memref<10240x16xf32, #tpu.memory_space<vmem_shared>> -> memref<10240x16xf32, #tpu.memory_space<vmem_shared>>
      tpu.wait_indirect_dma semaphore(%arg7 : memref<!tpu.dma_semaphore, #tpu.memory_space<semaphore_mem>>) src(%arg5 : memref<128x16xf32, #tpu.memory_space<vmem>>) dst(%dma_wait3A_68 : memref<10240x16xf32, #tpu.memory_space<vmem_shared>>)
      %while3A_69 = arith.constant 0 : i32
      scf.yield %while3A_69 : i32
    }
    %while3A_52 = arith.constant 1 : i32
    %while3A_53 = scf.for %while3A_62 = %while3A_49 to %while3A_45 step %while3A_52 iter_args(%while3A_63 = %while3A_51) -> (i32)  : i32 {
      %dma_wait3A = arith.constant 0 : i32
      %dma_wait3A_64 = tpu.memref_slice %arg4[%while3A_62, %dma_wait3A] : memref<80x128xi32, #tpu.memory_space<vmem>> -> memref<1x128xi32, #tpu.memory_space<vmem>>
      %dma_wait3A_65 = tpu.memref_squeeze %dma_wait3A_64 : memref<1x128xi32, #tpu.memory_space<vmem>> -> memref<128xi32, #tpu.memory_space<vmem>>
      %dma_wait3A_66 = arith.constant 0 : i32
      %dma_wait3A_67 = arith.constant 0 : i32
      %dma_wait3A_68 = tpu.memref_slice %arg6[%dma_wait3A_66, %dma_wait3A_67] : memref<10240x16xf32, #tpu.memory_space<vmem_shared>> -> memref<10240x16xf32, #tpu.memory_space<vmem_shared>>
      tpu.wait_indirect_dma semaphore(%arg7 : memref<!tpu.dma_semaphore, #tpu.memory_space<semaphore_mem>>) src(%arg5 : memref<128x16xf32, #tpu.memory_space<vmem>>) dst(%dma_wait3A_68 : memref<10240x16xf32, #tpu.memory_space<vmem_shared>>)
      %while3A_69 = arith.constant 0 : i32
      scf.yield %while3A_69 : i32
    }
    %barrier3A_54 = arith.constant 0 : index
    tpu.barrier barrier_id(%barrier3A_54)
    %scan3A_55 = arith.constant 0 : i32
    %scan3A_56 = arith.constant 0 : i32
    %scan3A_57 = arith.constant 5 : i32
    %scan3A_58 = arith.addi %scan3A_56, %scan3A_57 : i32
    %scan3A_59 = arith.constant 1 : i32
    %scan3A_60 = scf.for %scan3A_62 = %scan3A_56 to %scan3A_58 step %scan3A_59 iter_args(%scan3A_63 = %scan3A_55) -> (i32)  : i32 {
      %mul3A_64 = arith.constant 128 : i32
      %mul3A_65 = arith.muli %scan3A_62, %mul3A_64 : i32
      %add3A_66 = arith.addi %mul3A_0, %mul3A_65 : i32
      "tpu.region"() ({
        %run_scoped3A = tpu.sem_alloc : memref<!tpu.dma_semaphore, #tpu.memory_space<semaphore_mem>>
        %dma_start3A = arith.constant 0 : i32
        %dma_start3A_68 = tpu.memref_slice %arg6[%add3A_66, %dma_start3A] : memref<10240x16xf32, #tpu.memory_space<vmem_shared>> -> memref<128x16xf32, #tpu.memory_space<vmem_shared>>
        %dma_start3A_69 = arith.constant 0 : i32
        %dma_start3A_70 = tpu.memref_slice %arg6[%add3A_66, %dma_start3A_69] : memref<10240x16xf32, #tpu.memory_space<vmem_shared>> -> memref<128x16xf32, #tpu.memory_space<vmem_shared>>
        tpu.enqueue_dma source(%dma_start3A_70 : memref<128x16xf32, #tpu.memory_space<vmem_shared>>) target(%arg5 : memref<128x16xf32, #tpu.memory_space<vmem>>) target_semaphore(%run_scoped3A : memref<!tpu.dma_semaphore, #tpu.memory_space<semaphore_mem>>)
        %dma_wait3A = arith.constant 0 : i32
        %dma_wait3A_71 = tpu.memref_slice %arg6[%add3A_66, %dma_wait3A] : memref<10240x16xf32, #tpu.memory_space<vmem_shared>> -> memref<128x16xf32, #tpu.memory_space<vmem_shared>>
        %dma_wait3A_72 = arith.constant 0 : i32
        %dma_wait3A_73 = tpu.memref_slice %arg6[%add3A_66, %dma_wait3A_72] : memref<10240x16xf32, #tpu.memory_space<vmem_shared>> -> memref<128x16xf32, #tpu.memory_space<vmem_shared>>
        tpu.wait_dma2 semaphore(%run_scoped3A : memref<!tpu.dma_semaphore, #tpu.memory_space<semaphore_mem>>) src(%dma_wait3A_73 : memref<128x16xf32, #tpu.memory_space<vmem_shared>>) dst(%arg5 : memref<128x16xf32, #tpu.memory_space<vmem>>)
        tpu.yield
      }) : () -> ()
      "tpu.region"() ({
        %run_scoped3A = tpu.sem_alloc : memref<!tpu.dma_semaphore, #tpu.memory_space<semaphore_mem>>
        %dma_start3A = arith.constant 0 : i32
        %dma_start3A_68 = tpu.memref_slice %arg3[%arg0, %add3A_66, %dma_start3A] : memref<2x10240x16xf32, #tpu.memory_space<hbm>> -> memref<1x128x16xf32, #tpu.memory_space<hbm>>
        %dma_start3A_69 = tpu.memref_squeeze %dma_start3A_68 : memref<1x128x16xf32, #tpu.memory_space<hbm>> -> memref<128x16xf32, #tpu.memory_space<hbm>>
        %dma_start3A_70 = arith.constant 0 : i32
        %dma_start3A_71 = tpu.memref_slice %arg3[%arg0, %add3A_66, %dma_start3A_70] : memref<2x10240x16xf32, #tpu.memory_space<hbm>> -> memref<1x128x16xf32, #tpu.memory_space<hbm>>
        %dma_start3A_72 = tpu.memref_squeeze %dma_start3A_71 : memref<1x128x16xf32, #tpu.memory_space<hbm>> -> memref<128x16xf32, #tpu.memory_space<hbm>>
        tpu.enqueue_dma source(%arg5 : memref<128x16xf32, #tpu.memory_space<vmem>>) target(%dma_start3A_72 : memref<128x16xf32, #tpu.memory_space<hbm>>) target_semaphore(%run_scoped3A : memref<!tpu.dma_semaphore, #tpu.memory_space<semaphore_mem>>)
        %dma_wait3A = arith.constant 0 : i32
        %dma_wait3A_73 = tpu.memref_slice %arg3[%arg0, %add3A_66, %dma_wait3A] : memref<2x10240x16xf32, #tpu.memory_space<hbm>> -> memref<1x128x16xf32, #tpu.memory_space<hbm>>
        %dma_wait3A_74 = tpu.memref_squeeze %dma_wait3A_73 : memref<1x128x16xf32, #tpu.memory_space<hbm>> -> memref<128x16xf32, #tpu.memory_space<hbm>>
        %dma_wait3A_75 = arith.constant 0 : i32
        %dma_wait3A_76 = tpu.memref_slice %arg3[%arg0, %add3A_66, %dma_wait3A_75] : memref<2x10240x16xf32, #tpu.memory_space<hbm>> -> memref<1x128x16xf32, #tpu.memory_space<hbm>>
        %dma_wait3A_77 = tpu.memref_squeeze %dma_wait3A_76 : memref<1x128x16xf32, #tpu.memory_space<hbm>> -> memref<128x16xf32, #tpu.memory_space<hbm>>
        tpu.wait_dma2 semaphore(%run_scoped3A : memref<!tpu.dma_semaphore, #tpu.memory_space<semaphore_mem>>) src(%arg5 : memref<128x16xf32, #tpu.memory_space<vmem>>) dst(%dma_wait3A_77 : memref<128x16xf32, #tpu.memory_space<hbm>>)
        tpu.yield
      }) : () -> ()
      %scan3A_67 = arith.constant 0 : i32
      scf.yield %scan3A_67 : i32
    }
    %scan3A_61 = arith.constant 5 : i32
    return
  }
}

#map = affine_map<(d0, d1) -> (0, 0)>
#map1 = affine_map<(d0, d1) -> (0, 0, 0)>
module attributes {stable_mosaic.version = 14 : i64} {
  func.func @msg(%arg0: i32, %arg1: i32, %arg2: memref<10240x128xf32, #tpu.memory_space<hbm>>, %arg3: memref<5280x64xi32, #tpu.memory_space<hbm>>, %arg4: memref<5280x64xi32, #tpu.memory_space<hbm>>, %arg5: memref<2x10240x128xf32, #tpu.memory_space<hbm>>, %arg6: memref<64xi32, #tpu.memory_space<vmem>>, %arg7: memref<64xi32, #tpu.memory_space<vmem>>, %arg8: memref<64xi32, #tpu.memory_space<vmem>>, %arg9: memref<64xi32, #tpu.memory_space<vmem>>, %arg10: memref<160x64xi32, #tpu.memory_space<vmem>>, %arg11: memref<256x128xf32, #tpu.memory_space<vmem>>, %arg12: memref<10240x128xf32, #tpu.memory_space<vmem_shared>>, %arg13: memref<!tpu.dma_semaphore, #tpu.memory_space<semaphore_mem>>, %arg14: memref<!tpu.dma_semaphore, #tpu.memory_space<semaphore_mem>>, %arg15: memref<!tpu.dma_semaphore, #tpu.memory_space<semaphore_mem>>, %arg16: memref<!tpu.dma_semaphore, #tpu.memory_space<semaphore_mem>>, %arg17: memref<!tpu.dma_semaphore, #tpu.memory_space<semaphore_mem>>, %arg18: memref<!tpu.dma_semaphore, #tpu.memory_space<semaphore_mem>>, %arg19: memref<!tpu.dma_semaphore, #tpu.memory_space<semaphore_mem>>, %arg20: memref<!tpu.dma_semaphore, #tpu.memory_space<semaphore_mem>>, %arg21: memref<!tpu.dma_semaphore, #tpu.memory_space<semaphore_mem>>, %arg22: memref<!tpu.dma_semaphore, #tpu.memory_space<semaphore_mem>>, %arg23: memref<!tpu.dma_semaphore, #tpu.memory_space<semaphore_mem>>, %arg24: memref<!tpu.dma_semaphore, #tpu.memory_space<semaphore_mem>>) attributes {dimension_semantics = [#tpu.dimension_semantics<core_parallel>, #tpu.dimension_semantics<subcore_parallel>], iteration_bounds = array<i64: 2, 16>, scalar_prefetch = 0 : i64, scratch_operands = 19 : i64, tpu.core_type = #tpu.core_type<sc_vector_subcore>, window_params = [{transform_indices = #map}, {transform_indices = #map}, {transform_indices = #map}, {transform_indices = #map1}]} {
    %mul3A = arith.constant 640 : i32
    %mul3A_0 = arith.muli %arg1, %mul3A : i32
    %eq3A = arith.constant 0 : i32
    %eq3A_1 = arith.cmpi eq, %arg0, %eq3A : i32
    %jit3A = arith.constant 160 : i32
    %jit3A_2 = arith.constant 160 : i32
    %select_n3A = arith.select %eq3A_1, %jit3A, %jit3A_2 : i32
    %eq3A_3 = arith.constant 0 : i32
    %eq3A_4 = arith.cmpi eq, %arg0, %eq3A_3 : i32
    %mul3A_5 = arith.constant 160 : i32
    %mul3A_6 = arith.muli %arg1, %mul3A_5 : i32
    %mul3A_7 = arith.constant 160 : i32
    %mul3A_8 = arith.muli %arg1, %mul3A_7 : i32
    %add3A = arith.constant 2560 : i32
    %add3A_9 = arith.addi %add3A, %mul3A_8 : i32
    %select_n3A_10 = arith.select %eq3A_4, %mul3A_6, %add3A_9 : i32
    "tpu.region"() ({
      %run_scoped3A = tpu.sem_alloc : memref<!tpu.dma_semaphore, #tpu.memory_space<semaphore_mem>>
      %dma_start3A_255 = arith.constant 0 : i32
      %dma_start3A_256 = tpu.memref_slice %arg4[%select_n3A_10, %dma_start3A_255] : memref<5280x64xi32, #tpu.memory_space<hbm>> -> memref<160x64xi32, #tpu.memory_space<hbm>>
      %dma_start3A_257 = arith.constant 0 : i32
      %dma_start3A_258 = tpu.memref_slice %arg4[%select_n3A_10, %dma_start3A_257] : memref<5280x64xi32, #tpu.memory_space<hbm>> -> memref<160x64xi32, #tpu.memory_space<hbm>>
      tpu.enqueue_dma source(%dma_start3A_258 : memref<160x64xi32, #tpu.memory_space<hbm>>) target(%arg10 : memref<160x64xi32, #tpu.memory_space<vmem>>) target_semaphore(%run_scoped3A : memref<!tpu.dma_semaphore, #tpu.memory_space<semaphore_mem>>)
      %dma_wait3A_259 = arith.constant 0 : i32
      %dma_wait3A_260 = tpu.memref_slice %arg4[%select_n3A_10, %dma_wait3A_259] : memref<5280x64xi32, #tpu.memory_space<hbm>> -> memref<160x64xi32, #tpu.memory_space<hbm>>
      %dma_wait3A_261 = arith.constant 0 : i32
      %dma_wait3A_262 = tpu.memref_slice %arg4[%select_n3A_10, %dma_wait3A_261] : memref<5280x64xi32, #tpu.memory_space<hbm>> -> memref<160x64xi32, #tpu.memory_space<hbm>>
      tpu.wait_dma2 semaphore(%run_scoped3A : memref<!tpu.dma_semaphore, #tpu.memory_space<semaphore_mem>>) src(%dma_wait3A_262 : memref<160x64xi32, #tpu.memory_space<hbm>>) dst(%arg10 : memref<160x64xi32, #tpu.memory_space<vmem>>)
      tpu.yield
    }) : () -> ()
    %scan3A = arith.constant 0 : i32
    %scan3A_11 = arith.constant 0 : i32
    %scan3A_12 = arith.constant 128 : i32
    %scan3A_13 = arith.addi %scan3A_11, %scan3A_12 : i32
    %scan3A_14 = arith.constant 1 : i32
    %scan3A_15 = scf.for %scan3A_255 = %scan3A_11 to %scan3A_13 step %scan3A_14 iter_args(%scan3A_256 = %scan3A) -> (i32)  : i32 {
      %scan3A_257 = arith.constant 0 : i32
      %scan3A_258 = arith.constant 0 : i32
      %scan3A_259 = arith.constant 8 : i32
      %scan3A_260 = arith.addi %scan3A_258, %scan3A_259 : i32
      %scan3A_261 = arith.constant 1 : i32
      %scan3A_262 = scf.for %scan3A_265 = %scan3A_258 to %scan3A_260 step %scan3A_261 iter_args(%scan3A_266 = %scan3A_257) -> (i32)  : i32 {
        %broadcast_in_dim3A = arith.constant 0.000000e+00 : f32
        %broadcast_in_dim3A_267 = vector.broadcast %broadcast_in_dim3A : f32 to vector<16xf32>
        %mul3A_268 = arith.constant 16 : i32
        %mul3A_269 = arith.muli %scan3A_265, %mul3A_268 : i32
        %swap3A = arith.index_cast %scan3A_255 : i32 to index
        %swap3A_270 = arith.index_cast %mul3A_269 : i32 to index
        %swap3A_271 = tpu.vector_load %arg11[%swap3A, %swap3A_270] {strides = array<i32>} : memref<256x128xf32, #tpu.memory_space<vmem>>, vector<1x16xf32>,
        %swap3A_272 = vector.shape_cast %swap3A_271 : vector<1x16xf32> to vector<16xf32>
        %swap3A_273 = vector.shape_cast %broadcast_in_dim3A_267 : vector<16xf32> to vector<1x16xf32>
        tpu.vector_store %arg11[%swap3A, %swap3A_270], %swap3A_273 {strides = array<i32>} : memref<256x128xf32, #tpu.memory_space<vmem>>, vector<1x16xf32>,
        %scan3A_274 = arith.constant 0 : i32
        scf.yield %scan3A_274 : i32
      }
      %scan3A_263 = arith.constant 8 : i32
      %scan3A_264 = arith.constant 0 : i32
      scf.yield %scan3A_264 : i32
    }
    %scan3A_16 = arith.constant 128 : i32
    %scan3A_17 = arith.constant 0 : i32
    %scan3A_18 = arith.constant 0 : i32
    %scan3A_19 = arith.constant 5 : i32
    %scan3A_20 = arith.addi %scan3A_18, %scan3A_19 : i32
    %scan3A_21 = arith.constant 1 : i32
    %scan3A_22 = scf.for %scan3A_255 = %scan3A_18 to %scan3A_20 step %scan3A_21 iter_args(%scan3A_256 = %scan3A_17) -> (i32)  : i32 {
      %mul3A_257 = arith.constant 128 : i32
      %mul3A_258 = arith.muli %scan3A_255, %mul3A_257 : i32
      %add3A_259 = arith.addi %mul3A_0, %mul3A_258 : i32
      "tpu.region"() ({
        %run_scoped3A = tpu.sem_alloc : memref<!tpu.dma_semaphore, #tpu.memory_space<semaphore_mem>>
        %dma_start3A_261 = arith.constant 0 : i32
        %dma_start3A_262 = arith.constant 0 : i32
        %dma_start3A_263 = tpu.memref_slice %arg11[%dma_start3A_261, %dma_start3A_262] : memref<256x128xf32, #tpu.memory_space<vmem>> -> memref<128x128xf32, #tpu.memory_space<vmem>>
        %dma_start3A_264 = arith.constant 0 : i32
        %dma_start3A_265 = tpu.memref_slice %arg12[%add3A_259, %dma_start3A_264] : memref<10240x128xf32, #tpu.memory_space<vmem_shared>> -> memref<128x128xf32, #tpu.memory_space<vmem_shared>>
        %dma_start3A_266 = arith.constant 0 : i32
        %dma_start3A_267 = tpu.memref_slice %arg12[%add3A_259, %dma_start3A_266] : memref<10240x128xf32, #tpu.memory_space<vmem_shared>> -> memref<128x128xf32, #tpu.memory_space<vmem_shared>>
        %dma_start3A_268 = arith.constant 0 : i32
        %dma_start3A_269 = arith.constant 0 : i32
        %dma_start3A_270 = tpu.memref_slice %arg11[%dma_start3A_268, %dma_start3A_269] : memref<256x128xf32, #tpu.memory_space<vmem>> -> memref<128x128xf32, #tpu.memory_space<vmem>>
        tpu.enqueue_dma source(%dma_start3A_270 : memref<128x128xf32, #tpu.memory_space<vmem>>) target(%dma_start3A_267 : memref<128x128xf32, #tpu.memory_space<vmem_shared>>) target_semaphore(%run_scoped3A : memref<!tpu.dma_semaphore, #tpu.memory_space<semaphore_mem>>)
        %dma_wait3A_271 = arith.constant 0 : i32
        %dma_wait3A_272 = arith.constant 0 : i32
        %dma_wait3A_273 = tpu.memref_slice %arg11[%dma_wait3A_271, %dma_wait3A_272] : memref<256x128xf32, #tpu.memory_space<vmem>> -> memref<128x128xf32, #tpu.memory_space<vmem>>
        %dma_wait3A_274 = arith.constant 0 : i32
        %dma_wait3A_275 = tpu.memref_slice %arg12[%add3A_259, %dma_wait3A_274] : memref<10240x128xf32, #tpu.memory_space<vmem_shared>> -> memref<128x128xf32, #tpu.memory_space<vmem_shared>>
        %dma_wait3A_276 = arith.constant 0 : i32
        %dma_wait3A_277 = tpu.memref_slice %arg12[%add3A_259, %dma_wait3A_276] : memref<10240x128xf32, #tpu.memory_space<vmem_shared>> -> memref<128x128xf32, #tpu.memory_space<vmem_shared>>
        %dma_wait3A_278 = arith.constant 0 : i32
        %dma_wait3A_279 = arith.constant 0 : i32
        %dma_wait3A_280 = tpu.memref_slice %arg11[%dma_wait3A_278, %dma_wait3A_279] : memref<256x128xf32, #tpu.memory_space<vmem>> -> memref<128x128xf32, #tpu.memory_space<vmem>>
        tpu.wait_dma2 semaphore(%run_scoped3A : memref<!tpu.dma_semaphore, #tpu.memory_space<semaphore_mem>>) src(%dma_wait3A_280 : memref<128x128xf32, #tpu.memory_space<vmem>>) dst(%dma_wait3A_277 : memref<128x128xf32, #tpu.memory_space<vmem_shared>>)
        tpu.yield
      }) : () -> ()
      %scan3A_260 = arith.constant 0 : i32
      scf.yield %scan3A_260 : i32
    }
    %scan3A_23 = arith.constant 5 : i32
    %barrier3A = arith.constant 0 : index
    tpu.barrier barrier_id(%barrier3A)
    %add3A_24 = arith.constant 0 : i32
    %add3A_25 = arith.addi %select_n3A_10, %add3A_24 : i32
    %dma_start3A = arith.constant 0 : i32
    %dma_start3A_26 = tpu.memref_slice %arg3[%add3A_25, %dma_start3A] : memref<5280x64xi32, #tpu.memory_space<hbm>> -> memref<1x64xi32, #tpu.memory_space<hbm>>
    %dma_start3A_27 = tpu.memref_squeeze %dma_start3A_26 : memref<1x64xi32, #tpu.memory_space<hbm>> -> memref<64xi32, #tpu.memory_space<hbm>>
    %dma_start3A_28 = arith.constant 0 : i32
    %dma_start3A_29 = tpu.memref_slice %arg3[%add3A_25, %dma_start3A_28] : memref<5280x64xi32, #tpu.memory_space<hbm>> -> memref<1x64xi32, #tpu.memory_space<hbm>>
    %dma_start3A_30 = tpu.memref_squeeze %dma_start3A_29 : memref<1x64xi32, #tpu.memory_space<hbm>> -> memref<64xi32, #tpu.memory_space<hbm>>
    tpu.enqueue_dma source(%dma_start3A_30 : memref<64xi32, #tpu.memory_space<hbm>>) target(%arg6 : memref<64xi32, #tpu.memory_space<vmem>>) target_semaphore(%arg13 : memref<!tpu.dma_semaphore, #tpu.memory_space<semaphore_mem>>)
    %add3A_31 = arith.constant 1 : i32
    %add3A_32 = arith.addi %select_n3A_10, %add3A_31 : i32
    %dma_start3A_33 = arith.constant 0 : i32
    %dma_start3A_34 = tpu.memref_slice %arg3[%add3A_32, %dma_start3A_33] : memref<5280x64xi32, #tpu.memory_space<hbm>> -> memref<1x64xi32, #tpu.memory_space<hbm>>
    %dma_start3A_35 = tpu.memref_squeeze %dma_start3A_34 : memref<1x64xi32, #tpu.memory_space<hbm>> -> memref<64xi32, #tpu.memory_space<hbm>>
    %dma_start3A_36 = arith.constant 0 : i32
    %dma_start3A_37 = tpu.memref_slice %arg3[%add3A_32, %dma_start3A_36] : memref<5280x64xi32, #tpu.memory_space<hbm>> -> memref<1x64xi32, #tpu.memory_space<hbm>>
    %dma_start3A_38 = tpu.memref_squeeze %dma_start3A_37 : memref<1x64xi32, #tpu.memory_space<hbm>> -> memref<64xi32, #tpu.memory_space<hbm>>
    tpu.enqueue_dma source(%dma_start3A_38 : memref<64xi32, #tpu.memory_space<hbm>>) target(%arg7 : memref<64xi32, #tpu.memory_space<vmem>>) target_semaphore(%arg14 : memref<!tpu.dma_semaphore, #tpu.memory_space<semaphore_mem>>)
    %add3A_39 = arith.constant 2 : i32
    %add3A_40 = arith.addi %select_n3A_10, %add3A_39 : i32
    %dma_start3A_41 = arith.constant 0 : i32
    %dma_start3A_42 = tpu.memref_slice %arg3[%add3A_40, %dma_start3A_41] : memref<5280x64xi32, #tpu.memory_space<hbm>> -> memref<1x64xi32, #tpu.memory_space<hbm>>
    %dma_start3A_43 = tpu.memref_squeeze %dma_start3A_42 : memref<1x64xi32, #tpu.memory_space<hbm>> -> memref<64xi32, #tpu.memory_space<hbm>>
    %dma_start3A_44 = arith.constant 0 : i32
    %dma_start3A_45 = tpu.memref_slice %arg3[%add3A_40, %dma_start3A_44] : memref<5280x64xi32, #tpu.memory_space<hbm>> -> memref<1x64xi32, #tpu.memory_space<hbm>>
    %dma_start3A_46 = tpu.memref_squeeze %dma_start3A_45 : memref<1x64xi32, #tpu.memory_space<hbm>> -> memref<64xi32, #tpu.memory_space<hbm>>
    tpu.enqueue_dma source(%dma_start3A_46 : memref<64xi32, #tpu.memory_space<hbm>>) target(%arg8 : memref<64xi32, #tpu.memory_space<vmem>>) target_semaphore(%arg15 : memref<!tpu.dma_semaphore, #tpu.memory_space<semaphore_mem>>)
    %add3A_47 = arith.constant 3 : i32
    %add3A_48 = arith.addi %select_n3A_10, %add3A_47 : i32
    %dma_start3A_49 = arith.constant 0 : i32
    %dma_start3A_50 = tpu.memref_slice %arg3[%add3A_48, %dma_start3A_49] : memref<5280x64xi32, #tpu.memory_space<hbm>> -> memref<1x64xi32, #tpu.memory_space<hbm>>
    %dma_start3A_51 = tpu.memref_squeeze %dma_start3A_50 : memref<1x64xi32, #tpu.memory_space<hbm>> -> memref<64xi32, #tpu.memory_space<hbm>>
    %dma_start3A_52 = arith.constant 0 : i32
    %dma_start3A_53 = tpu.memref_slice %arg3[%add3A_48, %dma_start3A_52] : memref<5280x64xi32, #tpu.memory_space<hbm>> -> memref<1x64xi32, #tpu.memory_space<hbm>>
    %dma_start3A_54 = tpu.memref_squeeze %dma_start3A_53 : memref<1x64xi32, #tpu.memory_space<hbm>> -> memref<64xi32, #tpu.memory_space<hbm>>
    tpu.enqueue_dma source(%dma_start3A_54 : memref<64xi32, #tpu.memory_space<hbm>>) target(%arg9 : memref<64xi32, #tpu.memory_space<vmem>>) target_semaphore(%arg16 : memref<!tpu.dma_semaphore, #tpu.memory_space<semaphore_mem>>)
    %add3A_55 = arith.constant 0 : i32
    %add3A_56 = arith.addi %select_n3A_10, %add3A_55 : i32
    %dma_wait3A = arith.constant 0 : i32
    %dma_wait3A_57 = tpu.memref_slice %arg3[%add3A_56, %dma_wait3A] : memref<5280x64xi32, #tpu.memory_space<hbm>> -> memref<1x64xi32, #tpu.memory_space<hbm>>
    %dma_wait3A_58 = tpu.memref_squeeze %dma_wait3A_57 : memref<1x64xi32, #tpu.memory_space<hbm>> -> memref<64xi32, #tpu.memory_space<hbm>>
    %dma_wait3A_59 = arith.constant 0 : i32
    %dma_wait3A_60 = tpu.memref_slice %arg3[%add3A_56, %dma_wait3A_59] : memref<5280x64xi32, #tpu.memory_space<hbm>> -> memref<1x64xi32, #tpu.memory_space<hbm>>
    %dma_wait3A_61 = tpu.memref_squeeze %dma_wait3A_60 : memref<1x64xi32, #tpu.memory_space<hbm>> -> memref<64xi32, #tpu.memory_space<hbm>>
    tpu.wait_dma2 semaphore(%arg13 : memref<!tpu.dma_semaphore, #tpu.memory_space<semaphore_mem>>) src(%dma_wait3A_61 : memref<64xi32, #tpu.memory_space<hbm>>) dst(%arg6 : memref<64xi32, #tpu.memory_space<vmem>>)
    %dma_start3A_62 = arith.constant 0 : i32
    %dma_start3A_63 = arith.constant 0 : i32
    %dma_start3A_64 = tpu.memref_slice %arg11[%dma_start3A_62, %dma_start3A_63] : memref<256x128xf32, #tpu.memory_space<vmem>> -> memref<64x128xf32, #tpu.memory_space<vmem>>
    %dma_start3A_65 = arith.constant 0 : i32
    %dma_start3A_66 = arith.constant 0 : i32
    %dma_start3A_67 = tpu.memref_slice %arg2[%dma_start3A_65, %dma_start3A_66] : memref<10240x128xf32, #tpu.memory_space<hbm>> -> memref<10240x128xf32, #tpu.memory_space<hbm>>
    tpu.enqueue_indirect_dma source(%dma_start3A_67 : memref<10240x128xf32, #tpu.memory_space<hbm>>) target(%dma_start3A_64 : memref<64x128xf32, #tpu.memory_space<vmem>>) offsets(%arg6 : memref<64xi32, #tpu.memory_space<vmem>>) semaphore(%arg17 : memref<!tpu.dma_semaphore, #tpu.memory_space<semaphore_mem>>)
    %add3A_68 = arith.constant 1 : i32
    %add3A_69 = arith.addi %select_n3A_10, %add3A_68 : i32
    %dma_wait3A_70 = arith.constant 0 : i32
    %dma_wait3A_71 = tpu.memref_slice %arg3[%add3A_69, %dma_wait3A_70] : memref<5280x64xi32, #tpu.memory_space<hbm>> -> memref<1x64xi32, #tpu.memory_space<hbm>>
    %dma_wait3A_72 = tpu.memref_squeeze %dma_wait3A_71 : memref<1x64xi32, #tpu.memory_space<hbm>> -> memref<64xi32, #tpu.memory_space<hbm>>
    %dma_wait3A_73 = arith.constant 0 : i32
    %dma_wait3A_74 = tpu.memref_slice %arg3[%add3A_69, %dma_wait3A_73] : memref<5280x64xi32, #tpu.memory_space<hbm>> -> memref<1x64xi32, #tpu.memory_space<hbm>>
    %dma_wait3A_75 = tpu.memref_squeeze %dma_wait3A_74 : memref<1x64xi32, #tpu.memory_space<hbm>> -> memref<64xi32, #tpu.memory_space<hbm>>
    tpu.wait_dma2 semaphore(%arg14 : memref<!tpu.dma_semaphore, #tpu.memory_space<semaphore_mem>>) src(%dma_wait3A_75 : memref<64xi32, #tpu.memory_space<hbm>>) dst(%arg7 : memref<64xi32, #tpu.memory_space<vmem>>)
    %dma_start3A_76 = arith.constant 64 : i32
    %dma_start3A_77 = arith.constant 0 : i32
    %dma_start3A_78 = tpu.memref_slice %arg11[%dma_start3A_76, %dma_start3A_77] : memref<256x128xf32, #tpu.memory_space<vmem>> -> memref<64x128xf32, #tpu.memory_space<vmem>>
    %dma_start3A_79 = arith.constant 0 : i32
    %dma_start3A_80 = arith.constant 0 : i32
    %dma_start3A_81 = tpu.memref_slice %arg2[%dma_start3A_79, %dma_start3A_80] : memref<10240x128xf32, #tpu.memory_space<hbm>> -> memref<10240x128xf32, #tpu.memory_space<hbm>>
    tpu.enqueue_indirect_dma source(%dma_start3A_81 : memref<10240x128xf32, #tpu.memory_space<hbm>>) target(%dma_start3A_78 : memref<64x128xf32, #tpu.memory_space<vmem>>) offsets(%arg7 : memref<64xi32, #tpu.memory_space<vmem>>) semaphore(%arg18 : memref<!tpu.dma_semaphore, #tpu.memory_space<semaphore_mem>>)
    %add3A_82 = arith.constant 2 : i32
    %add3A_83 = arith.addi %select_n3A_10, %add3A_82 : i32
    %dma_wait3A_84 = arith.constant 0 : i32
    %dma_wait3A_85 = tpu.memref_slice %arg3[%add3A_83, %dma_wait3A_84] : memref<5280x64xi32, #tpu.memory_space<hbm>> -> memref<1x64xi32, #tpu.memory_space<hbm>>
    %dma_wait3A_86 = tpu.memref_squeeze %dma_wait3A_85 : memref<1x64xi32, #tpu.memory_space<hbm>> -> memref<64xi32, #tpu.memory_space<hbm>>
    %dma_wait3A_87 = arith.constant 0 : i32
    %dma_wait3A_88 = tpu.memref_slice %arg3[%add3A_83, %dma_wait3A_87] : memref<5280x64xi32, #tpu.memory_space<hbm>> -> memref<1x64xi32, #tpu.memory_space<hbm>>
    %dma_wait3A_89 = tpu.memref_squeeze %dma_wait3A_88 : memref<1x64xi32, #tpu.memory_space<hbm>> -> memref<64xi32, #tpu.memory_space<hbm>>
    tpu.wait_dma2 semaphore(%arg15 : memref<!tpu.dma_semaphore, #tpu.memory_space<semaphore_mem>>) src(%dma_wait3A_89 : memref<64xi32, #tpu.memory_space<hbm>>) dst(%arg8 : memref<64xi32, #tpu.memory_space<vmem>>)
    %dma_start3A_90 = arith.constant 128 : i32
    %dma_start3A_91 = arith.constant 0 : i32
    %dma_start3A_92 = tpu.memref_slice %arg11[%dma_start3A_90, %dma_start3A_91] : memref<256x128xf32, #tpu.memory_space<vmem>> -> memref<64x128xf32, #tpu.memory_space<vmem>>
    %dma_start3A_93 = arith.constant 0 : i32
    %dma_start3A_94 = arith.constant 0 : i32
    %dma_start3A_95 = tpu.memref_slice %arg2[%dma_start3A_93, %dma_start3A_94] : memref<10240x128xf32, #tpu.memory_space<hbm>> -> memref<10240x128xf32, #tpu.memory_space<hbm>>
    tpu.enqueue_indirect_dma source(%dma_start3A_95 : memref<10240x128xf32, #tpu.memory_space<hbm>>) target(%dma_start3A_92 : memref<64x128xf32, #tpu.memory_space<vmem>>) offsets(%arg8 : memref<64xi32, #tpu.memory_space<vmem>>) semaphore(%arg19 : memref<!tpu.dma_semaphore, #tpu.memory_space<semaphore_mem>>)
    %add3A_96 = arith.constant 3 : i32
    %add3A_97 = arith.addi %select_n3A_10, %add3A_96 : i32
    %dma_wait3A_98 = arith.constant 0 : i32
    %dma_wait3A_99 = tpu.memref_slice %arg3[%add3A_97, %dma_wait3A_98] : memref<5280x64xi32, #tpu.memory_space<hbm>> -> memref<1x64xi32, #tpu.memory_space<hbm>>
    %dma_wait3A_100 = tpu.memref_squeeze %dma_wait3A_99 : memref<1x64xi32, #tpu.memory_space<hbm>> -> memref<64xi32, #tpu.memory_space<hbm>>
    %dma_wait3A_101 = arith.constant 0 : i32
    %dma_wait3A_102 = tpu.memref_slice %arg3[%add3A_97, %dma_wait3A_101] : memref<5280x64xi32, #tpu.memory_space<hbm>> -> memref<1x64xi32, #tpu.memory_space<hbm>>
    %dma_wait3A_103 = tpu.memref_squeeze %dma_wait3A_102 : memref<1x64xi32, #tpu.memory_space<hbm>> -> memref<64xi32, #tpu.memory_space<hbm>>
    tpu.wait_dma2 semaphore(%arg16 : memref<!tpu.dma_semaphore, #tpu.memory_space<semaphore_mem>>) src(%dma_wait3A_103 : memref<64xi32, #tpu.memory_space<hbm>>) dst(%arg9 : memref<64xi32, #tpu.memory_space<vmem>>)
    %dma_start3A_104 = arith.constant 192 : i32
    %dma_start3A_105 = arith.constant 0 : i32
    %dma_start3A_106 = tpu.memref_slice %arg11[%dma_start3A_104, %dma_start3A_105] : memref<256x128xf32, #tpu.memory_space<vmem>> -> memref<64x128xf32, #tpu.memory_space<vmem>>
    %dma_start3A_107 = arith.constant 0 : i32
    %dma_start3A_108 = arith.constant 0 : i32
    %dma_start3A_109 = tpu.memref_slice %arg2[%dma_start3A_107, %dma_start3A_108] : memref<10240x128xf32, #tpu.memory_space<hbm>> -> memref<10240x128xf32, #tpu.memory_space<hbm>>
    tpu.enqueue_indirect_dma source(%dma_start3A_109 : memref<10240x128xf32, #tpu.memory_space<hbm>>) target(%dma_start3A_106 : memref<64x128xf32, #tpu.memory_space<vmem>>) offsets(%arg9 : memref<64xi32, #tpu.memory_space<vmem>>) semaphore(%arg20 : memref<!tpu.dma_semaphore, #tpu.memory_space<semaphore_mem>>)
    %jit3A_110 = arith.constant 4 : i32
    %div3A = arith.divsi %select_n3A, %jit3A_110 : i32
    %sign3A = arith.constant 0 : i32
    %sign3A_111 = arith.cmpi sgt, %select_n3A, %sign3A : i32
    %sign3A_112 = arith.extui %sign3A_111 : i1 to i32
    %sign3A_113 = arith.constant 0 : i32
    %sign3A_114 = arith.cmpi slt, %select_n3A, %sign3A_113 : i32
    %sign3A_115 = arith.extui %sign3A_114 : i1 to i32
    %sign3A_116 = arith.subi %sign3A_112, %sign3A_115 : i32
    %sign3A_117 = arith.constant 0 : i32
    %sign3A_118 = arith.cmpi sgt, %jit3A_110, %sign3A_117 : i32
    %sign3A_119 = arith.extui %sign3A_118 : i1 to i32
    %sign3A_120 = arith.constant 0 : i32
    %sign3A_121 = arith.cmpi slt, %jit3A_110, %sign3A_120 : i32
    %sign3A_122 = arith.extui %sign3A_121 : i1 to i32
    %sign3A_123 = arith.subi %sign3A_119, %sign3A_122 : i32
    %ne3A = arith.cmpi ne, %sign3A_116, %sign3A_123 : i32
    %rem3A = arith.remsi %select_n3A, %jit3A_110 : i32
    %ne3A_124 = arith.constant 0 : i32
    %ne3A_125 = arith.cmpi ne, %rem3A, %ne3A_124 : i32
    %and3A = arith.andi %ne3A, %ne3A_125 : i1
    %sub3A = arith.constant 1 : i32
    %sub3A_126 = arith.subi %div3A, %sub3A : i32
    %select_n3A_127 = arith.select %and3A, %sub3A_126, %div3A : i32
    %sub3A_128 = arith.constant 1 : i32
    %sub3A_129 = arith.subi %select_n3A_127, %sub3A_128 : i32
    %while3A = arith.constant 0 : i32
    %while3A_130 = arith.constant 0 : i32
    %while3A_131 = arith.subi %sub3A_129, %while3A : i32
    %while3A_132 = arith.addi %while3A, %while3A_131 : i32
    %while3A_133 = arith.constant 1 : i32
    %while3A_134 = arith.divsi %while3A_131, %while3A_133 : i32
    %while3A_135 = arith.muli %while3A_134, %while3A_133 : i32
    %while3A_136 = arith.addi %while3A, %while3A_135 : i32
    %while3A_137 = arith.constant 1 : i32
    %while3A_138 = scf.for %while3A_255 = %while3A to %while3A_136 step %while3A_137 iter_args(%while3A_256 = %while3A_130) -> (i32)  : i32 {
      %mul3A_257 = arith.constant 4 : i32
      %mul3A_258 = arith.muli %while3A_255, %mul3A_257 : i32
      %add3A_259 = arith.constant 0 : i32
      %add3A_260 = arith.addi %mul3A_258, %add3A_259 : i32
      %dma_wait3A_261 = arith.constant 0 : i32
      %dma_wait3A_262 = arith.constant 0 : i32
      %dma_wait3A_263 = tpu.memref_slice %arg11[%dma_wait3A_261, %dma_wait3A_262] : memref<256x128xf32, #tpu.memory_space<vmem>> -> memref<64x128xf32, #tpu.memory_space<vmem>>
      %dma_wait3A_264 = arith.constant 0 : i32
      %dma_wait3A_265 = arith.constant 0 : i32
      %dma_wait3A_266 = tpu.memref_slice %arg2[%dma_wait3A_264, %dma_wait3A_265] : memref<10240x128xf32, #tpu.memory_space<hbm>> -> memref<10240x128xf32, #tpu.memory_space<hbm>>
      tpu.wait_indirect_dma semaphore(%arg17 : memref<!tpu.dma_semaphore, #tpu.memory_space<semaphore_mem>>) src(%dma_wait3A_266 : memref<10240x128xf32, #tpu.memory_space<hbm>>) dst(%dma_wait3A_263 : memref<64x128xf32, #tpu.memory_space<vmem>>)
      %dma_start3A_267 = arith.constant 0 : i32
      %dma_start3A_268 = arith.constant 0 : i32
      %dma_start3A_269 = tpu.memref_slice %arg11[%dma_start3A_267, %dma_start3A_268] : memref<256x128xf32, #tpu.memory_space<vmem>> -> memref<64x128xf32, #tpu.memory_space<vmem>>
      %dma_start3A_270 = arith.constant 0 : i32
      %dma_start3A_271 = tpu.memref_slice %arg10[%add3A_260, %dma_start3A_270] : memref<160x64xi32, #tpu.memory_space<vmem>> -> memref<1x64xi32, #tpu.memory_space<vmem>>
      %dma_start3A_272 = tpu.memref_squeeze %dma_start3A_271 : memref<1x64xi32, #tpu.memory_space<vmem>> -> memref<64xi32, #tpu.memory_space<vmem>>
      %dma_start3A_273 = arith.constant 0 : i32
      %dma_start3A_274 = arith.constant 0 : i32
      %dma_start3A_275 = tpu.memref_slice %arg12[%dma_start3A_273, %dma_start3A_274] : memref<10240x128xf32, #tpu.memory_space<vmem_shared>> -> memref<10240x128xf32, #tpu.memory_space<vmem_shared>>
      tpu.enqueue_indirect_dma source(%dma_start3A_269 : memref<64x128xf32, #tpu.memory_space<vmem>>) target(%dma_start3A_275 : memref<10240x128xf32, #tpu.memory_space<vmem_shared>>) offsets(%dma_start3A_272 : memref<64xi32, #tpu.memory_space<vmem>>) semaphore(%arg21 : memref<!tpu.dma_semaphore, #tpu.memory_space<semaphore_mem>>) {add = true}
      %add3A_276 = arith.constant 4 : i32
      %add3A_277 = arith.addi %add3A_260, %add3A_276 : i32
      %add3A_278 = arith.addi %select_n3A_10, %add3A_277 : i32
      %dma_start3A_279 = arith.constant 0 : i32
      %dma_start3A_280 = tpu.memref_slice %arg3[%add3A_278, %dma_start3A_279] : memref<5280x64xi32, #tpu.memory_space<hbm>> -> memref<1x64xi32, #tpu.memory_space<hbm>>
      %dma_start3A_281 = tpu.memref_squeeze %dma_start3A_280 : memref<1x64xi32, #tpu.memory_space<hbm>> -> memref<64xi32, #tpu.memory_space<hbm>>
      %dma_start3A_282 = arith.constant 0 : i32
      %dma_start3A_283 = tpu.memref_slice %arg3[%add3A_278, %dma_start3A_282] : memref<5280x64xi32, #tpu.memory_space<hbm>> -> memref<1x64xi32, #tpu.memory_space<hbm>>
      %dma_start3A_284 = tpu.memref_squeeze %dma_start3A_283 : memref<1x64xi32, #tpu.memory_space<hbm>> -> memref<64xi32, #tpu.memory_space<hbm>>
      tpu.enqueue_dma source(%dma_start3A_284 : memref<64xi32, #tpu.memory_space<hbm>>) target(%arg6 : memref<64xi32, #tpu.memory_space<vmem>>) target_semaphore(%arg13 : memref<!tpu.dma_semaphore, #tpu.memory_space<semaphore_mem>>)
      %dma_wait3A_285 = arith.constant 0 : i32
      %dma_wait3A_286 = arith.constant 0 : i32
      %dma_wait3A_287 = tpu.memref_slice %arg11[%dma_wait3A_285, %dma_wait3A_286] : memref<256x128xf32, #tpu.memory_space<vmem>> -> memref<64x128xf32, #tpu.memory_space<vmem>>
      %dma_wait3A_288 = arith.constant 0 : i32
      %dma_wait3A_289 = tpu.memref_slice %arg10[%add3A_260, %dma_wait3A_288] : memref<160x64xi32, #tpu.memory_space<vmem>> -> memref<1x64xi32, #tpu.memory_space<vmem>>
      %dma_wait3A_290 = tpu.memref_squeeze %dma_wait3A_289 : memref<1x64xi32, #tpu.memory_space<vmem>> -> memref<64xi32, #tpu.memory_space<vmem>>
      %dma_wait3A_291 = arith.constant 0 : i32
      %dma_wait3A_292 = arith.constant 0 : i32
      %dma_wait3A_293 = tpu.memref_slice %arg12[%dma_wait3A_291, %dma_wait3A_292] : memref<10240x128xf32, #tpu.memory_space<vmem_shared>> -> memref<10240x128xf32, #tpu.memory_space<vmem_shared>>
      tpu.wait_indirect_dma semaphore(%arg21 : memref<!tpu.dma_semaphore, #tpu.memory_space<semaphore_mem>>) src(%dma_wait3A_287 : memref<64x128xf32, #tpu.memory_space<vmem>>) dst(%dma_wait3A_293 : memref<10240x128xf32, #tpu.memory_space<vmem_shared>>)
      %add3A_294 = arith.constant 4 : i32
      %add3A_295 = arith.addi %add3A_260, %add3A_294 : i32
      %add3A_296 = arith.addi %select_n3A_10, %add3A_295 : i32
      %dma_wait3A_297 = arith.constant 0 : i32
      %dma_wait3A_298 = tpu.memref_slice %arg3[%add3A_296, %dma_wait3A_297] : memref<5280x64xi32, #tpu.memory_space<hbm>> -> memref<1x64xi32, #tpu.memory_space<hbm>>
      %dma_wait3A_299 = tpu.memref_squeeze %dma_wait3A_298 : memref<1x64xi32, #tpu.memory_space<hbm>> -> memref<64xi32, #tpu.memory_space<hbm>>
      %dma_wait3A_300 = arith.constant 0 : i32
      %dma_wait3A_301 = tpu.memref_slice %arg3[%add3A_296, %dma_wait3A_300] : memref<5280x64xi32, #tpu.memory_space<hbm>> -> memref<1x64xi32, #tpu.memory_space<hbm>>
      %dma_wait3A_302 = tpu.memref_squeeze %dma_wait3A_301 : memref<1x64xi32, #tpu.memory_space<hbm>> -> memref<64xi32, #tpu.memory_space<hbm>>
      tpu.wait_dma2 semaphore(%arg13 : memref<!tpu.dma_semaphore, #tpu.memory_space<semaphore_mem>>) src(%dma_wait3A_302 : memref<64xi32, #tpu.memory_space<hbm>>) dst(%arg6 : memref<64xi32, #tpu.memory_space<vmem>>)
      %dma_start3A_303 = arith.constant 0 : i32
      %dma_start3A_304 = arith.constant 0 : i32
      %dma_start3A_305 = tpu.memref_slice %arg11[%dma_start3A_303, %dma_start3A_304] : memref<256x128xf32, #tpu.memory_space<vmem>> -> memref<64x128xf32, #tpu.memory_space<vmem>>
      %dma_start3A_306 = arith.constant 0 : i32
      %dma_start3A_307 = arith.constant 0 : i32
      %dma_start3A_308 = tpu.memref_slice %arg2[%dma_start3A_306, %dma_start3A_307] : memref<10240x128xf32, #tpu.memory_space<hbm>> -> memref<10240x128xf32, #tpu.memory_space<hbm>>
      tpu.enqueue_indirect_dma source(%dma_start3A_308 : memref<10240x128xf32, #tpu.memory_space<hbm>>) target(%dma_start3A_305 : memref<64x128xf32, #tpu.memory_space<vmem>>) offsets(%arg6 : memref<64xi32, #tpu.memory_space<vmem>>) semaphore(%arg17 : memref<!tpu.dma_semaphore, #tpu.memory_space<semaphore_mem>>)
      %add3A_309 = arith.constant 1 : i32
      %add3A_310 = arith.addi %mul3A_258, %add3A_309 : i32
      %dma_wait3A_311 = arith.constant 64 : i32
      %dma_wait3A_312 = arith.constant 0 : i32
      %dma_wait3A_313 = tpu.memref_slice %arg11[%dma_wait3A_311, %dma_wait3A_312] : memref<256x128xf32, #tpu.memory_space<vmem>> -> memref<64x128xf32, #tpu.memory_space<vmem>>
      %dma_wait3A_314 = arith.constant 0 : i32
      %dma_wait3A_315 = arith.constant 0 : i32
      %dma_wait3A_316 = tpu.memref_slice %arg2[%dma_wait3A_314, %dma_wait3A_315] : memref<10240x128xf32, #tpu.memory_space<hbm>> -> memref<10240x128xf32, #tpu.memory_space<hbm>>
      tpu.wait_indirect_dma semaphore(%arg18 : memref<!tpu.dma_semaphore, #tpu.memory_space<semaphore_mem>>) src(%dma_wait3A_316 : memref<10240x128xf32, #tpu.memory_space<hbm>>) dst(%dma_wait3A_313 : memref<64x128xf32, #tpu.memory_space<vmem>>)
      %dma_start3A_317 = arith.constant 64 : i32
      %dma_start3A_318 = arith.constant 0 : i32
      %dma_start3A_319 = tpu.memref_slice %arg11[%dma_start3A_317, %dma_start3A_318] : memref<256x128xf32, #tpu.memory_space<vmem>> -> memref<64x128xf32, #tpu.memory_space<vmem>>
      %dma_start3A_320 = arith.constant 0 : i32
      %dma_start3A_321 = tpu.memref_slice %arg10[%add3A_310, %dma_start3A_320] : memref<160x64xi32, #tpu.memory_space<vmem>> -> memref<1x64xi32, #tpu.memory_space<vmem>>
      %dma_start3A_322 = tpu.memref_squeeze %dma_start3A_321 : memref<1x64xi32, #tpu.memory_space<vmem>> -> memref<64xi32, #tpu.memory_space<vmem>>
      %dma_start3A_323 = arith.constant 0 : i32
      %dma_start3A_324 = arith.constant 0 : i32
      %dma_start3A_325 = tpu.memref_slice %arg12[%dma_start3A_323, %dma_start3A_324] : memref<10240x128xf32, #tpu.memory_space<vmem_shared>> -> memref<10240x128xf32, #tpu.memory_space<vmem_shared>>
      tpu.enqueue_indirect_dma source(%dma_start3A_319 : memref<64x128xf32, #tpu.memory_space<vmem>>) target(%dma_start3A_325 : memref<10240x128xf32, #tpu.memory_space<vmem_shared>>) offsets(%dma_start3A_322 : memref<64xi32, #tpu.memory_space<vmem>>) semaphore(%arg22 : memref<!tpu.dma_semaphore, #tpu.memory_space<semaphore_mem>>) {add = true}
      %add3A_326 = arith.constant 4 : i32
      %add3A_327 = arith.addi %add3A_310, %add3A_326 : i32
      %add3A_328 = arith.addi %select_n3A_10, %add3A_327 : i32
      %dma_start3A_329 = arith.constant 0 : i32
      %dma_start3A_330 = tpu.memref_slice %arg3[%add3A_328, %dma_start3A_329] : memref<5280x64xi32, #tpu.memory_space<hbm>> -> memref<1x64xi32, #tpu.memory_space<hbm>>
      %dma_start3A_331 = tpu.memref_squeeze %dma_start3A_330 : memref<1x64xi32, #tpu.memory_space<hbm>> -> memref<64xi32, #tpu.memory_space<hbm>>
      %dma_start3A_332 = arith.constant 0 : i32
      %dma_start3A_333 = tpu.memref_slice %arg3[%add3A_328, %dma_start3A_332] : memref<5280x64xi32, #tpu.memory_space<hbm>> -> memref<1x64xi32, #tpu.memory_space<hbm>>
      %dma_start3A_334 = tpu.memref_squeeze %dma_start3A_333 : memref<1x64xi32, #tpu.memory_space<hbm>> -> memref<64xi32, #tpu.memory_space<hbm>>
      tpu.enqueue_dma source(%dma_start3A_334 : memref<64xi32, #tpu.memory_space<hbm>>) target(%arg7 : memref<64xi32, #tpu.memory_space<vmem>>) target_semaphore(%arg14 : memref<!tpu.dma_semaphore, #tpu.memory_space<semaphore_mem>>)
      %dma_wait3A_335 = arith.constant 64 : i32
      %dma_wait3A_336 = arith.constant 0 : i32
      %dma_wait3A_337 = tpu.memref_slice %arg11[%dma_wait3A_335, %dma_wait3A_336] : memref<256x128xf32, #tpu.memory_space<vmem>> -> memref<64x128xf32, #tpu.memory_space<vmem>>
      %dma_wait3A_338 = arith.constant 0 : i32
      %dma_wait3A_339 = tpu.memref_slice %arg10[%add3A_310, %dma_wait3A_338] : memref<160x64xi32, #tpu.memory_space<vmem>> -> memref<1x64xi32, #tpu.memory_space<vmem>>
      %dma_wait3A_340 = tpu.memref_squeeze %dma_wait3A_339 : memref<1x64xi32, #tpu.memory_space<vmem>> -> memref<64xi32, #tpu.memory_space<vmem>>
      %dma_wait3A_341 = arith.constant 0 : i32
      %dma_wait3A_342 = arith.constant 0 : i32
      %dma_wait3A_343 = tpu.memref_slice %arg12[%dma_wait3A_341, %dma_wait3A_342] : memref<10240x128xf32, #tpu.memory_space<vmem_shared>> -> memref<10240x128xf32, #tpu.memory_space<vmem_shared>>
      tpu.wait_indirect_dma semaphore(%arg22 : memref<!tpu.dma_semaphore, #tpu.memory_space<semaphore_mem>>) src(%dma_wait3A_337 : memref<64x128xf32, #tpu.memory_space<vmem>>) dst(%dma_wait3A_343 : memref<10240x128xf32, #tpu.memory_space<vmem_shared>>)
      %add3A_344 = arith.constant 4 : i32
      %add3A_345 = arith.addi %add3A_310, %add3A_344 : i32
      %add3A_346 = arith.addi %select_n3A_10, %add3A_345 : i32
      %dma_wait3A_347 = arith.constant 0 : i32
      %dma_wait3A_348 = tpu.memref_slice %arg3[%add3A_346, %dma_wait3A_347] : memref<5280x64xi32, #tpu.memory_space<hbm>> -> memref<1x64xi32, #tpu.memory_space<hbm>>
      %dma_wait3A_349 = tpu.memref_squeeze %dma_wait3A_348 : memref<1x64xi32, #tpu.memory_space<hbm>> -> memref<64xi32, #tpu.memory_space<hbm>>
      %dma_wait3A_350 = arith.constant 0 : i32
      %dma_wait3A_351 = tpu.memref_slice %arg3[%add3A_346, %dma_wait3A_350] : memref<5280x64xi32, #tpu.memory_space<hbm>> -> memref<1x64xi32, #tpu.memory_space<hbm>>
      %dma_wait3A_352 = tpu.memref_squeeze %dma_wait3A_351 : memref<1x64xi32, #tpu.memory_space<hbm>> -> memref<64xi32, #tpu.memory_space<hbm>>
      tpu.wait_dma2 semaphore(%arg14 : memref<!tpu.dma_semaphore, #tpu.memory_space<semaphore_mem>>) src(%dma_wait3A_352 : memref<64xi32, #tpu.memory_space<hbm>>) dst(%arg7 : memref<64xi32, #tpu.memory_space<vmem>>)
      %dma_start3A_353 = arith.constant 64 : i32
      %dma_start3A_354 = arith.constant 0 : i32
      %dma_start3A_355 = tpu.memref_slice %arg11[%dma_start3A_353, %dma_start3A_354] : memref<256x128xf32, #tpu.memory_space<vmem>> -> memref<64x128xf32, #tpu.memory_space<vmem>>
      %dma_start3A_356 = arith.constant 0 : i32
      %dma_start3A_357 = arith.constant 0 : i32
      %dma_start3A_358 = tpu.memref_slice %arg2[%dma_start3A_356, %dma_start3A_357] : memref<10240x128xf32, #tpu.memory_space<hbm>> -> memref<10240x128xf32, #tpu.memory_space<hbm>>
      tpu.enqueue_indirect_dma source(%dma_start3A_358 : memref<10240x128xf32, #tpu.memory_space<hbm>>) target(%dma_start3A_355 : memref<64x128xf32, #tpu.memory_space<vmem>>) offsets(%arg7 : memref<64xi32, #tpu.memory_space<vmem>>) semaphore(%arg18 : memref<!tpu.dma_semaphore, #tpu.memory_space<semaphore_mem>>)
      %add3A_359 = arith.constant 2 : i32
      %add3A_360 = arith.addi %mul3A_258, %add3A_359 : i32
      %dma_wait3A_361 = arith.constant 128 : i32
      %dma_wait3A_362 = arith.constant 0 : i32
      %dma_wait3A_363 = tpu.memref_slice %arg11[%dma_wait3A_361, %dma_wait3A_362] : memref<256x128xf32, #tpu.memory_space<vmem>> -> memref<64x128xf32, #tpu.memory_space<vmem>>
      %dma_wait3A_364 = arith.constant 0 : i32
      %dma_wait3A_365 = arith.constant 0 : i32
      %dma_wait3A_366 = tpu.memref_slice %arg2[%dma_wait3A_364, %dma_wait3A_365] : memref<10240x128xf32, #tpu.memory_space<hbm>> -> memref<10240x128xf32, #tpu.memory_space<hbm>>
      tpu.wait_indirect_dma semaphore(%arg19 : memref<!tpu.dma_semaphore, #tpu.memory_space<semaphore_mem>>) src(%dma_wait3A_366 : memref<10240x128xf32, #tpu.memory_space<hbm>>) dst(%dma_wait3A_363 : memref<64x128xf32, #tpu.memory_space<vmem>>)
      %dma_start3A_367 = arith.constant 128 : i32
      %dma_start3A_368 = arith.constant 0 : i32
      %dma_start3A_369 = tpu.memref_slice %arg11[%dma_start3A_367, %dma_start3A_368] : memref<256x128xf32, #tpu.memory_space<vmem>> -> memref<64x128xf32, #tpu.memory_space<vmem>>
      %dma_start3A_370 = arith.constant 0 : i32
      %dma_start3A_371 = tpu.memref_slice %arg10[%add3A_360, %dma_start3A_370] : memref<160x64xi32, #tpu.memory_space<vmem>> -> memref<1x64xi32, #tpu.memory_space<vmem>>
      %dma_start3A_372 = tpu.memref_squeeze %dma_start3A_371 : memref<1x64xi32, #tpu.memory_space<vmem>> -> memref<64xi32, #tpu.memory_space<vmem>>
      %dma_start3A_373 = arith.constant 0 : i32
      %dma_start3A_374 = arith.constant 0 : i32
      %dma_start3A_375 = tpu.memref_slice %arg12[%dma_start3A_373, %dma_start3A_374] : memref<10240x128xf32, #tpu.memory_space<vmem_shared>> -> memref<10240x128xf32, #tpu.memory_space<vmem_shared>>
      tpu.enqueue_indirect_dma source(%dma_start3A_369 : memref<64x128xf32, #tpu.memory_space<vmem>>) target(%dma_start3A_375 : memref<10240x128xf32, #tpu.memory_space<vmem_shared>>) offsets(%dma_start3A_372 : memref<64xi32, #tpu.memory_space<vmem>>) semaphore(%arg23 : memref<!tpu.dma_semaphore, #tpu.memory_space<semaphore_mem>>) {add = true}
      %add3A_376 = arith.constant 4 : i32
      %add3A_377 = arith.addi %add3A_360, %add3A_376 : i32
      %add3A_378 = arith.addi %select_n3A_10, %add3A_377 : i32
      %dma_start3A_379 = arith.constant 0 : i32
      %dma_start3A_380 = tpu.memref_slice %arg3[%add3A_378, %dma_start3A_379] : memref<5280x64xi32, #tpu.memory_space<hbm>> -> memref<1x64xi32, #tpu.memory_space<hbm>>
      %dma_start3A_381 = tpu.memref_squeeze %dma_start3A_380 : memref<1x64xi32, #tpu.memory_space<hbm>> -> memref<64xi32, #tpu.memory_space<hbm>>
      %dma_start3A_382 = arith.constant 0 : i32
      %dma_start3A_383 = tpu.memref_slice %arg3[%add3A_378, %dma_start3A_382] : memref<5280x64xi32, #tpu.memory_space<hbm>> -> memref<1x64xi32, #tpu.memory_space<hbm>>
      %dma_start3A_384 = tpu.memref_squeeze %dma_start3A_383 : memref<1x64xi32, #tpu.memory_space<hbm>> -> memref<64xi32, #tpu.memory_space<hbm>>
      tpu.enqueue_dma source(%dma_start3A_384 : memref<64xi32, #tpu.memory_space<hbm>>) target(%arg8 : memref<64xi32, #tpu.memory_space<vmem>>) target_semaphore(%arg15 : memref<!tpu.dma_semaphore, #tpu.memory_space<semaphore_mem>>)
      %dma_wait3A_385 = arith.constant 128 : i32
      %dma_wait3A_386 = arith.constant 0 : i32
      %dma_wait3A_387 = tpu.memref_slice %arg11[%dma_wait3A_385, %dma_wait3A_386] : memref<256x128xf32, #tpu.memory_space<vmem>> -> memref<64x128xf32, #tpu.memory_space<vmem>>
      %dma_wait3A_388 = arith.constant 0 : i32
      %dma_wait3A_389 = tpu.memref_slice %arg10[%add3A_360, %dma_wait3A_388] : memref<160x64xi32, #tpu.memory_space<vmem>> -> memref<1x64xi32, #tpu.memory_space<vmem>>
      %dma_wait3A_390 = tpu.memref_squeeze %dma_wait3A_389 : memref<1x64xi32, #tpu.memory_space<vmem>> -> memref<64xi32, #tpu.memory_space<vmem>>
      %dma_wait3A_391 = arith.constant 0 : i32
      %dma_wait3A_392 = arith.constant 0 : i32
      %dma_wait3A_393 = tpu.memref_slice %arg12[%dma_wait3A_391, %dma_wait3A_392] : memref<10240x128xf32, #tpu.memory_space<vmem_shared>> -> memref<10240x128xf32, #tpu.memory_space<vmem_shared>>
      tpu.wait_indirect_dma semaphore(%arg23 : memref<!tpu.dma_semaphore, #tpu.memory_space<semaphore_mem>>) src(%dma_wait3A_387 : memref<64x128xf32, #tpu.memory_space<vmem>>) dst(%dma_wait3A_393 : memref<10240x128xf32, #tpu.memory_space<vmem_shared>>)
      %add3A_394 = arith.constant 4 : i32
      %add3A_395 = arith.addi %add3A_360, %add3A_394 : i32
      %add3A_396 = arith.addi %select_n3A_10, %add3A_395 : i32
      %dma_wait3A_397 = arith.constant 0 : i32
      %dma_wait3A_398 = tpu.memref_slice %arg3[%add3A_396, %dma_wait3A_397] : memref<5280x64xi32, #tpu.memory_space<hbm>> -> memref<1x64xi32, #tpu.memory_space<hbm>>
      %dma_wait3A_399 = tpu.memref_squeeze %dma_wait3A_398 : memref<1x64xi32, #tpu.memory_space<hbm>> -> memref<64xi32, #tpu.memory_space<hbm>>
      %dma_wait3A_400 = arith.constant 0 : i32
      %dma_wait3A_401 = tpu.memref_slice %arg3[%add3A_396, %dma_wait3A_400] : memref<5280x64xi32, #tpu.memory_space<hbm>> -> memref<1x64xi32, #tpu.memory_space<hbm>>
      %dma_wait3A_402 = tpu.memref_squeeze %dma_wait3A_401 : memref<1x64xi32, #tpu.memory_space<hbm>> -> memref<64xi32, #tpu.memory_space<hbm>>
      tpu.wait_dma2 semaphore(%arg15 : memref<!tpu.dma_semaphore, #tpu.memory_space<semaphore_mem>>) src(%dma_wait3A_402 : memref<64xi32, #tpu.memory_space<hbm>>) dst(%arg8 : memref<64xi32, #tpu.memory_space<vmem>>)
      %dma_start3A_403 = arith.constant 128 : i32
      %dma_start3A_404 = arith.constant 0 : i32
      %dma_start3A_405 = tpu.memref_slice %arg11[%dma_start3A_403, %dma_start3A_404] : memref<256x128xf32, #tpu.memory_space<vmem>> -> memref<64x128xf32, #tpu.memory_space<vmem>>
      %dma_start3A_406 = arith.constant 0 : i32
      %dma_start3A_407 = arith.constant 0 : i32
      %dma_start3A_408 = tpu.memref_slice %arg2[%dma_start3A_406, %dma_start3A_407] : memref<10240x128xf32, #tpu.memory_space<hbm>> -> memref<10240x128xf32, #tpu.memory_space<hbm>>
      tpu.enqueue_indirect_dma source(%dma_start3A_408 : memref<10240x128xf32, #tpu.memory_space<hbm>>) target(%dma_start3A_405 : memref<64x128xf32, #tpu.memory_space<vmem>>) offsets(%arg8 : memref<64xi32, #tpu.memory_space<vmem>>) semaphore(%arg19 : memref<!tpu.dma_semaphore, #tpu.memory_space<semaphore_mem>>)
      %add3A_409 = arith.constant 3 : i32
      %add3A_410 = arith.addi %mul3A_258, %add3A_409 : i32
      %dma_wait3A_411 = arith.constant 192 : i32
      %dma_wait3A_412 = arith.constant 0 : i32
      %dma_wait3A_413 = tpu.memref_slice %arg11[%dma_wait3A_411, %dma_wait3A_412] : memref<256x128xf32, #tpu.memory_space<vmem>> -> memref<64x128xf32, #tpu.memory_space<vmem>>
      %dma_wait3A_414 = arith.constant 0 : i32
      %dma_wait3A_415 = arith.constant 0 : i32
      %dma_wait3A_416 = tpu.memref_slice %arg2[%dma_wait3A_414, %dma_wait3A_415] : memref<10240x128xf32, #tpu.memory_space<hbm>> -> memref<10240x128xf32, #tpu.memory_space<hbm>>
      tpu.wait_indirect_dma semaphore(%arg20 : memref<!tpu.dma_semaphore, #tpu.memory_space<semaphore_mem>>) src(%dma_wait3A_416 : memref<10240x128xf32, #tpu.memory_space<hbm>>) dst(%dma_wait3A_413 : memref<64x128xf32, #tpu.memory_space<vmem>>)
      %dma_start3A_417 = arith.constant 192 : i32
      %dma_start3A_418 = arith.constant 0 : i32
      %dma_start3A_419 = tpu.memref_slice %arg11[%dma_start3A_417, %dma_start3A_418] : memref<256x128xf32, #tpu.memory_space<vmem>> -> memref<64x128xf32, #tpu.memory_space<vmem>>
      %dma_start3A_420 = arith.constant 0 : i32
      %dma_start3A_421 = tpu.memref_slice %arg10[%add3A_410, %dma_start3A_420] : memref<160x64xi32, #tpu.memory_space<vmem>> -> memref<1x64xi32, #tpu.memory_space<vmem>>
      %dma_start3A_422 = tpu.memref_squeeze %dma_start3A_421 : memref<1x64xi32, #tpu.memory_space<vmem>> -> memref<64xi32, #tpu.memory_space<vmem>>
      %dma_start3A_423 = arith.constant 0 : i32
      %dma_start3A_424 = arith.constant 0 : i32
      %dma_start3A_425 = tpu.memref_slice %arg12[%dma_start3A_423, %dma_start3A_424] : memref<10240x128xf32, #tpu.memory_space<vmem_shared>> -> memref<10240x128xf32, #tpu.memory_space<vmem_shared>>
      tpu.enqueue_indirect_dma source(%dma_start3A_419 : memref<64x128xf32, #tpu.memory_space<vmem>>) target(%dma_start3A_425 : memref<10240x128xf32, #tpu.memory_space<vmem_shared>>) offsets(%dma_start3A_422 : memref<64xi32, #tpu.memory_space<vmem>>) semaphore(%arg24 : memref<!tpu.dma_semaphore, #tpu.memory_space<semaphore_mem>>) {add = true}
      %add3A_426 = arith.constant 4 : i32
      %add3A_427 = arith.addi %add3A_410, %add3A_426 : i32
      %add3A_428 = arith.addi %select_n3A_10, %add3A_427 : i32
      %dma_start3A_429 = arith.constant 0 : i32
      %dma_start3A_430 = tpu.memref_slice %arg3[%add3A_428, %dma_start3A_429] : memref<5280x64xi32, #tpu.memory_space<hbm>> -> memref<1x64xi32, #tpu.memory_space<hbm>>
      %dma_start3A_431 = tpu.memref_squeeze %dma_start3A_430 : memref<1x64xi32, #tpu.memory_space<hbm>> -> memref<64xi32, #tpu.memory_space<hbm>>
      %dma_start3A_432 = arith.constant 0 : i32
      %dma_start3A_433 = tpu.memref_slice %arg3[%add3A_428, %dma_start3A_432] : memref<5280x64xi32, #tpu.memory_space<hbm>> -> memref<1x64xi32, #tpu.memory_space<hbm>>
      %dma_start3A_434 = tpu.memref_squeeze %dma_start3A_433 : memref<1x64xi32, #tpu.memory_space<hbm>> -> memref<64xi32, #tpu.memory_space<hbm>>
      tpu.enqueue_dma source(%dma_start3A_434 : memref<64xi32, #tpu.memory_space<hbm>>) target(%arg9 : memref<64xi32, #tpu.memory_space<vmem>>) target_semaphore(%arg16 : memref<!tpu.dma_semaphore, #tpu.memory_space<semaphore_mem>>)
      %dma_wait3A_435 = arith.constant 192 : i32
      %dma_wait3A_436 = arith.constant 0 : i32
      %dma_wait3A_437 = tpu.memref_slice %arg11[%dma_wait3A_435, %dma_wait3A_436] : memref<256x128xf32, #tpu.memory_space<vmem>> -> memref<64x128xf32, #tpu.memory_space<vmem>>
      %dma_wait3A_438 = arith.constant 0 : i32
      %dma_wait3A_439 = tpu.memref_slice %arg10[%add3A_410, %dma_wait3A_438] : memref<160x64xi32, #tpu.memory_space<vmem>> -> memref<1x64xi32, #tpu.memory_space<vmem>>
      %dma_wait3A_440 = tpu.memref_squeeze %dma_wait3A_439 : memref<1x64xi32, #tpu.memory_space<vmem>> -> memref<64xi32, #tpu.memory_space<vmem>>
      %dma_wait3A_441 = arith.constant 0 : i32
      %dma_wait3A_442 = arith.constant 0 : i32
      %dma_wait3A_443 = tpu.memref_slice %arg12[%dma_wait3A_441, %dma_wait3A_442] : memref<10240x128xf32, #tpu.memory_space<vmem_shared>> -> memref<10240x128xf32, #tpu.memory_space<vmem_shared>>
      tpu.wait_indirect_dma semaphore(%arg24 : memref<!tpu.dma_semaphore, #tpu.memory_space<semaphore_mem>>) src(%dma_wait3A_437 : memref<64x128xf32, #tpu.memory_space<vmem>>) dst(%dma_wait3A_443 : memref<10240x128xf32, #tpu.memory_space<vmem_shared>>)
      %add3A_444 = arith.constant 4 : i32
      %add3A_445 = arith.addi %add3A_410, %add3A_444 : i32
      %add3A_446 = arith.addi %select_n3A_10, %add3A_445 : i32
      %dma_wait3A_447 = arith.constant 0 : i32
      %dma_wait3A_448 = tpu.memref_slice %arg3[%add3A_446, %dma_wait3A_447] : memref<5280x64xi32, #tpu.memory_space<hbm>> -> memref<1x64xi32, #tpu.memory_space<hbm>>
      %dma_wait3A_449 = tpu.memref_squeeze %dma_wait3A_448 : memref<1x64xi32, #tpu.memory_space<hbm>> -> memref<64xi32, #tpu.memory_space<hbm>>
      %dma_wait3A_450 = arith.constant 0 : i32
      %dma_wait3A_451 = tpu.memref_slice %arg3[%add3A_446, %dma_wait3A_450] : memref<5280x64xi32, #tpu.memory_space<hbm>> -> memref<1x64xi32, #tpu.memory_space<hbm>>
      %dma_wait3A_452 = tpu.memref_squeeze %dma_wait3A_451 : memref<1x64xi32, #tpu.memory_space<hbm>> -> memref<64xi32, #tpu.memory_space<hbm>>
      tpu.wait_dma2 semaphore(%arg16 : memref<!tpu.dma_semaphore, #tpu.memory_space<semaphore_mem>>) src(%dma_wait3A_452 : memref<64xi32, #tpu.memory_space<hbm>>) dst(%arg9 : memref<64xi32, #tpu.memory_space<vmem>>)
      %dma_start3A_453 = arith.constant 192 : i32
      %dma_start3A_454 = arith.constant 0 : i32
      %dma_start3A_455 = tpu.memref_slice %arg11[%dma_start3A_453, %dma_start3A_454] : memref<256x128xf32, #tpu.memory_space<vmem>> -> memref<64x128xf32, #tpu.memory_space<vmem>>
      %dma_start3A_456 = arith.constant 0 : i32
      %dma_start3A_457 = arith.constant 0 : i32
      %dma_start3A_458 = tpu.memref_slice %arg2[%dma_start3A_456, %dma_start3A_457] : memref<10240x128xf32, #tpu.memory_space<hbm>> -> memref<10240x128xf32, #tpu.memory_space<hbm>>
      tpu.enqueue_indirect_dma source(%dma_start3A_458 : memref<10240x128xf32, #tpu.memory_space<hbm>>) target(%dma_start3A_455 : memref<64x128xf32, #tpu.memory_space<vmem>>) offsets(%arg9 : memref<64xi32, #tpu.memory_space<vmem>>) semaphore(%arg20 : memref<!tpu.dma_semaphore, #tpu.memory_space<semaphore_mem>>)
      %while3A_459 = arith.constant 0 : i32
      scf.yield %while3A_459 : i32
    }
    %while3A_139 = arith.constant 1 : i32
    %while3A_140 = scf.for %while3A_255 = %while3A_136 to %while3A_132 step %while3A_139 iter_args(%while3A_256 = %while3A_138) -> (i32)  : i32 {
      %mul3A_257 = arith.constant 4 : i32
      %mul3A_258 = arith.muli %while3A_255, %mul3A_257 : i32
      %add3A_259 = arith.constant 0 : i32
      %add3A_260 = arith.addi %mul3A_258, %add3A_259 : i32
      %dma_wait3A_261 = arith.constant 0 : i32
      %dma_wait3A_262 = arith.constant 0 : i32
      %dma_wait3A_263 = tpu.memref_slice %arg11[%dma_wait3A_261, %dma_wait3A_262] : memref<256x128xf32, #tpu.memory_space<vmem>> -> memref<64x128xf32, #tpu.memory_space<vmem>>
      %dma_wait3A_264 = arith.constant 0 : i32
      %dma_wait3A_265 = arith.constant 0 : i32
      %dma_wait3A_266 = tpu.memref_slice %arg2[%dma_wait3A_264, %dma_wait3A_265] : memref<10240x128xf32, #tpu.memory_space<hbm>> -> memref<10240x128xf32, #tpu.memory_space<hbm>>
      tpu.wait_indirect_dma semaphore(%arg17 : memref<!tpu.dma_semaphore, #tpu.memory_space<semaphore_mem>>) src(%dma_wait3A_266 : memref<10240x128xf32, #tpu.memory_space<hbm>>) dst(%dma_wait3A_263 : memref<64x128xf32, #tpu.memory_space<vmem>>)
      %dma_start3A_267 = arith.constant 0 : i32
      %dma_start3A_268 = arith.constant 0 : i32
      %dma_start3A_269 = tpu.memref_slice %arg11[%dma_start3A_267, %dma_start3A_268] : memref<256x128xf32, #tpu.memory_space<vmem>> -> memref<64x128xf32, #tpu.memory_space<vmem>>
      %dma_start3A_270 = arith.constant 0 : i32
      %dma_start3A_271 = tpu.memref_slice %arg10[%add3A_260, %dma_start3A_270] : memref<160x64xi32, #tpu.memory_space<vmem>> -> memref<1x64xi32, #tpu.memory_space<vmem>>
      %dma_start3A_272 = tpu.memref_squeeze %dma_start3A_271 : memref<1x64xi32, #tpu.memory_space<vmem>> -> memref<64xi32, #tpu.memory_space<vmem>>
      %dma_start3A_273 = arith.constant 0 : i32
      %dma_start3A_274 = arith.constant 0 : i32
      %dma_start3A_275 = tpu.memref_slice %arg12[%dma_start3A_273, %dma_start3A_274] : memref<10240x128xf32, #tpu.memory_space<vmem_shared>> -> memref<10240x128xf32, #tpu.memory_space<vmem_shared>>
      tpu.enqueue_indirect_dma source(%dma_start3A_269 : memref<64x128xf32, #tpu.memory_space<vmem>>) target(%dma_start3A_275 : memref<10240x128xf32, #tpu.memory_space<vmem_shared>>) offsets(%dma_start3A_272 : memref<64xi32, #tpu.memory_space<vmem>>) semaphore(%arg21 : memref<!tpu.dma_semaphore, #tpu.memory_space<semaphore_mem>>) {add = true}
      %add3A_276 = arith.constant 4 : i32
      %add3A_277 = arith.addi %add3A_260, %add3A_276 : i32
      %add3A_278 = arith.addi %select_n3A_10, %add3A_277 : i32
      %dma_start3A_279 = arith.constant 0 : i32
      %dma_start3A_280 = tpu.memref_slice %arg3[%add3A_278, %dma_start3A_279] : memref<5280x64xi32, #tpu.memory_space<hbm>> -> memref<1x64xi32, #tpu.memory_space<hbm>>
      %dma_start3A_281 = tpu.memref_squeeze %dma_start3A_280 : memref<1x64xi32, #tpu.memory_space<hbm>> -> memref<64xi32, #tpu.memory_space<hbm>>
      %dma_start3A_282 = arith.constant 0 : i32
      %dma_start3A_283 = tpu.memref_slice %arg3[%add3A_278, %dma_start3A_282] : memref<5280x64xi32, #tpu.memory_space<hbm>> -> memref<1x64xi32, #tpu.memory_space<hbm>>
      %dma_start3A_284 = tpu.memref_squeeze %dma_start3A_283 : memref<1x64xi32, #tpu.memory_space<hbm>> -> memref<64xi32, #tpu.memory_space<hbm>>
      tpu.enqueue_dma source(%dma_start3A_284 : memref<64xi32, #tpu.memory_space<hbm>>) target(%arg6 : memref<64xi32, #tpu.memory_space<vmem>>) target_semaphore(%arg13 : memref<!tpu.dma_semaphore, #tpu.memory_space<semaphore_mem>>)
      %dma_wait3A_285 = arith.constant 0 : i32
      %dma_wait3A_286 = arith.constant 0 : i32
      %dma_wait3A_287 = tpu.memref_slice %arg11[%dma_wait3A_285, %dma_wait3A_286] : memref<256x128xf32, #tpu.memory_space<vmem>> -> memref<64x128xf32, #tpu.memory_space<vmem>>
      %dma_wait3A_288 = arith.constant 0 : i32
      %dma_wait3A_289 = tpu.memref_slice %arg10[%add3A_260, %dma_wait3A_288] : memref<160x64xi32, #tpu.memory_space<vmem>> -> memref<1x64xi32, #tpu.memory_space<vmem>>
      %dma_wait3A_290 = tpu.memref_squeeze %dma_wait3A_289 : memref<1x64xi32, #tpu.memory_space<vmem>> -> memref<64xi32, #tpu.memory_space<vmem>>
      %dma_wait3A_291 = arith.constant 0 : i32
      %dma_wait3A_292 = arith.constant 0 : i32
      %dma_wait3A_293 = tpu.memref_slice %arg12[%dma_wait3A_291, %dma_wait3A_292] : memref<10240x128xf32, #tpu.memory_space<vmem_shared>> -> memref<10240x128xf32, #tpu.memory_space<vmem_shared>>
      tpu.wait_indirect_dma semaphore(%arg21 : memref<!tpu.dma_semaphore, #tpu.memory_space<semaphore_mem>>) src(%dma_wait3A_287 : memref<64x128xf32, #tpu.memory_space<vmem>>) dst(%dma_wait3A_293 : memref<10240x128xf32, #tpu.memory_space<vmem_shared>>)
      %add3A_294 = arith.constant 4 : i32
      %add3A_295 = arith.addi %add3A_260, %add3A_294 : i32
      %add3A_296 = arith.addi %select_n3A_10, %add3A_295 : i32
      %dma_wait3A_297 = arith.constant 0 : i32
      %dma_wait3A_298 = tpu.memref_slice %arg3[%add3A_296, %dma_wait3A_297] : memref<5280x64xi32, #tpu.memory_space<hbm>> -> memref<1x64xi32, #tpu.memory_space<hbm>>
      %dma_wait3A_299 = tpu.memref_squeeze %dma_wait3A_298 : memref<1x64xi32, #tpu.memory_space<hbm>> -> memref<64xi32, #tpu.memory_space<hbm>>
      %dma_wait3A_300 = arith.constant 0 : i32
      %dma_wait3A_301 = tpu.memref_slice %arg3[%add3A_296, %dma_wait3A_300] : memref<5280x64xi32, #tpu.memory_space<hbm>> -> memref<1x64xi32, #tpu.memory_space<hbm>>
      %dma_wait3A_302 = tpu.memref_squeeze %dma_wait3A_301 : memref<1x64xi32, #tpu.memory_space<hbm>> -> memref<64xi32, #tpu.memory_space<hbm>>
      tpu.wait_dma2 semaphore(%arg13 : memref<!tpu.dma_semaphore, #tpu.memory_space<semaphore_mem>>) src(%dma_wait3A_302 : memref<64xi32, #tpu.memory_space<hbm>>) dst(%arg6 : memref<64xi32, #tpu.memory_space<vmem>>)
      %dma_start3A_303 = arith.constant 0 : i32
      %dma_start3A_304 = arith.constant 0 : i32
      %dma_start3A_305 = tpu.memref_slice %arg11[%dma_start3A_303, %dma_start3A_304] : memref<256x128xf32, #tpu.memory_space<vmem>> -> memref<64x128xf32, #tpu.memory_space<vmem>>
      %dma_start3A_306 = arith.constant 0 : i32
      %dma_start3A_307 = arith.constant 0 : i32
      %dma_start3A_308 = tpu.memref_slice %arg2[%dma_start3A_306, %dma_start3A_307] : memref<10240x128xf32, #tpu.memory_space<hbm>> -> memref<10240x128xf32, #tpu.memory_space<hbm>>
      tpu.enqueue_indirect_dma source(%dma_start3A_308 : memref<10240x128xf32, #tpu.memory_space<hbm>>) target(%dma_start3A_305 : memref<64x128xf32, #tpu.memory_space<vmem>>) offsets(%arg6 : memref<64xi32, #tpu.memory_space<vmem>>) semaphore(%arg17 : memref<!tpu.dma_semaphore, #tpu.memory_space<semaphore_mem>>)
      %add3A_309 = arith.constant 1 : i32
      %add3A_310 = arith.addi %mul3A_258, %add3A_309 : i32
      %dma_wait3A_311 = arith.constant 64 : i32
      %dma_wait3A_312 = arith.constant 0 : i32
      %dma_wait3A_313 = tpu.memref_slice %arg11[%dma_wait3A_311, %dma_wait3A_312] : memref<256x128xf32, #tpu.memory_space<vmem>> -> memref<64x128xf32, #tpu.memory_space<vmem>>
      %dma_wait3A_314 = arith.constant 0 : i32
      %dma_wait3A_315 = arith.constant 0 : i32
      %dma_wait3A_316 = tpu.memref_slice %arg2[%dma_wait3A_314, %dma_wait3A_315] : memref<10240x128xf32, #tpu.memory_space<hbm>> -> memref<10240x128xf32, #tpu.memory_space<hbm>>
      tpu.wait_indirect_dma semaphore(%arg18 : memref<!tpu.dma_semaphore, #tpu.memory_space<semaphore_mem>>) src(%dma_wait3A_316 : memref<10240x128xf32, #tpu.memory_space<hbm>>) dst(%dma_wait3A_313 : memref<64x128xf32, #tpu.memory_space<vmem>>)
      %dma_start3A_317 = arith.constant 64 : i32
      %dma_start3A_318 = arith.constant 0 : i32
      %dma_start3A_319 = tpu.memref_slice %arg11[%dma_start3A_317, %dma_start3A_318] : memref<256x128xf32, #tpu.memory_space<vmem>> -> memref<64x128xf32, #tpu.memory_space<vmem>>
      %dma_start3A_320 = arith.constant 0 : i32
      %dma_start3A_321 = tpu.memref_slice %arg10[%add3A_310, %dma_start3A_320] : memref<160x64xi32, #tpu.memory_space<vmem>> -> memref<1x64xi32, #tpu.memory_space<vmem>>
      %dma_start3A_322 = tpu.memref_squeeze %dma_start3A_321 : memref<1x64xi32, #tpu.memory_space<vmem>> -> memref<64xi32, #tpu.memory_space<vmem>>
      %dma_start3A_323 = arith.constant 0 : i32
      %dma_start3A_324 = arith.constant 0 : i32
      %dma_start3A_325 = tpu.memref_slice %arg12[%dma_start3A_323, %dma_start3A_324] : memref<10240x128xf32, #tpu.memory_space<vmem_shared>> -> memref<10240x128xf32, #tpu.memory_space<vmem_shared>>
      tpu.enqueue_indirect_dma source(%dma_start3A_319 : memref<64x128xf32, #tpu.memory_space<vmem>>) target(%dma_start3A_325 : memref<10240x128xf32, #tpu.memory_space<vmem_shared>>) offsets(%dma_start3A_322 : memref<64xi32, #tpu.memory_space<vmem>>) semaphore(%arg22 : memref<!tpu.dma_semaphore, #tpu.memory_space<semaphore_mem>>) {add = true}
      %add3A_326 = arith.constant 4 : i32
      %add3A_327 = arith.addi %add3A_310, %add3A_326 : i32
      %add3A_328 = arith.addi %select_n3A_10, %add3A_327 : i32
      %dma_start3A_329 = arith.constant 0 : i32
      %dma_start3A_330 = tpu.memref_slice %arg3[%add3A_328, %dma_start3A_329] : memref<5280x64xi32, #tpu.memory_space<hbm>> -> memref<1x64xi32, #tpu.memory_space<hbm>>
      %dma_start3A_331 = tpu.memref_squeeze %dma_start3A_330 : memref<1x64xi32, #tpu.memory_space<hbm>> -> memref<64xi32, #tpu.memory_space<hbm>>
      %dma_start3A_332 = arith.constant 0 : i32
      %dma_start3A_333 = tpu.memref_slice %arg3[%add3A_328, %dma_start3A_332] : memref<5280x64xi32, #tpu.memory_space<hbm>> -> memref<1x64xi32, #tpu.memory_space<hbm>>
      %dma_start3A_334 = tpu.memref_squeeze %dma_start3A_333 : memref<1x64xi32, #tpu.memory_space<hbm>> -> memref<64xi32, #tpu.memory_space<hbm>>
      tpu.enqueue_dma source(%dma_start3A_334 : memref<64xi32, #tpu.memory_space<hbm>>) target(%arg7 : memref<64xi32, #tpu.memory_space<vmem>>) target_semaphore(%arg14 : memref<!tpu.dma_semaphore, #tpu.memory_space<semaphore_mem>>)
      %dma_wait3A_335 = arith.constant 64 : i32
      %dma_wait3A_336 = arith.constant 0 : i32
      %dma_wait3A_337 = tpu.memref_slice %arg11[%dma_wait3A_335, %dma_wait3A_336] : memref<256x128xf32, #tpu.memory_space<vmem>> -> memref<64x128xf32, #tpu.memory_space<vmem>>
      %dma_wait3A_338 = arith.constant 0 : i32
      %dma_wait3A_339 = tpu.memref_slice %arg10[%add3A_310, %dma_wait3A_338] : memref<160x64xi32, #tpu.memory_space<vmem>> -> memref<1x64xi32, #tpu.memory_space<vmem>>
      %dma_wait3A_340 = tpu.memref_squeeze %dma_wait3A_339 : memref<1x64xi32, #tpu.memory_space<vmem>> -> memref<64xi32, #tpu.memory_space<vmem>>
      %dma_wait3A_341 = arith.constant 0 : i32
      %dma_wait3A_342 = arith.constant 0 : i32
      %dma_wait3A_343 = tpu.memref_slice %arg12[%dma_wait3A_341, %dma_wait3A_342] : memref<10240x128xf32, #tpu.memory_space<vmem_shared>> -> memref<10240x128xf32, #tpu.memory_space<vmem_shared>>
      tpu.wait_indirect_dma semaphore(%arg22 : memref<!tpu.dma_semaphore, #tpu.memory_space<semaphore_mem>>) src(%dma_wait3A_337 : memref<64x128xf32, #tpu.memory_space<vmem>>) dst(%dma_wait3A_343 : memref<10240x128xf32, #tpu.memory_space<vmem_shared>>)
      %add3A_344 = arith.constant 4 : i32
      %add3A_345 = arith.addi %add3A_310, %add3A_344 : i32
      %add3A_346 = arith.addi %select_n3A_10, %add3A_345 : i32
      %dma_wait3A_347 = arith.constant 0 : i32
      %dma_wait3A_348 = tpu.memref_slice %arg3[%add3A_346, %dma_wait3A_347] : memref<5280x64xi32, #tpu.memory_space<hbm>> -> memref<1x64xi32, #tpu.memory_space<hbm>>
      %dma_wait3A_349 = tpu.memref_squeeze %dma_wait3A_348 : memref<1x64xi32, #tpu.memory_space<hbm>> -> memref<64xi32, #tpu.memory_space<hbm>>
      %dma_wait3A_350 = arith.constant 0 : i32
      %dma_wait3A_351 = tpu.memref_slice %arg3[%add3A_346, %dma_wait3A_350] : memref<5280x64xi32, #tpu.memory_space<hbm>> -> memref<1x64xi32, #tpu.memory_space<hbm>>
      %dma_wait3A_352 = tpu.memref_squeeze %dma_wait3A_351 : memref<1x64xi32, #tpu.memory_space<hbm>> -> memref<64xi32, #tpu.memory_space<hbm>>
      tpu.wait_dma2 semaphore(%arg14 : memref<!tpu.dma_semaphore, #tpu.memory_space<semaphore_mem>>) src(%dma_wait3A_352 : memref<64xi32, #tpu.memory_space<hbm>>) dst(%arg7 : memref<64xi32, #tpu.memory_space<vmem>>)
      %dma_start3A_353 = arith.constant 64 : i32
      %dma_start3A_354 = arith.constant 0 : i32
      %dma_start3A_355 = tpu.memref_slice %arg11[%dma_start3A_353, %dma_start3A_354] : memref<256x128xf32, #tpu.memory_space<vmem>> -> memref<64x128xf32, #tpu.memory_space<vmem>>
      %dma_start3A_356 = arith.constant 0 : i32
      %dma_start3A_357 = arith.constant 0 : i32
      %dma_start3A_358 = tpu.memref_slice %arg2[%dma_start3A_356, %dma_start3A_357] : memref<10240x128xf32, #tpu.memory_space<hbm>> -> memref<10240x128xf32, #tpu.memory_space<hbm>>
      tpu.enqueue_indirect_dma source(%dma_start3A_358 : memref<10240x128xf32, #tpu.memory_space<hbm>>) target(%dma_start3A_355 : memref<64x128xf32, #tpu.memory_space<vmem>>) offsets(%arg7 : memref<64xi32, #tpu.memory_space<vmem>>) semaphore(%arg18 : memref<!tpu.dma_semaphore, #tpu.memory_space<semaphore_mem>>)
      %add3A_359 = arith.constant 2 : i32
      %add3A_360 = arith.addi %mul3A_258, %add3A_359 : i32
      %dma_wait3A_361 = arith.constant 128 : i32
      %dma_wait3A_362 = arith.constant 0 : i32
      %dma_wait3A_363 = tpu.memref_slice %arg11[%dma_wait3A_361, %dma_wait3A_362] : memref<256x128xf32, #tpu.memory_space<vmem>> -> memref<64x128xf32, #tpu.memory_space<vmem>>
      %dma_wait3A_364 = arith.constant 0 : i32
      %dma_wait3A_365 = arith.constant 0 : i32
      %dma_wait3A_366 = tpu.memref_slice %arg2[%dma_wait3A_364, %dma_wait3A_365] : memref<10240x128xf32, #tpu.memory_space<hbm>> -> memref<10240x128xf32, #tpu.memory_space<hbm>>
      tpu.wait_indirect_dma semaphore(%arg19 : memref<!tpu.dma_semaphore, #tpu.memory_space<semaphore_mem>>) src(%dma_wait3A_366 : memref<10240x128xf32, #tpu.memory_space<hbm>>) dst(%dma_wait3A_363 : memref<64x128xf32, #tpu.memory_space<vmem>>)
      %dma_start3A_367 = arith.constant 128 : i32
      %dma_start3A_368 = arith.constant 0 : i32
      %dma_start3A_369 = tpu.memref_slice %arg11[%dma_start3A_367, %dma_start3A_368] : memref<256x128xf32, #tpu.memory_space<vmem>> -> memref<64x128xf32, #tpu.memory_space<vmem>>
      %dma_start3A_370 = arith.constant 0 : i32
      %dma_start3A_371 = tpu.memref_slice %arg10[%add3A_360, %dma_start3A_370] : memref<160x64xi32, #tpu.memory_space<vmem>> -> memref<1x64xi32, #tpu.memory_space<vmem>>
      %dma_start3A_372 = tpu.memref_squeeze %dma_start3A_371 : memref<1x64xi32, #tpu.memory_space<vmem>> -> memref<64xi32, #tpu.memory_space<vmem>>
      %dma_start3A_373 = arith.constant 0 : i32
      %dma_start3A_374 = arith.constant 0 : i32
      %dma_start3A_375 = tpu.memref_slice %arg12[%dma_start3A_373, %dma_start3A_374] : memref<10240x128xf32, #tpu.memory_space<vmem_shared>> -> memref<10240x128xf32, #tpu.memory_space<vmem_shared>>
      tpu.enqueue_indirect_dma source(%dma_start3A_369 : memref<64x128xf32, #tpu.memory_space<vmem>>) target(%dma_start3A_375 : memref<10240x128xf32, #tpu.memory_space<vmem_shared>>) offsets(%dma_start3A_372 : memref<64xi32, #tpu.memory_space<vmem>>) semaphore(%arg23 : memref<!tpu.dma_semaphore, #tpu.memory_space<semaphore_mem>>) {add = true}
      %add3A_376 = arith.constant 4 : i32
      %add3A_377 = arith.addi %add3A_360, %add3A_376 : i32
      %add3A_378 = arith.addi %select_n3A_10, %add3A_377 : i32
      %dma_start3A_379 = arith.constant 0 : i32
      %dma_start3A_380 = tpu.memref_slice %arg3[%add3A_378, %dma_start3A_379] : memref<5280x64xi32, #tpu.memory_space<hbm>> -> memref<1x64xi32, #tpu.memory_space<hbm>>
      %dma_start3A_381 = tpu.memref_squeeze %dma_start3A_380 : memref<1x64xi32, #tpu.memory_space<hbm>> -> memref<64xi32, #tpu.memory_space<hbm>>
      %dma_start3A_382 = arith.constant 0 : i32
      %dma_start3A_383 = tpu.memref_slice %arg3[%add3A_378, %dma_start3A_382] : memref<5280x64xi32, #tpu.memory_space<hbm>> -> memref<1x64xi32, #tpu.memory_space<hbm>>
      %dma_start3A_384 = tpu.memref_squeeze %dma_start3A_383 : memref<1x64xi32, #tpu.memory_space<hbm>> -> memref<64xi32, #tpu.memory_space<hbm>>
      tpu.enqueue_dma source(%dma_start3A_384 : memref<64xi32, #tpu.memory_space<hbm>>) target(%arg8 : memref<64xi32, #tpu.memory_space<vmem>>) target_semaphore(%arg15 : memref<!tpu.dma_semaphore, #tpu.memory_space<semaphore_mem>>)
      %dma_wait3A_385 = arith.constant 128 : i32
      %dma_wait3A_386 = arith.constant 0 : i32
      %dma_wait3A_387 = tpu.memref_slice %arg11[%dma_wait3A_385, %dma_wait3A_386] : memref<256x128xf32, #tpu.memory_space<vmem>> -> memref<64x128xf32, #tpu.memory_space<vmem>>
      %dma_wait3A_388 = arith.constant 0 : i32
      %dma_wait3A_389 = tpu.memref_slice %arg10[%add3A_360, %dma_wait3A_388] : memref<160x64xi32, #tpu.memory_space<vmem>> -> memref<1x64xi32, #tpu.memory_space<vmem>>
      %dma_wait3A_390 = tpu.memref_squeeze %dma_wait3A_389 : memref<1x64xi32, #tpu.memory_space<vmem>> -> memref<64xi32, #tpu.memory_space<vmem>>
      %dma_wait3A_391 = arith.constant 0 : i32
      %dma_wait3A_392 = arith.constant 0 : i32
      %dma_wait3A_393 = tpu.memref_slice %arg12[%dma_wait3A_391, %dma_wait3A_392] : memref<10240x128xf32, #tpu.memory_space<vmem_shared>> -> memref<10240x128xf32, #tpu.memory_space<vmem_shared>>
      tpu.wait_indirect_dma semaphore(%arg23 : memref<!tpu.dma_semaphore, #tpu.memory_space<semaphore_mem>>) src(%dma_wait3A_387 : memref<64x128xf32, #tpu.memory_space<vmem>>) dst(%dma_wait3A_393 : memref<10240x128xf32, #tpu.memory_space<vmem_shared>>)
      %add3A_394 = arith.constant 4 : i32
      %add3A_395 = arith.addi %add3A_360, %add3A_394 : i32
      %add3A_396 = arith.addi %select_n3A_10, %add3A_395 : i32
      %dma_wait3A_397 = arith.constant 0 : i32
      %dma_wait3A_398 = tpu.memref_slice %arg3[%add3A_396, %dma_wait3A_397] : memref<5280x64xi32, #tpu.memory_space<hbm>> -> memref<1x64xi32, #tpu.memory_space<hbm>>
      %dma_wait3A_399 = tpu.memref_squeeze %dma_wait3A_398 : memref<1x64xi32, #tpu.memory_space<hbm>> -> memref<64xi32, #tpu.memory_space<hbm>>
      %dma_wait3A_400 = arith.constant 0 : i32
      %dma_wait3A_401 = tpu.memref_slice %arg3[%add3A_396, %dma_wait3A_400] : memref<5280x64xi32, #tpu.memory_space<hbm>> -> memref<1x64xi32, #tpu.memory_space<hbm>>
      %dma_wait3A_402 = tpu.memref_squeeze %dma_wait3A_401 : memref<1x64xi32, #tpu.memory_space<hbm>> -> memref<64xi32, #tpu.memory_space<hbm>>
      tpu.wait_dma2 semaphore(%arg15 : memref<!tpu.dma_semaphore, #tpu.memory_space<semaphore_mem>>) src(%dma_wait3A_402 : memref<64xi32, #tpu.memory_space<hbm>>) dst(%arg8 : memref<64xi32, #tpu.memory_space<vmem>>)
      %dma_start3A_403 = arith.constant 128 : i32
      %dma_start3A_404 = arith.constant 0 : i32
      %dma_start3A_405 = tpu.memref_slice %arg11[%dma_start3A_403, %dma_start3A_404] : memref<256x128xf32, #tpu.memory_space<vmem>> -> memref<64x128xf32, #tpu.memory_space<vmem>>
      %dma_start3A_406 = arith.constant 0 : i32
      %dma_start3A_407 = arith.constant 0 : i32
      %dma_start3A_408 = tpu.memref_slice %arg2[%dma_start3A_406, %dma_start3A_407] : memref<10240x128xf32, #tpu.memory_space<hbm>> -> memref<10240x128xf32, #tpu.memory_space<hbm>>
      tpu.enqueue_indirect_dma source(%dma_start3A_408 : memref<10240x128xf32, #tpu.memory_space<hbm>>) target(%dma_start3A_405 : memref<64x128xf32, #tpu.memory_space<vmem>>) offsets(%arg8 : memref<64xi32, #tpu.memory_space<vmem>>) semaphore(%arg19 : memref<!tpu.dma_semaphore, #tpu.memory_space<semaphore_mem>>)
      %add3A_409 = arith.constant 3 : i32
      %add3A_410 = arith.addi %mul3A_258, %add3A_409 : i32
      %dma_wait3A_411 = arith.constant 192 : i32
      %dma_wait3A_412 = arith.constant 0 : i32
      %dma_wait3A_413 = tpu.memref_slice %arg11[%dma_wait3A_411, %dma_wait3A_412] : memref<256x128xf32, #tpu.memory_space<vmem>> -> memref<64x128xf32, #tpu.memory_space<vmem>>
      %dma_wait3A_414 = arith.constant 0 : i32
      %dma_wait3A_415 = arith.constant 0 : i32
      %dma_wait3A_416 = tpu.memref_slice %arg2[%dma_wait3A_414, %dma_wait3A_415] : memref<10240x128xf32, #tpu.memory_space<hbm>> -> memref<10240x128xf32, #tpu.memory_space<hbm>>
      tpu.wait_indirect_dma semaphore(%arg20 : memref<!tpu.dma_semaphore, #tpu.memory_space<semaphore_mem>>) src(%dma_wait3A_416 : memref<10240x128xf32, #tpu.memory_space<hbm>>) dst(%dma_wait3A_413 : memref<64x128xf32, #tpu.memory_space<vmem>>)
      %dma_start3A_417 = arith.constant 192 : i32
      %dma_start3A_418 = arith.constant 0 : i32
      %dma_start3A_419 = tpu.memref_slice %arg11[%dma_start3A_417, %dma_start3A_418] : memref<256x128xf32, #tpu.memory_space<vmem>> -> memref<64x128xf32, #tpu.memory_space<vmem>>
      %dma_start3A_420 = arith.constant 0 : i32
      %dma_start3A_421 = tpu.memref_slice %arg10[%add3A_410, %dma_start3A_420] : memref<160x64xi32, #tpu.memory_space<vmem>> -> memref<1x64xi32, #tpu.memory_space<vmem>>
      %dma_start3A_422 = tpu.memref_squeeze %dma_start3A_421 : memref<1x64xi32, #tpu.memory_space<vmem>> -> memref<64xi32, #tpu.memory_space<vmem>>
      %dma_start3A_423 = arith.constant 0 : i32
      %dma_start3A_424 = arith.constant 0 : i32
      %dma_start3A_425 = tpu.memref_slice %arg12[%dma_start3A_423, %dma_start3A_424] : memref<10240x128xf32, #tpu.memory_space<vmem_shared>> -> memref<10240x128xf32, #tpu.memory_space<vmem_shared>>
      tpu.enqueue_indirect_dma source(%dma_start3A_419 : memref<64x128xf32, #tpu.memory_space<vmem>>) target(%dma_start3A_425 : memref<10240x128xf32, #tpu.memory_space<vmem_shared>>) offsets(%dma_start3A_422 : memref<64xi32, #tpu.memory_space<vmem>>) semaphore(%arg24 : memref<!tpu.dma_semaphore, #tpu.memory_space<semaphore_mem>>) {add = true}
      %add3A_426 = arith.constant 4 : i32
      %add3A_427 = arith.addi %add3A_410, %add3A_426 : i32
      %add3A_428 = arith.addi %select_n3A_10, %add3A_427 : i32
      %dma_start3A_429 = arith.constant 0 : i32
      %dma_start3A_430 = tpu.memref_slice %arg3[%add3A_428, %dma_start3A_429] : memref<5280x64xi32, #tpu.memory_space<hbm>> -> memref<1x64xi32, #tpu.memory_space<hbm>>
      %dma_start3A_431 = tpu.memref_squeeze %dma_start3A_430 : memref<1x64xi32, #tpu.memory_space<hbm>> -> memref<64xi32, #tpu.memory_space<hbm>>
      %dma_start3A_432 = arith.constant 0 : i32
      %dma_start3A_433 = tpu.memref_slice %arg3[%add3A_428, %dma_start3A_432] : memref<5280x64xi32, #tpu.memory_space<hbm>> -> memref<1x64xi32, #tpu.memory_space<hbm>>
      %dma_start3A_434 = tpu.memref_squeeze %dma_start3A_433 : memref<1x64xi32, #tpu.memory_space<hbm>> -> memref<64xi32, #tpu.memory_space<hbm>>
      tpu.enqueue_dma source(%dma_start3A_434 : memref<64xi32, #tpu.memory_space<hbm>>) target(%arg9 : memref<64xi32, #tpu.memory_space<vmem>>) target_semaphore(%arg16 : memref<!tpu.dma_semaphore, #tpu.memory_space<semaphore_mem>>)
      %dma_wait3A_435 = arith.constant 192 : i32
      %dma_wait3A_436 = arith.constant 0 : i32
      %dma_wait3A_437 = tpu.memref_slice %arg11[%dma_wait3A_435, %dma_wait3A_436] : memref<256x128xf32, #tpu.memory_space<vmem>> -> memref<64x128xf32, #tpu.memory_space<vmem>>
      %dma_wait3A_438 = arith.constant 0 : i32
      %dma_wait3A_439 = tpu.memref_slice %arg10[%add3A_410, %dma_wait3A_438] : memref<160x64xi32, #tpu.memory_space<vmem>> -> memref<1x64xi32, #tpu.memory_space<vmem>>
      %dma_wait3A_440 = tpu.memref_squeeze %dma_wait3A_439 : memref<1x64xi32, #tpu.memory_space<vmem>> -> memref<64xi32, #tpu.memory_space<vmem>>
      %dma_wait3A_441 = arith.constant 0 : i32
      %dma_wait3A_442 = arith.constant 0 : i32
      %dma_wait3A_443 = tpu.memref_slice %arg12[%dma_wait3A_441, %dma_wait3A_442] : memref<10240x128xf32, #tpu.memory_space<vmem_shared>> -> memref<10240x128xf32, #tpu.memory_space<vmem_shared>>
      tpu.wait_indirect_dma semaphore(%arg24 : memref<!tpu.dma_semaphore, #tpu.memory_space<semaphore_mem>>) src(%dma_wait3A_437 : memref<64x128xf32, #tpu.memory_space<vmem>>) dst(%dma_wait3A_443 : memref<10240x128xf32, #tpu.memory_space<vmem_shared>>)
      %add3A_444 = arith.constant 4 : i32
      %add3A_445 = arith.addi %add3A_410, %add3A_444 : i32
      %add3A_446 = arith.addi %select_n3A_10, %add3A_445 : i32
      %dma_wait3A_447 = arith.constant 0 : i32
      %dma_wait3A_448 = tpu.memref_slice %arg3[%add3A_446, %dma_wait3A_447] : memref<5280x64xi32, #tpu.memory_space<hbm>> -> memref<1x64xi32, #tpu.memory_space<hbm>>
      %dma_wait3A_449 = tpu.memref_squeeze %dma_wait3A_448 : memref<1x64xi32, #tpu.memory_space<hbm>> -> memref<64xi32, #tpu.memory_space<hbm>>
      %dma_wait3A_450 = arith.constant 0 : i32
      %dma_wait3A_451 = tpu.memref_slice %arg3[%add3A_446, %dma_wait3A_450] : memref<5280x64xi32, #tpu.memory_space<hbm>> -> memref<1x64xi32, #tpu.memory_space<hbm>>
      %dma_wait3A_452 = tpu.memref_squeeze %dma_wait3A_451 : memref<1x64xi32, #tpu.memory_space<hbm>> -> memref<64xi32, #tpu.memory_space<hbm>>
      tpu.wait_dma2 semaphore(%arg16 : memref<!tpu.dma_semaphore, #tpu.memory_space<semaphore_mem>>) src(%dma_wait3A_452 : memref<64xi32, #tpu.memory_space<hbm>>) dst(%arg9 : memref<64xi32, #tpu.memory_space<vmem>>)
      %dma_start3A_453 = arith.constant 192 : i32
      %dma_start3A_454 = arith.constant 0 : i32
      %dma_start3A_455 = tpu.memref_slice %arg11[%dma_start3A_453, %dma_start3A_454] : memref<256x128xf32, #tpu.memory_space<vmem>> -> memref<64x128xf32, #tpu.memory_space<vmem>>
      %dma_start3A_456 = arith.constant 0 : i32
      %dma_start3A_457 = arith.constant 0 : i32
      %dma_start3A_458 = tpu.memref_slice %arg2[%dma_start3A_456, %dma_start3A_457] : memref<10240x128xf32, #tpu.memory_space<hbm>> -> memref<10240x128xf32, #tpu.memory_space<hbm>>
      tpu.enqueue_indirect_dma source(%dma_start3A_458 : memref<10240x128xf32, #tpu.memory_space<hbm>>) target(%dma_start3A_455 : memref<64x128xf32, #tpu.memory_space<vmem>>) offsets(%arg9 : memref<64xi32, #tpu.memory_space<vmem>>) semaphore(%arg20 : memref<!tpu.dma_semaphore, #tpu.memory_space<semaphore_mem>>)
      %while3A_459 = arith.constant 0 : i32
      scf.yield %while3A_459 : i32
    }
    %sub3A_141 = arith.constant 4 : i32
    %sub3A_142 = arith.subi %select_n3A, %sub3A_141 : i32
    %dma_wait3A_143 = arith.constant 0 : i32
    %dma_wait3A_144 = arith.constant 0 : i32
    %dma_wait3A_145 = tpu.memref_slice %arg11[%dma_wait3A_143, %dma_wait3A_144] : memref<256x128xf32, #tpu.memory_space<vmem>> -> memref<64x128xf32, #tpu.memory_space<vmem>>
    %dma_wait3A_146 = arith.constant 0 : i32
    %dma_wait3A_147 = arith.constant 0 : i32
    %dma_wait3A_148 = tpu.memref_slice %arg2[%dma_wait3A_146, %dma_wait3A_147] : memref<10240x128xf32, #tpu.memory_space<hbm>> -> memref<10240x128xf32, #tpu.memory_space<hbm>>
    tpu.wait_indirect_dma semaphore(%arg17 : memref<!tpu.dma_semaphore, #tpu.memory_space<semaphore_mem>>) src(%dma_wait3A_148 : memref<10240x128xf32, #tpu.memory_space<hbm>>) dst(%dma_wait3A_145 : memref<64x128xf32, #tpu.memory_space<vmem>>)
    %add3A_149 = arith.constant 0 : i32
    %add3A_150 = arith.addi %sub3A_142, %add3A_149 : i32
    %dma_start3A_151 = arith.constant 0 : i32
    %dma_start3A_152 = arith.constant 0 : i32
    %dma_start3A_153 = tpu.memref_slice %arg11[%dma_start3A_151, %dma_start3A_152] : memref<256x128xf32, #tpu.memory_space<vmem>> -> memref<64x128xf32, #tpu.memory_space<vmem>>
    %dma_start3A_154 = arith.constant 0 : i32
    %dma_start3A_155 = tpu.memref_slice %arg10[%add3A_150, %dma_start3A_154] : memref<160x64xi32, #tpu.memory_space<vmem>> -> memref<1x64xi32, #tpu.memory_space<vmem>>
    %dma_start3A_156 = tpu.memref_squeeze %dma_start3A_155 : memref<1x64xi32, #tpu.memory_space<vmem>> -> memref<64xi32, #tpu.memory_space<vmem>>
    %dma_start3A_157 = arith.constant 0 : i32
    %dma_start3A_158 = arith.constant 0 : i32
    %dma_start3A_159 = tpu.memref_slice %arg12[%dma_start3A_157, %dma_start3A_158] : memref<10240x128xf32, #tpu.memory_space<vmem_shared>> -> memref<10240x128xf32, #tpu.memory_space<vmem_shared>>
    tpu.enqueue_indirect_dma source(%dma_start3A_153 : memref<64x128xf32, #tpu.memory_space<vmem>>) target(%dma_start3A_159 : memref<10240x128xf32, #tpu.memory_space<vmem_shared>>) offsets(%dma_start3A_156 : memref<64xi32, #tpu.memory_space<vmem>>) semaphore(%arg21 : memref<!tpu.dma_semaphore, #tpu.memory_space<semaphore_mem>>) {add = true}
    %dma_wait3A_160 = arith.constant 64 : i32
    %dma_wait3A_161 = arith.constant 0 : i32
    %dma_wait3A_162 = tpu.memref_slice %arg11[%dma_wait3A_160, %dma_wait3A_161] : memref<256x128xf32, #tpu.memory_space<vmem>> -> memref<64x128xf32, #tpu.memory_space<vmem>>
    %dma_wait3A_163 = arith.constant 0 : i32
    %dma_wait3A_164 = arith.constant 0 : i32
    %dma_wait3A_165 = tpu.memref_slice %arg2[%dma_wait3A_163, %dma_wait3A_164] : memref<10240x128xf32, #tpu.memory_space<hbm>> -> memref<10240x128xf32, #tpu.memory_space<hbm>>
    tpu.wait_indirect_dma semaphore(%arg18 : memref<!tpu.dma_semaphore, #tpu.memory_space<semaphore_mem>>) src(%dma_wait3A_165 : memref<10240x128xf32, #tpu.memory_space<hbm>>) dst(%dma_wait3A_162 : memref<64x128xf32, #tpu.memory_space<vmem>>)
    %add3A_166 = arith.constant 1 : i32
    %add3A_167 = arith.addi %sub3A_142, %add3A_166 : i32
    %dma_start3A_168 = arith.constant 64 : i32
    %dma_start3A_169 = arith.constant 0 : i32
    %dma_start3A_170 = tpu.memref_slice %arg11[%dma_start3A_168, %dma_start3A_169] : memref<256x128xf32, #tpu.memory_space<vmem>> -> memref<64x128xf32, #tpu.memory_space<vmem>>
    %dma_start3A_171 = arith.constant 0 : i32
    %dma_start3A_172 = tpu.memref_slice %arg10[%add3A_167, %dma_start3A_171] : memref<160x64xi32, #tpu.memory_space<vmem>> -> memref<1x64xi32, #tpu.memory_space<vmem>>
    %dma_start3A_173 = tpu.memref_squeeze %dma_start3A_172 : memref<1x64xi32, #tpu.memory_space<vmem>> -> memref<64xi32, #tpu.memory_space<vmem>>
    %dma_start3A_174 = arith.constant 0 : i32
    %dma_start3A_175 = arith.constant 0 : i32
    %dma_start3A_176 = tpu.memref_slice %arg12[%dma_start3A_174, %dma_start3A_175] : memref<10240x128xf32, #tpu.memory_space<vmem_shared>> -> memref<10240x128xf32, #tpu.memory_space<vmem_shared>>
    tpu.enqueue_indirect_dma source(%dma_start3A_170 : memref<64x128xf32, #tpu.memory_space<vmem>>) target(%dma_start3A_176 : memref<10240x128xf32, #tpu.memory_space<vmem_shared>>) offsets(%dma_start3A_173 : memref<64xi32, #tpu.memory_space<vmem>>) semaphore(%arg22 : memref<!tpu.dma_semaphore, #tpu.memory_space<semaphore_mem>>) {add = true}
    %dma_wait3A_177 = arith.constant 128 : i32
    %dma_wait3A_178 = arith.constant 0 : i32
    %dma_wait3A_179 = tpu.memref_slice %arg11[%dma_wait3A_177, %dma_wait3A_178] : memref<256x128xf32, #tpu.memory_space<vmem>> -> memref<64x128xf32, #tpu.memory_space<vmem>>
    %dma_wait3A_180 = arith.constant 0 : i32
    %dma_wait3A_181 = arith.constant 0 : i32
    %dma_wait3A_182 = tpu.memref_slice %arg2[%dma_wait3A_180, %dma_wait3A_181] : memref<10240x128xf32, #tpu.memory_space<hbm>> -> memref<10240x128xf32, #tpu.memory_space<hbm>>
    tpu.wait_indirect_dma semaphore(%arg19 : memref<!tpu.dma_semaphore, #tpu.memory_space<semaphore_mem>>) src(%dma_wait3A_182 : memref<10240x128xf32, #tpu.memory_space<hbm>>) dst(%dma_wait3A_179 : memref<64x128xf32, #tpu.memory_space<vmem>>)
    %add3A_183 = arith.constant 2 : i32
    %add3A_184 = arith.addi %sub3A_142, %add3A_183 : i32
    %dma_start3A_185 = arith.constant 128 : i32
    %dma_start3A_186 = arith.constant 0 : i32
    %dma_start3A_187 = tpu.memref_slice %arg11[%dma_start3A_185, %dma_start3A_186] : memref<256x128xf32, #tpu.memory_space<vmem>> -> memref<64x128xf32, #tpu.memory_space<vmem>>
    %dma_start3A_188 = arith.constant 0 : i32
    %dma_start3A_189 = tpu.memref_slice %arg10[%add3A_184, %dma_start3A_188] : memref<160x64xi32, #tpu.memory_space<vmem>> -> memref<1x64xi32, #tpu.memory_space<vmem>>
    %dma_start3A_190 = tpu.memref_squeeze %dma_start3A_189 : memref<1x64xi32, #tpu.memory_space<vmem>> -> memref<64xi32, #tpu.memory_space<vmem>>
    %dma_start3A_191 = arith.constant 0 : i32
    %dma_start3A_192 = arith.constant 0 : i32
    %dma_start3A_193 = tpu.memref_slice %arg12[%dma_start3A_191, %dma_start3A_192] : memref<10240x128xf32, #tpu.memory_space<vmem_shared>> -> memref<10240x128xf32, #tpu.memory_space<vmem_shared>>
    tpu.enqueue_indirect_dma source(%dma_start3A_187 : memref<64x128xf32, #tpu.memory_space<vmem>>) target(%dma_start3A_193 : memref<10240x128xf32, #tpu.memory_space<vmem_shared>>) offsets(%dma_start3A_190 : memref<64xi32, #tpu.memory_space<vmem>>) semaphore(%arg23 : memref<!tpu.dma_semaphore, #tpu.memory_space<semaphore_mem>>) {add = true}
    %dma_wait3A_194 = arith.constant 192 : i32
    %dma_wait3A_195 = arith.constant 0 : i32
    %dma_wait3A_196 = tpu.memref_slice %arg11[%dma_wait3A_194, %dma_wait3A_195] : memref<256x128xf32, #tpu.memory_space<vmem>> -> memref<64x128xf32, #tpu.memory_space<vmem>>
    %dma_wait3A_197 = arith.constant 0 : i32
    %dma_wait3A_198 = arith.constant 0 : i32
    %dma_wait3A_199 = tpu.memref_slice %arg2[%dma_wait3A_197, %dma_wait3A_198] : memref<10240x128xf32, #tpu.memory_space<hbm>> -> memref<10240x128xf32, #tpu.memory_space<hbm>>
    tpu.wait_indirect_dma semaphore(%arg20 : memref<!tpu.dma_semaphore, #tpu.memory_space<semaphore_mem>>) src(%dma_wait3A_199 : memref<10240x128xf32, #tpu.memory_space<hbm>>) dst(%dma_wait3A_196 : memref<64x128xf32, #tpu.memory_space<vmem>>)
    %add3A_200 = arith.constant 3 : i32
    %add3A_201 = arith.addi %sub3A_142, %add3A_200 : i32
    %dma_start3A_202 = arith.constant 192 : i32
    %dma_start3A_203 = arith.constant 0 : i32
    %dma_start3A_204 = tpu.memref_slice %arg11[%dma_start3A_202, %dma_start3A_203] : memref<256x128xf32, #tpu.memory_space<vmem>> -> memref<64x128xf32, #tpu.memory_space<vmem>>
    %dma_start3A_205 = arith.constant 0 : i32
    %dma_start3A_206 = tpu.memref_slice %arg10[%add3A_201, %dma_start3A_205] : memref<160x64xi32, #tpu.memory_space<vmem>> -> memref<1x64xi32, #tpu.memory_space<vmem>>
    %dma_start3A_207 = tpu.memref_squeeze %dma_start3A_206 : memref<1x64xi32, #tpu.memory_space<vmem>> -> memref<64xi32, #tpu.memory_space<vmem>>
    %dma_start3A_208 = arith.constant 0 : i32
    %dma_start3A_209 = arith.constant 0 : i32
    %dma_start3A_210 = tpu.memref_slice %arg12[%dma_start3A_208, %dma_start3A_209] : memref<10240x128xf32, #tpu.memory_space<vmem_shared>> -> memref<10240x128xf32, #tpu.memory_space<vmem_shared>>
    tpu.enqueue_indirect_dma source(%dma_start3A_204 : memref<64x128xf32, #tpu.memory_space<vmem>>) target(%dma_start3A_210 : memref<10240x128xf32, #tpu.memory_space<vmem_shared>>) offsets(%dma_start3A_207 : memref<64xi32, #tpu.memory_space<vmem>>) semaphore(%arg24 : memref<!tpu.dma_semaphore, #tpu.memory_space<semaphore_mem>>) {add = true}
    %dma_wait3A_211 = arith.constant 0 : i32
    %dma_wait3A_212 = arith.constant 0 : i32
    %dma_wait3A_213 = tpu.memref_slice %arg11[%dma_wait3A_211, %dma_wait3A_212] : memref<256x128xf32, #tpu.memory_space<vmem>> -> memref<64x128xf32, #tpu.memory_space<vmem>>
    %dma_wait3A_214 = arith.constant 0 : i32
    %dma_wait3A_215 = tpu.memref_slice %arg10[%add3A_150, %dma_wait3A_214] : memref<160x64xi32, #tpu.memory_space<vmem>> -> memref<1x64xi32, #tpu.memory_space<vmem>>
    %dma_wait3A_216 = tpu.memref_squeeze %dma_wait3A_215 : memref<1x64xi32, #tpu.memory_space<vmem>> -> memref<64xi32, #tpu.memory_space<vmem>>
    %dma_wait3A_217 = arith.constant 0 : i32
    %dma_wait3A_218 = arith.constant 0 : i32
    %dma_wait3A_219 = tpu.memref_slice %arg12[%dma_wait3A_217, %dma_wait3A_218] : memref<10240x128xf32, #tpu.memory_space<vmem_shared>> -> memref<10240x128xf32, #tpu.memory_space<vmem_shared>>
    tpu.wait_indirect_dma semaphore(%arg21 : memref<!tpu.dma_semaphore, #tpu.memory_space<semaphore_mem>>) src(%dma_wait3A_213 : memref<64x128xf32, #tpu.memory_space<vmem>>) dst(%dma_wait3A_219 : memref<10240x128xf32, #tpu.memory_space<vmem_shared>>)
    %dma_wait3A_220 = arith.constant 64 : i32
    %dma_wait3A_221 = arith.constant 0 : i32
    %dma_wait3A_222 = tpu.memref_slice %arg11[%dma_wait3A_220, %dma_wait3A_221] : memref<256x128xf32, #tpu.memory_space<vmem>> -> memref<64x128xf32, #tpu.memory_space<vmem>>
    %dma_wait3A_223 = arith.constant 0 : i32
    %dma_wait3A_224 = tpu.memref_slice %arg10[%add3A_167, %dma_wait3A_223] : memref<160x64xi32, #tpu.memory_space<vmem>> -> memref<1x64xi32, #tpu.memory_space<vmem>>
    %dma_wait3A_225 = tpu.memref_squeeze %dma_wait3A_224 : memref<1x64xi32, #tpu.memory_space<vmem>> -> memref<64xi32, #tpu.memory_space<vmem>>
    %dma_wait3A_226 = arith.constant 0 : i32
    %dma_wait3A_227 = arith.constant 0 : i32
    %dma_wait3A_228 = tpu.memref_slice %arg12[%dma_wait3A_226, %dma_wait3A_227] : memref<10240x128xf32, #tpu.memory_space<vmem_shared>> -> memref<10240x128xf32, #tpu.memory_space<vmem_shared>>
    tpu.wait_indirect_dma semaphore(%arg22 : memref<!tpu.dma_semaphore, #tpu.memory_space<semaphore_mem>>) src(%dma_wait3A_222 : memref<64x128xf32, #tpu.memory_space<vmem>>) dst(%dma_wait3A_228 : memref<10240x128xf32, #tpu.memory_space<vmem_shared>>)
    %dma_wait3A_229 = arith.constant 128 : i32
    %dma_wait3A_230 = arith.constant 0 : i32
    %dma_wait3A_231 = tpu.memref_slice %arg11[%dma_wait3A_229, %dma_wait3A_230] : memref<256x128xf32, #tpu.memory_space<vmem>> -> memref<64x128xf32, #tpu.memory_space<vmem>>
    %dma_wait3A_232 = arith.constant 0 : i32
    %dma_wait3A_233 = tpu.memref_slice %arg10[%add3A_184, %dma_wait3A_232] : memref<160x64xi32, #tpu.memory_space<vmem>> -> memref<1x64xi32, #tpu.memory_space<vmem>>
    %dma_wait3A_234 = tpu.memref_squeeze %dma_wait3A_233 : memref<1x64xi32, #tpu.memory_space<vmem>> -> memref<64xi32, #tpu.memory_space<vmem>>
    %dma_wait3A_235 = arith.constant 0 : i32
    %dma_wait3A_236 = arith.constant 0 : i32
    %dma_wait3A_237 = tpu.memref_slice %arg12[%dma_wait3A_235, %dma_wait3A_236] : memref<10240x128xf32, #tpu.memory_space<vmem_shared>> -> memref<10240x128xf32, #tpu.memory_space<vmem_shared>>
    tpu.wait_indirect_dma semaphore(%arg23 : memref<!tpu.dma_semaphore, #tpu.memory_space<semaphore_mem>>) src(%dma_wait3A_231 : memref<64x128xf32, #tpu.memory_space<vmem>>) dst(%dma_wait3A_237 : memref<10240x128xf32, #tpu.memory_space<vmem_shared>>)
    %dma_wait3A_238 = arith.constant 192 : i32
    %dma_wait3A_239 = arith.constant 0 : i32
    %dma_wait3A_240 = tpu.memref_slice %arg11[%dma_wait3A_238, %dma_wait3A_239] : memref<256x128xf32, #tpu.memory_space<vmem>> -> memref<64x128xf32, #tpu.memory_space<vmem>>
    %dma_wait3A_241 = arith.constant 0 : i32
    %dma_wait3A_242 = tpu.memref_slice %arg10[%add3A_201, %dma_wait3A_241] : memref<160x64xi32, #tpu.memory_space<vmem>> -> memref<1x64xi32, #tpu.memory_space<vmem>>
    %dma_wait3A_243 = tpu.memref_squeeze %dma_wait3A_242 : memref<1x64xi32, #tpu.memory_space<vmem>> -> memref<64xi32, #tpu.memory_space<vmem>>
    %dma_wait3A_244 = arith.constant 0 : i32
    %dma_wait3A_245 = arith.constant 0 : i32
    %dma_wait3A_246 = tpu.memref_slice %arg12[%dma_wait3A_244, %dma_wait3A_245] : memref<10240x128xf32, #tpu.memory_space<vmem_shared>> -> memref<10240x128xf32, #tpu.memory_space<vmem_shared>>
    tpu.wait_indirect_dma semaphore(%arg24 : memref<!tpu.dma_semaphore, #tpu.memory_space<semaphore_mem>>) src(%dma_wait3A_240 : memref<64x128xf32, #tpu.memory_space<vmem>>) dst(%dma_wait3A_246 : memref<10240x128xf32, #tpu.memory_space<vmem_shared>>)
    %barrier3A_247 = arith.constant 0 : index
    tpu.barrier barrier_id(%barrier3A_247)
    %scan3A_248 = arith.constant 0 : i32
    %scan3A_249 = arith.constant 0 : i32
    %scan3A_250 = arith.constant 5 : i32
    %scan3A_251 = arith.addi %scan3A_249, %scan3A_250 : i32
    %scan3A_252 = arith.constant 1 : i32
    %scan3A_253 = scf.for %scan3A_255 = %scan3A_249 to %scan3A_251 step %scan3A_252 iter_args(%scan3A_256 = %scan3A_248) -> (i32)  : i32 {
      %mul3A_257 = arith.constant 128 : i32
      %mul3A_258 = arith.muli %scan3A_255, %mul3A_257 : i32
      %add3A_259 = arith.addi %mul3A_0, %mul3A_258 : i32
      "tpu.region"() ({
        %run_scoped3A = tpu.sem_alloc : memref<!tpu.dma_semaphore, #tpu.memory_space<semaphore_mem>>
        %dma_start3A_261 = arith.constant 0 : i32
        %dma_start3A_262 = arith.constant 0 : i32
        %dma_start3A_263 = tpu.memref_slice %arg11[%dma_start3A_261, %dma_start3A_262] : memref<256x128xf32, #tpu.memory_space<vmem>> -> memref<128x128xf32, #tpu.memory_space<vmem>>
        %dma_start3A_264 = arith.constant 0 : i32
        %dma_start3A_265 = tpu.memref_slice %arg12[%add3A_259, %dma_start3A_264] : memref<10240x128xf32, #tpu.memory_space<vmem_shared>> -> memref<128x128xf32, #tpu.memory_space<vmem_shared>>
        %dma_start3A_266 = arith.constant 0 : i32
        %dma_start3A_267 = arith.constant 0 : i32
        %dma_start3A_268 = tpu.memref_slice %arg11[%dma_start3A_266, %dma_start3A_267] : memref<256x128xf32, #tpu.memory_space<vmem>> -> memref<128x128xf32, #tpu.memory_space<vmem>>
        %dma_start3A_269 = arith.constant 0 : i32
        %dma_start3A_270 = tpu.memref_slice %arg12[%add3A_259, %dma_start3A_269] : memref<10240x128xf32, #tpu.memory_space<vmem_shared>> -> memref<128x128xf32, #tpu.memory_space<vmem_shared>>
        tpu.enqueue_dma source(%dma_start3A_270 : memref<128x128xf32, #tpu.memory_space<vmem_shared>>) target(%dma_start3A_268 : memref<128x128xf32, #tpu.memory_space<vmem>>) target_semaphore(%run_scoped3A : memref<!tpu.dma_semaphore, #tpu.memory_space<semaphore_mem>>)
        %dma_wait3A_271 = arith.constant 0 : i32
        %dma_wait3A_272 = arith.constant 0 : i32
        %dma_wait3A_273 = tpu.memref_slice %arg11[%dma_wait3A_271, %dma_wait3A_272] : memref<256x128xf32, #tpu.memory_space<vmem>> -> memref<128x128xf32, #tpu.memory_space<vmem>>
        %dma_wait3A_274 = arith.constant 0 : i32
        %dma_wait3A_275 = tpu.memref_slice %arg12[%add3A_259, %dma_wait3A_274] : memref<10240x128xf32, #tpu.memory_space<vmem_shared>> -> memref<128x128xf32, #tpu.memory_space<vmem_shared>>
        %dma_wait3A_276 = arith.constant 0 : i32
        %dma_wait3A_277 = arith.constant 0 : i32
        %dma_wait3A_278 = tpu.memref_slice %arg11[%dma_wait3A_276, %dma_wait3A_277] : memref<256x128xf32, #tpu.memory_space<vmem>> -> memref<128x128xf32, #tpu.memory_space<vmem>>
        %dma_wait3A_279 = arith.constant 0 : i32
        %dma_wait3A_280 = tpu.memref_slice %arg12[%add3A_259, %dma_wait3A_279] : memref<10240x128xf32, #tpu.memory_space<vmem_shared>> -> memref<128x128xf32, #tpu.memory_space<vmem_shared>>
        tpu.wait_dma2 semaphore(%run_scoped3A : memref<!tpu.dma_semaphore, #tpu.memory_space<semaphore_mem>>) src(%dma_wait3A_280 : memref<128x128xf32, #tpu.memory_space<vmem_shared>>) dst(%dma_wait3A_278 : memref<128x128xf32, #tpu.memory_space<vmem>>)
        tpu.yield
      }) : () -> ()
      "tpu.region"() ({
        %run_scoped3A = tpu.sem_alloc : memref<!tpu.dma_semaphore, #tpu.memory_space<semaphore_mem>>
        %dma_start3A_261 = arith.constant 0 : i32
        %dma_start3A_262 = arith.constant 0 : i32
        %dma_start3A_263 = tpu.memref_slice %arg11[%dma_start3A_261, %dma_start3A_262] : memref<256x128xf32, #tpu.memory_space<vmem>> -> memref<128x128xf32, #tpu.memory_space<vmem>>
        %dma_start3A_264 = arith.constant 0 : i32
        %dma_start3A_265 = tpu.memref_slice %arg5[%arg0, %add3A_259, %dma_start3A_264] : memref<2x10240x128xf32, #tpu.memory_space<hbm>> -> memref<1x128x128xf32, #tpu.memory_space<hbm>>
        %dma_start3A_266 = tpu.memref_squeeze %dma_start3A_265 : memref<1x128x128xf32, #tpu.memory_space<hbm>> -> memref<128x128xf32, #tpu.memory_space<hbm>>
        %dma_start3A_267 = arith.constant 0 : i32
        %dma_start3A_268 = tpu.memref_slice %arg5[%arg0, %add3A_259, %dma_start3A_267] : memref<2x10240x128xf32, #tpu.memory_space<hbm>> -> memref<1x128x128xf32, #tpu.memory_space<hbm>>
        %dma_start3A_269 = tpu.memref_squeeze %dma_start3A_268 : memref<1x128x128xf32, #tpu.memory_space<hbm>> -> memref<128x128xf32, #tpu.memory_space<hbm>>
        %dma_start3A_270 = arith.constant 0 : i32
        %dma_start3A_271 = arith.constant 0 : i32
        %dma_start3A_272 = tpu.memref_slice %arg11[%dma_start3A_270, %dma_start3A_271] : memref<256x128xf32, #tpu.memory_space<vmem>> -> memref<128x128xf32, #tpu.memory_space<vmem>>
        tpu.enqueue_dma source(%dma_start3A_272 : memref<128x128xf32, #tpu.memory_space<vmem>>) target(%dma_start3A_269 : memref<128x128xf32, #tpu.memory_space<hbm>>) target_semaphore(%run_scoped3A : memref<!tpu.dma_semaphore, #tpu.memory_space<semaphore_mem>>)
        %dma_wait3A_273 = arith.constant 0 : i32
        %dma_wait3A_274 = arith.constant 0 : i32
        %dma_wait3A_275 = tpu.memref_slice %arg11[%dma_wait3A_273, %dma_wait3A_274] : memref<256x128xf32, #tpu.memory_space<vmem>> -> memref<128x128xf32, #tpu.memory_space<vmem>>
        %dma_wait3A_276 = arith.constant 0 : i32
        %dma_wait3A_277 = tpu.memref_slice %arg5[%arg0, %add3A_259, %dma_wait3A_276] : memref<2x10240x128xf32, #tpu.memory_space<hbm>> -> memref<1x128x128xf32, #tpu.memory_space<hbm>>
        %dma_wait3A_278 = tpu.memref_squeeze %dma_wait3A_277 : memref<1x128x128xf32, #tpu.memory_space<hbm>> -> memref<128x128xf32, #tpu.memory_space<hbm>>
        %dma_wait3A_279 = arith.constant 0 : i32
        %dma_wait3A_280 = tpu.memref_slice %arg5[%arg0, %add3A_259, %dma_wait3A_279] : memref<2x10240x128xf32, #tpu.memory_space<hbm>> -> memref<1x128x128xf32, #tpu.memory_space<hbm>>
        %dma_wait3A_281 = tpu.memref_squeeze %dma_wait3A_280 : memref<1x128x128xf32, #tpu.memory_space<hbm>> -> memref<128x128xf32, #tpu.memory_space<hbm>>
        %dma_wait3A_282 = arith.constant 0 : i32
        %dma_wait3A_283 = arith.constant 0 : i32
        %dma_wait3A_284 = tpu.memref_slice %arg11[%dma_wait3A_282, %dma_wait3A_283] : memref<256x128xf32, #tpu.memory_space<vmem>> -> memref<128x128xf32, #tpu.memory_space<vmem>>
        tpu.wait_dma2 semaphore(%run_scoped3A : memref<!tpu.dma_semaphore, #tpu.memory_space<semaphore_mem>>) src(%dma_wait3A_284 : memref<128x128xf32, #tpu.memory_space<vmem>>) dst(%dma_wait3A_281 : memref<128x128xf32, #tpu.memory_space<hbm>>)
        tpu.yield
      }) : () -> ()
      %scan3A_260 = arith.constant 0 : i32
      scf.yield %scan3A_260 : i32
    }
    %scan3A_254 = arith.constant 5 : i32
    return
  }
}

#map = affine_map<(d0, d1) -> (0, 0)>
#map1 = affine_map<(d0, d1) -> (0, 0, 0)>
module attributes {stable_mosaic.version = 14 : i64} {
  func.func @msg(%arg0: i32, %arg1: i32, %arg2: memref<10240x64xf32, #tpu.memory_space<hbm>>, %arg3: memref<2640x128xi32, #tpu.memory_space<hbm>>, %arg4: memref<2640x128xi32, #tpu.memory_space<hbm>>, %arg5: memref<2x10240x64xf32, #tpu.memory_space<hbm>>, %arg6: memref<128xi32, #tpu.memory_space<vmem>>, %arg7: memref<128xi32, #tpu.memory_space<vmem>>, %arg8: memref<128xi32, #tpu.memory_space<vmem>>, %arg9: memref<128xi32, #tpu.memory_space<vmem>>, %arg10: memref<80x128xi32, #tpu.memory_space<vmem>>, %arg11: memref<512x64xf32, #tpu.memory_space<vmem>>, %arg12: memref<10240x64xf32, #tpu.memory_space<vmem_shared>>, %arg13: memref<!tpu.dma_semaphore, #tpu.memory_space<semaphore_mem>>, %arg14: memref<!tpu.dma_semaphore, #tpu.memory_space<semaphore_mem>>, %arg15: memref<!tpu.dma_semaphore, #tpu.memory_space<semaphore_mem>>, %arg16: memref<!tpu.dma_semaphore, #tpu.memory_space<semaphore_mem>>, %arg17: memref<!tpu.dma_semaphore, #tpu.memory_space<semaphore_mem>>, %arg18: memref<!tpu.dma_semaphore, #tpu.memory_space<semaphore_mem>>, %arg19: memref<!tpu.dma_semaphore, #tpu.memory_space<semaphore_mem>>, %arg20: memref<!tpu.dma_semaphore, #tpu.memory_space<semaphore_mem>>, %arg21: memref<!tpu.dma_semaphore, #tpu.memory_space<semaphore_mem>>, %arg22: memref<!tpu.dma_semaphore, #tpu.memory_space<semaphore_mem>>, %arg23: memref<!tpu.dma_semaphore, #tpu.memory_space<semaphore_mem>>, %arg24: memref<!tpu.dma_semaphore, #tpu.memory_space<semaphore_mem>>) attributes {dimension_semantics = [#tpu.dimension_semantics<core_parallel>, #tpu.dimension_semantics<subcore_parallel>], iteration_bounds = array<i64: 2, 16>, scalar_prefetch = 0 : i64, scratch_operands = 19 : i64, tpu.core_type = #tpu.core_type<sc_vector_subcore>, window_params = [{transform_indices = #map}, {transform_indices = #map}, {transform_indices = #map}, {transform_indices = #map1}]} {
    %mul3A = arith.constant 640 : i32
    %mul3A_0 = arith.muli %arg1, %mul3A : i32
    %eq3A = arith.constant 0 : i32
    %eq3A_1 = arith.cmpi eq, %arg0, %eq3A : i32
    %jit3A = arith.constant 80 : i32
    %jit3A_2 = arith.constant 80 : i32
    %select_n3A = arith.select %eq3A_1, %jit3A, %jit3A_2 : i32
    %eq3A_3 = arith.constant 0 : i32
    %eq3A_4 = arith.cmpi eq, %arg0, %eq3A_3 : i32
    %mul3A_5 = arith.constant 80 : i32
    %mul3A_6 = arith.muli %arg1, %mul3A_5 : i32
    %mul3A_7 = arith.constant 80 : i32
    %mul3A_8 = arith.muli %arg1, %mul3A_7 : i32
    %add3A = arith.constant 1280 : i32
    %add3A_9 = arith.addi %add3A, %mul3A_8 : i32
    %select_n3A_10 = arith.select %eq3A_4, %mul3A_6, %add3A_9 : i32
    "tpu.region"() ({
      %run_scoped3A = tpu.sem_alloc : memref<!tpu.dma_semaphore, #tpu.memory_space<semaphore_mem>>
      %dma_start3A_255 = arith.constant 0 : i32
      %dma_start3A_256 = tpu.memref_slice %arg4[%select_n3A_10, %dma_start3A_255] : memref<2640x128xi32, #tpu.memory_space<hbm>> -> memref<80x128xi32, #tpu.memory_space<hbm>>
      %dma_start3A_257 = arith.constant 0 : i32
      %dma_start3A_258 = tpu.memref_slice %arg4[%select_n3A_10, %dma_start3A_257] : memref<2640x128xi32, #tpu.memory_space<hbm>> -> memref<80x128xi32, #tpu.memory_space<hbm>>
      tpu.enqueue_dma source(%dma_start3A_258 : memref<80x128xi32, #tpu.memory_space<hbm>>) target(%arg10 : memref<80x128xi32, #tpu.memory_space<vmem>>) target_semaphore(%run_scoped3A : memref<!tpu.dma_semaphore, #tpu.memory_space<semaphore_mem>>)
      %dma_wait3A_259 = arith.constant 0 : i32
      %dma_wait3A_260 = tpu.memref_slice %arg4[%select_n3A_10, %dma_wait3A_259] : memref<2640x128xi32, #tpu.memory_space<hbm>> -> memref<80x128xi32, #tpu.memory_space<hbm>>
      %dma_wait3A_261 = arith.constant 0 : i32
      %dma_wait3A_262 = tpu.memref_slice %arg4[%select_n3A_10, %dma_wait3A_261] : memref<2640x128xi32, #tpu.memory_space<hbm>> -> memref<80x128xi32, #tpu.memory_space<hbm>>
      tpu.wait_dma2 semaphore(%run_scoped3A : memref<!tpu.dma_semaphore, #tpu.memory_space<semaphore_mem>>) src(%dma_wait3A_262 : memref<80x128xi32, #tpu.memory_space<hbm>>) dst(%arg10 : memref<80x128xi32, #tpu.memory_space<vmem>>)
      tpu.yield
    }) : () -> ()
    %scan3A = arith.constant 0 : i32
    %scan3A_11 = arith.constant 0 : i32
    %scan3A_12 = arith.constant 128 : i32
    %scan3A_13 = arith.addi %scan3A_11, %scan3A_12 : i32
    %scan3A_14 = arith.constant 1 : i32
    %scan3A_15 = scf.for %scan3A_255 = %scan3A_11 to %scan3A_13 step %scan3A_14 iter_args(%scan3A_256 = %scan3A) -> (i32)  : i32 {
      %scan3A_257 = arith.constant 0 : i32
      %scan3A_258 = arith.constant 0 : i32
      %scan3A_259 = arith.constant 4 : i32
      %scan3A_260 = arith.addi %scan3A_258, %scan3A_259 : i32
      %scan3A_261 = arith.constant 1 : i32
      %scan3A_262 = scf.for %scan3A_265 = %scan3A_258 to %scan3A_260 step %scan3A_261 iter_args(%scan3A_266 = %scan3A_257) -> (i32)  : i32 {
        %broadcast_in_dim3A = arith.constant 0.000000e+00 : f32
        %broadcast_in_dim3A_267 = vector.broadcast %broadcast_in_dim3A : f32 to vector<16xf32>
        %mul3A_268 = arith.constant 16 : i32
        %mul3A_269 = arith.muli %scan3A_265, %mul3A_268 : i32
        %swap3A = arith.index_cast %scan3A_255 : i32 to index
        %swap3A_270 = arith.index_cast %mul3A_269 : i32 to index
        %swap3A_271 = tpu.vector_load %arg11[%swap3A, %swap3A_270] {strides = array<i32>} : memref<512x64xf32, #tpu.memory_space<vmem>>, vector<1x16xf32>,
        %swap3A_272 = vector.shape_cast %swap3A_271 : vector<1x16xf32> to vector<16xf32>
        %swap3A_273 = vector.shape_cast %broadcast_in_dim3A_267 : vector<16xf32> to vector<1x16xf32>
        tpu.vector_store %arg11[%swap3A, %swap3A_270], %swap3A_273 {strides = array<i32>} : memref<512x64xf32, #tpu.memory_space<vmem>>, vector<1x16xf32>,
        %scan3A_274 = arith.constant 0 : i32
        scf.yield %scan3A_274 : i32
      }
      %scan3A_263 = arith.constant 4 : i32
      %scan3A_264 = arith.constant 0 : i32
      scf.yield %scan3A_264 : i32
    }
    %scan3A_16 = arith.constant 128 : i32
    %scan3A_17 = arith.constant 0 : i32
    %scan3A_18 = arith.constant 0 : i32
    %scan3A_19 = arith.constant 5 : i32
    %scan3A_20 = arith.addi %scan3A_18, %scan3A_19 : i32
    %scan3A_21 = arith.constant 1 : i32
    %scan3A_22 = scf.for %scan3A_255 = %scan3A_18 to %scan3A_20 step %scan3A_21 iter_args(%scan3A_256 = %scan3A_17) -> (i32)  : i32 {
      %mul3A_257 = arith.constant 128 : i32
      %mul3A_258 = arith.muli %scan3A_255, %mul3A_257 : i32
      %add3A_259 = arith.addi %mul3A_0, %mul3A_258 : i32
      "tpu.region"() ({
        %run_scoped3A = tpu.sem_alloc : memref<!tpu.dma_semaphore, #tpu.memory_space<semaphore_mem>>
        %dma_start3A_261 = arith.constant 0 : i32
        %dma_start3A_262 = arith.constant 0 : i32
        %dma_start3A_263 = tpu.memref_slice %arg11[%dma_start3A_261, %dma_start3A_262] : memref<512x64xf32, #tpu.memory_space<vmem>> -> memref<128x64xf32, #tpu.memory_space<vmem>>
        %dma_start3A_264 = arith.constant 0 : i32
        %dma_start3A_265 = tpu.memref_slice %arg12[%add3A_259, %dma_start3A_264] : memref<10240x64xf32, #tpu.memory_space<vmem_shared>> -> memref<128x64xf32, #tpu.memory_space<vmem_shared>>
        %dma_start3A_266 = arith.constant 0 : i32
        %dma_start3A_267 = tpu.memref_slice %arg12[%add3A_259, %dma_start3A_266] : memref<10240x64xf32, #tpu.memory_space<vmem_shared>> -> memref<128x64xf32, #tpu.memory_space<vmem_shared>>
        %dma_start3A_268 = arith.constant 0 : i32
        %dma_start3A_269 = arith.constant 0 : i32
        %dma_start3A_270 = tpu.memref_slice %arg11[%dma_start3A_268, %dma_start3A_269] : memref<512x64xf32, #tpu.memory_space<vmem>> -> memref<128x64xf32, #tpu.memory_space<vmem>>
        tpu.enqueue_dma source(%dma_start3A_270 : memref<128x64xf32, #tpu.memory_space<vmem>>) target(%dma_start3A_267 : memref<128x64xf32, #tpu.memory_space<vmem_shared>>) target_semaphore(%run_scoped3A : memref<!tpu.dma_semaphore, #tpu.memory_space<semaphore_mem>>)
        %dma_wait3A_271 = arith.constant 0 : i32
        %dma_wait3A_272 = arith.constant 0 : i32
        %dma_wait3A_273 = tpu.memref_slice %arg11[%dma_wait3A_271, %dma_wait3A_272] : memref<512x64xf32, #tpu.memory_space<vmem>> -> memref<128x64xf32, #tpu.memory_space<vmem>>
        %dma_wait3A_274 = arith.constant 0 : i32
        %dma_wait3A_275 = tpu.memref_slice %arg12[%add3A_259, %dma_wait3A_274] : memref<10240x64xf32, #tpu.memory_space<vmem_shared>> -> memref<128x64xf32, #tpu.memory_space<vmem_shared>>
        %dma_wait3A_276 = arith.constant 0 : i32
        %dma_wait3A_277 = tpu.memref_slice %arg12[%add3A_259, %dma_wait3A_276] : memref<10240x64xf32, #tpu.memory_space<vmem_shared>> -> memref<128x64xf32, #tpu.memory_space<vmem_shared>>
        %dma_wait3A_278 = arith.constant 0 : i32
        %dma_wait3A_279 = arith.constant 0 : i32
        %dma_wait3A_280 = tpu.memref_slice %arg11[%dma_wait3A_278, %dma_wait3A_279] : memref<512x64xf32, #tpu.memory_space<vmem>> -> memref<128x64xf32, #tpu.memory_space<vmem>>
        tpu.wait_dma2 semaphore(%run_scoped3A : memref<!tpu.dma_semaphore, #tpu.memory_space<semaphore_mem>>) src(%dma_wait3A_280 : memref<128x64xf32, #tpu.memory_space<vmem>>) dst(%dma_wait3A_277 : memref<128x64xf32, #tpu.memory_space<vmem_shared>>)
        tpu.yield
      }) : () -> ()
      %scan3A_260 = arith.constant 0 : i32
      scf.yield %scan3A_260 : i32
    }
    %scan3A_23 = arith.constant 5 : i32
    %barrier3A = arith.constant 0 : index
    tpu.barrier barrier_id(%barrier3A)
    %add3A_24 = arith.constant 0 : i32
    %add3A_25 = arith.addi %select_n3A_10, %add3A_24 : i32
    %dma_start3A = arith.constant 0 : i32
    %dma_start3A_26 = tpu.memref_slice %arg3[%add3A_25, %dma_start3A] : memref<2640x128xi32, #tpu.memory_space<hbm>> -> memref<1x128xi32, #tpu.memory_space<hbm>>
    %dma_start3A_27 = tpu.memref_squeeze %dma_start3A_26 : memref<1x128xi32, #tpu.memory_space<hbm>> -> memref<128xi32, #tpu.memory_space<hbm>>
    %dma_start3A_28 = arith.constant 0 : i32
    %dma_start3A_29 = tpu.memref_slice %arg3[%add3A_25, %dma_start3A_28] : memref<2640x128xi32, #tpu.memory_space<hbm>> -> memref<1x128xi32, #tpu.memory_space<hbm>>
    %dma_start3A_30 = tpu.memref_squeeze %dma_start3A_29 : memref<1x128xi32, #tpu.memory_space<hbm>> -> memref<128xi32, #tpu.memory_space<hbm>>
    tpu.enqueue_dma source(%dma_start3A_30 : memref<128xi32, #tpu.memory_space<hbm>>) target(%arg6 : memref<128xi32, #tpu.memory_space<vmem>>) target_semaphore(%arg13 : memref<!tpu.dma_semaphore, #tpu.memory_space<semaphore_mem>>)
    %add3A_31 = arith.constant 1 : i32
    %add3A_32 = arith.addi %select_n3A_10, %add3A_31 : i32
    %dma_start3A_33 = arith.constant 0 : i32
    %dma_start3A_34 = tpu.memref_slice %arg3[%add3A_32, %dma_start3A_33] : memref<2640x128xi32, #tpu.memory_space<hbm>> -> memref<1x128xi32, #tpu.memory_space<hbm>>
    %dma_start3A_35 = tpu.memref_squeeze %dma_start3A_34 : memref<1x128xi32, #tpu.memory_space<hbm>> -> memref<128xi32, #tpu.memory_space<hbm>>
    %dma_start3A_36 = arith.constant 0 : i32
    %dma_start3A_37 = tpu.memref_slice %arg3[%add3A_32, %dma_start3A_36] : memref<2640x128xi32, #tpu.memory_space<hbm>> -> memref<1x128xi32, #tpu.memory_space<hbm>>
    %dma_start3A_38 = tpu.memref_squeeze %dma_start3A_37 : memref<1x128xi32, #tpu.memory_space<hbm>> -> memref<128xi32, #tpu.memory_space<hbm>>
    tpu.enqueue_dma source(%dma_start3A_38 : memref<128xi32, #tpu.memory_space<hbm>>) target(%arg7 : memref<128xi32, #tpu.memory_space<vmem>>) target_semaphore(%arg14 : memref<!tpu.dma_semaphore, #tpu.memory_space<semaphore_mem>>)
    %add3A_39 = arith.constant 2 : i32
    %add3A_40 = arith.addi %select_n3A_10, %add3A_39 : i32
    %dma_start3A_41 = arith.constant 0 : i32
    %dma_start3A_42 = tpu.memref_slice %arg3[%add3A_40, %dma_start3A_41] : memref<2640x128xi32, #tpu.memory_space<hbm>> -> memref<1x128xi32, #tpu.memory_space<hbm>>
    %dma_start3A_43 = tpu.memref_squeeze %dma_start3A_42 : memref<1x128xi32, #tpu.memory_space<hbm>> -> memref<128xi32, #tpu.memory_space<hbm>>
    %dma_start3A_44 = arith.constant 0 : i32
    %dma_start3A_45 = tpu.memref_slice %arg3[%add3A_40, %dma_start3A_44] : memref<2640x128xi32, #tpu.memory_space<hbm>> -> memref<1x128xi32, #tpu.memory_space<hbm>>
    %dma_start3A_46 = tpu.memref_squeeze %dma_start3A_45 : memref<1x128xi32, #tpu.memory_space<hbm>> -> memref<128xi32, #tpu.memory_space<hbm>>
    tpu.enqueue_dma source(%dma_start3A_46 : memref<128xi32, #tpu.memory_space<hbm>>) target(%arg8 : memref<128xi32, #tpu.memory_space<vmem>>) target_semaphore(%arg15 : memref<!tpu.dma_semaphore, #tpu.memory_space<semaphore_mem>>)
    %add3A_47 = arith.constant 3 : i32
    %add3A_48 = arith.addi %select_n3A_10, %add3A_47 : i32
    %dma_start3A_49 = arith.constant 0 : i32
    %dma_start3A_50 = tpu.memref_slice %arg3[%add3A_48, %dma_start3A_49] : memref<2640x128xi32, #tpu.memory_space<hbm>> -> memref<1x128xi32, #tpu.memory_space<hbm>>
    %dma_start3A_51 = tpu.memref_squeeze %dma_start3A_50 : memref<1x128xi32, #tpu.memory_space<hbm>> -> memref<128xi32, #tpu.memory_space<hbm>>
    %dma_start3A_52 = arith.constant 0 : i32
    %dma_start3A_53 = tpu.memref_slice %arg3[%add3A_48, %dma_start3A_52] : memref<2640x128xi32, #tpu.memory_space<hbm>> -> memref<1x128xi32, #tpu.memory_space<hbm>>
    %dma_start3A_54 = tpu.memref_squeeze %dma_start3A_53 : memref<1x128xi32, #tpu.memory_space<hbm>> -> memref<128xi32, #tpu.memory_space<hbm>>
    tpu.enqueue_dma source(%dma_start3A_54 : memref<128xi32, #tpu.memory_space<hbm>>) target(%arg9 : memref<128xi32, #tpu.memory_space<vmem>>) target_semaphore(%arg16 : memref<!tpu.dma_semaphore, #tpu.memory_space<semaphore_mem>>)
    %add3A_55 = arith.constant 0 : i32
    %add3A_56 = arith.addi %select_n3A_10, %add3A_55 : i32
    %dma_wait3A = arith.constant 0 : i32
    %dma_wait3A_57 = tpu.memref_slice %arg3[%add3A_56, %dma_wait3A] : memref<2640x128xi32, #tpu.memory_space<hbm>> -> memref<1x128xi32, #tpu.memory_space<hbm>>
    %dma_wait3A_58 = tpu.memref_squeeze %dma_wait3A_57 : memref<1x128xi32, #tpu.memory_space<hbm>> -> memref<128xi32, #tpu.memory_space<hbm>>
    %dma_wait3A_59 = arith.constant 0 : i32
    %dma_wait3A_60 = tpu.memref_slice %arg3[%add3A_56, %dma_wait3A_59] : memref<2640x128xi32, #tpu.memory_space<hbm>> -> memref<1x128xi32, #tpu.memory_space<hbm>>
    %dma_wait3A_61 = tpu.memref_squeeze %dma_wait3A_60 : memref<1x128xi32, #tpu.memory_space<hbm>> -> memref<128xi32, #tpu.memory_space<hbm>>
    tpu.wait_dma2 semaphore(%arg13 : memref<!tpu.dma_semaphore, #tpu.memory_space<semaphore_mem>>) src(%dma_wait3A_61 : memref<128xi32, #tpu.memory_space<hbm>>) dst(%arg6 : memref<128xi32, #tpu.memory_space<vmem>>)
    %dma_start3A_62 = arith.constant 0 : i32
    %dma_start3A_63 = arith.constant 0 : i32
    %dma_start3A_64 = tpu.memref_slice %arg11[%dma_start3A_62, %dma_start3A_63] : memref<512x64xf32, #tpu.memory_space<vmem>> -> memref<128x64xf32, #tpu.memory_space<vmem>>
    %dma_start3A_65 = arith.constant 0 : i32
    %dma_start3A_66 = arith.constant 0 : i32
    %dma_start3A_67 = tpu.memref_slice %arg2[%dma_start3A_65, %dma_start3A_66] : memref<10240x64xf32, #tpu.memory_space<hbm>> -> memref<10240x64xf32, #tpu.memory_space<hbm>>
    tpu.enqueue_indirect_dma source(%dma_start3A_67 : memref<10240x64xf32, #tpu.memory_space<hbm>>) target(%dma_start3A_64 : memref<128x64xf32, #tpu.memory_space<vmem>>) offsets(%arg6 : memref<128xi32, #tpu.memory_space<vmem>>) semaphore(%arg17 : memref<!tpu.dma_semaphore, #tpu.memory_space<semaphore_mem>>)
    %add3A_68 = arith.constant 1 : i32
    %add3A_69 = arith.addi %select_n3A_10, %add3A_68 : i32
    %dma_wait3A_70 = arith.constant 0 : i32
    %dma_wait3A_71 = tpu.memref_slice %arg3[%add3A_69, %dma_wait3A_70] : memref<2640x128xi32, #tpu.memory_space<hbm>> -> memref<1x128xi32, #tpu.memory_space<hbm>>
    %dma_wait3A_72 = tpu.memref_squeeze %dma_wait3A_71 : memref<1x128xi32, #tpu.memory_space<hbm>> -> memref<128xi32, #tpu.memory_space<hbm>>
    %dma_wait3A_73 = arith.constant 0 : i32
    %dma_wait3A_74 = tpu.memref_slice %arg3[%add3A_69, %dma_wait3A_73] : memref<2640x128xi32, #tpu.memory_space<hbm>> -> memref<1x128xi32, #tpu.memory_space<hbm>>
    %dma_wait3A_75 = tpu.memref_squeeze %dma_wait3A_74 : memref<1x128xi32, #tpu.memory_space<hbm>> -> memref<128xi32, #tpu.memory_space<hbm>>
    tpu.wait_dma2 semaphore(%arg14 : memref<!tpu.dma_semaphore, #tpu.memory_space<semaphore_mem>>) src(%dma_wait3A_75 : memref<128xi32, #tpu.memory_space<hbm>>) dst(%arg7 : memref<128xi32, #tpu.memory_space<vmem>>)
    %dma_start3A_76 = arith.constant 128 : i32
    %dma_start3A_77 = arith.constant 0 : i32
    %dma_start3A_78 = tpu.memref_slice %arg11[%dma_start3A_76, %dma_start3A_77] : memref<512x64xf32, #tpu.memory_space<vmem>> -> memref<128x64xf32, #tpu.memory_space<vmem>>
    %dma_start3A_79 = arith.constant 0 : i32
    %dma_start3A_80 = arith.constant 0 : i32
    %dma_start3A_81 = tpu.memref_slice %arg2[%dma_start3A_79, %dma_start3A_80] : memref<10240x64xf32, #tpu.memory_space<hbm>> -> memref<10240x64xf32, #tpu.memory_space<hbm>>
    tpu.enqueue_indirect_dma source(%dma_start3A_81 : memref<10240x64xf32, #tpu.memory_space<hbm>>) target(%dma_start3A_78 : memref<128x64xf32, #tpu.memory_space<vmem>>) offsets(%arg7 : memref<128xi32, #tpu.memory_space<vmem>>) semaphore(%arg18 : memref<!tpu.dma_semaphore, #tpu.memory_space<semaphore_mem>>)
    %add3A_82 = arith.constant 2 : i32
    %add3A_83 = arith.addi %select_n3A_10, %add3A_82 : i32
    %dma_wait3A_84 = arith.constant 0 : i32
    %dma_wait3A_85 = tpu.memref_slice %arg3[%add3A_83, %dma_wait3A_84] : memref<2640x128xi32, #tpu.memory_space<hbm>> -> memref<1x128xi32, #tpu.memory_space<hbm>>
    %dma_wait3A_86 = tpu.memref_squeeze %dma_wait3A_85 : memref<1x128xi32, #tpu.memory_space<hbm>> -> memref<128xi32, #tpu.memory_space<hbm>>
    %dma_wait3A_87 = arith.constant 0 : i32
    %dma_wait3A_88 = tpu.memref_slice %arg3[%add3A_83, %dma_wait3A_87] : memref<2640x128xi32, #tpu.memory_space<hbm>> -> memref<1x128xi32, #tpu.memory_space<hbm>>
    %dma_wait3A_89 = tpu.memref_squeeze %dma_wait3A_88 : memref<1x128xi32, #tpu.memory_space<hbm>> -> memref<128xi32, #tpu.memory_space<hbm>>
    tpu.wait_dma2 semaphore(%arg15 : memref<!tpu.dma_semaphore, #tpu.memory_space<semaphore_mem>>) src(%dma_wait3A_89 : memref<128xi32, #tpu.memory_space<hbm>>) dst(%arg8 : memref<128xi32, #tpu.memory_space<vmem>>)
    %dma_start3A_90 = arith.constant 256 : i32
    %dma_start3A_91 = arith.constant 0 : i32
    %dma_start3A_92 = tpu.memref_slice %arg11[%dma_start3A_90, %dma_start3A_91] : memref<512x64xf32, #tpu.memory_space<vmem>> -> memref<128x64xf32, #tpu.memory_space<vmem>>
    %dma_start3A_93 = arith.constant 0 : i32
    %dma_start3A_94 = arith.constant 0 : i32
    %dma_start3A_95 = tpu.memref_slice %arg2[%dma_start3A_93, %dma_start3A_94] : memref<10240x64xf32, #tpu.memory_space<hbm>> -> memref<10240x64xf32, #tpu.memory_space<hbm>>
    tpu.enqueue_indirect_dma source(%dma_start3A_95 : memref<10240x64xf32, #tpu.memory_space<hbm>>) target(%dma_start3A_92 : memref<128x64xf32, #tpu.memory_space<vmem>>) offsets(%arg8 : memref<128xi32, #tpu.memory_space<vmem>>) semaphore(%arg19 : memref<!tpu.dma_semaphore, #tpu.memory_space<semaphore_mem>>)
    %add3A_96 = arith.constant 3 : i32
    %add3A_97 = arith.addi %select_n3A_10, %add3A_96 : i32
    %dma_wait3A_98 = arith.constant 0 : i32
    %dma_wait3A_99 = tpu.memref_slice %arg3[%add3A_97, %dma_wait3A_98] : memref<2640x128xi32, #tpu.memory_space<hbm>> -> memref<1x128xi32, #tpu.memory_space<hbm>>
    %dma_wait3A_100 = tpu.memref_squeeze %dma_wait3A_99 : memref<1x128xi32, #tpu.memory_space<hbm>> -> memref<128xi32, #tpu.memory_space<hbm>>
    %dma_wait3A_101 = arith.constant 0 : i32
    %dma_wait3A_102 = tpu.memref_slice %arg3[%add3A_97, %dma_wait3A_101] : memref<2640x128xi32, #tpu.memory_space<hbm>> -> memref<1x128xi32, #tpu.memory_space<hbm>>
    %dma_wait3A_103 = tpu.memref_squeeze %dma_wait3A_102 : memref<1x128xi32, #tpu.memory_space<hbm>> -> memref<128xi32, #tpu.memory_space<hbm>>
    tpu.wait_dma2 semaphore(%arg16 : memref<!tpu.dma_semaphore, #tpu.memory_space<semaphore_mem>>) src(%dma_wait3A_103 : memref<128xi32, #tpu.memory_space<hbm>>) dst(%arg9 : memref<128xi32, #tpu.memory_space<vmem>>)
    %dma_start3A_104 = arith.constant 384 : i32
    %dma_start3A_105 = arith.constant 0 : i32
    %dma_start3A_106 = tpu.memref_slice %arg11[%dma_start3A_104, %dma_start3A_105] : memref<512x64xf32, #tpu.memory_space<vmem>> -> memref<128x64xf32, #tpu.memory_space<vmem>>
    %dma_start3A_107 = arith.constant 0 : i32
    %dma_start3A_108 = arith.constant 0 : i32
    %dma_start3A_109 = tpu.memref_slice %arg2[%dma_start3A_107, %dma_start3A_108] : memref<10240x64xf32, #tpu.memory_space<hbm>> -> memref<10240x64xf32, #tpu.memory_space<hbm>>
    tpu.enqueue_indirect_dma source(%dma_start3A_109 : memref<10240x64xf32, #tpu.memory_space<hbm>>) target(%dma_start3A_106 : memref<128x64xf32, #tpu.memory_space<vmem>>) offsets(%arg9 : memref<128xi32, #tpu.memory_space<vmem>>) semaphore(%arg20 : memref<!tpu.dma_semaphore, #tpu.memory_space<semaphore_mem>>)
    %jit3A_110 = arith.constant 4 : i32
    %div3A = arith.divsi %select_n3A, %jit3A_110 : i32
    %sign3A = arith.constant 0 : i32
    %sign3A_111 = arith.cmpi sgt, %select_n3A, %sign3A : i32
    %sign3A_112 = arith.extui %sign3A_111 : i1 to i32
    %sign3A_113 = arith.constant 0 : i32
    %sign3A_114 = arith.cmpi slt, %select_n3A, %sign3A_113 : i32
    %sign3A_115 = arith.extui %sign3A_114 : i1 to i32
    %sign3A_116 = arith.subi %sign3A_112, %sign3A_115 : i32
    %sign3A_117 = arith.constant 0 : i32
    %sign3A_118 = arith.cmpi sgt, %jit3A_110, %sign3A_117 : i32
    %sign3A_119 = arith.extui %sign3A_118 : i1 to i32
    %sign3A_120 = arith.constant 0 : i32
    %sign3A_121 = arith.cmpi slt, %jit3A_110, %sign3A_120 : i32
    %sign3A_122 = arith.extui %sign3A_121 : i1 to i32
    %sign3A_123 = arith.subi %sign3A_119, %sign3A_122 : i32
    %ne3A = arith.cmpi ne, %sign3A_116, %sign3A_123 : i32
    %rem3A = arith.remsi %select_n3A, %jit3A_110 : i32
    %ne3A_124 = arith.constant 0 : i32
    %ne3A_125 = arith.cmpi ne, %rem3A, %ne3A_124 : i32
    %and3A = arith.andi %ne3A, %ne3A_125 : i1
    %sub3A = arith.constant 1 : i32
    %sub3A_126 = arith.subi %div3A, %sub3A : i32
    %select_n3A_127 = arith.select %and3A, %sub3A_126, %div3A : i32
    %sub3A_128 = arith.constant 1 : i32
    %sub3A_129 = arith.subi %select_n3A_127, %sub3A_128 : i32
    %while3A = arith.constant 0 : i32
    %while3A_130 = arith.constant 0 : i32
    %while3A_131 = arith.subi %sub3A_129, %while3A : i32
    %while3A_132 = arith.addi %while3A, %while3A_131 : i32
    %while3A_133 = arith.constant 1 : i32
    %while3A_134 = arith.divsi %while3A_131, %while3A_133 : i32
    %while3A_135 = arith.muli %while3A_134, %while3A_133 : i32
    %while3A_136 = arith.addi %while3A, %while3A_135 : i32
    %while3A_137 = arith.constant 1 : i32
    %while3A_138 = scf.for %while3A_255 = %while3A to %while3A_136 step %while3A_137 iter_args(%while3A_256 = %while3A_130) -> (i32)  : i32 {
      %mul3A_257 = arith.constant 4 : i32
      %mul3A_258 = arith.muli %while3A_255, %mul3A_257 : i32
      %add3A_259 = arith.constant 0 : i32
      %add3A_260 = arith.addi %mul3A_258, %add3A_259 : i32
      %dma_wait3A_261 = arith.constant 0 : i32
      %dma_wait3A_262 = arith.constant 0 : i32
      %dma_wait3A_263 = tpu.memref_slice %arg11[%dma_wait3A_261, %dma_wait3A_262] : memref<512x64xf32, #tpu.memory_space<vmem>> -> memref<128x64xf32, #tpu.memory_space<vmem>>
      %dma_wait3A_264 = arith.constant 0 : i32
      %dma_wait3A_265 = arith.constant 0 : i32
      %dma_wait3A_266 = tpu.memref_slice %arg2[%dma_wait3A_264, %dma_wait3A_265] : memref<10240x64xf32, #tpu.memory_space<hbm>> -> memref<10240x64xf32, #tpu.memory_space<hbm>>
      tpu.wait_indirect_dma semaphore(%arg17 : memref<!tpu.dma_semaphore, #tpu.memory_space<semaphore_mem>>) src(%dma_wait3A_266 : memref<10240x64xf32, #tpu.memory_space<hbm>>) dst(%dma_wait3A_263 : memref<128x64xf32, #tpu.memory_space<vmem>>)
      %dma_start3A_267 = arith.constant 0 : i32
      %dma_start3A_268 = arith.constant 0 : i32
      %dma_start3A_269 = tpu.memref_slice %arg11[%dma_start3A_267, %dma_start3A_268] : memref<512x64xf32, #tpu.memory_space<vmem>> -> memref<128x64xf32, #tpu.memory_space<vmem>>
      %dma_start3A_270 = arith.constant 0 : i32
      %dma_start3A_271 = tpu.memref_slice %arg10[%add3A_260, %dma_start3A_270] : memref<80x128xi32, #tpu.memory_space<vmem>> -> memref<1x128xi32, #tpu.memory_space<vmem>>
      %dma_start3A_272 = tpu.memref_squeeze %dma_start3A_271 : memref<1x128xi32, #tpu.memory_space<vmem>> -> memref<128xi32, #tpu.memory_space<vmem>>
      %dma_start3A_273 = arith.constant 0 : i32
      %dma_start3A_274 = arith.constant 0 : i32
      %dma_start3A_275 = tpu.memref_slice %arg12[%dma_start3A_273, %dma_start3A_274] : memref<10240x64xf32, #tpu.memory_space<vmem_shared>> -> memref<10240x64xf32, #tpu.memory_space<vmem_shared>>
      tpu.enqueue_indirect_dma source(%dma_start3A_269 : memref<128x64xf32, #tpu.memory_space<vmem>>) target(%dma_start3A_275 : memref<10240x64xf32, #tpu.memory_space<vmem_shared>>) offsets(%dma_start3A_272 : memref<128xi32, #tpu.memory_space<vmem>>) semaphore(%arg21 : memref<!tpu.dma_semaphore, #tpu.memory_space<semaphore_mem>>) {add = true}
      %add3A_276 = arith.constant 4 : i32
      %add3A_277 = arith.addi %add3A_260, %add3A_276 : i32
      %add3A_278 = arith.addi %select_n3A_10, %add3A_277 : i32
      %dma_start3A_279 = arith.constant 0 : i32
      %dma_start3A_280 = tpu.memref_slice %arg3[%add3A_278, %dma_start3A_279] : memref<2640x128xi32, #tpu.memory_space<hbm>> -> memref<1x128xi32, #tpu.memory_space<hbm>>
      %dma_start3A_281 = tpu.memref_squeeze %dma_start3A_280 : memref<1x128xi32, #tpu.memory_space<hbm>> -> memref<128xi32, #tpu.memory_space<hbm>>
      %dma_start3A_282 = arith.constant 0 : i32
      %dma_start3A_283 = tpu.memref_slice %arg3[%add3A_278, %dma_start3A_282] : memref<2640x128xi32, #tpu.memory_space<hbm>> -> memref<1x128xi32, #tpu.memory_space<hbm>>
      %dma_start3A_284 = tpu.memref_squeeze %dma_start3A_283 : memref<1x128xi32, #tpu.memory_space<hbm>> -> memref<128xi32, #tpu.memory_space<hbm>>
      tpu.enqueue_dma source(%dma_start3A_284 : memref<128xi32, #tpu.memory_space<hbm>>) target(%arg6 : memref<128xi32, #tpu.memory_space<vmem>>) target_semaphore(%arg13 : memref<!tpu.dma_semaphore, #tpu.memory_space<semaphore_mem>>)
      %dma_wait3A_285 = arith.constant 0 : i32
      %dma_wait3A_286 = arith.constant 0 : i32
      %dma_wait3A_287 = tpu.memref_slice %arg11[%dma_wait3A_285, %dma_wait3A_286] : memref<512x64xf32, #tpu.memory_space<vmem>> -> memref<128x64xf32, #tpu.memory_space<vmem>>
      %dma_wait3A_288 = arith.constant 0 : i32
      %dma_wait3A_289 = tpu.memref_slice %arg10[%add3A_260, %dma_wait3A_288] : memref<80x128xi32, #tpu.memory_space<vmem>> -> memref<1x128xi32, #tpu.memory_space<vmem>>
      %dma_wait3A_290 = tpu.memref_squeeze %dma_wait3A_289 : memref<1x128xi32, #tpu.memory_space<vmem>> -> memref<128xi32, #tpu.memory_space<vmem>>
      %dma_wait3A_291 = arith.constant 0 : i32
      %dma_wait3A_292 = arith.constant 0 : i32
      %dma_wait3A_293 = tpu.memref_slice %arg12[%dma_wait3A_291, %dma_wait3A_292] : memref<10240x64xf32, #tpu.memory_space<vmem_shared>> -> memref<10240x64xf32, #tpu.memory_space<vmem_shared>>
      tpu.wait_indirect_dma semaphore(%arg21 : memref<!tpu.dma_semaphore, #tpu.memory_space<semaphore_mem>>) src(%dma_wait3A_287 : memref<128x64xf32, #tpu.memory_space<vmem>>) dst(%dma_wait3A_293 : memref<10240x64xf32, #tpu.memory_space<vmem_shared>>)
      %add3A_294 = arith.constant 4 : i32
      %add3A_295 = arith.addi %add3A_260, %add3A_294 : i32
      %add3A_296 = arith.addi %select_n3A_10, %add3A_295 : i32
      %dma_wait3A_297 = arith.constant 0 : i32
      %dma_wait3A_298 = tpu.memref_slice %arg3[%add3A_296, %dma_wait3A_297] : memref<2640x128xi32, #tpu.memory_space<hbm>> -> memref<1x128xi32, #tpu.memory_space<hbm>>
      %dma_wait3A_299 = tpu.memref_squeeze %dma_wait3A_298 : memref<1x128xi32, #tpu.memory_space<hbm>> -> memref<128xi32, #tpu.memory_space<hbm>>
      %dma_wait3A_300 = arith.constant 0 : i32
      %dma_wait3A_301 = tpu.memref_slice %arg3[%add3A_296, %dma_wait3A_300] : memref<2640x128xi32, #tpu.memory_space<hbm>> -> memref<1x128xi32, #tpu.memory_space<hbm>>
      %dma_wait3A_302 = tpu.memref_squeeze %dma_wait3A_301 : memref<1x128xi32, #tpu.memory_space<hbm>> -> memref<128xi32, #tpu.memory_space<hbm>>
      tpu.wait_dma2 semaphore(%arg13 : memref<!tpu.dma_semaphore, #tpu.memory_space<semaphore_mem>>) src(%dma_wait3A_302 : memref<128xi32, #tpu.memory_space<hbm>>) dst(%arg6 : memref<128xi32, #tpu.memory_space<vmem>>)
      %dma_start3A_303 = arith.constant 0 : i32
      %dma_start3A_304 = arith.constant 0 : i32
      %dma_start3A_305 = tpu.memref_slice %arg11[%dma_start3A_303, %dma_start3A_304] : memref<512x64xf32, #tpu.memory_space<vmem>> -> memref<128x64xf32, #tpu.memory_space<vmem>>
      %dma_start3A_306 = arith.constant 0 : i32
      %dma_start3A_307 = arith.constant 0 : i32
      %dma_start3A_308 = tpu.memref_slice %arg2[%dma_start3A_306, %dma_start3A_307] : memref<10240x64xf32, #tpu.memory_space<hbm>> -> memref<10240x64xf32, #tpu.memory_space<hbm>>
      tpu.enqueue_indirect_dma source(%dma_start3A_308 : memref<10240x64xf32, #tpu.memory_space<hbm>>) target(%dma_start3A_305 : memref<128x64xf32, #tpu.memory_space<vmem>>) offsets(%arg6 : memref<128xi32, #tpu.memory_space<vmem>>) semaphore(%arg17 : memref<!tpu.dma_semaphore, #tpu.memory_space<semaphore_mem>>)
      %add3A_309 = arith.constant 1 : i32
      %add3A_310 = arith.addi %mul3A_258, %add3A_309 : i32
      %dma_wait3A_311 = arith.constant 128 : i32
      %dma_wait3A_312 = arith.constant 0 : i32
      %dma_wait3A_313 = tpu.memref_slice %arg11[%dma_wait3A_311, %dma_wait3A_312] : memref<512x64xf32, #tpu.memory_space<vmem>> -> memref<128x64xf32, #tpu.memory_space<vmem>>
      %dma_wait3A_314 = arith.constant 0 : i32
      %dma_wait3A_315 = arith.constant 0 : i32
      %dma_wait3A_316 = tpu.memref_slice %arg2[%dma_wait3A_314, %dma_wait3A_315] : memref<10240x64xf32, #tpu.memory_space<hbm>> -> memref<10240x64xf32, #tpu.memory_space<hbm>>
      tpu.wait_indirect_dma semaphore(%arg18 : memref<!tpu.dma_semaphore, #tpu.memory_space<semaphore_mem>>) src(%dma_wait3A_316 : memref<10240x64xf32, #tpu.memory_space<hbm>>) dst(%dma_wait3A_313 : memref<128x64xf32, #tpu.memory_space<vmem>>)
      %dma_start3A_317 = arith.constant 128 : i32
      %dma_start3A_318 = arith.constant 0 : i32
      %dma_start3A_319 = tpu.memref_slice %arg11[%dma_start3A_317, %dma_start3A_318] : memref<512x64xf32, #tpu.memory_space<vmem>> -> memref<128x64xf32, #tpu.memory_space<vmem>>
      %dma_start3A_320 = arith.constant 0 : i32
      %dma_start3A_321 = tpu.memref_slice %arg10[%add3A_310, %dma_start3A_320] : memref<80x128xi32, #tpu.memory_space<vmem>> -> memref<1x128xi32, #tpu.memory_space<vmem>>
      %dma_start3A_322 = tpu.memref_squeeze %dma_start3A_321 : memref<1x128xi32, #tpu.memory_space<vmem>> -> memref<128xi32, #tpu.memory_space<vmem>>
      %dma_start3A_323 = arith.constant 0 : i32
      %dma_start3A_324 = arith.constant 0 : i32
      %dma_start3A_325 = tpu.memref_slice %arg12[%dma_start3A_323, %dma_start3A_324] : memref<10240x64xf32, #tpu.memory_space<vmem_shared>> -> memref<10240x64xf32, #tpu.memory_space<vmem_shared>>
      tpu.enqueue_indirect_dma source(%dma_start3A_319 : memref<128x64xf32, #tpu.memory_space<vmem>>) target(%dma_start3A_325 : memref<10240x64xf32, #tpu.memory_space<vmem_shared>>) offsets(%dma_start3A_322 : memref<128xi32, #tpu.memory_space<vmem>>) semaphore(%arg22 : memref<!tpu.dma_semaphore, #tpu.memory_space<semaphore_mem>>) {add = true}
      %add3A_326 = arith.constant 4 : i32
      %add3A_327 = arith.addi %add3A_310, %add3A_326 : i32
      %add3A_328 = arith.addi %select_n3A_10, %add3A_327 : i32
      %dma_start3A_329 = arith.constant 0 : i32
      %dma_start3A_330 = tpu.memref_slice %arg3[%add3A_328, %dma_start3A_329] : memref<2640x128xi32, #tpu.memory_space<hbm>> -> memref<1x128xi32, #tpu.memory_space<hbm>>
      %dma_start3A_331 = tpu.memref_squeeze %dma_start3A_330 : memref<1x128xi32, #tpu.memory_space<hbm>> -> memref<128xi32, #tpu.memory_space<hbm>>
      %dma_start3A_332 = arith.constant 0 : i32
      %dma_start3A_333 = tpu.memref_slice %arg3[%add3A_328, %dma_start3A_332] : memref<2640x128xi32, #tpu.memory_space<hbm>> -> memref<1x128xi32, #tpu.memory_space<hbm>>
      %dma_start3A_334 = tpu.memref_squeeze %dma_start3A_333 : memref<1x128xi32, #tpu.memory_space<hbm>> -> memref<128xi32, #tpu.memory_space<hbm>>
      tpu.enqueue_dma source(%dma_start3A_334 : memref<128xi32, #tpu.memory_space<hbm>>) target(%arg7 : memref<128xi32, #tpu.memory_space<vmem>>) target_semaphore(%arg14 : memref<!tpu.dma_semaphore, #tpu.memory_space<semaphore_mem>>)
      %dma_wait3A_335 = arith.constant 128 : i32
      %dma_wait3A_336 = arith.constant 0 : i32
      %dma_wait3A_337 = tpu.memref_slice %arg11[%dma_wait3A_335, %dma_wait3A_336] : memref<512x64xf32, #tpu.memory_space<vmem>> -> memref<128x64xf32, #tpu.memory_space<vmem>>
      %dma_wait3A_338 = arith.constant 0 : i32
      %dma_wait3A_339 = tpu.memref_slice %arg10[%add3A_310, %dma_wait3A_338] : memref<80x128xi32, #tpu.memory_space<vmem>> -> memref<1x128xi32, #tpu.memory_space<vmem>>
      %dma_wait3A_340 = tpu.memref_squeeze %dma_wait3A_339 : memref<1x128xi32, #tpu.memory_space<vmem>> -> memref<128xi32, #tpu.memory_space<vmem>>
      %dma_wait3A_341 = arith.constant 0 : i32
      %dma_wait3A_342 = arith.constant 0 : i32
      %dma_wait3A_343 = tpu.memref_slice %arg12[%dma_wait3A_341, %dma_wait3A_342] : memref<10240x64xf32, #tpu.memory_space<vmem_shared>> -> memref<10240x64xf32, #tpu.memory_space<vmem_shared>>
      tpu.wait_indirect_dma semaphore(%arg22 : memref<!tpu.dma_semaphore, #tpu.memory_space<semaphore_mem>>) src(%dma_wait3A_337 : memref<128x64xf32, #tpu.memory_space<vmem>>) dst(%dma_wait3A_343 : memref<10240x64xf32, #tpu.memory_space<vmem_shared>>)
      %add3A_344 = arith.constant 4 : i32
      %add3A_345 = arith.addi %add3A_310, %add3A_344 : i32
      %add3A_346 = arith.addi %select_n3A_10, %add3A_345 : i32
      %dma_wait3A_347 = arith.constant 0 : i32
      %dma_wait3A_348 = tpu.memref_slice %arg3[%add3A_346, %dma_wait3A_347] : memref<2640x128xi32, #tpu.memory_space<hbm>> -> memref<1x128xi32, #tpu.memory_space<hbm>>
      %dma_wait3A_349 = tpu.memref_squeeze %dma_wait3A_348 : memref<1x128xi32, #tpu.memory_space<hbm>> -> memref<128xi32, #tpu.memory_space<hbm>>
      %dma_wait3A_350 = arith.constant 0 : i32
      %dma_wait3A_351 = tpu.memref_slice %arg3[%add3A_346, %dma_wait3A_350] : memref<2640x128xi32, #tpu.memory_space<hbm>> -> memref<1x128xi32, #tpu.memory_space<hbm>>
      %dma_wait3A_352 = tpu.memref_squeeze %dma_wait3A_351 : memref<1x128xi32, #tpu.memory_space<hbm>> -> memref<128xi32, #tpu.memory_space<hbm>>
      tpu.wait_dma2 semaphore(%arg14 : memref<!tpu.dma_semaphore, #tpu.memory_space<semaphore_mem>>) src(%dma_wait3A_352 : memref<128xi32, #tpu.memory_space<hbm>>) dst(%arg7 : memref<128xi32, #tpu.memory_space<vmem>>)
      %dma_start3A_353 = arith.constant 128 : i32
      %dma_start3A_354 = arith.constant 0 : i32
      %dma_start3A_355 = tpu.memref_slice %arg11[%dma_start3A_353, %dma_start3A_354] : memref<512x64xf32, #tpu.memory_space<vmem>> -> memref<128x64xf32, #tpu.memory_space<vmem>>
      %dma_start3A_356 = arith.constant 0 : i32
      %dma_start3A_357 = arith.constant 0 : i32
      %dma_start3A_358 = tpu.memref_slice %arg2[%dma_start3A_356, %dma_start3A_357] : memref<10240x64xf32, #tpu.memory_space<hbm>> -> memref<10240x64xf32, #tpu.memory_space<hbm>>
      tpu.enqueue_indirect_dma source(%dma_start3A_358 : memref<10240x64xf32, #tpu.memory_space<hbm>>) target(%dma_start3A_355 : memref<128x64xf32, #tpu.memory_space<vmem>>) offsets(%arg7 : memref<128xi32, #tpu.memory_space<vmem>>) semaphore(%arg18 : memref<!tpu.dma_semaphore, #tpu.memory_space<semaphore_mem>>)
      %add3A_359 = arith.constant 2 : i32
      %add3A_360 = arith.addi %mul3A_258, %add3A_359 : i32
      %dma_wait3A_361 = arith.constant 256 : i32
      %dma_wait3A_362 = arith.constant 0 : i32
      %dma_wait3A_363 = tpu.memref_slice %arg11[%dma_wait3A_361, %dma_wait3A_362] : memref<512x64xf32, #tpu.memory_space<vmem>> -> memref<128x64xf32, #tpu.memory_space<vmem>>
      %dma_wait3A_364 = arith.constant 0 : i32
      %dma_wait3A_365 = arith.constant 0 : i32
      %dma_wait3A_366 = tpu.memref_slice %arg2[%dma_wait3A_364, %dma_wait3A_365] : memref<10240x64xf32, #tpu.memory_space<hbm>> -> memref<10240x64xf32, #tpu.memory_space<hbm>>
      tpu.wait_indirect_dma semaphore(%arg19 : memref<!tpu.dma_semaphore, #tpu.memory_space<semaphore_mem>>) src(%dma_wait3A_366 : memref<10240x64xf32, #tpu.memory_space<hbm>>) dst(%dma_wait3A_363 : memref<128x64xf32, #tpu.memory_space<vmem>>)
      %dma_start3A_367 = arith.constant 256 : i32
      %dma_start3A_368 = arith.constant 0 : i32
      %dma_start3A_369 = tpu.memref_slice %arg11[%dma_start3A_367, %dma_start3A_368] : memref<512x64xf32, #tpu.memory_space<vmem>> -> memref<128x64xf32, #tpu.memory_space<vmem>>
      %dma_start3A_370 = arith.constant 0 : i32
      %dma_start3A_371 = tpu.memref_slice %arg10[%add3A_360, %dma_start3A_370] : memref<80x128xi32, #tpu.memory_space<vmem>> -> memref<1x128xi32, #tpu.memory_space<vmem>>
      %dma_start3A_372 = tpu.memref_squeeze %dma_start3A_371 : memref<1x128xi32, #tpu.memory_space<vmem>> -> memref<128xi32, #tpu.memory_space<vmem>>
      %dma_start3A_373 = arith.constant 0 : i32
      %dma_start3A_374 = arith.constant 0 : i32
      %dma_start3A_375 = tpu.memref_slice %arg12[%dma_start3A_373, %dma_start3A_374] : memref<10240x64xf32, #tpu.memory_space<vmem_shared>> -> memref<10240x64xf32, #tpu.memory_space<vmem_shared>>
      tpu.enqueue_indirect_dma source(%dma_start3A_369 : memref<128x64xf32, #tpu.memory_space<vmem>>) target(%dma_start3A_375 : memref<10240x64xf32, #tpu.memory_space<vmem_shared>>) offsets(%dma_start3A_372 : memref<128xi32, #tpu.memory_space<vmem>>) semaphore(%arg23 : memref<!tpu.dma_semaphore, #tpu.memory_space<semaphore_mem>>) {add = true}
      %add3A_376 = arith.constant 4 : i32
      %add3A_377 = arith.addi %add3A_360, %add3A_376 : i32
      %add3A_378 = arith.addi %select_n3A_10, %add3A_377 : i32
      %dma_start3A_379 = arith.constant 0 : i32
      %dma_start3A_380 = tpu.memref_slice %arg3[%add3A_378, %dma_start3A_379] : memref<2640x128xi32, #tpu.memory_space<hbm>> -> memref<1x128xi32, #tpu.memory_space<hbm>>
      %dma_start3A_381 = tpu.memref_squeeze %dma_start3A_380 : memref<1x128xi32, #tpu.memory_space<hbm>> -> memref<128xi32, #tpu.memory_space<hbm>>
      %dma_start3A_382 = arith.constant 0 : i32
      %dma_start3A_383 = tpu.memref_slice %arg3[%add3A_378, %dma_start3A_382] : memref<2640x128xi32, #tpu.memory_space<hbm>> -> memref<1x128xi32, #tpu.memory_space<hbm>>
      %dma_start3A_384 = tpu.memref_squeeze %dma_start3A_383 : memref<1x128xi32, #tpu.memory_space<hbm>> -> memref<128xi32, #tpu.memory_space<hbm>>
      tpu.enqueue_dma source(%dma_start3A_384 : memref<128xi32, #tpu.memory_space<hbm>>) target(%arg8 : memref<128xi32, #tpu.memory_space<vmem>>) target_semaphore(%arg15 : memref<!tpu.dma_semaphore, #tpu.memory_space<semaphore_mem>>)
      %dma_wait3A_385 = arith.constant 256 : i32
      %dma_wait3A_386 = arith.constant 0 : i32
      %dma_wait3A_387 = tpu.memref_slice %arg11[%dma_wait3A_385, %dma_wait3A_386] : memref<512x64xf32, #tpu.memory_space<vmem>> -> memref<128x64xf32, #tpu.memory_space<vmem>>
      %dma_wait3A_388 = arith.constant 0 : i32
      %dma_wait3A_389 = tpu.memref_slice %arg10[%add3A_360, %dma_wait3A_388] : memref<80x128xi32, #tpu.memory_space<vmem>> -> memref<1x128xi32, #tpu.memory_space<vmem>>
      %dma_wait3A_390 = tpu.memref_squeeze %dma_wait3A_389 : memref<1x128xi32, #tpu.memory_space<vmem>> -> memref<128xi32, #tpu.memory_space<vmem>>
      %dma_wait3A_391 = arith.constant 0 : i32
      %dma_wait3A_392 = arith.constant 0 : i32
      %dma_wait3A_393 = tpu.memref_slice %arg12[%dma_wait3A_391, %dma_wait3A_392] : memref<10240x64xf32, #tpu.memory_space<vmem_shared>> -> memref<10240x64xf32, #tpu.memory_space<vmem_shared>>
      tpu.wait_indirect_dma semaphore(%arg23 : memref<!tpu.dma_semaphore, #tpu.memory_space<semaphore_mem>>) src(%dma_wait3A_387 : memref<128x64xf32, #tpu.memory_space<vmem>>) dst(%dma_wait3A_393 : memref<10240x64xf32, #tpu.memory_space<vmem_shared>>)
      %add3A_394 = arith.constant 4 : i32
      %add3A_395 = arith.addi %add3A_360, %add3A_394 : i32
      %add3A_396 = arith.addi %select_n3A_10, %add3A_395 : i32
      %dma_wait3A_397 = arith.constant 0 : i32
      %dma_wait3A_398 = tpu.memref_slice %arg3[%add3A_396, %dma_wait3A_397] : memref<2640x128xi32, #tpu.memory_space<hbm>> -> memref<1x128xi32, #tpu.memory_space<hbm>>
      %dma_wait3A_399 = tpu.memref_squeeze %dma_wait3A_398 : memref<1x128xi32, #tpu.memory_space<hbm>> -> memref<128xi32, #tpu.memory_space<hbm>>
      %dma_wait3A_400 = arith.constant 0 : i32
      %dma_wait3A_401 = tpu.memref_slice %arg3[%add3A_396, %dma_wait3A_400] : memref<2640x128xi32, #tpu.memory_space<hbm>> -> memref<1x128xi32, #tpu.memory_space<hbm>>
      %dma_wait3A_402 = tpu.memref_squeeze %dma_wait3A_401 : memref<1x128xi32, #tpu.memory_space<hbm>> -> memref<128xi32, #tpu.memory_space<hbm>>
      tpu.wait_dma2 semaphore(%arg15 : memref<!tpu.dma_semaphore, #tpu.memory_space<semaphore_mem>>) src(%dma_wait3A_402 : memref<128xi32, #tpu.memory_space<hbm>>) dst(%arg8 : memref<128xi32, #tpu.memory_space<vmem>>)
      %dma_start3A_403 = arith.constant 256 : i32
      %dma_start3A_404 = arith.constant 0 : i32
      %dma_start3A_405 = tpu.memref_slice %arg11[%dma_start3A_403, %dma_start3A_404] : memref<512x64xf32, #tpu.memory_space<vmem>> -> memref<128x64xf32, #tpu.memory_space<vmem>>
      %dma_start3A_406 = arith.constant 0 : i32
      %dma_start3A_407 = arith.constant 0 : i32
      %dma_start3A_408 = tpu.memref_slice %arg2[%dma_start3A_406, %dma_start3A_407] : memref<10240x64xf32, #tpu.memory_space<hbm>> -> memref<10240x64xf32, #tpu.memory_space<hbm>>
      tpu.enqueue_indirect_dma source(%dma_start3A_408 : memref<10240x64xf32, #tpu.memory_space<hbm>>) target(%dma_start3A_405 : memref<128x64xf32, #tpu.memory_space<vmem>>) offsets(%arg8 : memref<128xi32, #tpu.memory_space<vmem>>) semaphore(%arg19 : memref<!tpu.dma_semaphore, #tpu.memory_space<semaphore_mem>>)
      %add3A_409 = arith.constant 3 : i32
      %add3A_410 = arith.addi %mul3A_258, %add3A_409 : i32
      %dma_wait3A_411 = arith.constant 384 : i32
      %dma_wait3A_412 = arith.constant 0 : i32
      %dma_wait3A_413 = tpu.memref_slice %arg11[%dma_wait3A_411, %dma_wait3A_412] : memref<512x64xf32, #tpu.memory_space<vmem>> -> memref<128x64xf32, #tpu.memory_space<vmem>>
      %dma_wait3A_414 = arith.constant 0 : i32
      %dma_wait3A_415 = arith.constant 0 : i32
      %dma_wait3A_416 = tpu.memref_slice %arg2[%dma_wait3A_414, %dma_wait3A_415] : memref<10240x64xf32, #tpu.memory_space<hbm>> -> memref<10240x64xf32, #tpu.memory_space<hbm>>
      tpu.wait_indirect_dma semaphore(%arg20 : memref<!tpu.dma_semaphore, #tpu.memory_space<semaphore_mem>>) src(%dma_wait3A_416 : memref<10240x64xf32, #tpu.memory_space<hbm>>) dst(%dma_wait3A_413 : memref<128x64xf32, #tpu.memory_space<vmem>>)
      %dma_start3A_417 = arith.constant 384 : i32
      %dma_start3A_418 = arith.constant 0 : i32
      %dma_start3A_419 = tpu.memref_slice %arg11[%dma_start3A_417, %dma_start3A_418] : memref<512x64xf32, #tpu.memory_space<vmem>> -> memref<128x64xf32, #tpu.memory_space<vmem>>
      %dma_start3A_420 = arith.constant 0 : i32
      %dma_start3A_421 = tpu.memref_slice %arg10[%add3A_410, %dma_start3A_420] : memref<80x128xi32, #tpu.memory_space<vmem>> -> memref<1x128xi32, #tpu.memory_space<vmem>>
      %dma_start3A_422 = tpu.memref_squeeze %dma_start3A_421 : memref<1x128xi32, #tpu.memory_space<vmem>> -> memref<128xi32, #tpu.memory_space<vmem>>
      %dma_start3A_423 = arith.constant 0 : i32
      %dma_start3A_424 = arith.constant 0 : i32
      %dma_start3A_425 = tpu.memref_slice %arg12[%dma_start3A_423, %dma_start3A_424] : memref<10240x64xf32, #tpu.memory_space<vmem_shared>> -> memref<10240x64xf32, #tpu.memory_space<vmem_shared>>
      tpu.enqueue_indirect_dma source(%dma_start3A_419 : memref<128x64xf32, #tpu.memory_space<vmem>>) target(%dma_start3A_425 : memref<10240x64xf32, #tpu.memory_space<vmem_shared>>) offsets(%dma_start3A_422 : memref<128xi32, #tpu.memory_space<vmem>>) semaphore(%arg24 : memref<!tpu.dma_semaphore, #tpu.memory_space<semaphore_mem>>) {add = true}
      %add3A_426 = arith.constant 4 : i32
      %add3A_427 = arith.addi %add3A_410, %add3A_426 : i32
      %add3A_428 = arith.addi %select_n3A_10, %add3A_427 : i32
      %dma_start3A_429 = arith.constant 0 : i32
      %dma_start3A_430 = tpu.memref_slice %arg3[%add3A_428, %dma_start3A_429] : memref<2640x128xi32, #tpu.memory_space<hbm>> -> memref<1x128xi32, #tpu.memory_space<hbm>>
      %dma_start3A_431 = tpu.memref_squeeze %dma_start3A_430 : memref<1x128xi32, #tpu.memory_space<hbm>> -> memref<128xi32, #tpu.memory_space<hbm>>
      %dma_start3A_432 = arith.constant 0 : i32
      %dma_start3A_433 = tpu.memref_slice %arg3[%add3A_428, %dma_start3A_432] : memref<2640x128xi32, #tpu.memory_space<hbm>> -> memref<1x128xi32, #tpu.memory_space<hbm>>
      %dma_start3A_434 = tpu.memref_squeeze %dma_start3A_433 : memref<1x128xi32, #tpu.memory_space<hbm>> -> memref<128xi32, #tpu.memory_space<hbm>>
      tpu.enqueue_dma source(%dma_start3A_434 : memref<128xi32, #tpu.memory_space<hbm>>) target(%arg9 : memref<128xi32, #tpu.memory_space<vmem>>) target_semaphore(%arg16 : memref<!tpu.dma_semaphore, #tpu.memory_space<semaphore_mem>>)
      %dma_wait3A_435 = arith.constant 384 : i32
      %dma_wait3A_436 = arith.constant 0 : i32
      %dma_wait3A_437 = tpu.memref_slice %arg11[%dma_wait3A_435, %dma_wait3A_436] : memref<512x64xf32, #tpu.memory_space<vmem>> -> memref<128x64xf32, #tpu.memory_space<vmem>>
      %dma_wait3A_438 = arith.constant 0 : i32
      %dma_wait3A_439 = tpu.memref_slice %arg10[%add3A_410, %dma_wait3A_438] : memref<80x128xi32, #tpu.memory_space<vmem>> -> memref<1x128xi32, #tpu.memory_space<vmem>>
      %dma_wait3A_440 = tpu.memref_squeeze %dma_wait3A_439 : memref<1x128xi32, #tpu.memory_space<vmem>> -> memref<128xi32, #tpu.memory_space<vmem>>
      %dma_wait3A_441 = arith.constant 0 : i32
      %dma_wait3A_442 = arith.constant 0 : i32
      %dma_wait3A_443 = tpu.memref_slice %arg12[%dma_wait3A_441, %dma_wait3A_442] : memref<10240x64xf32, #tpu.memory_space<vmem_shared>> -> memref<10240x64xf32, #tpu.memory_space<vmem_shared>>
      tpu.wait_indirect_dma semaphore(%arg24 : memref<!tpu.dma_semaphore, #tpu.memory_space<semaphore_mem>>) src(%dma_wait3A_437 : memref<128x64xf32, #tpu.memory_space<vmem>>) dst(%dma_wait3A_443 : memref<10240x64xf32, #tpu.memory_space<vmem_shared>>)
      %add3A_444 = arith.constant 4 : i32
      %add3A_445 = arith.addi %add3A_410, %add3A_444 : i32
      %add3A_446 = arith.addi %select_n3A_10, %add3A_445 : i32
      %dma_wait3A_447 = arith.constant 0 : i32
      %dma_wait3A_448 = tpu.memref_slice %arg3[%add3A_446, %dma_wait3A_447] : memref<2640x128xi32, #tpu.memory_space<hbm>> -> memref<1x128xi32, #tpu.memory_space<hbm>>
      %dma_wait3A_449 = tpu.memref_squeeze %dma_wait3A_448 : memref<1x128xi32, #tpu.memory_space<hbm>> -> memref<128xi32, #tpu.memory_space<hbm>>
      %dma_wait3A_450 = arith.constant 0 : i32
      %dma_wait3A_451 = tpu.memref_slice %arg3[%add3A_446, %dma_wait3A_450] : memref<2640x128xi32, #tpu.memory_space<hbm>> -> memref<1x128xi32, #tpu.memory_space<hbm>>
      %dma_wait3A_452 = tpu.memref_squeeze %dma_wait3A_451 : memref<1x128xi32, #tpu.memory_space<hbm>> -> memref<128xi32, #tpu.memory_space<hbm>>
      tpu.wait_dma2 semaphore(%arg16 : memref<!tpu.dma_semaphore, #tpu.memory_space<semaphore_mem>>) src(%dma_wait3A_452 : memref<128xi32, #tpu.memory_space<hbm>>) dst(%arg9 : memref<128xi32, #tpu.memory_space<vmem>>)
      %dma_start3A_453 = arith.constant 384 : i32
      %dma_start3A_454 = arith.constant 0 : i32
      %dma_start3A_455 = tpu.memref_slice %arg11[%dma_start3A_453, %dma_start3A_454] : memref<512x64xf32, #tpu.memory_space<vmem>> -> memref<128x64xf32, #tpu.memory_space<vmem>>
      %dma_start3A_456 = arith.constant 0 : i32
      %dma_start3A_457 = arith.constant 0 : i32
      %dma_start3A_458 = tpu.memref_slice %arg2[%dma_start3A_456, %dma_start3A_457] : memref<10240x64xf32, #tpu.memory_space<hbm>> -> memref<10240x64xf32, #tpu.memory_space<hbm>>
      tpu.enqueue_indirect_dma source(%dma_start3A_458 : memref<10240x64xf32, #tpu.memory_space<hbm>>) target(%dma_start3A_455 : memref<128x64xf32, #tpu.memory_space<vmem>>) offsets(%arg9 : memref<128xi32, #tpu.memory_space<vmem>>) semaphore(%arg20 : memref<!tpu.dma_semaphore, #tpu.memory_space<semaphore_mem>>)
      %while3A_459 = arith.constant 0 : i32
      scf.yield %while3A_459 : i32
    }
    %while3A_139 = arith.constant 1 : i32
    %while3A_140 = scf.for %while3A_255 = %while3A_136 to %while3A_132 step %while3A_139 iter_args(%while3A_256 = %while3A_138) -> (i32)  : i32 {
      %mul3A_257 = arith.constant 4 : i32
      %mul3A_258 = arith.muli %while3A_255, %mul3A_257 : i32
      %add3A_259 = arith.constant 0 : i32
      %add3A_260 = arith.addi %mul3A_258, %add3A_259 : i32
      %dma_wait3A_261 = arith.constant 0 : i32
      %dma_wait3A_262 = arith.constant 0 : i32
      %dma_wait3A_263 = tpu.memref_slice %arg11[%dma_wait3A_261, %dma_wait3A_262] : memref<512x64xf32, #tpu.memory_space<vmem>> -> memref<128x64xf32, #tpu.memory_space<vmem>>
      %dma_wait3A_264 = arith.constant 0 : i32
      %dma_wait3A_265 = arith.constant 0 : i32
      %dma_wait3A_266 = tpu.memref_slice %arg2[%dma_wait3A_264, %dma_wait3A_265] : memref<10240x64xf32, #tpu.memory_space<hbm>> -> memref<10240x64xf32, #tpu.memory_space<hbm>>
      tpu.wait_indirect_dma semaphore(%arg17 : memref<!tpu.dma_semaphore, #tpu.memory_space<semaphore_mem>>) src(%dma_wait3A_266 : memref<10240x64xf32, #tpu.memory_space<hbm>>) dst(%dma_wait3A_263 : memref<128x64xf32, #tpu.memory_space<vmem>>)
      %dma_start3A_267 = arith.constant 0 : i32
      %dma_start3A_268 = arith.constant 0 : i32
      %dma_start3A_269 = tpu.memref_slice %arg11[%dma_start3A_267, %dma_start3A_268] : memref<512x64xf32, #tpu.memory_space<vmem>> -> memref<128x64xf32, #tpu.memory_space<vmem>>
      %dma_start3A_270 = arith.constant 0 : i32
      %dma_start3A_271 = tpu.memref_slice %arg10[%add3A_260, %dma_start3A_270] : memref<80x128xi32, #tpu.memory_space<vmem>> -> memref<1x128xi32, #tpu.memory_space<vmem>>
      %dma_start3A_272 = tpu.memref_squeeze %dma_start3A_271 : memref<1x128xi32, #tpu.memory_space<vmem>> -> memref<128xi32, #tpu.memory_space<vmem>>
      %dma_start3A_273 = arith.constant 0 : i32
      %dma_start3A_274 = arith.constant 0 : i32
      %dma_start3A_275 = tpu.memref_slice %arg12[%dma_start3A_273, %dma_start3A_274] : memref<10240x64xf32, #tpu.memory_space<vmem_shared>> -> memref<10240x64xf32, #tpu.memory_space<vmem_shared>>
      tpu.enqueue_indirect_dma source(%dma_start3A_269 : memref<128x64xf32, #tpu.memory_space<vmem>>) target(%dma_start3A_275 : memref<10240x64xf32, #tpu.memory_space<vmem_shared>>) offsets(%dma_start3A_272 : memref<128xi32, #tpu.memory_space<vmem>>) semaphore(%arg21 : memref<!tpu.dma_semaphore, #tpu.memory_space<semaphore_mem>>) {add = true}
      %add3A_276 = arith.constant 4 : i32
      %add3A_277 = arith.addi %add3A_260, %add3A_276 : i32
      %add3A_278 = arith.addi %select_n3A_10, %add3A_277 : i32
      %dma_start3A_279 = arith.constant 0 : i32
      %dma_start3A_280 = tpu.memref_slice %arg3[%add3A_278, %dma_start3A_279] : memref<2640x128xi32, #tpu.memory_space<hbm>> -> memref<1x128xi32, #tpu.memory_space<hbm>>
      %dma_start3A_281 = tpu.memref_squeeze %dma_start3A_280 : memref<1x128xi32, #tpu.memory_space<hbm>> -> memref<128xi32, #tpu.memory_space<hbm>>
      %dma_start3A_282 = arith.constant 0 : i32
      %dma_start3A_283 = tpu.memref_slice %arg3[%add3A_278, %dma_start3A_282] : memref<2640x128xi32, #tpu.memory_space<hbm>> -> memref<1x128xi32, #tpu.memory_space<hbm>>
      %dma_start3A_284 = tpu.memref_squeeze %dma_start3A_283 : memref<1x128xi32, #tpu.memory_space<hbm>> -> memref<128xi32, #tpu.memory_space<hbm>>
      tpu.enqueue_dma source(%dma_start3A_284 : memref<128xi32, #tpu.memory_space<hbm>>) target(%arg6 : memref<128xi32, #tpu.memory_space<vmem>>) target_semaphore(%arg13 : memref<!tpu.dma_semaphore, #tpu.memory_space<semaphore_mem>>)
      %dma_wait3A_285 = arith.constant 0 : i32
      %dma_wait3A_286 = arith.constant 0 : i32
      %dma_wait3A_287 = tpu.memref_slice %arg11[%dma_wait3A_285, %dma_wait3A_286] : memref<512x64xf32, #tpu.memory_space<vmem>> -> memref<128x64xf32, #tpu.memory_space<vmem>>
      %dma_wait3A_288 = arith.constant 0 : i32
      %dma_wait3A_289 = tpu.memref_slice %arg10[%add3A_260, %dma_wait3A_288] : memref<80x128xi32, #tpu.memory_space<vmem>> -> memref<1x128xi32, #tpu.memory_space<vmem>>
      %dma_wait3A_290 = tpu.memref_squeeze %dma_wait3A_289 : memref<1x128xi32, #tpu.memory_space<vmem>> -> memref<128xi32, #tpu.memory_space<vmem>>
      %dma_wait3A_291 = arith.constant 0 : i32
      %dma_wait3A_292 = arith.constant 0 : i32
      %dma_wait3A_293 = tpu.memref_slice %arg12[%dma_wait3A_291, %dma_wait3A_292] : memref<10240x64xf32, #tpu.memory_space<vmem_shared>> -> memref<10240x64xf32, #tpu.memory_space<vmem_shared>>
      tpu.wait_indirect_dma semaphore(%arg21 : memref<!tpu.dma_semaphore, #tpu.memory_space<semaphore_mem>>) src(%dma_wait3A_287 : memref<128x64xf32, #tpu.memory_space<vmem>>) dst(%dma_wait3A_293 : memref<10240x64xf32, #tpu.memory_space<vmem_shared>>)
      %add3A_294 = arith.constant 4 : i32
      %add3A_295 = arith.addi %add3A_260, %add3A_294 : i32
      %add3A_296 = arith.addi %select_n3A_10, %add3A_295 : i32
      %dma_wait3A_297 = arith.constant 0 : i32
      %dma_wait3A_298 = tpu.memref_slice %arg3[%add3A_296, %dma_wait3A_297] : memref<2640x128xi32, #tpu.memory_space<hbm>> -> memref<1x128xi32, #tpu.memory_space<hbm>>
      %dma_wait3A_299 = tpu.memref_squeeze %dma_wait3A_298 : memref<1x128xi32, #tpu.memory_space<hbm>> -> memref<128xi32, #tpu.memory_space<hbm>>
      %dma_wait3A_300 = arith.constant 0 : i32
      %dma_wait3A_301 = tpu.memref_slice %arg3[%add3A_296, %dma_wait3A_300] : memref<2640x128xi32, #tpu.memory_space<hbm>> -> memref<1x128xi32, #tpu.memory_space<hbm>>
      %dma_wait3A_302 = tpu.memref_squeeze %dma_wait3A_301 : memref<1x128xi32, #tpu.memory_space<hbm>> -> memref<128xi32, #tpu.memory_space<hbm>>
      tpu.wait_dma2 semaphore(%arg13 : memref<!tpu.dma_semaphore, #tpu.memory_space<semaphore_mem>>) src(%dma_wait3A_302 : memref<128xi32, #tpu.memory_space<hbm>>) dst(%arg6 : memref<128xi32, #tpu.memory_space<vmem>>)
      %dma_start3A_303 = arith.constant 0 : i32
      %dma_start3A_304 = arith.constant 0 : i32
      %dma_start3A_305 = tpu.memref_slice %arg11[%dma_start3A_303, %dma_start3A_304] : memref<512x64xf32, #tpu.memory_space<vmem>> -> memref<128x64xf32, #tpu.memory_space<vmem>>
      %dma_start3A_306 = arith.constant 0 : i32
      %dma_start3A_307 = arith.constant 0 : i32
      %dma_start3A_308 = tpu.memref_slice %arg2[%dma_start3A_306, %dma_start3A_307] : memref<10240x64xf32, #tpu.memory_space<hbm>> -> memref<10240x64xf32, #tpu.memory_space<hbm>>
      tpu.enqueue_indirect_dma source(%dma_start3A_308 : memref<10240x64xf32, #tpu.memory_space<hbm>>) target(%dma_start3A_305 : memref<128x64xf32, #tpu.memory_space<vmem>>) offsets(%arg6 : memref<128xi32, #tpu.memory_space<vmem>>) semaphore(%arg17 : memref<!tpu.dma_semaphore, #tpu.memory_space<semaphore_mem>>)
      %add3A_309 = arith.constant 1 : i32
      %add3A_310 = arith.addi %mul3A_258, %add3A_309 : i32
      %dma_wait3A_311 = arith.constant 128 : i32
      %dma_wait3A_312 = arith.constant 0 : i32
      %dma_wait3A_313 = tpu.memref_slice %arg11[%dma_wait3A_311, %dma_wait3A_312] : memref<512x64xf32, #tpu.memory_space<vmem>> -> memref<128x64xf32, #tpu.memory_space<vmem>>
      %dma_wait3A_314 = arith.constant 0 : i32
      %dma_wait3A_315 = arith.constant 0 : i32
      %dma_wait3A_316 = tpu.memref_slice %arg2[%dma_wait3A_314, %dma_wait3A_315] : memref<10240x64xf32, #tpu.memory_space<hbm>> -> memref<10240x64xf32, #tpu.memory_space<hbm>>
      tpu.wait_indirect_dma semaphore(%arg18 : memref<!tpu.dma_semaphore, #tpu.memory_space<semaphore_mem>>) src(%dma_wait3A_316 : memref<10240x64xf32, #tpu.memory_space<hbm>>) dst(%dma_wait3A_313 : memref<128x64xf32, #tpu.memory_space<vmem>>)
      %dma_start3A_317 = arith.constant 128 : i32
      %dma_start3A_318 = arith.constant 0 : i32
      %dma_start3A_319 = tpu.memref_slice %arg11[%dma_start3A_317, %dma_start3A_318] : memref<512x64xf32, #tpu.memory_space<vmem>> -> memref<128x64xf32, #tpu.memory_space<vmem>>
      %dma_start3A_320 = arith.constant 0 : i32
      %dma_start3A_321 = tpu.memref_slice %arg10[%add3A_310, %dma_start3A_320] : memref<80x128xi32, #tpu.memory_space<vmem>> -> memref<1x128xi32, #tpu.memory_space<vmem>>
      %dma_start3A_322 = tpu.memref_squeeze %dma_start3A_321 : memref<1x128xi32, #tpu.memory_space<vmem>> -> memref<128xi32, #tpu.memory_space<vmem>>
      %dma_start3A_323 = arith.constant 0 : i32
      %dma_start3A_324 = arith.constant 0 : i32
      %dma_start3A_325 = tpu.memref_slice %arg12[%dma_start3A_323, %dma_start3A_324] : memref<10240x64xf32, #tpu.memory_space<vmem_shared>> -> memref<10240x64xf32, #tpu.memory_space<vmem_shared>>
      tpu.enqueue_indirect_dma source(%dma_start3A_319 : memref<128x64xf32, #tpu.memory_space<vmem>>) target(%dma_start3A_325 : memref<10240x64xf32, #tpu.memory_space<vmem_shared>>) offsets(%dma_start3A_322 : memref<128xi32, #tpu.memory_space<vmem>>) semaphore(%arg22 : memref<!tpu.dma_semaphore, #tpu.memory_space<semaphore_mem>>) {add = true}
      %add3A_326 = arith.constant 4 : i32
      %add3A_327 = arith.addi %add3A_310, %add3A_326 : i32
      %add3A_328 = arith.addi %select_n3A_10, %add3A_327 : i32
      %dma_start3A_329 = arith.constant 0 : i32
      %dma_start3A_330 = tpu.memref_slice %arg3[%add3A_328, %dma_start3A_329] : memref<2640x128xi32, #tpu.memory_space<hbm>> -> memref<1x128xi32, #tpu.memory_space<hbm>>
      %dma_start3A_331 = tpu.memref_squeeze %dma_start3A_330 : memref<1x128xi32, #tpu.memory_space<hbm>> -> memref<128xi32, #tpu.memory_space<hbm>>
      %dma_start3A_332 = arith.constant 0 : i32
      %dma_start3A_333 = tpu.memref_slice %arg3[%add3A_328, %dma_start3A_332] : memref<2640x128xi32, #tpu.memory_space<hbm>> -> memref<1x128xi32, #tpu.memory_space<hbm>>
      %dma_start3A_334 = tpu.memref_squeeze %dma_start3A_333 : memref<1x128xi32, #tpu.memory_space<hbm>> -> memref<128xi32, #tpu.memory_space<hbm>>
      tpu.enqueue_dma source(%dma_start3A_334 : memref<128xi32, #tpu.memory_space<hbm>>) target(%arg7 : memref<128xi32, #tpu.memory_space<vmem>>) target_semaphore(%arg14 : memref<!tpu.dma_semaphore, #tpu.memory_space<semaphore_mem>>)
      %dma_wait3A_335 = arith.constant 128 : i32
      %dma_wait3A_336 = arith.constant 0 : i32
      %dma_wait3A_337 = tpu.memref_slice %arg11[%dma_wait3A_335, %dma_wait3A_336] : memref<512x64xf32, #tpu.memory_space<vmem>> -> memref<128x64xf32, #tpu.memory_space<vmem>>
      %dma_wait3A_338 = arith.constant 0 : i32
      %dma_wait3A_339 = tpu.memref_slice %arg10[%add3A_310, %dma_wait3A_338] : memref<80x128xi32, #tpu.memory_space<vmem>> -> memref<1x128xi32, #tpu.memory_space<vmem>>
      %dma_wait3A_340 = tpu.memref_squeeze %dma_wait3A_339 : memref<1x128xi32, #tpu.memory_space<vmem>> -> memref<128xi32, #tpu.memory_space<vmem>>
      %dma_wait3A_341 = arith.constant 0 : i32
      %dma_wait3A_342 = arith.constant 0 : i32
      %dma_wait3A_343 = tpu.memref_slice %arg12[%dma_wait3A_341, %dma_wait3A_342] : memref<10240x64xf32, #tpu.memory_space<vmem_shared>> -> memref<10240x64xf32, #tpu.memory_space<vmem_shared>>
      tpu.wait_indirect_dma semaphore(%arg22 : memref<!tpu.dma_semaphore, #tpu.memory_space<semaphore_mem>>) src(%dma_wait3A_337 : memref<128x64xf32, #tpu.memory_space<vmem>>) dst(%dma_wait3A_343 : memref<10240x64xf32, #tpu.memory_space<vmem_shared>>)
      %add3A_344 = arith.constant 4 : i32
      %add3A_345 = arith.addi %add3A_310, %add3A_344 : i32
      %add3A_346 = arith.addi %select_n3A_10, %add3A_345 : i32
      %dma_wait3A_347 = arith.constant 0 : i32
      %dma_wait3A_348 = tpu.memref_slice %arg3[%add3A_346, %dma_wait3A_347] : memref<2640x128xi32, #tpu.memory_space<hbm>> -> memref<1x128xi32, #tpu.memory_space<hbm>>
      %dma_wait3A_349 = tpu.memref_squeeze %dma_wait3A_348 : memref<1x128xi32, #tpu.memory_space<hbm>> -> memref<128xi32, #tpu.memory_space<hbm>>
      %dma_wait3A_350 = arith.constant 0 : i32
      %dma_wait3A_351 = tpu.memref_slice %arg3[%add3A_346, %dma_wait3A_350] : memref<2640x128xi32, #tpu.memory_space<hbm>> -> memref<1x128xi32, #tpu.memory_space<hbm>>
      %dma_wait3A_352 = tpu.memref_squeeze %dma_wait3A_351 : memref<1x128xi32, #tpu.memory_space<hbm>> -> memref<128xi32, #tpu.memory_space<hbm>>
      tpu.wait_dma2 semaphore(%arg14 : memref<!tpu.dma_semaphore, #tpu.memory_space<semaphore_mem>>) src(%dma_wait3A_352 : memref<128xi32, #tpu.memory_space<hbm>>) dst(%arg7 : memref<128xi32, #tpu.memory_space<vmem>>)
      %dma_start3A_353 = arith.constant 128 : i32
      %dma_start3A_354 = arith.constant 0 : i32
      %dma_start3A_355 = tpu.memref_slice %arg11[%dma_start3A_353, %dma_start3A_354] : memref<512x64xf32, #tpu.memory_space<vmem>> -> memref<128x64xf32, #tpu.memory_space<vmem>>
      %dma_start3A_356 = arith.constant 0 : i32
      %dma_start3A_357 = arith.constant 0 : i32
      %dma_start3A_358 = tpu.memref_slice %arg2[%dma_start3A_356, %dma_start3A_357] : memref<10240x64xf32, #tpu.memory_space<hbm>> -> memref<10240x64xf32, #tpu.memory_space<hbm>>
      tpu.enqueue_indirect_dma source(%dma_start3A_358 : memref<10240x64xf32, #tpu.memory_space<hbm>>) target(%dma_start3A_355 : memref<128x64xf32, #tpu.memory_space<vmem>>) offsets(%arg7 : memref<128xi32, #tpu.memory_space<vmem>>) semaphore(%arg18 : memref<!tpu.dma_semaphore, #tpu.memory_space<semaphore_mem>>)
      %add3A_359 = arith.constant 2 : i32
      %add3A_360 = arith.addi %mul3A_258, %add3A_359 : i32
      %dma_wait3A_361 = arith.constant 256 : i32
      %dma_wait3A_362 = arith.constant 0 : i32
      %dma_wait3A_363 = tpu.memref_slice %arg11[%dma_wait3A_361, %dma_wait3A_362] : memref<512x64xf32, #tpu.memory_space<vmem>> -> memref<128x64xf32, #tpu.memory_space<vmem>>
      %dma_wait3A_364 = arith.constant 0 : i32
      %dma_wait3A_365 = arith.constant 0 : i32
      %dma_wait3A_366 = tpu.memref_slice %arg2[%dma_wait3A_364, %dma_wait3A_365] : memref<10240x64xf32, #tpu.memory_space<hbm>> -> memref<10240x64xf32, #tpu.memory_space<hbm>>
      tpu.wait_indirect_dma semaphore(%arg19 : memref<!tpu.dma_semaphore, #tpu.memory_space<semaphore_mem>>) src(%dma_wait3A_366 : memref<10240x64xf32, #tpu.memory_space<hbm>>) dst(%dma_wait3A_363 : memref<128x64xf32, #tpu.memory_space<vmem>>)
      %dma_start3A_367 = arith.constant 256 : i32
      %dma_start3A_368 = arith.constant 0 : i32
      %dma_start3A_369 = tpu.memref_slice %arg11[%dma_start3A_367, %dma_start3A_368] : memref<512x64xf32, #tpu.memory_space<vmem>> -> memref<128x64xf32, #tpu.memory_space<vmem>>
      %dma_start3A_370 = arith.constant 0 : i32
      %dma_start3A_371 = tpu.memref_slice %arg10[%add3A_360, %dma_start3A_370] : memref<80x128xi32, #tpu.memory_space<vmem>> -> memref<1x128xi32, #tpu.memory_space<vmem>>
      %dma_start3A_372 = tpu.memref_squeeze %dma_start3A_371 : memref<1x128xi32, #tpu.memory_space<vmem>> -> memref<128xi32, #tpu.memory_space<vmem>>
      %dma_start3A_373 = arith.constant 0 : i32
      %dma_start3A_374 = arith.constant 0 : i32
      %dma_start3A_375 = tpu.memref_slice %arg12[%dma_start3A_373, %dma_start3A_374] : memref<10240x64xf32, #tpu.memory_space<vmem_shared>> -> memref<10240x64xf32, #tpu.memory_space<vmem_shared>>
      tpu.enqueue_indirect_dma source(%dma_start3A_369 : memref<128x64xf32, #tpu.memory_space<vmem>>) target(%dma_start3A_375 : memref<10240x64xf32, #tpu.memory_space<vmem_shared>>) offsets(%dma_start3A_372 : memref<128xi32, #tpu.memory_space<vmem>>) semaphore(%arg23 : memref<!tpu.dma_semaphore, #tpu.memory_space<semaphore_mem>>) {add = true}
      %add3A_376 = arith.constant 4 : i32
      %add3A_377 = arith.addi %add3A_360, %add3A_376 : i32
      %add3A_378 = arith.addi %select_n3A_10, %add3A_377 : i32
      %dma_start3A_379 = arith.constant 0 : i32
      %dma_start3A_380 = tpu.memref_slice %arg3[%add3A_378, %dma_start3A_379] : memref<2640x128xi32, #tpu.memory_space<hbm>> -> memref<1x128xi32, #tpu.memory_space<hbm>>
      %dma_start3A_381 = tpu.memref_squeeze %dma_start3A_380 : memref<1x128xi32, #tpu.memory_space<hbm>> -> memref<128xi32, #tpu.memory_space<hbm>>
      %dma_start3A_382 = arith.constant 0 : i32
      %dma_start3A_383 = tpu.memref_slice %arg3[%add3A_378, %dma_start3A_382] : memref<2640x128xi32, #tpu.memory_space<hbm>> -> memref<1x128xi32, #tpu.memory_space<hbm>>
      %dma_start3A_384 = tpu.memref_squeeze %dma_start3A_383 : memref<1x128xi32, #tpu.memory_space<hbm>> -> memref<128xi32, #tpu.memory_space<hbm>>
      tpu.enqueue_dma source(%dma_start3A_384 : memref<128xi32, #tpu.memory_space<hbm>>) target(%arg8 : memref<128xi32, #tpu.memory_space<vmem>>) target_semaphore(%arg15 : memref<!tpu.dma_semaphore, #tpu.memory_space<semaphore_mem>>)
      %dma_wait3A_385 = arith.constant 256 : i32
      %dma_wait3A_386 = arith.constant 0 : i32
      %dma_wait3A_387 = tpu.memref_slice %arg11[%dma_wait3A_385, %dma_wait3A_386] : memref<512x64xf32, #tpu.memory_space<vmem>> -> memref<128x64xf32, #tpu.memory_space<vmem>>
      %dma_wait3A_388 = arith.constant 0 : i32
      %dma_wait3A_389 = tpu.memref_slice %arg10[%add3A_360, %dma_wait3A_388] : memref<80x128xi32, #tpu.memory_space<vmem>> -> memref<1x128xi32, #tpu.memory_space<vmem>>
      %dma_wait3A_390 = tpu.memref_squeeze %dma_wait3A_389 : memref<1x128xi32, #tpu.memory_space<vmem>> -> memref<128xi32, #tpu.memory_space<vmem>>
      %dma_wait3A_391 = arith.constant 0 : i32
      %dma_wait3A_392 = arith.constant 0 : i32
      %dma_wait3A_393 = tpu.memref_slice %arg12[%dma_wait3A_391, %dma_wait3A_392] : memref<10240x64xf32, #tpu.memory_space<vmem_shared>> -> memref<10240x64xf32, #tpu.memory_space<vmem_shared>>
      tpu.wait_indirect_dma semaphore(%arg23 : memref<!tpu.dma_semaphore, #tpu.memory_space<semaphore_mem>>) src(%dma_wait3A_387 : memref<128x64xf32, #tpu.memory_space<vmem>>) dst(%dma_wait3A_393 : memref<10240x64xf32, #tpu.memory_space<vmem_shared>>)
      %add3A_394 = arith.constant 4 : i32
      %add3A_395 = arith.addi %add3A_360, %add3A_394 : i32
      %add3A_396 = arith.addi %select_n3A_10, %add3A_395 : i32
      %dma_wait3A_397 = arith.constant 0 : i32
      %dma_wait3A_398 = tpu.memref_slice %arg3[%add3A_396, %dma_wait3A_397] : memref<2640x128xi32, #tpu.memory_space<hbm>> -> memref<1x128xi32, #tpu.memory_space<hbm>>
      %dma_wait3A_399 = tpu.memref_squeeze %dma_wait3A_398 : memref<1x128xi32, #tpu.memory_space<hbm>> -> memref<128xi32, #tpu.memory_space<hbm>>
      %dma_wait3A_400 = arith.constant 0 : i32
      %dma_wait3A_401 = tpu.memref_slice %arg3[%add3A_396, %dma_wait3A_400] : memref<2640x128xi32, #tpu.memory_space<hbm>> -> memref<1x128xi32, #tpu.memory_space<hbm>>
      %dma_wait3A_402 = tpu.memref_squeeze %dma_wait3A_401 : memref<1x128xi32, #tpu.memory_space<hbm>> -> memref<128xi32, #tpu.memory_space<hbm>>
      tpu.wait_dma2 semaphore(%arg15 : memref<!tpu.dma_semaphore, #tpu.memory_space<semaphore_mem>>) src(%dma_wait3A_402 : memref<128xi32, #tpu.memory_space<hbm>>) dst(%arg8 : memref<128xi32, #tpu.memory_space<vmem>>)
      %dma_start3A_403 = arith.constant 256 : i32
      %dma_start3A_404 = arith.constant 0 : i32
      %dma_start3A_405 = tpu.memref_slice %arg11[%dma_start3A_403, %dma_start3A_404] : memref<512x64xf32, #tpu.memory_space<vmem>> -> memref<128x64xf32, #tpu.memory_space<vmem>>
      %dma_start3A_406 = arith.constant 0 : i32
      %dma_start3A_407 = arith.constant 0 : i32
      %dma_start3A_408 = tpu.memref_slice %arg2[%dma_start3A_406, %dma_start3A_407] : memref<10240x64xf32, #tpu.memory_space<hbm>> -> memref<10240x64xf32, #tpu.memory_space<hbm>>
      tpu.enqueue_indirect_dma source(%dma_start3A_408 : memref<10240x64xf32, #tpu.memory_space<hbm>>) target(%dma_start3A_405 : memref<128x64xf32, #tpu.memory_space<vmem>>) offsets(%arg8 : memref<128xi32, #tpu.memory_space<vmem>>) semaphore(%arg19 : memref<!tpu.dma_semaphore, #tpu.memory_space<semaphore_mem>>)
      %add3A_409 = arith.constant 3 : i32
      %add3A_410 = arith.addi %mul3A_258, %add3A_409 : i32
      %dma_wait3A_411 = arith.constant 384 : i32
      %dma_wait3A_412 = arith.constant 0 : i32
      %dma_wait3A_413 = tpu.memref_slice %arg11[%dma_wait3A_411, %dma_wait3A_412] : memref<512x64xf32, #tpu.memory_space<vmem>> -> memref<128x64xf32, #tpu.memory_space<vmem>>
      %dma_wait3A_414 = arith.constant 0 : i32
      %dma_wait3A_415 = arith.constant 0 : i32
      %dma_wait3A_416 = tpu.memref_slice %arg2[%dma_wait3A_414, %dma_wait3A_415] : memref<10240x64xf32, #tpu.memory_space<hbm>> -> memref<10240x64xf32, #tpu.memory_space<hbm>>
      tpu.wait_indirect_dma semaphore(%arg20 : memref<!tpu.dma_semaphore, #tpu.memory_space<semaphore_mem>>) src(%dma_wait3A_416 : memref<10240x64xf32, #tpu.memory_space<hbm>>) dst(%dma_wait3A_413 : memref<128x64xf32, #tpu.memory_space<vmem>>)
      %dma_start3A_417 = arith.constant 384 : i32
      %dma_start3A_418 = arith.constant 0 : i32
      %dma_start3A_419 = tpu.memref_slice %arg11[%dma_start3A_417, %dma_start3A_418] : memref<512x64xf32, #tpu.memory_space<vmem>> -> memref<128x64xf32, #tpu.memory_space<vmem>>
      %dma_start3A_420 = arith.constant 0 : i32
      %dma_start3A_421 = tpu.memref_slice %arg10[%add3A_410, %dma_start3A_420] : memref<80x128xi32, #tpu.memory_space<vmem>> -> memref<1x128xi32, #tpu.memory_space<vmem>>
      %dma_start3A_422 = tpu.memref_squeeze %dma_start3A_421 : memref<1x128xi32, #tpu.memory_space<vmem>> -> memref<128xi32, #tpu.memory_space<vmem>>
      %dma_start3A_423 = arith.constant 0 : i32
      %dma_start3A_424 = arith.constant 0 : i32
      %dma_start3A_425 = tpu.memref_slice %arg12[%dma_start3A_423, %dma_start3A_424] : memref<10240x64xf32, #tpu.memory_space<vmem_shared>> -> memref<10240x64xf32, #tpu.memory_space<vmem_shared>>
      tpu.enqueue_indirect_dma source(%dma_start3A_419 : memref<128x64xf32, #tpu.memory_space<vmem>>) target(%dma_start3A_425 : memref<10240x64xf32, #tpu.memory_space<vmem_shared>>) offsets(%dma_start3A_422 : memref<128xi32, #tpu.memory_space<vmem>>) semaphore(%arg24 : memref<!tpu.dma_semaphore, #tpu.memory_space<semaphore_mem>>) {add = true}
      %add3A_426 = arith.constant 4 : i32
      %add3A_427 = arith.addi %add3A_410, %add3A_426 : i32
      %add3A_428 = arith.addi %select_n3A_10, %add3A_427 : i32
      %dma_start3A_429 = arith.constant 0 : i32
      %dma_start3A_430 = tpu.memref_slice %arg3[%add3A_428, %dma_start3A_429] : memref<2640x128xi32, #tpu.memory_space<hbm>> -> memref<1x128xi32, #tpu.memory_space<hbm>>
      %dma_start3A_431 = tpu.memref_squeeze %dma_start3A_430 : memref<1x128xi32, #tpu.memory_space<hbm>> -> memref<128xi32, #tpu.memory_space<hbm>>
      %dma_start3A_432 = arith.constant 0 : i32
      %dma_start3A_433 = tpu.memref_slice %arg3[%add3A_428, %dma_start3A_432] : memref<2640x128xi32, #tpu.memory_space<hbm>> -> memref<1x128xi32, #tpu.memory_space<hbm>>
      %dma_start3A_434 = tpu.memref_squeeze %dma_start3A_433 : memref<1x128xi32, #tpu.memory_space<hbm>> -> memref<128xi32, #tpu.memory_space<hbm>>
      tpu.enqueue_dma source(%dma_start3A_434 : memref<128xi32, #tpu.memory_space<hbm>>) target(%arg9 : memref<128xi32, #tpu.memory_space<vmem>>) target_semaphore(%arg16 : memref<!tpu.dma_semaphore, #tpu.memory_space<semaphore_mem>>)
      %dma_wait3A_435 = arith.constant 384 : i32
      %dma_wait3A_436 = arith.constant 0 : i32
      %dma_wait3A_437 = tpu.memref_slice %arg11[%dma_wait3A_435, %dma_wait3A_436] : memref<512x64xf32, #tpu.memory_space<vmem>> -> memref<128x64xf32, #tpu.memory_space<vmem>>
      %dma_wait3A_438 = arith.constant 0 : i32
      %dma_wait3A_439 = tpu.memref_slice %arg10[%add3A_410, %dma_wait3A_438] : memref<80x128xi32, #tpu.memory_space<vmem>> -> memref<1x128xi32, #tpu.memory_space<vmem>>
      %dma_wait3A_440 = tpu.memref_squeeze %dma_wait3A_439 : memref<1x128xi32, #tpu.memory_space<vmem>> -> memref<128xi32, #tpu.memory_space<vmem>>
      %dma_wait3A_441 = arith.constant 0 : i32
      %dma_wait3A_442 = arith.constant 0 : i32
      %dma_wait3A_443 = tpu.memref_slice %arg12[%dma_wait3A_441, %dma_wait3A_442] : memref<10240x64xf32, #tpu.memory_space<vmem_shared>> -> memref<10240x64xf32, #tpu.memory_space<vmem_shared>>
      tpu.wait_indirect_dma semaphore(%arg24 : memref<!tpu.dma_semaphore, #tpu.memory_space<semaphore_mem>>) src(%dma_wait3A_437 : memref<128x64xf32, #tpu.memory_space<vmem>>) dst(%dma_wait3A_443 : memref<10240x64xf32, #tpu.memory_space<vmem_shared>>)
      %add3A_444 = arith.constant 4 : i32
      %add3A_445 = arith.addi %add3A_410, %add3A_444 : i32
      %add3A_446 = arith.addi %select_n3A_10, %add3A_445 : i32
      %dma_wait3A_447 = arith.constant 0 : i32
      %dma_wait3A_448 = tpu.memref_slice %arg3[%add3A_446, %dma_wait3A_447] : memref<2640x128xi32, #tpu.memory_space<hbm>> -> memref<1x128xi32, #tpu.memory_space<hbm>>
      %dma_wait3A_449 = tpu.memref_squeeze %dma_wait3A_448 : memref<1x128xi32, #tpu.memory_space<hbm>> -> memref<128xi32, #tpu.memory_space<hbm>>
      %dma_wait3A_450 = arith.constant 0 : i32
      %dma_wait3A_451 = tpu.memref_slice %arg3[%add3A_446, %dma_wait3A_450] : memref<2640x128xi32, #tpu.memory_space<hbm>> -> memref<1x128xi32, #tpu.memory_space<hbm>>
      %dma_wait3A_452 = tpu.memref_squeeze %dma_wait3A_451 : memref<1x128xi32, #tpu.memory_space<hbm>> -> memref<128xi32, #tpu.memory_space<hbm>>
      tpu.wait_dma2 semaphore(%arg16 : memref<!tpu.dma_semaphore, #tpu.memory_space<semaphore_mem>>) src(%dma_wait3A_452 : memref<128xi32, #tpu.memory_space<hbm>>) dst(%arg9 : memref<128xi32, #tpu.memory_space<vmem>>)
      %dma_start3A_453 = arith.constant 384 : i32
      %dma_start3A_454 = arith.constant 0 : i32
      %dma_start3A_455 = tpu.memref_slice %arg11[%dma_start3A_453, %dma_start3A_454] : memref<512x64xf32, #tpu.memory_space<vmem>> -> memref<128x64xf32, #tpu.memory_space<vmem>>
      %dma_start3A_456 = arith.constant 0 : i32
      %dma_start3A_457 = arith.constant 0 : i32
      %dma_start3A_458 = tpu.memref_slice %arg2[%dma_start3A_456, %dma_start3A_457] : memref<10240x64xf32, #tpu.memory_space<hbm>> -> memref<10240x64xf32, #tpu.memory_space<hbm>>
      tpu.enqueue_indirect_dma source(%dma_start3A_458 : memref<10240x64xf32, #tpu.memory_space<hbm>>) target(%dma_start3A_455 : memref<128x64xf32, #tpu.memory_space<vmem>>) offsets(%arg9 : memref<128xi32, #tpu.memory_space<vmem>>) semaphore(%arg20 : memref<!tpu.dma_semaphore, #tpu.memory_space<semaphore_mem>>)
      %while3A_459 = arith.constant 0 : i32
      scf.yield %while3A_459 : i32
    }
    %sub3A_141 = arith.constant 4 : i32
    %sub3A_142 = arith.subi %select_n3A, %sub3A_141 : i32
    %dma_wait3A_143 = arith.constant 0 : i32
    %dma_wait3A_144 = arith.constant 0 : i32
    %dma_wait3A_145 = tpu.memref_slice %arg11[%dma_wait3A_143, %dma_wait3A_144] : memref<512x64xf32, #tpu.memory_space<vmem>> -> memref<128x64xf32, #tpu.memory_space<vmem>>
    %dma_wait3A_146 = arith.constant 0 : i32
    %dma_wait3A_147 = arith.constant 0 : i32
    %dma_wait3A_148 = tpu.memref_slice %arg2[%dma_wait3A_146, %dma_wait3A_147] : memref<10240x64xf32, #tpu.memory_space<hbm>> -> memref<10240x64xf32, #tpu.memory_space<hbm>>
    tpu.wait_indirect_dma semaphore(%arg17 : memref<!tpu.dma_semaphore, #tpu.memory_space<semaphore_mem>>) src(%dma_wait3A_148 : memref<10240x64xf32, #tpu.memory_space<hbm>>) dst(%dma_wait3A_145 : memref<128x64xf32, #tpu.memory_space<vmem>>)
    %add3A_149 = arith.constant 0 : i32
    %add3A_150 = arith.addi %sub3A_142, %add3A_149 : i32
    %dma_start3A_151 = arith.constant 0 : i32
    %dma_start3A_152 = arith.constant 0 : i32
    %dma_start3A_153 = tpu.memref_slice %arg11[%dma_start3A_151, %dma_start3A_152] : memref<512x64xf32, #tpu.memory_space<vmem>> -> memref<128x64xf32, #tpu.memory_space<vmem>>
    %dma_start3A_154 = arith.constant 0 : i32
    %dma_start3A_155 = tpu.memref_slice %arg10[%add3A_150, %dma_start3A_154] : memref<80x128xi32, #tpu.memory_space<vmem>> -> memref<1x128xi32, #tpu.memory_space<vmem>>
    %dma_start3A_156 = tpu.memref_squeeze %dma_start3A_155 : memref<1x128xi32, #tpu.memory_space<vmem>> -> memref<128xi32, #tpu.memory_space<vmem>>
    %dma_start3A_157 = arith.constant 0 : i32
    %dma_start3A_158 = arith.constant 0 : i32
    %dma_start3A_159 = tpu.memref_slice %arg12[%dma_start3A_157, %dma_start3A_158] : memref<10240x64xf32, #tpu.memory_space<vmem_shared>> -> memref<10240x64xf32, #tpu.memory_space<vmem_shared>>
    tpu.enqueue_indirect_dma source(%dma_start3A_153 : memref<128x64xf32, #tpu.memory_space<vmem>>) target(%dma_start3A_159 : memref<10240x64xf32, #tpu.memory_space<vmem_shared>>) offsets(%dma_start3A_156 : memref<128xi32, #tpu.memory_space<vmem>>) semaphore(%arg21 : memref<!tpu.dma_semaphore, #tpu.memory_space<semaphore_mem>>) {add = true}
    %dma_wait3A_160 = arith.constant 128 : i32
    %dma_wait3A_161 = arith.constant 0 : i32
    %dma_wait3A_162 = tpu.memref_slice %arg11[%dma_wait3A_160, %dma_wait3A_161] : memref<512x64xf32, #tpu.memory_space<vmem>> -> memref<128x64xf32, #tpu.memory_space<vmem>>
    %dma_wait3A_163 = arith.constant 0 : i32
    %dma_wait3A_164 = arith.constant 0 : i32
    %dma_wait3A_165 = tpu.memref_slice %arg2[%dma_wait3A_163, %dma_wait3A_164] : memref<10240x64xf32, #tpu.memory_space<hbm>> -> memref<10240x64xf32, #tpu.memory_space<hbm>>
    tpu.wait_indirect_dma semaphore(%arg18 : memref<!tpu.dma_semaphore, #tpu.memory_space<semaphore_mem>>) src(%dma_wait3A_165 : memref<10240x64xf32, #tpu.memory_space<hbm>>) dst(%dma_wait3A_162 : memref<128x64xf32, #tpu.memory_space<vmem>>)
    %add3A_166 = arith.constant 1 : i32
    %add3A_167 = arith.addi %sub3A_142, %add3A_166 : i32
    %dma_start3A_168 = arith.constant 128 : i32
    %dma_start3A_169 = arith.constant 0 : i32
    %dma_start3A_170 = tpu.memref_slice %arg11[%dma_start3A_168, %dma_start3A_169] : memref<512x64xf32, #tpu.memory_space<vmem>> -> memref<128x64xf32, #tpu.memory_space<vmem>>
    %dma_start3A_171 = arith.constant 0 : i32
    %dma_start3A_172 = tpu.memref_slice %arg10[%add3A_167, %dma_start3A_171] : memref<80x128xi32, #tpu.memory_space<vmem>> -> memref<1x128xi32, #tpu.memory_space<vmem>>
    %dma_start3A_173 = tpu.memref_squeeze %dma_start3A_172 : memref<1x128xi32, #tpu.memory_space<vmem>> -> memref<128xi32, #tpu.memory_space<vmem>>
    %dma_start3A_174 = arith.constant 0 : i32
    %dma_start3A_175 = arith.constant 0 : i32
    %dma_start3A_176 = tpu.memref_slice %arg12[%dma_start3A_174, %dma_start3A_175] : memref<10240x64xf32, #tpu.memory_space<vmem_shared>> -> memref<10240x64xf32, #tpu.memory_space<vmem_shared>>
    tpu.enqueue_indirect_dma source(%dma_start3A_170 : memref<128x64xf32, #tpu.memory_space<vmem>>) target(%dma_start3A_176 : memref<10240x64xf32, #tpu.memory_space<vmem_shared>>) offsets(%dma_start3A_173 : memref<128xi32, #tpu.memory_space<vmem>>) semaphore(%arg22 : memref<!tpu.dma_semaphore, #tpu.memory_space<semaphore_mem>>) {add = true}
    %dma_wait3A_177 = arith.constant 256 : i32
    %dma_wait3A_178 = arith.constant 0 : i32
    %dma_wait3A_179 = tpu.memref_slice %arg11[%dma_wait3A_177, %dma_wait3A_178] : memref<512x64xf32, #tpu.memory_space<vmem>> -> memref<128x64xf32, #tpu.memory_space<vmem>>
    %dma_wait3A_180 = arith.constant 0 : i32
    %dma_wait3A_181 = arith.constant 0 : i32
    %dma_wait3A_182 = tpu.memref_slice %arg2[%dma_wait3A_180, %dma_wait3A_181] : memref<10240x64xf32, #tpu.memory_space<hbm>> -> memref<10240x64xf32, #tpu.memory_space<hbm>>
    tpu.wait_indirect_dma semaphore(%arg19 : memref<!tpu.dma_semaphore, #tpu.memory_space<semaphore_mem>>) src(%dma_wait3A_182 : memref<10240x64xf32, #tpu.memory_space<hbm>>) dst(%dma_wait3A_179 : memref<128x64xf32, #tpu.memory_space<vmem>>)
    %add3A_183 = arith.constant 2 : i32
    %add3A_184 = arith.addi %sub3A_142, %add3A_183 : i32
    %dma_start3A_185 = arith.constant 256 : i32
    %dma_start3A_186 = arith.constant 0 : i32
    %dma_start3A_187 = tpu.memref_slice %arg11[%dma_start3A_185, %dma_start3A_186] : memref<512x64xf32, #tpu.memory_space<vmem>> -> memref<128x64xf32, #tpu.memory_space<vmem>>
    %dma_start3A_188 = arith.constant 0 : i32
    %dma_start3A_189 = tpu.memref_slice %arg10[%add3A_184, %dma_start3A_188] : memref<80x128xi32, #tpu.memory_space<vmem>> -> memref<1x128xi32, #tpu.memory_space<vmem>>
    %dma_start3A_190 = tpu.memref_squeeze %dma_start3A_189 : memref<1x128xi32, #tpu.memory_space<vmem>> -> memref<128xi32, #tpu.memory_space<vmem>>
    %dma_start3A_191 = arith.constant 0 : i32
    %dma_start3A_192 = arith.constant 0 : i32
    %dma_start3A_193 = tpu.memref_slice %arg12[%dma_start3A_191, %dma_start3A_192] : memref<10240x64xf32, #tpu.memory_space<vmem_shared>> -> memref<10240x64xf32, #tpu.memory_space<vmem_shared>>
    tpu.enqueue_indirect_dma source(%dma_start3A_187 : memref<128x64xf32, #tpu.memory_space<vmem>>) target(%dma_start3A_193 : memref<10240x64xf32, #tpu.memory_space<vmem_shared>>) offsets(%dma_start3A_190 : memref<128xi32, #tpu.memory_space<vmem>>) semaphore(%arg23 : memref<!tpu.dma_semaphore, #tpu.memory_space<semaphore_mem>>) {add = true}
    %dma_wait3A_194 = arith.constant 384 : i32
    %dma_wait3A_195 = arith.constant 0 : i32
    %dma_wait3A_196 = tpu.memref_slice %arg11[%dma_wait3A_194, %dma_wait3A_195] : memref<512x64xf32, #tpu.memory_space<vmem>> -> memref<128x64xf32, #tpu.memory_space<vmem>>
    %dma_wait3A_197 = arith.constant 0 : i32
    %dma_wait3A_198 = arith.constant 0 : i32
    %dma_wait3A_199 = tpu.memref_slice %arg2[%dma_wait3A_197, %dma_wait3A_198] : memref<10240x64xf32, #tpu.memory_space<hbm>> -> memref<10240x64xf32, #tpu.memory_space<hbm>>
    tpu.wait_indirect_dma semaphore(%arg20 : memref<!tpu.dma_semaphore, #tpu.memory_space<semaphore_mem>>) src(%dma_wait3A_199 : memref<10240x64xf32, #tpu.memory_space<hbm>>) dst(%dma_wait3A_196 : memref<128x64xf32, #tpu.memory_space<vmem>>)
    %add3A_200 = arith.constant 3 : i32
    %add3A_201 = arith.addi %sub3A_142, %add3A_200 : i32
    %dma_start3A_202 = arith.constant 384 : i32
    %dma_start3A_203 = arith.constant 0 : i32
    %dma_start3A_204 = tpu.memref_slice %arg11[%dma_start3A_202, %dma_start3A_203] : memref<512x64xf32, #tpu.memory_space<vmem>> -> memref<128x64xf32, #tpu.memory_space<vmem>>
    %dma_start3A_205 = arith.constant 0 : i32
    %dma_start3A_206 = tpu.memref_slice %arg10[%add3A_201, %dma_start3A_205] : memref<80x128xi32, #tpu.memory_space<vmem>> -> memref<1x128xi32, #tpu.memory_space<vmem>>
    %dma_start3A_207 = tpu.memref_squeeze %dma_start3A_206 : memref<1x128xi32, #tpu.memory_space<vmem>> -> memref<128xi32, #tpu.memory_space<vmem>>
    %dma_start3A_208 = arith.constant 0 : i32
    %dma_start3A_209 = arith.constant 0 : i32
    %dma_start3A_210 = tpu.memref_slice %arg12[%dma_start3A_208, %dma_start3A_209] : memref<10240x64xf32, #tpu.memory_space<vmem_shared>> -> memref<10240x64xf32, #tpu.memory_space<vmem_shared>>
    tpu.enqueue_indirect_dma source(%dma_start3A_204 : memref<128x64xf32, #tpu.memory_space<vmem>>) target(%dma_start3A_210 : memref<10240x64xf32, #tpu.memory_space<vmem_shared>>) offsets(%dma_start3A_207 : memref<128xi32, #tpu.memory_space<vmem>>) semaphore(%arg24 : memref<!tpu.dma_semaphore, #tpu.memory_space<semaphore_mem>>) {add = true}
    %dma_wait3A_211 = arith.constant 0 : i32
    %dma_wait3A_212 = arith.constant 0 : i32
    %dma_wait3A_213 = tpu.memref_slice %arg11[%dma_wait3A_211, %dma_wait3A_212] : memref<512x64xf32, #tpu.memory_space<vmem>> -> memref<128x64xf32, #tpu.memory_space<vmem>>
    %dma_wait3A_214 = arith.constant 0 : i32
    %dma_wait3A_215 = tpu.memref_slice %arg10[%add3A_150, %dma_wait3A_214] : memref<80x128xi32, #tpu.memory_space<vmem>> -> memref<1x128xi32, #tpu.memory_space<vmem>>
    %dma_wait3A_216 = tpu.memref_squeeze %dma_wait3A_215 : memref<1x128xi32, #tpu.memory_space<vmem>> -> memref<128xi32, #tpu.memory_space<vmem>>
    %dma_wait3A_217 = arith.constant 0 : i32
    %dma_wait3A_218 = arith.constant 0 : i32
    %dma_wait3A_219 = tpu.memref_slice %arg12[%dma_wait3A_217, %dma_wait3A_218] : memref<10240x64xf32, #tpu.memory_space<vmem_shared>> -> memref<10240x64xf32, #tpu.memory_space<vmem_shared>>
    tpu.wait_indirect_dma semaphore(%arg21 : memref<!tpu.dma_semaphore, #tpu.memory_space<semaphore_mem>>) src(%dma_wait3A_213 : memref<128x64xf32, #tpu.memory_space<vmem>>) dst(%dma_wait3A_219 : memref<10240x64xf32, #tpu.memory_space<vmem_shared>>)
    %dma_wait3A_220 = arith.constant 128 : i32
    %dma_wait3A_221 = arith.constant 0 : i32
    %dma_wait3A_222 = tpu.memref_slice %arg11[%dma_wait3A_220, %dma_wait3A_221] : memref<512x64xf32, #tpu.memory_space<vmem>> -> memref<128x64xf32, #tpu.memory_space<vmem>>
    %dma_wait3A_223 = arith.constant 0 : i32
    %dma_wait3A_224 = tpu.memref_slice %arg10[%add3A_167, %dma_wait3A_223] : memref<80x128xi32, #tpu.memory_space<vmem>> -> memref<1x128xi32, #tpu.memory_space<vmem>>
    %dma_wait3A_225 = tpu.memref_squeeze %dma_wait3A_224 : memref<1x128xi32, #tpu.memory_space<vmem>> -> memref<128xi32, #tpu.memory_space<vmem>>
    %dma_wait3A_226 = arith.constant 0 : i32
    %dma_wait3A_227 = arith.constant 0 : i32
    %dma_wait3A_228 = tpu.memref_slice %arg12[%dma_wait3A_226, %dma_wait3A_227] : memref<10240x64xf32, #tpu.memory_space<vmem_shared>> -> memref<10240x64xf32, #tpu.memory_space<vmem_shared>>
    tpu.wait_indirect_dma semaphore(%arg22 : memref<!tpu.dma_semaphore, #tpu.memory_space<semaphore_mem>>) src(%dma_wait3A_222 : memref<128x64xf32, #tpu.memory_space<vmem>>) dst(%dma_wait3A_228 : memref<10240x64xf32, #tpu.memory_space<vmem_shared>>)
    %dma_wait3A_229 = arith.constant 256 : i32
    %dma_wait3A_230 = arith.constant 0 : i32
    %dma_wait3A_231 = tpu.memref_slice %arg11[%dma_wait3A_229, %dma_wait3A_230] : memref<512x64xf32, #tpu.memory_space<vmem>> -> memref<128x64xf32, #tpu.memory_space<vmem>>
    %dma_wait3A_232 = arith.constant 0 : i32
    %dma_wait3A_233 = tpu.memref_slice %arg10[%add3A_184, %dma_wait3A_232] : memref<80x128xi32, #tpu.memory_space<vmem>> -> memref<1x128xi32, #tpu.memory_space<vmem>>
    %dma_wait3A_234 = tpu.memref_squeeze %dma_wait3A_233 : memref<1x128xi32, #tpu.memory_space<vmem>> -> memref<128xi32, #tpu.memory_space<vmem>>
    %dma_wait3A_235 = arith.constant 0 : i32
    %dma_wait3A_236 = arith.constant 0 : i32
    %dma_wait3A_237 = tpu.memref_slice %arg12[%dma_wait3A_235, %dma_wait3A_236] : memref<10240x64xf32, #tpu.memory_space<vmem_shared>> -> memref<10240x64xf32, #tpu.memory_space<vmem_shared>>
    tpu.wait_indirect_dma semaphore(%arg23 : memref<!tpu.dma_semaphore, #tpu.memory_space<semaphore_mem>>) src(%dma_wait3A_231 : memref<128x64xf32, #tpu.memory_space<vmem>>) dst(%dma_wait3A_237 : memref<10240x64xf32, #tpu.memory_space<vmem_shared>>)
    %dma_wait3A_238 = arith.constant 384 : i32
    %dma_wait3A_239 = arith.constant 0 : i32
    %dma_wait3A_240 = tpu.memref_slice %arg11[%dma_wait3A_238, %dma_wait3A_239] : memref<512x64xf32, #tpu.memory_space<vmem>> -> memref<128x64xf32, #tpu.memory_space<vmem>>
    %dma_wait3A_241 = arith.constant 0 : i32
    %dma_wait3A_242 = tpu.memref_slice %arg10[%add3A_201, %dma_wait3A_241] : memref<80x128xi32, #tpu.memory_space<vmem>> -> memref<1x128xi32, #tpu.memory_space<vmem>>
    %dma_wait3A_243 = tpu.memref_squeeze %dma_wait3A_242 : memref<1x128xi32, #tpu.memory_space<vmem>> -> memref<128xi32, #tpu.memory_space<vmem>>
    %dma_wait3A_244 = arith.constant 0 : i32
    %dma_wait3A_245 = arith.constant 0 : i32
    %dma_wait3A_246 = tpu.memref_slice %arg12[%dma_wait3A_244, %dma_wait3A_245] : memref<10240x64xf32, #tpu.memory_space<vmem_shared>> -> memref<10240x64xf32, #tpu.memory_space<vmem_shared>>
    tpu.wait_indirect_dma semaphore(%arg24 : memref<!tpu.dma_semaphore, #tpu.memory_space<semaphore_mem>>) src(%dma_wait3A_240 : memref<128x64xf32, #tpu.memory_space<vmem>>) dst(%dma_wait3A_246 : memref<10240x64xf32, #tpu.memory_space<vmem_shared>>)
    %barrier3A_247 = arith.constant 0 : index
    tpu.barrier barrier_id(%barrier3A_247)
    %scan3A_248 = arith.constant 0 : i32
    %scan3A_249 = arith.constant 0 : i32
    %scan3A_250 = arith.constant 5 : i32
    %scan3A_251 = arith.addi %scan3A_249, %scan3A_250 : i32
    %scan3A_252 = arith.constant 1 : i32
    %scan3A_253 = scf.for %scan3A_255 = %scan3A_249 to %scan3A_251 step %scan3A_252 iter_args(%scan3A_256 = %scan3A_248) -> (i32)  : i32 {
      %mul3A_257 = arith.constant 128 : i32
      %mul3A_258 = arith.muli %scan3A_255, %mul3A_257 : i32
      %add3A_259 = arith.addi %mul3A_0, %mul3A_258 : i32
      "tpu.region"() ({
        %run_scoped3A = tpu.sem_alloc : memref<!tpu.dma_semaphore, #tpu.memory_space<semaphore_mem>>
        %dma_start3A_261 = arith.constant 0 : i32
        %dma_start3A_262 = arith.constant 0 : i32
        %dma_start3A_263 = tpu.memref_slice %arg11[%dma_start3A_261, %dma_start3A_262] : memref<512x64xf32, #tpu.memory_space<vmem>> -> memref<128x64xf32, #tpu.memory_space<vmem>>
        %dma_start3A_264 = arith.constant 0 : i32
        %dma_start3A_265 = tpu.memref_slice %arg12[%add3A_259, %dma_start3A_264] : memref<10240x64xf32, #tpu.memory_space<vmem_shared>> -> memref<128x64xf32, #tpu.memory_space<vmem_shared>>
        %dma_start3A_266 = arith.constant 0 : i32
        %dma_start3A_267 = arith.constant 0 : i32
        %dma_start3A_268 = tpu.memref_slice %arg11[%dma_start3A_266, %dma_start3A_267] : memref<512x64xf32, #tpu.memory_space<vmem>> -> memref<128x64xf32, #tpu.memory_space<vmem>>
        %dma_start3A_269 = arith.constant 0 : i32
        %dma_start3A_270 = tpu.memref_slice %arg12[%add3A_259, %dma_start3A_269] : memref<10240x64xf32, #tpu.memory_space<vmem_shared>> -> memref<128x64xf32, #tpu.memory_space<vmem_shared>>
        tpu.enqueue_dma source(%dma_start3A_270 : memref<128x64xf32, #tpu.memory_space<vmem_shared>>) target(%dma_start3A_268 : memref<128x64xf32, #tpu.memory_space<vmem>>) target_semaphore(%run_scoped3A : memref<!tpu.dma_semaphore, #tpu.memory_space<semaphore_mem>>)
        %dma_wait3A_271 = arith.constant 0 : i32
        %dma_wait3A_272 = arith.constant 0 : i32
        %dma_wait3A_273 = tpu.memref_slice %arg11[%dma_wait3A_271, %dma_wait3A_272] : memref<512x64xf32, #tpu.memory_space<vmem>> -> memref<128x64xf32, #tpu.memory_space<vmem>>
        %dma_wait3A_274 = arith.constant 0 : i32
        %dma_wait3A_275 = tpu.memref_slice %arg12[%add3A_259, %dma_wait3A_274] : memref<10240x64xf32, #tpu.memory_space<vmem_shared>> -> memref<128x64xf32, #tpu.memory_space<vmem_shared>>
        %dma_wait3A_276 = arith.constant 0 : i32
        %dma_wait3A_277 = arith.constant 0 : i32
        %dma_wait3A_278 = tpu.memref_slice %arg11[%dma_wait3A_276, %dma_wait3A_277] : memref<512x64xf32, #tpu.memory_space<vmem>> -> memref<128x64xf32, #tpu.memory_space<vmem>>
        %dma_wait3A_279 = arith.constant 0 : i32
        %dma_wait3A_280 = tpu.memref_slice %arg12[%add3A_259, %dma_wait3A_279] : memref<10240x64xf32, #tpu.memory_space<vmem_shared>> -> memref<128x64xf32, #tpu.memory_space<vmem_shared>>
        tpu.wait_dma2 semaphore(%run_scoped3A : memref<!tpu.dma_semaphore, #tpu.memory_space<semaphore_mem>>) src(%dma_wait3A_280 : memref<128x64xf32, #tpu.memory_space<vmem_shared>>) dst(%dma_wait3A_278 : memref<128x64xf32, #tpu.memory_space<vmem>>)
        tpu.yield
      }) : () -> ()
      "tpu.region"() ({
        %run_scoped3A = tpu.sem_alloc : memref<!tpu.dma_semaphore, #tpu.memory_space<semaphore_mem>>
        %dma_start3A_261 = arith.constant 0 : i32
        %dma_start3A_262 = arith.constant 0 : i32
        %dma_start3A_263 = tpu.memref_slice %arg11[%dma_start3A_261, %dma_start3A_262] : memref<512x64xf32, #tpu.memory_space<vmem>> -> memref<128x64xf32, #tpu.memory_space<vmem>>
        %dma_start3A_264 = arith.constant 0 : i32
        %dma_start3A_265 = tpu.memref_slice %arg5[%arg0, %add3A_259, %dma_start3A_264] : memref<2x10240x64xf32, #tpu.memory_space<hbm>> -> memref<1x128x64xf32, #tpu.memory_space<hbm>>
        %dma_start3A_266 = tpu.memref_squeeze %dma_start3A_265 : memref<1x128x64xf32, #tpu.memory_space<hbm>> -> memref<128x64xf32, #tpu.memory_space<hbm>>
        %dma_start3A_267 = arith.constant 0 : i32
        %dma_start3A_268 = tpu.memref_slice %arg5[%arg0, %add3A_259, %dma_start3A_267] : memref<2x10240x64xf32, #tpu.memory_space<hbm>> -> memref<1x128x64xf32, #tpu.memory_space<hbm>>
        %dma_start3A_269 = tpu.memref_squeeze %dma_start3A_268 : memref<1x128x64xf32, #tpu.memory_space<hbm>> -> memref<128x64xf32, #tpu.memory_space<hbm>>
        %dma_start3A_270 = arith.constant 0 : i32
        %dma_start3A_271 = arith.constant 0 : i32
        %dma_start3A_272 = tpu.memref_slice %arg11[%dma_start3A_270, %dma_start3A_271] : memref<512x64xf32, #tpu.memory_space<vmem>> -> memref<128x64xf32, #tpu.memory_space<vmem>>
        tpu.enqueue_dma source(%dma_start3A_272 : memref<128x64xf32, #tpu.memory_space<vmem>>) target(%dma_start3A_269 : memref<128x64xf32, #tpu.memory_space<hbm>>) target_semaphore(%run_scoped3A : memref<!tpu.dma_semaphore, #tpu.memory_space<semaphore_mem>>)
        %dma_wait3A_273 = arith.constant 0 : i32
        %dma_wait3A_274 = arith.constant 0 : i32
        %dma_wait3A_275 = tpu.memref_slice %arg11[%dma_wait3A_273, %dma_wait3A_274] : memref<512x64xf32, #tpu.memory_space<vmem>> -> memref<128x64xf32, #tpu.memory_space<vmem>>
        %dma_wait3A_276 = arith.constant 0 : i32
        %dma_wait3A_277 = tpu.memref_slice %arg5[%arg0, %add3A_259, %dma_wait3A_276] : memref<2x10240x64xf32, #tpu.memory_space<hbm>> -> memref<1x128x64xf32, #tpu.memory_space<hbm>>
        %dma_wait3A_278 = tpu.memref_squeeze %dma_wait3A_277 : memref<1x128x64xf32, #tpu.memory_space<hbm>> -> memref<128x64xf32, #tpu.memory_space<hbm>>
        %dma_wait3A_279 = arith.constant 0 : i32
        %dma_wait3A_280 = tpu.memref_slice %arg5[%arg0, %add3A_259, %dma_wait3A_279] : memref<2x10240x64xf32, #tpu.memory_space<hbm>> -> memref<1x128x64xf32, #tpu.memory_space<hbm>>
        %dma_wait3A_281 = tpu.memref_squeeze %dma_wait3A_280 : memref<1x128x64xf32, #tpu.memory_space<hbm>> -> memref<128x64xf32, #tpu.memory_space<hbm>>
        %dma_wait3A_282 = arith.constant 0 : i32
        %dma_wait3A_283 = arith.constant 0 : i32
        %dma_wait3A_284 = tpu.memref_slice %arg11[%dma_wait3A_282, %dma_wait3A_283] : memref<512x64xf32, #tpu.memory_space<vmem>> -> memref<128x64xf32, #tpu.memory_space<vmem>>
        tpu.wait_dma2 semaphore(%run_scoped3A : memref<!tpu.dma_semaphore, #tpu.memory_space<semaphore_mem>>) src(%dma_wait3A_284 : memref<128x64xf32, #tpu.memory_space<vmem>>) dst(%dma_wait3A_281 : memref<128x64xf32, #tpu.memory_space<hbm>>)
        tpu.yield
      }) : () -> ()
      %scan3A_260 = arith.constant 0 : i32
      scf.yield %scan3A_260 : i32
    }
    %scan3A_254 = arith.constant 5 : i32
    return
  }
}

module attributes {stable_mosaic.version = 14 : i64} {
  func.func @_tc1_body(%arg0: i32, %arg1: memref<512x128xf32, #tpu.memory_space<vmem>>, %arg2: memref<128x128xf32, #tpu.memory_space<vmem>>, %arg3: memref<2x512x16xf32, #tpu.memory_space<vmem>>, %arg4: memref<512x128xf32, #tpu.memory_space<vmem>>) attributes {dimension_semantics = [#tpu.dimension_semantics<arbitrary>], iteration_bounds = array<i64: 20>, scalar_prefetch = 0 : i64, scratch_operands = 0 : i64, tpu.core_type = #tpu.core_type<tc>, window_params = [{transform_indices = @transform_0, window_bounds = array<i64: 512, 128>}, {pipeline_mode = #tpu.pipeline_mode<synchronous>, transform_indices = @transform_1, window_bounds = array<i64: 128, 128>}, {transform_indices = @transform_2, window_bounds = array<i64: 2, 512, 16>}, {transform_indices = @transform_3, window_bounds = array<i64: 512, 128>}]} {
    %get3A = arith.constant 0 : index
    %get3A_0 = arith.constant 0 : index
    %get3A_1 = arith.constant 0 : index
    %get3A_2 = vector.load %arg3[%get3A, %get3A_0, %get3A_1] : memref<2x512x16xf32, #tpu.memory_space<vmem>>, vector<2x512x16xf32>
    %slice3A = vector.extract_strided_slice %get3A_2 {offsets = [0, 0, 0], sizes = [1, 512, 1], strides = [1, 1, 1]} : vector<2x512x16xf32> to vector<1x512x1xf32>
    %squeeze3A = vector.shape_cast %slice3A : vector<1x512x1xf32> to vector<512x1xf32>
    %slice3A_3 = vector.extract_strided_slice %get3A_2 {offsets = [1, 0, 0], sizes = [1, 512, 1], strides = [1, 1, 1]} : vector<2x512x16xf32> to vector<1x512x1xf32>
    %squeeze3A_4 = vector.shape_cast %slice3A_3 : vector<1x512x1xf32> to vector<512x1xf32>
    %add3A = arith.addf %squeeze3A, %squeeze3A_4 : vector<512x1xf32>
    %add3A_5 = arith.constant 1.000000e+00 : f32
    %add3A_6 = vector.broadcast %add3A_5 : f32 to vector<512x1xf32>
    %add3A_7 = arith.addf %add3A, %add3A_6 : vector<512x1xf32>
    %rsqrt3A = math.rsqrt %add3A_7 : vector<512x1xf32>
    %iota3A = tpu.iota {dimensions = array<i32: 0>} : vector<512x1xi32>
    %mul3A = arith.constant 512 : i32
    %mul3A_8 = arith.muli %arg0, %mul3A : i32
    %add3A_9 = vector.broadcast %mul3A_8 : i32 to vector<512x1xi32>
    %add3A_10 = arith.addi %iota3A, %add3A_9 : vector<512x1xi32>
    %lt3A = arith.constant 10000 : i32
    %lt3A_11 = vector.broadcast %lt3A : i32 to vector<512x1xi32>
    %lt3A_12 = arith.cmpi slt, %add3A_10, %lt3A_11 : vector<512x1xi32>
    %jit3A = arith.constant 0.000000e+00 : f32
    %broadcast_in_dim3A = vector.broadcast %jit3A : f32 to vector<512x1xf32>
    %select_n3A = arith.select %lt3A_12, %rsqrt3A, %broadcast_in_dim3A : vector<512x1xi1>, vector<512x1xf32>
    %get3A_13 = arith.constant 0 : index
    %get3A_14 = arith.constant 0 : index
    %get3A_15 = vector.load %arg1[%get3A_13, %get3A_14] : memref<512x128xf32, #tpu.memory_space<vmem>>, vector<512x128xf32>
    %get3A_16 = arith.constant 0 : index
    %get3A_17 = arith.constant 0 : index
    %get3A_18 = vector.load %arg2[%get3A_16, %get3A_17] : memref<128x128xf32, #tpu.memory_space<vmem>>, vector<128x128xf32>
    %dot_general3A = arith.constant dense<0.000000e+00> : vector<512x128xf32>
    %dot_general3A_19 = tpu.matmul %get3A_15, %get3A_18, %dot_general3A {dimension_numbers = #tpu.dot_dimension_numbers<[1], [0], [0], [1], [0, 0, 1, 1], [], []>, transpose_lhs_hint = false} : vector<512x128xf32>, vector<128x128xf32>, vector<512x128xf32> -> vector<512x128xf32>
    %mul3A_20 = vector.broadcast %select_n3A : vector<512x1xf32> to vector<512x128xf32>
    %mul3A_21 = arith.mulf %dot_general3A_19, %mul3A_20 : vector<512x128xf32>
    %swap3A = arith.constant 0 : index
    %swap3A_22 = arith.constant 0 : index
    %swap3A_23 = vector.load %arg4[%swap3A, %swap3A_22] : memref<512x128xf32, #tpu.memory_space<vmem>>, vector<512x128xf32>
    tpu.vector_store %arg4[%swap3A, %swap3A_22], %mul3A_21 {strides = array<i32>} : memref<512x128xf32, #tpu.memory_space<vmem>>, vector<512x128xf32>,
    return
  }
  func.func @transform_0(%arg0: i32) -> (i32, i32) {
    %c0_i32 = arith.constant 0 : i32
    %c0_i32_0 = arith.constant 0 : i32
    return %arg0, %c0_i32 : i32, i32
  }
  func.func @transform_1(%arg0: i32) -> (i32, i32) {
    %c0_i32 = arith.constant 0 : i32
    %c0_i32_0 = arith.constant 0 : i32
    %c0_i32_1 = arith.constant 0 : i32
    return %c0_i32, %c0_i32_0 : i32, i32
  }
  func.func @transform_2(%arg0: i32) -> (i32, i32, i32) {
    %c0_i32 = arith.constant 0 : i32
    %c0_i32_0 = arith.constant 0 : i32
    %c0_i32_1 = arith.constant 0 : i32
    return %c0_i32, %arg0, %c0_i32_0 : i32, i32, i32
  }
  func.func @transform_3(%arg0: i32) -> (i32, i32) {
    %c0_i32 = arith.constant 0 : i32
    %c0_i32_0 = arith.constant 0 : i32
    return %arg0, %c0_i32 : i32, i32
  }
}

module attributes {stable_mosaic.version = 14 : i64} {
  func.func @_tc23_body(%arg0: i32, %arg1: i32, %arg2: memref<2x512x128xf32, #tpu.memory_space<vmem>>, %arg3: memref<512x128xf32, #tpu.memory_space<vmem>>, %arg4: memref<2x512x16xf32, #tpu.memory_space<vmem>>, %arg5: memref<1x128xf32, #tpu.memory_space<vmem>>, %arg6: memref<1x128xf32, #tpu.memory_space<vmem>>, %arg7: memref<1x128xf32, #tpu.memory_space<vmem>>, %arg8: memref<128x64xf32, #tpu.memory_space<vmem>>, %arg9: memref<512x64xf32, #tpu.memory_space<vmem>>, %arg10: memref<10240x128xf32, #tpu.memory_space<vmem>>, %arg11: memref<8x128xf32, #tpu.memory_space<vmem>>) attributes {dimension_semantics = [#tpu.dimension_semantics<arbitrary>, #tpu.dimension_semantics<arbitrary>], iteration_bounds = array<i64: 2, 20>, scalar_prefetch = 0 : i64, scratch_operands = 2 : i64, tpu.core_type = #tpu.core_type<tc>, window_params = [{transform_indices = @transform_0, window_bounds = array<i64: 2, 512, 128>}, {transform_indices = @transform_1, window_bounds = array<i64: 512, 128>}, {transform_indices = @transform_2, window_bounds = array<i64: 2, 512, 16>}, {pipeline_mode = #tpu.pipeline_mode<synchronous>, transform_indices = @transform_3, window_bounds = array<i64: 1, 128>}, {pipeline_mode = #tpu.pipeline_mode<synchronous>, transform_indices = @transform_4, window_bounds = array<i64: 1, 128>}, {pipeline_mode = #tpu.pipeline_mode<synchronous>, transform_indices = @transform_5, window_bounds = array<i64: 1, 128>}, {pipeline_mode = #tpu.pipeline_mode<synchronous>, transform_indices = @transform_6, window_bounds = array<i64: 128, 64>}, {transform_indices = @transform_7, window_bounds = array<i64: 512, 64>}]} {
    %get3A = arith.constant 0 : index
    %get3A_0 = arith.constant 0 : index
    %get3A_1 = arith.constant 0 : index
    %get3A_2 = vector.load %arg4[%get3A, %get3A_0, %get3A_1] : memref<2x512x16xf32, #tpu.memory_space<vmem>>, vector<2x512x16xf32>
    %slice3A = vector.extract_strided_slice %get3A_2 {offsets = [0, 0, 0], sizes = [1, 512, 1], strides = [1, 1, 1]} : vector<2x512x16xf32> to vector<1x512x1xf32>
    %squeeze3A = vector.shape_cast %slice3A : vector<1x512x1xf32> to vector<512x1xf32>
    %slice3A_3 = vector.extract_strided_slice %get3A_2 {offsets = [1, 0, 0], sizes = [1, 512, 1], strides = [1, 1, 1]} : vector<2x512x16xf32> to vector<1x512x1xf32>
    %squeeze3A_4 = vector.shape_cast %slice3A_3 : vector<1x512x1xf32> to vector<512x1xf32>
    %add3A = arith.addf %squeeze3A, %squeeze3A_4 : vector<512x1xf32>
    %add3A_5 = arith.constant 1.000000e+00 : f32
    %add3A_6 = vector.broadcast %add3A_5 : f32 to vector<512x1xf32>
    %add3A_7 = arith.addf %add3A, %add3A_6 : vector<512x1xf32>
    %rsqrt3A = math.rsqrt %add3A_7 : vector<512x1xf32>
    %iota3A = tpu.iota {dimensions = array<i32: 0>} : vector<512x1xi32>
    %mul3A = arith.constant 512 : i32
    %mul3A_8 = arith.muli %arg1, %mul3A : i32
    %add3A_9 = vector.broadcast %mul3A_8 : i32 to vector<512x1xi32>
    %add3A_10 = arith.addi %iota3A, %add3A_9 : vector<512x1xi32>
    %lt3A = arith.constant 10000 : i32
    %lt3A_11 = vector.broadcast %lt3A : i32 to vector<512x1xi32>
    %lt3A_12 = arith.cmpi slt, %add3A_10, %lt3A_11 : vector<512x1xi32>
    %jit3A = arith.constant 0.000000e+00 : f32
    %broadcast_in_dim3A = vector.broadcast %jit3A : f32 to vector<512x1xf32>
    %select_n3A = arith.select %lt3A_12, %rsqrt3A, %broadcast_in_dim3A : vector<512x1xi1>, vector<512x1xf32>
    %eq3A = arith.constant 0 : i32
    %eq3A_13 = arith.cmpi eq, %arg0, %eq3A : i32
    %convert_element_type3A = arith.extui %eq3A_13 : i1 to i32
    %cond3A = arith.constant 0 : i32
    %cond3A_14 = arith.cmpi ne, %convert_element_type3A, %cond3A : i32
    scf.if %cond3A_14 {
      %get3A_20 = arith.constant 0 : index
      %get3A_21 = arith.constant 0 : index
      %get3A_22 = arith.constant 0 : index
      %get3A_23 = vector.load %arg2[%get3A_20, %get3A_21, %get3A_22] : memref<2x512x128xf32, #tpu.memory_space<vmem>>, vector<2x512x128xf32>
      %slice3A_24 = vector.extract_strided_slice %get3A_23 {offsets = [0, 0, 0], sizes = [1, 512, 128], strides = [1, 1, 1]} : vector<2x512x128xf32> to vector<1x512x128xf32>
      %squeeze3A_25 = vector.shape_cast %slice3A_24 : vector<1x512x128xf32> to vector<512x128xf32>
      %slice3A_26 = vector.extract_strided_slice %get3A_23 {offsets = [1, 0, 0], sizes = [1, 512, 128], strides = [1, 1, 1]} : vector<2x512x128xf32> to vector<1x512x128xf32>
      %squeeze3A_27 = vector.shape_cast %slice3A_26 : vector<1x512x128xf32> to vector<512x128xf32>
      %add3A_28 = arith.addf %squeeze3A_25, %squeeze3A_27 : vector<512x128xf32>
      %get3A_29 = arith.constant 0 : index
      %get3A_30 = arith.constant 0 : index
      %get3A_31 = vector.load %arg3[%get3A_29, %get3A_30] : memref<512x128xf32, #tpu.memory_space<vmem>>, vector<512x128xf32>
      %add3A_32 = arith.addf %add3A_28, %get3A_31 : vector<512x128xf32>
      %mul3A_33 = vector.broadcast %select_n3A : vector<512x1xf32> to vector<512x128xf32>
      %mul3A_34 = arith.mulf %mul3A_33, %add3A_32 : vector<512x128xf32>
      %get3A_35 = arith.constant 0 : index
      %get3A_36 = arith.constant 0 : index
      %get3A_37 = vector.load %arg5[%get3A_35, %get3A_36] : memref<1x128xf32, #tpu.memory_space<vmem>>, vector<1x128xf32>
      %add3A_38 = vector.broadcast %get3A_37 : vector<1x128xf32> to vector<512x128xf32>
      %add3A_39 = arith.addf %mul3A_34, %add3A_38 : vector<512x128xf32>
      %mul3A_40 = arith.constant 512 : i32
      %mul3A_41 = arith.muli %arg1, %mul3A_40 : i32
      %swap3A = arith.index_cast %mul3A_41 : i32 to index
      %swap3A_42 = arith.constant 0 : index
      %swap3A_43 = vector.load %arg10[%swap3A, %swap3A_42] : memref<10240x128xf32, #tpu.memory_space<vmem>>, vector<512x128xf32>
      tpu.vector_store %arg10[%swap3A, %swap3A_42], %add3A_39 {strides = array<i32>} : memref<10240x128xf32, #tpu.memory_space<vmem>>, vector<512x128xf32>,
      %iota3A_44 = tpu.iota {dimensions = array<i32: 0>} : vector<512x1xi32>
      %mul3A_45 = arith.constant 512 : i32
      %mul3A_46 = arith.muli %arg1, %mul3A_45 : i32
      %add3A_47 = vector.broadcast %mul3A_46 : i32 to vector<512x1xi32>
      %add3A_48 = arith.addi %iota3A_44, %add3A_47 : vector<512x1xi32>
      %lt3A_49 = arith.constant 10000 : i32
      %lt3A_50 = vector.broadcast %lt3A_49 : i32 to vector<512x1xi32>
      %lt3A_51 = arith.cmpi slt, %add3A_48, %lt3A_50 : vector<512x1xi32>
      %jit3A_52 = arith.constant 0.000000e+00 : f32
      %broadcast_in_dim3A_53 = vector.shape_cast %lt3A_51 : vector<512x1xi1> to vector<512x1xi1>
      %broadcast_in_dim3A_54 = vector.broadcast %broadcast_in_dim3A_53 : vector<512x1xi1> to vector<512x128xi1>
      %broadcast_in_dim3A_55 = vector.broadcast %jit3A_52 : f32 to vector<512x128xf32>
      %select_n3A_56 = arith.select %broadcast_in_dim3A_54, %add3A_39, %broadcast_in_dim3A_55 : vector<512x128xi1>, vector<512x128xf32>
      %eq3A_57 = arith.constant 0 : i32
      %eq3A_58 = arith.cmpi eq, %arg1, %eq3A_57 : i32
      %convert_element_type3A_59 = arith.extui %eq3A_58 : i1 to i32
      %cond3A_60 = arith.constant 0 : i32
      %cond3A_61 = arith.cmpi ne, %convert_element_type3A_59, %cond3A_60 : i32
      scf.if %cond3A_61 {
        %broadcast_in_dim3A_82 = arith.constant 0.000000e+00 : f32
        %broadcast_in_dim3A_83 = vector.broadcast %broadcast_in_dim3A_82 : f32 to vector<8x128xf32>
        %swap3A_84 = arith.constant 0 : index
        %swap3A_85 = arith.constant 0 : index
        %swap3A_86 = vector.load %arg11[%swap3A_84, %swap3A_85] : memref<8x128xf32, #tpu.memory_space<vmem>>, vector<8x128xf32>
        tpu.vector_store %arg11[%swap3A_84, %swap3A_85], %broadcast_in_dim3A_83 {strides = array<i32>} : memref<8x128xf32, #tpu.memory_space<vmem>>, vector<8x128xf32>,
      } else {
      }
      %get3A_62 = arith.constant 0 : index
      %get3A_63 = arith.constant 0 : index
      %get3A_64 = vector.load %arg11[%get3A_62, %get3A_63] : memref<8x128xf32, #tpu.memory_space<vmem>>, vector<1x128xf32>
      %reduce_sum3A = arith.constant dense<0.000000e+00> : vector<128xf32>
      %reduce_sum3A_65 = vector.multi_reduction <add>, %select_n3A_56, %reduce_sum3A [0] : vector<512x128xf32> to vector<128xf32>
      %broadcast_in_dim3A_66 = vector.shape_cast %reduce_sum3A_65 : vector<128xf32> to vector<1x128xf32>
      %add3A_67 = arith.addf %get3A_64, %broadcast_in_dim3A_66 : vector<1x128xf32>
      %swap3A_68 = arith.constant 0 : index
      %swap3A_69 = arith.constant 0 : index
      %swap3A_70 = vector.load %arg11[%swap3A_68, %swap3A_69] : memref<8x128xf32, #tpu.memory_space<vmem>>, vector<1x128xf32>
      tpu.vector_store %arg11[%swap3A_68, %swap3A_69], %add3A_67 {strides = array<i32>} : memref<8x128xf32, #tpu.memory_space<vmem>>, vector<1x128xf32>,
      %get3A_71 = arith.constant 1 : index
      %get3A_72 = arith.constant 0 : index
      %get3A_73 = vector.load %arg11[%get3A_71, %get3A_72] : memref<8x128xf32, #tpu.memory_space<vmem>>, vector<1x128xf32>
      %mul3A_74 = arith.mulf %select_n3A_56, %select_n3A_56 : vector<512x128xf32>
      %reduce_sum3A_75 = arith.constant dense<0.000000e+00> : vector<128xf32>
      %reduce_sum3A_76 = vector.multi_reduction <add>, %mul3A_74, %reduce_sum3A_75 [0] : vector<512x128xf32> to vector<128xf32>
      %broadcast_in_dim3A_77 = vector.shape_cast %reduce_sum3A_76 : vector<128xf32> to vector<1x128xf32>
      %add3A_78 = arith.addf %get3A_73, %broadcast_in_dim3A_77 : vector<1x128xf32>
      %swap3A_79 = arith.constant 1 : index
      %swap3A_80 = arith.constant 0 : index
      %swap3A_81 = vector.load %arg11[%swap3A_79, %swap3A_80] : memref<8x128xf32, #tpu.memory_space<vmem>>, vector<1x128xf32>
      tpu.vector_store %arg11[%swap3A_79, %swap3A_80], %add3A_78 {strides = array<i32>} : memref<8x128xf32, #tpu.memory_space<vmem>>, vector<1x128xf32>,
    } else {
    }
    %eq3A_15 = arith.constant 1 : i32
    %eq3A_16 = arith.cmpi eq, %arg0, %eq3A_15 : i32
    %convert_element_type3A_17 = arith.extui %eq3A_16 : i1 to i32
    %cond3A_18 = arith.constant 0 : i32
    %cond3A_19 = arith.cmpi ne, %convert_element_type3A_17, %cond3A_18 : i32
    scf.if %cond3A_19 {
      %get3A_20 = arith.constant 0 : index
      %get3A_21 = arith.constant 0 : index
      %get3A_22 = vector.load %arg11[%get3A_20, %get3A_21] : memref<8x128xf32, #tpu.memory_space<vmem>>, vector<8x128xf32>
      %slice3A_23 = vector.extract_strided_slice %get3A_22 {offsets = [0, 0], sizes = [1, 128], strides = [1, 1]} : vector<8x128xf32> to vector<1x128xf32>
      %mul3A_24 = arith.constant 9.99999974E-5 : f32
      %mul3A_25 = vector.broadcast %mul3A_24 : f32 to vector<1x128xf32>
      %mul3A_26 = arith.mulf %slice3A_23, %mul3A_25 : vector<1x128xf32>
      %slice3A_27 = vector.extract_strided_slice %get3A_22 {offsets = [1, 0], sizes = [1, 128], strides = [1, 1]} : vector<8x128xf32> to vector<1x128xf32>
      %mul3A_28 = arith.constant 9.99999974E-5 : f32
      %mul3A_29 = vector.broadcast %mul3A_28 : f32 to vector<1x128xf32>
      %mul3A_30 = arith.mulf %slice3A_27, %mul3A_29 : vector<1x128xf32>
      %mul3A_31 = arith.mulf %mul3A_26, %mul3A_26 : vector<1x128xf32>
      %sub3A = arith.subf %mul3A_30, %mul3A_31 : vector<1x128xf32>
      %mul3A_32 = arith.constant 512 : i32
      %mul3A_33 = arith.muli %arg1, %mul3A_32 : i32
      %get3A_34 = arith.index_cast %mul3A_33 : i32 to index
      %get3A_35 = arith.constant 0 : index
      %get3A_36 = vector.load %arg10[%get3A_34, %get3A_35] : memref<10240x128xf32, #tpu.memory_space<vmem>>, vector<512x128xf32>
      %get3A_37 = arith.constant 0 : index
      %get3A_38 = arith.constant 0 : index
      %get3A_39 = vector.load %arg6[%get3A_37, %get3A_38] : memref<1x128xf32, #tpu.memory_space<vmem>>, vector<1x128xf32>
      %sub3A_40 = vector.broadcast %mul3A_26 : vector<1x128xf32> to vector<512x128xf32>
      %sub3A_41 = arith.subf %get3A_36, %sub3A_40 : vector<512x128xf32>
      %mul3A_42 = vector.broadcast %get3A_39 : vector<1x128xf32> to vector<512x128xf32>
      %mul3A_43 = arith.mulf %mul3A_42, %sub3A_41 : vector<512x128xf32>
      %add3A_44 = arith.constant 9.99999974E-6 : f32
      %add3A_45 = vector.broadcast %add3A_44 : f32 to vector<1x128xf32>
      %add3A_46 = arith.addf %sub3A, %add3A_45 : vector<1x128xf32>
      %rsqrt3A_47 = math.rsqrt %add3A_46 : vector<1x128xf32>
      %mul3A_48 = vector.broadcast %rsqrt3A_47 : vector<1x128xf32> to vector<512x128xf32>
      %mul3A_49 = arith.mulf %mul3A_43, %mul3A_48 : vector<512x128xf32>
      %get3A_50 = arith.constant 0 : index
      %get3A_51 = arith.constant 0 : index
      %get3A_52 = vector.load %arg7[%get3A_50, %get3A_51] : memref<1x128xf32, #tpu.memory_space<vmem>>, vector<1x128xf32>
      %add3A_53 = vector.broadcast %get3A_52 : vector<1x128xf32> to vector<512x128xf32>
      %add3A_54 = arith.addf %mul3A_49, %add3A_53 : vector<512x128xf32>
      %max3A = arith.constant 0.000000e+00 : f32
      %max3A_55 = vector.broadcast %max3A : f32 to vector<512x128xf32>
      %max3A_56 = arith.maximumf %add3A_54, %max3A_55 : vector<512x128xf32>
      %get3A_57 = arith.constant 0 : index
      %get3A_58 = arith.constant 0 : index
      %get3A_59 = vector.load %arg8[%get3A_57, %get3A_58] : memref<128x64xf32, #tpu.memory_space<vmem>>, vector<128x64xf32>
      %dot_general3A = arith.constant dense<0.000000e+00> : vector<512x64xf32>
      %dot_general3A_60 = tpu.matmul %max3A_56, %get3A_59, %dot_general3A {dimension_numbers = #tpu.dot_dimension_numbers<[1], [0], [0], [1], [0, 0, 1, 1], [], []>, transpose_lhs_hint = false} : vector<512x128xf32>, vector<128x64xf32>, vector<512x64xf32> -> vector<512x64xf32>
      %mul3A_61 = vector.broadcast %select_n3A : vector<512x1xf32> to vector<512x64xf32>
      %mul3A_62 = arith.mulf %dot_general3A_60, %mul3A_61 : vector<512x64xf32>
      %swap3A = arith.constant 0 : index
      %swap3A_63 = arith.constant 0 : index
      %swap3A_64 = vector.load %arg9[%swap3A, %swap3A_63] : memref<512x64xf32, #tpu.memory_space<vmem>>, vector<512x64xf32>
      tpu.vector_store %arg9[%swap3A, %swap3A_63], %mul3A_62 {strides = array<i32>} : memref<512x64xf32, #tpu.memory_space<vmem>>, vector<512x64xf32>,
    } else {
    }
    return
  }
  func.func @transform_0(%arg0: i32, %arg1: i32) -> (i32, i32, i32) {
    %eq3A = arith.constant 0 : i32
    %eq3A_0 = arith.cmpi eq, %arg0, %eq3A : i32
    %jit3A = arith.constant 0 : i32
    %select_n3A = arith.select %eq3A_0, %arg1, %jit3A : i32
    %c0_i32 = arith.constant 0 : i32
    %c0_i32_1 = arith.constant 0 : i32
    %c0_i32_2 = arith.constant 0 : i32
    return %c0_i32, %select_n3A, %c0_i32_1 : i32, i32, i32
  }
  func.func @transform_1(%arg0: i32, %arg1: i32) -> (i32, i32) {
    %eq3A = arith.constant 0 : i32
    %eq3A_0 = arith.cmpi eq, %arg0, %eq3A : i32
    %jit3A = arith.constant 0 : i32
    %select_n3A = arith.select %eq3A_0, %arg1, %jit3A : i32
    %c0_i32 = arith.constant 0 : i32
    %c0_i32_1 = arith.constant 0 : i32
    return %select_n3A, %c0_i32 : i32, i32
  }
  func.func @transform_2(%arg0: i32, %arg1: i32) -> (i32, i32, i32) {
    %c0_i32 = arith.constant 0 : i32
    %c0_i32_0 = arith.constant 0 : i32
    %c0_i32_1 = arith.constant 0 : i32
    return %c0_i32, %arg1, %c0_i32_0 : i32, i32, i32
  }
  func.func @transform_3(%arg0: i32, %arg1: i32) -> (i32, i32) {
    %c0_i32 = arith.constant 0 : i32
    %c0_i32_0 = arith.constant 0 : i32
    %c0_i32_1 = arith.constant 0 : i32
    return %c0_i32, %c0_i32_0 : i32, i32
  }
  func.func @transform_4(%arg0: i32, %arg1: i32) -> (i32, i32) {
    %c0_i32 = arith.constant 0 : i32
    %c0_i32_0 = arith.constant 0 : i32
    %c0_i32_1 = arith.constant 0 : i32
    return %c0_i32, %c0_i32_0 : i32, i32
  }
  func.func @transform_5(%arg0: i32, %arg1: i32) -> (i32, i32) {
    %c0_i32 = arith.constant 0 : i32
    %c0_i32_0 = arith.constant 0 : i32
    %c0_i32_1 = arith.constant 0 : i32
    return %c0_i32, %c0_i32_0 : i32, i32
  }
  func.func @transform_6(%arg0: i32, %arg1: i32) -> (i32, i32) {
    %c0_i32 = arith.constant 0 : i32
    %c0_i32_0 = arith.constant 0 : i32
    %c0_i32_1 = arith.constant 0 : i32
    return %c0_i32, %c0_i32_0 : i32, i32
  }
  func.func @transform_7(%arg0: i32, %arg1: i32) -> (i32, i32) {
    %eq3A = arith.constant 0 : i32
    %eq3A_0 = arith.cmpi eq, %arg0, %eq3A : i32
    %jit3A = arith.constant 0 : i32
    %select_n3A = arith.select %eq3A_0, %jit3A, %arg1 : i32
    %c0_i32 = arith.constant 0 : i32
    %c0_i32_1 = arith.constant 0 : i32
    return %select_n3A, %c0_i32 : i32, i32
  }
}

module attributes {stable_mosaic.version = 14 : i64} {
  func.func @_tc4_body(%arg0: i32, %arg1: memref<2x512x64xf32, #tpu.memory_space<vmem>>, %arg2: memref<512x64xf32, #tpu.memory_space<vmem>>, %arg3: memref<2x512x16xf32, #tpu.memory_space<vmem>>, %arg4: memref<1x64xf32, #tpu.memory_space<vmem>>, %arg5: memref<512x64xf32, #tpu.memory_space<vmem>>) attributes {dimension_semantics = [#tpu.dimension_semantics<arbitrary>], iteration_bounds = array<i64: 20>, scalar_prefetch = 0 : i64, scratch_operands = 0 : i64, tpu.core_type = #tpu.core_type<tc>, window_params = [{transform_indices = @transform_0, window_bounds = array<i64: 2, 512, 64>}, {transform_indices = @transform_1, window_bounds = array<i64: 512, 64>}, {transform_indices = @transform_2, window_bounds = array<i64: 2, 512, 16>}, {pipeline_mode = #tpu.pipeline_mode<synchronous>, transform_indices = @transform_3, window_bounds = array<i64: 1, 64>}, {transform_indices = @transform_4, window_bounds = array<i64: 512, 64>}]} {
    %get3A = arith.constant 0 : index
    %get3A_0 = arith.constant 0 : index
    %get3A_1 = arith.constant 0 : index
    %get3A_2 = vector.load %arg1[%get3A, %get3A_0, %get3A_1] : memref<2x512x64xf32, #tpu.memory_space<vmem>>, vector<2x512x64xf32>
    %get3A_3 = arith.constant 0 : index
    %get3A_4 = arith.constant 0 : index
    %get3A_5 = arith.constant 0 : index
    %get3A_6 = vector.load %arg3[%get3A_3, %get3A_4, %get3A_5] : memref<2x512x16xf32, #tpu.memory_space<vmem>>, vector<2x512x16xf32>
    %slice3A = vector.extract_strided_slice %get3A_6 {offsets = [0, 0, 0], sizes = [1, 512, 1], strides = [1, 1, 1]} : vector<2x512x16xf32> to vector<1x512x1xf32>
    %squeeze3A = vector.shape_cast %slice3A : vector<1x512x1xf32> to vector<512x1xf32>
    %slice3A_7 = vector.extract_strided_slice %get3A_6 {offsets = [1, 0, 0], sizes = [1, 512, 1], strides = [1, 1, 1]} : vector<2x512x16xf32> to vector<1x512x1xf32>
    %squeeze3A_8 = vector.shape_cast %slice3A_7 : vector<1x512x1xf32> to vector<512x1xf32>
    %add3A = arith.addf %squeeze3A, %squeeze3A_8 : vector<512x1xf32>
    %add3A_9 = arith.constant 1.000000e+00 : f32
    %add3A_10 = vector.broadcast %add3A_9 : f32 to vector<512x1xf32>
    %add3A_11 = arith.addf %add3A, %add3A_10 : vector<512x1xf32>
    %rsqrt3A = math.rsqrt %add3A_11 : vector<512x1xf32>
    %iota3A = tpu.iota {dimensions = array<i32: 0>} : vector<512x1xi32>
    %mul3A = arith.constant 512 : i32
    %mul3A_12 = arith.muli %arg0, %mul3A : i32
    %add3A_13 = vector.broadcast %mul3A_12 : i32 to vector<512x1xi32>
    %add3A_14 = arith.addi %iota3A, %add3A_13 : vector<512x1xi32>
    %lt3A = arith.constant 10000 : i32
    %lt3A_15 = vector.broadcast %lt3A : i32 to vector<512x1xi32>
    %lt3A_16 = arith.cmpi slt, %add3A_14, %lt3A_15 : vector<512x1xi32>
    %jit3A = arith.constant 0.000000e+00 : f32
    %broadcast_in_dim3A = vector.broadcast %jit3A : f32 to vector<512x1xf32>
    %select_n3A = arith.select %lt3A_16, %rsqrt3A, %broadcast_in_dim3A : vector<512x1xi1>, vector<512x1xf32>
    %slice3A_17 = vector.extract_strided_slice %get3A_2 {offsets = [0, 0, 0], sizes = [1, 512, 64], strides = [1, 1, 1]} : vector<2x512x64xf32> to vector<1x512x64xf32>
    %squeeze3A_18 = vector.shape_cast %slice3A_17 : vector<1x512x64xf32> to vector<512x64xf32>
    %slice3A_19 = vector.extract_strided_slice %get3A_2 {offsets = [1, 0, 0], sizes = [1, 512, 64], strides = [1, 1, 1]} : vector<2x512x64xf32> to vector<1x512x64xf32>
    %squeeze3A_20 = vector.shape_cast %slice3A_19 : vector<1x512x64xf32> to vector<512x64xf32>
    %add3A_21 = arith.addf %squeeze3A_18, %squeeze3A_20 : vector<512x64xf32>
    %get3A_22 = arith.constant 0 : index
    %get3A_23 = arith.constant 0 : index
    %get3A_24 = vector.load %arg2[%get3A_22, %get3A_23] : memref<512x64xf32, #tpu.memory_space<vmem>>, vector<512x64xf32>
    %add3A_25 = arith.addf %add3A_21, %get3A_24 : vector<512x64xf32>
    %mul3A_26 = vector.broadcast %select_n3A : vector<512x1xf32> to vector<512x64xf32>
    %mul3A_27 = arith.mulf %mul3A_26, %add3A_25 : vector<512x64xf32>
    %get3A_28 = arith.constant 0 : index
    %get3A_29 = arith.constant 0 : index
    %get3A_30 = vector.load %arg4[%get3A_28, %get3A_29] : memref<1x64xf32, #tpu.memory_space<vmem>>, vector<1x64xf32>
    %add3A_31 = vector.broadcast %get3A_30 : vector<1x64xf32> to vector<512x64xf32>
    %add3A_32 = arith.addf %mul3A_27, %add3A_31 : vector<512x64xf32>
    %swap3A = arith.constant 0 : index
    %swap3A_33 = arith.constant 0 : index
    %swap3A_34 = vector.load %arg5[%swap3A, %swap3A_33] : memref<512x64xf32, #tpu.memory_space<vmem>>, vector<512x64xf32>
    tpu.vector_store %arg5[%swap3A, %swap3A_33], %add3A_32 {strides = array<i32>} : memref<512x64xf32, #tpu.memory_space<vmem>>, vector<512x64xf32>,
    return
  }
  func.func @transform_0(%arg0: i32) -> (i32, i32, i32) {
    %c0_i32 = arith.constant 0 : i32
    %c0_i32_0 = arith.constant 0 : i32
    %c0_i32_1 = arith.constant 0 : i32
    return %c0_i32, %arg0, %c0_i32_0 : i32, i32, i32
  }
  func.func @transform_1(%arg0: i32) -> (i32, i32) {
    %c0_i32 = arith.constant 0 : i32
    %c0_i32_0 = arith.constant 0 : i32
    return %arg0, %c0_i32 : i32, i32
  }
  func.func @transform_2(%arg0: i32) -> (i32, i32, i32) {
    %c0_i32 = arith.constant 0 : i32
    %c0_i32_0 = arith.constant 0 : i32
    %c0_i32_1 = arith.constant 0 : i32
    return %c0_i32, %arg0, %c0_i32_0 : i32, i32, i32
  }
  func.func @transform_3(%arg0: i32) -> (i32, i32) {
    %c0_i32 = arith.constant 0 : i32
    %c0_i32_0 = arith.constant 0 : i32
    %c0_i32_1 = arith.constant 0 : i32
    return %c0_i32, %c0_i32_0 : i32, i32
  }
  func.func @transform_4(%arg0: i32) -> (i32, i32) {
    %c0_i32 = arith.constant 0 : i32
    %c0_i32_0 = arith.constant 0 : i32
    return %arg0, %c0_i32 : i32, i32
  }
}

</mosaic_0001>

<sc_bundles>
// kernel: kernel.11.cloned.1.call-start
scs
__scs_entry_jumppad:
0x0: {  	(pc) =	sbr.rel $0x88, $3  }
0x1: {  	(tag) =	ssettag $0x0;
	lr =	simm.s32 $0x1  }
0x2: {  	[smem:$0x3F99] =	sst lr;
	_ =	strace $0xD0000000  }
0x3: {  	_ = 	snop  }
0x4: {  	_ = 	snop  }
0x5: {  	_ = 	snop  }
0x6: {  	_ = 	snop  }
0x7: {  	_ = 	snop  }
__scs_overlays_trampoline_lowered:
0x8: {  	[smem:$0x3FA8] =	sst s0  }
0x9: {  	[smem:$0x3FA9] =	sst s1  }
0xa: {  	[smem:$0x3FAA] =	sst s2  }
0xb: {  	[smem:$0x3FAB] =	sst s3  }
0xc: {  	[smem:$0x3FAC] =	sst s4  }
0xd: {  	[smem:$0x3FAD] =	sst s5  }
0xe: {  	[smem:$0x3FAE] =	sst s6  }
0xf: {  	[smem:$0x3FAF] =	sst s7  }
0x10: {  	[smem:$0x3FB0] =	sst s8  }
0x11: {  	[smem:$0x3FB1] =	sst s9;
	s0 =	simm.s32 @!p0 $0x0  }
0x12: {  	s1 =	sld [smem:$0x3F97];
	s0 =	simm.s32 @p0 $0x1  }
0x13: {  	[smem:$0x3FB2] =	sst s0;
	s0 =	simm.s32 @!p1 $0x0  }
0x14: {  	s2 =	sld [smem:$0x3F96];
	s0 =	simm.s32 @p1 $0x1  }
0x15: {  	[smem:$0x3FB3] =	sst s0;
	s0 =	simm.s32 @!p2 $0x0  }
0x16: {  	s3 =	sld [smem:$0x3FDB];
	s0 =	simm.s32 @p2 $0x1  }
0x17: {  	s4 =	simm.s32 $0x1BF5;
	[smem:$0x3FB5] =	sst s0  }
0x18: {  	s0 =	sld [smem:$0x3F98];
	_ =	swait.ge [sflag:s4], $0x0  }
0x19: {  	s7 =	sld [smem:$0x3F99]  }
0x1a: {  	s8 =	sadd.s32 $0xFFFFE003, lr  }
0x1b: {  	s9 =	sadd.s32 $0xFFFFFEF7, lr;
	s5 =	simm.s32 $0xFFFFFFFF;
	p2 =	slt.u32 s8, $0xFFFFF086  }
0x1c: {  	p1 =	slt.u32 s9, $0xF7A;
	s5 =	simm.s32 @!p2 $0x0  }
0x1d: {  	s5 =	simm.s32 @p1 $0x1;
	p0 =	seq.s32 s7, s2  }
0x1e: {  	s7 =	smul.u32 @!p0 $0xF7A, s2;
	p2 =	seq.s32 @!p0 s5, $0x0  }
0x1f: {  	s9 =	smul.u32 $0xF7A, s1;
	s8 =	simm.s32 @!p0 $0x1BF5;
	p2 =	por !p2, p0  }
0x20: {  	[sflag:s8] =	ssyncset.s32 @!p0 $0xFFFFF086;
	s6 =	sadd.s32 @!p0 s3, s7;
	s7 =	simm.s32 @!p0 $0x108  }
0x21: {  	s3 =	sadd.s32 s3, s9;
	s6 =	sadd.s32 @!p0 $0x88, s6;
	s7 =	simm.s32 @p2 $0x1082  }
0x22: {  	[simem:s7], [sflag:s8] =	dma.local @!p0 [hbm:s6], $0xF7A  }
0x23: {  	s9 =	sor.u32 $0xD0000000, s2;
	s6 =	simm.s32 $0x108;
	_ =	swait.ge @!p0 [sflag:s8], $0x0  }
0x24: {  	s3 =	sadd.s32 $0x88, s3;
	s6 =	simm.s32 @!p1 $0x1082;
	[sflag:s4] =	ssyncset.s32 $0xFFFFF086  }
0x25: {  	[simem:s6], [sflag:s4] =	dma.local [hbm:s3], $0xF7A  }
0x26: {  	[smem:$0x3F99] =	sst s1;
	(tag) =	ssettag s2;
	_ =	strace s9  }
0x27: {  	s1 =	sld [smem:$0x3FA9]  }
0x28: {  	s2 =	sld [smem:$0x3FAA]  }
0x29: {  	s4 =	sld [smem:$0x3FAC]  }
0x2a: {  	p0 =	seq.s32 s5, $0x0;
	s5 =	sld [smem:$0x3FAD]  }
0x2b: {  	s6 =	sld [smem:$0x3FAE]  }
0x2c: {  	s7 =	sld [smem:$0x3FAF]  }
0x2d: {  	s3 =	simm.s32 $0x108;
	s8 =	sld [smem:$0x3FB0]  }
0x2e: {  	s3 =	simm.s32 @!p0 $0x1082;
	s9 =	sld [smem:$0x3FB1]  }
0x2f: {  	lr =	sadd.s32 s0, s3;
	s0 =	sld [smem:$0x3FA8]  }
0x30: {  	s3 =	sld [smem:$0x3FAB]  }
0x31: {  	[smem:$0x3FB4] =	sst s10  }
0x32: {  	s10 =	sld [smem:$0x3FB2];
	_ =	sdelay $0x3  }
0x33: {  	p0 =	seq.s32 s10, $0x1;
	s10 =	sld [smem:$0x3FB4];
	_ =	sdelay $0x3  }
0x34: {  	[smem:$0x3FB4] =	sst s10  }
0x35: {  	s10 =	sld [smem:$0x3FB3];
	_ =	sdelay $0x3  }
0x36: {  	p1 =	seq.s32 s10, $0x1;
	s10 =	sld [smem:$0x3FB4];
	_ =	sdelay $0x3  }
0x37: {  	[smem:$0x3FB4] =	sst s10  }
0x38: {  	s10 =	sld [smem:$0x3FB5]  }
0x39: {  	_ = 	snop;
	(pc) =	sbr.ind lr, $3  }
0x3a: {  	_ = 	snop  }
0x3b: {  	_ = 	snop  }
0x3c: {  	p2 =	seq.s32 s10, $0x1;
	s10 =	sld [smem:$0x3FB4]  }
0x3d: {  	_ =	shalt  }
0x3e: {  	_ =	shalt  }
0x3f: {  	_ =	shalt  }
0x40: {  	_ =	shalt  }
0x41: {  	_ =	shalt  }
0x42: {  	_ =	shalt  }
0x43: {  	_ =	shalt  }
0x44: {  	_ =	shalt  }
0x45: {  	_ =	shalt  }
0x46: {  	_ =	shalt  }
0x47: {  	_ =	shalt  }
0x48: {  	_ =	shalt  }
0x49: {  	_ =	shalt  }
0x4a: {  	_ =	shalt  }
0x4b: {  	_ =	shalt  }
0x4c: {  	_ =	shalt  }
0x4d: {  	_ =	shalt  }
0x4e: {  	_ =	shalt  }
0x4f: {  	_ =	shalt  }
0x50: {  	_ =	shalt  }
0x51: {  	_ =	shalt  }
0x52: {  	_ =	shalt  }
0x53: {  	_ =	shalt  }
0x54: {  	_ =	shalt  }
0x55: {  	_ =	shalt  }
0x56: {  	_ =	shalt  }
0x57: {  	_ =	shalt  }
0x58: {  	_ =	shalt  }
0x59: {  	_ =	shalt  }
0x5a: {  	_ =	shalt  }
0x5b: {  	_ =	shalt  }
0x5c: {  	_ =	shalt  }
0x5d: {  	_ =	shalt  }
0x5e: {  	_ =	shalt  }
0x5f: {  	_ =	shalt  }
0x60: {  	_ =	shalt  }
0x61: {  	_ =	shalt  }
0x62: {  	_ =	shalt  }
0x63: {  	_ =	shalt  }
0x64: {  	_ =	shalt  }
0x65: {  	_ =	shalt  }
0x66: {  	_ =	shalt  }
0x67: {  	_ =	shalt  }
0x68: {  	_ =	shalt  }
0x69: {  	_ =	shalt  }
0x6a: {  	_ =	shalt  }
0x6b: {  	_ =	shalt  }
0x6c: {  	_ =	shalt  }
0x6d: {  	_ =	shalt  }
0x6e: {  	_ =	shalt  }
0x6f: {  	_ =	shalt  }
0x70: {  	_ =	shalt  }
0x71: {  	_ =	shalt  }
0x72: {  	_ =	shalt  }
0x73: {  	_ =	shalt  }
0x74: {  	_ =	shalt  }
0x75: {  	_ =	shalt  }
0x76: {  	_ =	shalt  }
0x77: {  	_ =	shalt  }
0x78: {  	_ =	shalt  }
0x79: {  	_ =	shalt  }
0x7a: {  	_ =	shalt  }
0x7b: {  	_ =	shalt  }
0x7c: {  	_ =	shalt  }
0x7d: {  	_ =	shalt  }
0x7e: {  	_ =	shalt  }
0x7f: {  	_ =	shalt  }
0x80: {  	_ =	shalt  }
0x81: {  	_ =	shalt  }
0x82: {  	_ =	shalt  }
0x83: {  	_ =	shalt  }
0x84: {  	_ =	shalt  }
0x85: {  	_ =	shalt  }
0x86: {  	_ =	shalt  }
0x87: {  	_ =	shalt  }
.Lfunc_end0:
.L_simem_size_0:
called_computation.1_lowered:
.L_overlay_start_0:
0x88: {  	s2 =	sld [smem:$0x3FD9]  }
0x89: {  	s3 =	sld [smem:$0x3FFE];
	_ =	sdelay $0x1  }
0x8a: {  	s1 =	srdreg.scid  }
0x8b: {  	s0 =	sand.u32 $0x1, s1  }
0x8c: {  	s17 =	sshll.u32 s0, $0xA;
	s2 =	sadd.s32 s3, s2  }
0x8d: {  	s2 =	sadd.s32 s2, s17  }
0x8e: {  	[smem:$0x3FC0] =	sst s2  }
0x8f: {  	_ = 	snop  }
0x90: {  	s2 =	sld [smem:$0x3FD0];
	(tm) =	ssettm $0x1  }
0x91: {  	s18 =	sld [smem:$0x3FFB];
	_ =	sdelay $0x3  }
0x92: {  	_ =	strace s18  }
0x93: {  	s3 =	sld [smem:$0x3FFC];
	_ =	sdelay $0x3  }
0x94: {  	_ =	strace s3  }
0x95: {  	s3 =	sld [smem:$0x3FFD];
	_ =	sdelay $0x3  }
0x96: {  	_ =	strace s3  }
0x97: {  	_ =	strace $0x8FFFFFFF  }
0x98: {  	s19 =	sld [smem:$0x3FDB];
	_ =	sdelay $0x1  }
0x99: {  	s4 =	simm.s32 $_scs_section_size  }
0x9a: {  	s5 =	simm.s32 $_size__tile_overlayer_lowered;
	s6 =	simm.s32 $_tile_overlayer_lowered  }
0x9b: {  	s22 =	simm.s32 $0x1BFF;
	s21 =	sshll.u32 s6, $0x1;
	s3 =	sadd.s32 s4, s19  }
0x9c: {  	s7 =	simm.s32 $0x0;
	s20 =	sshll.u32 s5, $0x1;
	s5 =	sadd.s32 s21, s3  }
0x9d: {  	[timem:s7], [sflag:s22] =	dma.local [hbm:s5], s20  }
0x9e: {  	_ =	swait.ge [sflag:s22], s20  }
0x9f: {  	s4 =	ssub.s32 $0x0, s20;
	[sflag:s22] =	ssyncset.done $0x0  }
0xa0: {  	[sflag:s22] =	ssyncadd.s32 s4;
	_ =	sdelay $0x1  }
0xa1: {  	s23 =	simm.s32 $0x1B8B  }
0xa2: {  	_ =	swait.ge [sflag:s23], $0x1  }
0xa3: {  	[sflag:s23] =	ssyncset.done $0x0  }
0xa4: {  	s25 =	simm.s32 $0x1B8E;
	s24 =	sld [smem:$0x3FFE];
	[sflag:s23] =	ssyncadd.s32 $0xFFFFFFFF  }
0xa5: {  	s26 =	simm.s32 $execute0_lowered;
	[smem:$0x3FD2] =	sst s25  }
0xa6: {  	s5 =	sshll.u32 s26, $0x1;
	_ =	strace $0x80000049;
	[dreg:$0x1] =	wrdreg $0xFFFFFFFF  }
0xa7: {  	s28 =	simm.s32 $_size_execute0_lowered;
	s3 =	sadd.s32 s3, s5;
	[dreg:$0x0] =	wrdreg $0x0  }
0xa8: {  	s5 =	sshll.u32 s28, $0x1;
	[dreg:$0x2] =	wrdreg s3  }
0xa9: {  	[dreg:$0x3] =	wrdreg s5  }
0xaa: {  	[dreg:$0x4] =	wrdreg $0xC0  }
0xab: {  	_ =	task [dreg:s7], $0x5FFFF  }
0xac: {  	[dreg:$0x1] =	wrdreg $0xFFFFFFFF  }
0xad: {  	[dreg:$0x0] =	wrdreg $0x60  }
0xae: {  	[dreg:$0x2] =	wrdreg s24  }
0xaf: {  	[dreg:$0x3] =	wrdreg s2  }
0xb0: {  	[dreg:$0x4] =	wrdreg $0xA9000  }
0xb1: {  	[dreg:$0x5] =	wrdreg $0x9  }
0xb2: {  	_ =	task.clear_ibuf [dreg:s7], $0x6FFFF;
	_ =	strace $0x90000049  }
0xb3: {  	s29 =	simm.s32 $0x9;
	_ =	strace $0x8000004B  }
0xb4: {  	_ =	swait.ge [sflag:s29], $0x1  }
0xb5: {  	[sflag:s29] =	ssyncadd.s32 $0xFFFFFFFF  }
0xb6: {  	_ =	strace $0x9000004B  }
0xb7: {  	_ =	sfence  }
0xb8: {  	s30 =	sld [smem:$0x0];
	_ =	sdelay $0x2  }
0xb9: {  	s31 =	sshll.u32 s1, $0xD;
	s1 =	sshrl.u32 s1, $0x2  }
0xba: {  	s3 =	sand.u32 $0x4000, s31;
	s1 =	sadd.s32 s1, s30  }
0xbb: {  	s0 =	sor.u32 s3, s0;
	s1 =	sshll.u32 s1, $0x11  }
0xbc: {  	s0 =	sor.u32 s1, s0  }
0xbd: {  	s0 =	sadd.s32 $0x8F2B, s0  }
0xbe: {  	[sflag:s0] =	ssyncadd.remote.s32 $0x1  }
0xbf: {  	_ =	sfence.sel $0xFFFF  }
0xc0: {  	[dreg:$0x0] =	wrdreg $0xFFFFFFFF;
	(pc) =	sbr.abs _section_cstart, $3  }
0xc1: {  	[dreg:$0x1] =	wrdreg $0xFFFFFFFF  }
0xc2: {  	_ =	task.clear_ibuf [dreg:s7], $0x2FFFF;
	_ =	strace $0x9FFFFFFF  }
0xc3: {  	(tm) =	ssettm $0x7FFFFFFF  }
tec
execute0_lowered:
.L_overlay_start_1:
0x0: {  	(tag) =	ssettag $0x1  }
0x1: {  	s0 =	rddreg [dreg:$0x0]  }
0x2: {  	s1 =	rddreg [dreg:$0x1]  }
0x3: {  	s2 =	rddreg [dreg:$0x2];
	s11 =	stileid.u32  }
0x4: {  	s4 =	srdreg.scid;
	s3 =	simm.s32 $0x0;
	s29 =	simm.s32 $0xD  }
0x5: {  	s30 =	simm.s32 $0x2900;
	s31 =	simm.s32 $0x40;
	s5 =	smul.u32 $0xA0, s11  }
0x6: {  	s28 =	simm.s32 $0x1;
	s8 =	sand.u32 $0x1, s4;
	s7 =	smul.u32 $0x50000, s11  }
0x7: {  	[smem:$0x7FF] =	sst s3;
	s4 =	sadd.s32 $0x5CE00, s0;
	s23 =	smul.u32 $0x14000, s11  }
0x8: {  	p0 =	seq.s32 s8, $0x0;
	_ =	strace $0x8000004A;
	s20 =	ssub.s32 $0x2, s8  }
0x9: {  	s25 =	smul.u32 $0x140000, s8;
	s6 =	sadd.s32 $0xA00, s5;
	s10 =	sshrl.u32 s20, $0x1  }
0xa: {  	s22 =	sshrl.u32 s7, $0x2;
	s13 =	sadd.s32 $0x4000, s23;
	s18 =	sadd.s32 $0x8000, s23  }
0xb: {  	s19 =	sadd.s32 $0xC000, s23;
	s6 =	smov.u32 @p0 s5;
	s10 =	ssub.s32 s20, s10  }
0xc: {  	s12 =	sadd.s32 s25, s23;
	s15 =	sadd.s32 s25, s13;
	s20 =	sadd.s32 s25, s18  }
0xd: {  	s5 =	sshll.u32 s6, $0x3;
	s6 =	sadd.s32 s22, s2;
	s10 =	smax.u32 s10, $0x1  }
0xe: {  	s8 =	sshrl.u32 s12, $0x3;
	s17 =	sshrl.u32 s15, $0x3;
	s12 =	sadd.s32 s25, s19  }
0xf: {  	s15 =	simm.s32 $0x6;
	s9 =	sadd.s32 s5, s0;
	s0 =	sadd.s32 $0x84E00, s0  }
0x10: {  	s7 =	sadd.s32 s1, s5;
	[dreg:$0x9] =	wrdreg s10;
	s11 =	sadd.s32 $0x4000, s6  }
0x11: {  	s14 =	sadd.s32 $0x8000, s6;
	s16 =	sadd.s32 $0xC000, s6;
	[dreg:$0xa] =	wrdreg s11  }
0x12: {  	s1 =	sadd.s32 $0x10000, s23;
	s12 =	sshrl.u32 s12, $0x3;
	[dreg:$0xb] =	wrdreg s14  }
0x13: {  	s22 =	sadd.s32 $0x10000, s6;
	s10 =	simm.s32 $0x6900;
	[dreg:$0xc] =	wrdreg s16  }
0x14: {  	s21 =	sadd.s32 $0x2800, s9;
	s5 =	sadd.s32 $0x8, s7;
	[dreg:$0x12] =	wrdreg s22  }
0x15: {  	s24 =	sadd.s32 $0x10, s7;
	s26 =	sadd.s32 $0x18, s7;
	[dreg:$0x4] =	wrdreg s21  }
0x16: {  	s9 =	sadd.s32 s23, s2;
	s8 =	sadd.s32 s0, s8;
	[dreg:$0x5] =	wrdreg s5  }
0x17: {  	s11 =	sshrl.u32 s20, $0x3;
	s23 =	sadd.s32 s13, s2;
	[dreg:$0x6] =	wrdreg s24  }
0x18: {  	s13 =	simm.s32 $0x5;
	s14 =	simm.s32 $0x9;
	[dreg:$0x7] =	wrdreg s26  }
0x19: {  	s16 =	simm.s32 $0xA;
	s20 =	simm.s32 $0xC;
	[dreg:$0x8] =	wrdreg s9  }
0x1a: {  	[dreg:$0xd] =	wrdreg s8;
	s8 =	sadd.s32 s0, s17;
	s5 =	sadd.s32 s25, s1  }
0x1b: {  	s11 =	sadd.s32 s0, s11;
	s21 =	sadd.s32 s0, s12;
	[dreg:$0x13] =	wrdreg s23  }
0x1c: {  	s24 =	sadd.s32 s18, s2;
	s25 =	sadd.s32 s19, s2;
	[dreg:$0xe] =	wrdreg s8  }
0x1d: {  	s26 =	sadd.s32 s1, s2;
	s1 =	simm.s32 $0x80;
	[dreg:$0xf] =	wrdreg s11  }
0x1e: {  	s9 =	simm.s32 $0x3;
	s12 =	simm.s32 $0x8900;
	[dreg:$0x10] =	wrdreg s21  }
0x1f: {  	s17 =	simm.s32 $0x7;
	s18 =	simm.s32 $0xB;
	[dreg:$0x14] =	wrdreg s24  }
0x20: {  	s19 =	simm.s32 $0x8;
	s5 =	sshrl.u32 s5, $0x3;
	[dreg:$0x15] =	wrdreg s25  }
0x21: {  	[dreg:$0x16] =	wrdreg s26;
	s26 =	sadd.s32 $0x38, s7;
	s8 =	simm.s32 $0x4900  }
0x22: {  	s11 =	simm.s32 $0x4;
	s21 =	simm.s32 $0x0;
	s0 =	sadd.s32 s0, s5  }
0x23: {  	v0 =	vimm.f32 $0.0e+00;
	s5 =	simm.s32 $0x2;
	[dreg:$0x11] =	wrdreg s0;
	s0 =	simm.s32 $0xC0  }
.LBB2_1:
0x24: {  	s22 =	rddreg [dreg:$0x4];
	s23 =	simm.s32 $0x100  }
0x25: {  	[tilespmem:s23], [sflag:$0xD] =	stream.linear.gather [hbm4b:s22+s3], $0x2800, $0x38;
	[tilespmem:$0x1E900] =	vst v63  }
0x26: {  	_ =	swait.ge [sflag:s29], $0x2800  }
0x27: {  	[sflag:s29] =	ssyncset.done $0x0  }
0x28: {  	s22 =	simm.s32 $0x0;
	s23 =	simm.s32 $0x200;
	[sflag:s29] =	ssyncadd.s32 $0xFFFFD800  }
.LBB2_2:
0x29: {  	p0 =	sne.s32 s23, $0xFE00;
	[tilespmem:s22+$0x2970] =	vst v0  }
0x2a: {  	[tilespmem:s22+$0x2900] =	vst v0  }
0x2b: {  	[tilespmem:s22+$0x2910] =	vst v0  }
.Ltmp0:
0x2c: {  	[tilespmem:s22+$0x2920] =	vst v0;
	(pc) =	sbr.rel @p0 .LBB2_2-.Ltmp0, $4  }
0x2d: {  	[tilespmem:s22+$0x2930] =	vst v0  }
0x2e: {  	[tilespmem:s22+$0x2940] =	vst v0  }
0x2f: {  	[tilespmem:s22+$0x2950] =	vst v0  }
0x30: {  	[tilespmem:s22+$0x2960] =	vst v0;
	s22 =	sshra.s32 s23, $0x2;
	s23 =	sadd.s32 $0x200, s23  }
0x31: {  	[tilespmem:s22+$0x2970] =	vst v0  }
0x32: {  	[tilespmem:s22+$0x2900] =	vst v0  }
0x33: {  	[tilespmem:s22+$0x2910] =	vst v0  }
0x34: {  	[tilespmem:s22+$0x2920] =	vst v0  }
0x35: {  	[tilespmem:s22+$0x2930] =	vst v0  }
0x36: {  	[tilespmem:s22+$0x2940] =	vst v0  }
0x37: {  	[tilespmem:s22+$0x2950] =	vst v0  }
0x38: {  	[tilespmem:s22+$0x2960] =	vst v0  }
0x39: {  	[spmem:s6] =	stream.linear.scatter [tilespmem:s30], [sflag:$0xD], $0x4000, $0x38;
	[tilespmem:$0x1E900] =	vst v63  }
0x3a: {  	_ =	swait.ge [sflag:s29], $0x4000  }
0x3b: {  	[sflag:s29] =	ssyncset.done $0x0  }
0x3c: {  	s24 =	rddreg [dreg:$0xa];
	[sflag:s29] =	ssyncadd.s32 $0xFFFFC000  }
0x3d: {  	[spmem:s24] =	stream.linear.scatter [tilespmem:s30], [sflag:$0xD], $0x4000, $0x38;
	[tilespmem:$0x1E900] =	vst v63  }
0x3e: {  	_ =	swait.ge [sflag:s29], $0x4000  }
0x3f: {  	[sflag:s29] =	ssyncset.done $0x0  }
0x40: {  	s25 =	rddreg [dreg:$0xb];
	[sflag:s29] =	ssyncadd.s32 $0xFFFFC000  }
0x41: {  	[spmem:s25] =	stream.linear.scatter [tilespmem:s30], [sflag:$0xD], $0x4000, $0x38;
	[tilespmem:$0x1E900] =	vst v63  }
0x42: {  	_ =	swait.ge [sflag:s29], $0x4000  }
0x43: {  	[sflag:s29] =	ssyncset.done $0x0  }
0x44: {  	s23 =	rddreg [dreg:$0xc];
	[sflag:s29] =	ssyncadd.s32 $0xFFFFC000  }
0x45: {  	[spmem:s23] =	stream.linear.scatter [tilespmem:s30], [sflag:$0xD], $0x4000, $0x38;
	[tilespmem:$0x1E900] =	vst v63  }
0x46: {  	_ =	swait.ge [sflag:s29], $0x4000  }
0x47: {  	[sflag:s29] =	ssyncset.done $0x0  }
0x48: {  	s24 =	rddreg [dreg:$0x12];
	[sflag:s29] =	ssyncadd.s32 $0xFFFFC000  }
0x49: {  	[spmem:s24] =	stream.linear.scatter [tilespmem:s30], [sflag:$0xD], $0x4000, $0x38;
	[tilespmem:$0x1E900] =	vst v63  }
0x4a: {  	_ =	swait.ge [sflag:s29], $0x4000  }
0x4b: {  	[sflag:s29] =	ssyncset.done $0x0  }
0x4c: {  	[sflag:s29] =	ssyncadd.s32 $0xFFFFC000  }
0x4d: {  	s22 =	simm.s32 $0x0;
	[bflag:$0x0] =	sbarrier.arrive $0xFFFF  }
0x4e: {  	[tilespmem:s22], [sflag:$0x1] =	stream.linear.gather [hbm4b:s7+s22], $0x40, $0x38;
	[tilespmem:$0x1E900] =	vst v63  }
0x4f: {  	s23 =	rddreg [dreg:$0x5]  }
0x50: {  	[tilespmem:s31], [sflag:$0x2] =	stream.linear.gather [hbm4b:s23+s22], $0x40, $0x38;
	[tilespmem:$0x1E900] =	vst v63  }
0x51: {  	s25 =	rddreg [dreg:$0x6]  }
0x52: {  	[tilespmem:s1], [sflag:$0x3] =	stream.linear.gather [hbm4b:s25+s22], $0x40, $0x38;
	[tilespmem:$0x1E900] =	vst v63  }
0x53: {  	s24 =	rddreg [dreg:$0x7]  }
0x54: {  	[tilespmem:s0], [sflag:$0x4] =	stream.linear.gather [hbm4b:s24+s22], $0x40, $0x38;
	[tilespmem:$0x1E900] =	vst v63  }
0x55: {  	_ =	swait.ge [sflag:s28], $0x40  }
0x56: {  	[sflag:s28] =	ssyncset.done $0x0  }
0x57: {  	[sflag:s28] =	ssyncadd.s32 $0xFFFFFFC0  }
0x58: {  	[tilespmem:s30], [sflag:$0x5] =	stream.indirect.gather [hbm4b:s4+s31], $0x80, s22, s31, $0xb8;
	[tilespmem:$0x1E900] =	vst v63  }
0x59: {  	_ =	swait.ge [sflag:s5], $0x40  }
0x5a: {  	[sflag:s5] =	ssyncset.done $0x0  }
0x5b: {  	[sflag:s5] =	ssyncadd.s32 $0xFFFFFFC0  }
0x5c: {  	[tilespmem:s8], [sflag:$0x6] =	stream.indirect.gather [hbm4b:s4+s31], $0x80, s31, s31, $0xb8;
	[tilespmem:$0x1E900] =	vst v63  }
0x5d: {  	_ =	swait.ge [sflag:s9], $0x40  }
0x5e: {  	[sflag:s9] =	ssyncset.done $0x0  }
0x5f: {  	[sflag:s9] =	ssyncadd.s32 $0xFFFFFFC0  }
0x60: {  	[tilespmem:s10], [sflag:$0x7] =	stream.indirect.gather [hbm4b:s4+s31], $0x80, s1, s31, $0xb8;
	[tilespmem:$0x1E900] =	vst v63  }
0x61: {  	_ =	swait.ge [sflag:s11], $0x40  }
0x62: {  	[sflag:s11] =	ssyncset.done $0x0  }
0x63: {  	[sflag:s11] =	ssyncadd.s32 $0xFFFFFFC0  }
0x64: {  	[tilespmem:s12], [sflag:$0x8] =	stream.indirect.gather [hbm4b:s4+s31], $0x80, s0, s31, $0xb8;
	[tilespmem:$0x1E900] =	vst v63  }
0x65: {  	_ =	swait.ge [sflag:s13], $0x2000  }
0x66: {  	[sflag:s13] =	ssyncset.done $0x0  }
0x67: {  	s25 =	simm.s32 $0x100;
	[sflag:s13] =	ssyncadd.s32 $0xFFFFE000  }
0x68: {  	[spmem:s2] =	stream.indirect.scatter.add.f32 [tilespmem:s30], [sflag:$0x9], $0x80, s25, s31, $0xb8;
	[tilespmem:$0x1E900] =	vst v63  }
0x69: {  	s23 =	sadd.s32 $0xFFFFFFE8, s26  }
0x6a: {  	[tilespmem:s3], [sflag:$0x1] =	stream.linear.gather [hbm4b:s23+s3], $0x40, $0x38;
	[tilespmem:$0x1E900] =	vst v63  }
0x6b: {  	_ =	swait.ge [sflag:s14], $0x2000  }
0x6c: {  	[sflag:s14] =	ssyncset.done $0x0  }
0x6d: {  	[sflag:s14] =	ssyncadd.s32 $0xFFFFE000  }
0x6e: {  	_ =	swait.ge [sflag:s28], $0x40  }
0x6f: {  	[sflag:s28] =	ssyncset.done $0x0  }
0x70: {  	[sflag:s28] =	ssyncadd.s32 $0xFFFFFFC0  }
0x71: {  	[tilespmem:s30], [sflag:$0x5] =	stream.indirect.gather [hbm4b:s4+s31], $0x80, s3, s31, $0xb8;
	[tilespmem:$0x1E900] =	vst v63  }
0x72: {  	_ =	swait.ge [sflag:s15], $0x2000  }
0x73: {  	[sflag:s15] =	ssyncset.done $0x0  }
0x74: {  	s24 =	simm.s32 $0x140;
	[sflag:s15] =	ssyncadd.s32 $0xFFFFE000  }
0x75: {  	[spmem:s2] =	stream.indirect.scatter.add.f32 [tilespmem:s8], [sflag:$0xA], $0x80, s24, s31, $0xb8;
	[tilespmem:$0x1E900] =	vst v63  }
0x76: {  	s25 =	sadd.s32 $0xFFFFFFF0, s26  }
0x77: {  	[tilespmem:s31], [sflag:$0x2] =	stream.linear.gather [hbm4b:s25+s3], $0x40, $0x38;
	[tilespmem:$0x1E900] =	vst v63  }
0x78: {  	_ =	swait.ge [sflag:s16], $0x2000  }
0x79: {  	[sflag:s16] =	ssyncset.done $0x0  }
0x7a: {  	[sflag:s16] =	ssyncadd.s32 $0xFFFFE000  }
0x7b: {  	_ =	swait.ge [sflag:s5], $0x40  }
0x7c: {  	[sflag:s5] =	ssyncset.done $0x0  }
0x7d: {  	[sflag:s5] =	ssyncadd.s32 $0xFFFFFFC0  }
0x7e: {  	[tilespmem:s8], [sflag:$0x6] =	stream.indirect.gather [hbm4b:s4+s31], $0x80, s31, s31, $0xb8;
	[tilespmem:$0x1E900] =	vst v63  }
0x7f: {  	_ =	swait.ge [sflag:s17], $0x2000  }
0x80: {  	[sflag:s17] =	ssyncset.done $0x0  }
0x81: {  	s23 =	simm.s32 $0x180;
	[sflag:s17] =	ssyncadd.s32 $0xFFFFE000  }
0x82: {  	[spmem:s2] =	stream.indirect.scatter.add.f32 [tilespmem:s10], [sflag:$0xB], $0x80, s23, s31, $0xb8;
	[tilespmem:$0x1E900] =	vst v63  }
0x83: {  	s24 =	sadd.s32 $0xFFFFFFF8, s26  }
0x84: {  	[tilespmem:s1], [sflag:$0x3] =	stream.linear.gather [hbm4b:s24+s3], $0x40, $0x38;
	[tilespmem:$0x1E900] =	vst v63  }
0x85: {  	_ =	swait.ge [sflag:s18], $0x2000  }
0x86: {  	[sflag:s18] =	ssyncset.done $0x0  }
0x87: {  	[sflag:s18] =	ssyncadd.s32 $0xFFFFE000  }
0x88: {  	_ =	swait.ge [sflag:s9], $0x40  }
0x89: {  	[sflag:s9] =	ssyncset.done $0x0  }
0x8a: {  	[sflag:s9] =	ssyncadd.s32 $0xFFFFFFC0  }
0x8b: {  	[tilespmem:s10], [sflag:$0x7] =	stream.indirect.gather [hbm4b:s4+s31], $0x80, s1, s31, $0xb8;
	[tilespmem:$0x1E900] =	vst v63  }
0x8c: {  	_ =	swait.ge [sflag:s19], $0x2000  }
0x8d: {  	[sflag:s19] =	ssyncset.done $0x0  }
0x8e: {  	s25 =	simm.s32 $0x1C0;
	[sflag:s19] =	ssyncadd.s32 $0xFFFFE000  }
0x8f: {  	[spmem:s2] =	stream.indirect.scatter.add.f32 [tilespmem:s12], [sflag:$0xC], $0x80, s25, s31, $0xb8;
	[tilespmem:$0x1E900] =	vst v63  }
0x90: {  	_ = 	snop  }
0x91: {  	[tilespmem:s0], [sflag:$0x4] =	stream.linear.gather [hbm4b:s26+s3], $0x40, $0x38;
	[tilespmem:$0x1E900] =	vst v63  }
0x92: {  	_ =	swait.ge [sflag:s20], $0x2000  }
0x93: {  	[sflag:s20] =	ssyncset.done $0x0  }
0x94: {  	[sflag:s20] =	ssyncadd.s32 $0xFFFFE000  }
0x95: {  	_ =	swait.ge [sflag:s11], $0x40  }
0x96: {  	[sflag:s11] =	ssyncset.done $0x0  }
0x97: {  	s22 =	simm.s32 $0x400;
	s23 =	sadd.s32 $0x20, s26;
	[sflag:s11] =	ssyncadd.s32 $0xFFFFFFC0  }
.LBB2_4:
0x98: {  	[tilespmem:s12], [sflag:$0x8] =	stream.indirect.gather [hbm4b:s4+s31], $0x80, s0, s31, $0xb8;
	[tilespmem:$0x1E900] =	vst v63  }
0x99: {  	s24 =	smov.u32 s22  }
0x9a: {  	p0 =	sne.s32 s22, $0x9800;
	s22 =	sadd.s32 $0x400, s22;
	_ =	swait.ge [sflag:s13], $0x2000  }
0x9b: {  	s24 =	sshra.s32 s24, $0x2;
	[sflag:s13] =	ssyncset.done $0x0  }
0x9c: {  	s25 =	sadd.s32 $0x100, s24;
	[sflag:s13] =	ssyncadd.s32 $0xFFFFE000  }
0x9d: {  	[spmem:s2] =	stream.indirect.scatter.add.f32 [tilespmem:s30], [sflag:$0x9], $0x80, s25, s31, $0xb8;
	[tilespmem:$0x1E900] =	vst v63  }
0x9e: {  	s25 =	sadd.s32 $0xFFFFFFE8, s23  }
0x9f: {  	[tilespmem:s3], [sflag:$0x1] =	stream.linear.gather [hbm4b:s25+s3], $0x40, $0x38;
	[tilespmem:$0x1E900] =	vst v63  }
0xa0: {  	_ =	swait.ge [sflag:s14], $0x2000  }
0xa1: {  	[sflag:s14] =	ssyncset.done $0x0  }
0xa2: {  	[sflag:s14] =	ssyncadd.s32 $0xFFFFE000  }
0xa3: {  	_ =	swait.ge [sflag:s28], $0x40  }
0xa4: {  	[sflag:s28] =	ssyncset.done $0x0  }
0xa5: {  	[sflag:s28] =	ssyncadd.s32 $0xFFFFFFC0  }
0xa6: {  	[tilespmem:s30], [sflag:$0x5] =	stream.indirect.gather [hbm4b:s4+s31], $0x80, s3, s31, $0xb8;
	[tilespmem:$0x1E900] =	vst v63  }
0xa7: {  	_ =	swait.ge [sflag:s15], $0x2000  }
0xa8: {  	[sflag:s15] =	ssyncset.done $0x0  }
0xa9: {  	s25 =	sadd.s32 $0x140, s24;
	[sflag:s15] =	ssyncadd.s32 $0xFFFFE000  }
0xaa: {  	[spmem:s2] =	stream.indirect.scatter.add.f32 [tilespmem:s8], [sflag:$0xA], $0x80, s25, s31, $0xb8;
	[tilespmem:$0x1E900] =	vst v63  }
0xab: {  	s25 =	sadd.s32 $0xFFFFFFF0, s23  }
0xac: {  	[tilespmem:s31], [sflag:$0x2] =	stream.linear.gather [hbm4b:s25+s3], $0x40, $0x38;
	[tilespmem:$0x1E900] =	vst v63  }
0xad: {  	_ =	swait.ge [sflag:s16], $0x2000  }
0xae: {  	[sflag:s16] =	ssyncset.done $0x0  }
0xaf: {  	[sflag:s16] =	ssyncadd.s32 $0xFFFFE000  }
0xb0: {  	_ =	swait.ge [sflag:s5], $0x40  }
0xb1: {  	[sflag:s5] =	ssyncset.done $0x0  }
0xb2: {  	[sflag:s5] =	ssyncadd.s32 $0xFFFFFFC0  }
0xb3: {  	[tilespmem:s8], [sflag:$0x6] =	stream.indirect.gather [hbm4b:s4+s31], $0x80, s31, s31, $0xb8;
	[tilespmem:$0x1E900] =	vst v63  }
0xb4: {  	_ =	swait.ge [sflag:s17], $0x2000  }
0xb5: {  	[sflag:s17] =	ssyncset.done $0x0  }
0xb6: {  	s25 =	sadd.s32 $0x180, s24;
	[sflag:s17] =	ssyncadd.s32 $0xFFFFE000  }
0xb7: {  	[spmem:s2] =	stream.indirect.scatter.add.f32 [tilespmem:s10], [sflag:$0xB], $0x80, s25, s31, $0xb8;
	[tilespmem:$0x1E900] =	vst v63  }
0xb8: {  	s25 =	sadd.s32 $0xFFFFFFF8, s23  }
0xb9: {  	[tilespmem:s1], [sflag:$0x3] =	stream.linear.gather [hbm4b:s25+s3], $0x40, $0x38;
	[tilespmem:$0x1E900] =	vst v63  }
0xba: {  	_ =	swait.ge [sflag:s18], $0x2000  }
0xbb: {  	[sflag:s18] =	ssyncset.done $0x0  }
0xbc: {  	[sflag:s18] =	ssyncadd.s32 $0xFFFFE000  }
0xbd: {  	_ =	swait.ge [sflag:s9], $0x40  }
0xbe: {  	[sflag:s9] =	ssyncset.done $0x0  }
0xbf: {  	[sflag:s9] =	ssyncadd.s32 $0xFFFFFFC0  }
0xc0: {  	[tilespmem:s10], [sflag:$0x7] =	stream.indirect.gather [hbm4b:s4+s31], $0x80, s1, s31, $0xb8;
	[tilespmem:$0x1E900] =	vst v63  }
0xc1: {  	_ =	swait.ge [sflag:s19], $0x2000  }
0xc2: {  	[sflag:s19] =	ssyncset.done $0x0  }
0xc3: {  	s24 =	sadd.s32 $0x1C0, s24;
	[sflag:s19] =	ssyncadd.s32 $0xFFFFE000  }
0xc4: {  	[spmem:s2] =	stream.indirect.scatter.add.f32 [tilespmem:s12], [sflag:$0xC], $0x80, s24, s31, $0xb8;
	[tilespmem:$0x1E900] =	vst v63  }
0xc5: {  	_ = 	snop  }
0xc6: {  	[tilespmem:s0], [sflag:$0x4] =	stream.linear.gather [hbm4b:s23+s3], $0x40, $0x38;
	[tilespmem:$0x1E900] =	vst v63  }
0xc7: {  	_ =	swait.ge [sflag:s20], $0x2000  }
.Ltmp1:
0xc8: {  	[sflag:s20] =	ssyncset.done $0x0;
	(pc) =	sbr.rel @p0 .LBB2_4-.Ltmp1, $4  }
0xc9: {  	[sflag:s20] =	ssyncadd.s32 $0xFFFFE000  }
0xca: {  	_ =	swait.ge [sflag:s11], $0x40  }
0xcb: {  	[sflag:s11] =	ssyncset.done $0x0  }
0xcc: {  	s23 =	sadd.s32 $0x20, s23;
	[sflag:s11] =	ssyncadd.s32 $0xFFFFFFC0  }
0xcd: {  	[tilespmem:s12], [sflag:$0x8] =	stream.indirect.gather [hbm4b:s4+s31], $0x80, s0, s31, $0xb8;
	[tilespmem:$0x1E900] =	vst v63  }
0xce: {  	_ =	swait.ge [sflag:s13], $0x2000  }
0xcf: {  	[sflag:s13] =	ssyncset.done $0x0  }
0xd0: {  	s22 =	simm.s32 $0x2800;
	[sflag:s13] =	ssyncadd.s32 $0xFFFFE000  }
0xd1: {  	[spmem:s2] =	stream.indirect.scatter.add.f32 [tilespmem:s30], [sflag:$0x9], $0x80, s22, s31, $0xb8;
	[tilespmem:$0x1E900] =	vst v63  }
0xd2: {  	_ =	swait.ge [sflag:s15], $0x2000  }
0xd3: {  	[sflag:s15] =	ssyncset.done $0x0  }
0xd4: {  	s24 =	simm.s32 $0x2840;
	[sflag:s15] =	ssyncadd.s32 $0xFFFFE000  }
0xd5: {  	[spmem:s2] =	stream.indirect.scatter.add.f32 [tilespmem:s8], [sflag:$0xA], $0x80, s24, s31, $0xb8;
	[tilespmem:$0x1E900] =	vst v63  }
0xd6: {  	_ =	swait.ge [sflag:s17], $0x2000  }
0xd7: {  	[sflag:s17] =	ssyncset.done $0x0  }
0xd8: {  	s25 =	simm.s32 $0x2880;
	[sflag:s17] =	ssyncadd.s32 $0xFFFFE000  }
0xd9: {  	[spmem:s2] =	stream.indirect.scatter.add.f32 [tilespmem:s10], [sflag:$0xB], $0x80, s25, s31, $0xb8;
	[tilespmem:$0x1E900] =	vst v63  }
0xda: {  	_ =	swait.ge [sflag:s19], $0x2000  }
0xdb: {  	[sflag:s19] =	ssyncset.done $0x0  }
0xdc: {  	s23 =	simm.s32 $0x28C0;
	[sflag:s19] =	ssyncadd.s32 $0xFFFFE000  }
0xdd: {  	[spmem:s2] =	stream.indirect.scatter.add.f32 [tilespmem:s12], [sflag:$0xC], $0x80, s23, s31, $0xb8;
	[tilespmem:$0x1E900] =	vst v63  }
0xde: {  	_ =	swait.ge [sflag:s14], $0x2000  }
0xdf: {  	[sflag:s14] =	ssyncset.done $0x0  }
0xe0: {  	[sflag:s14] =	ssyncadd.s32 $0xFFFFE000  }
0xe1: {  	_ =	swait.ge [sflag:s16], $0x2000  }
0xe2: {  	[sflag:s16] =	ssyncset.done $0x0  }
0xe3: {  	[sflag:s16] =	ssyncadd.s32 $0xFFFFE000  }
0xe4: {  	_ =	swait.ge [sflag:s18], $0x2000  }
0xe5: {  	[sflag:s18] =	ssyncset.done $0x0  }
0xe6: {  	[sflag:s18] =	ssyncadd.s32 $0xFFFFE000  }
0xe7: {  	_ =	swait.ge [sflag:s20], $0x2000  }
0xe8: {  	[sflag:s20] =	ssyncset.done $0x0  }
0xe9: {  	[sflag:s20] =	ssyncadd.s32 $0xFFFFE000  }
0xea: {  	[bflag:$0x0] =	sbarrier.arrive $0xFFFF  }
0xeb: {  	s24 =	rddreg [dreg:$0x8]  }
0xec: {  	[tilespmem:s30], [sflag:$0xD] =	stream.linear.gather [spmem:s24], $0x4000, $0x38;
	[tilespmem:$0x1E900] =	vst v63  }
0xed: {  	_ =	swait.ge [sflag:s29], $0x4000  }
0xee: {  	[sflag:s29] =	ssyncset.done $0x0  }
0xef: {  	s25 =	rddreg [dreg:$0xd];
	[sflag:s29] =	ssyncadd.s32 $0xFFFFC000  }
0xf0: {  	[hbm4b:s25+s3] =	stream.linear.scatter [tilespmem:s30], [sflag:$0xD], $0x4000, $0x38;
	[tilespmem:$0x1E900] =	vst v63  }
0xf1: {  	_ =	swait.ge [sflag:s29], $0x4000  }
0xf2: {  	[sflag:s29] =	ssyncset.done $0x0  }
0xf3: {  	s23 =	rddreg [dreg:$0x13];
	[sflag:s29] =	ssyncadd.s32 $0xFFFFC000  }
0xf4: {  	[tilespmem:s30], [sflag:$0xD] =	stream.linear.gather [spmem:s23], $0x4000, $0x38;
	[tilespmem:$0x1E900] =	vst v63  }
0xf5: {  	_ =	swait.ge [sflag:s29], $0x4000  }
0xf6: {  	[sflag:s29] =	ssyncset.done $0x0  }
0xf7: {  	s24 =	rddreg [dreg:$0xe];
	[sflag:s29] =	ssyncadd.s32 $0xFFFFC000  }
0xf8: {  	[hbm4b:s24+s3] =	stream.linear.scatter [tilespmem:s30], [sflag:$0xD], $0x4000, $0x38;
	[tilespmem:$0x1E900] =	vst v63  }
0xf9: {  	_ =	swait.ge [sflag:s29], $0x4000  }
0xfa: {  	[sflag:s29] =	ssyncset.done $0x0  }
0xfb: {  	s25 =	rddreg [dreg:$0x14];
	[sflag:s29] =	ssyncadd.s32 $0xFFFFC000  }
0xfc: {  	[tilespmem:s30], [sflag:$0xD] =	stream.linear.gather [spmem:s25], $0x4000, $0x38;
	[tilespmem:$0x1E900] =	vst v63  }
0xfd: {  	_ =	swait.ge [sflag:s29], $0x4000  }
0xfe: {  	[sflag:s29] =	ssyncset.done $0x0  }
0xff: {  	s23 =	rddreg [dreg:$0xf];
	[sflag:s29] =	ssyncadd.s32 $0xFFFFC000  }
0x100: {  	[hbm4b:s23+s3] =	stream.linear.scatter [tilespmem:s30], [sflag:$0xD], $0x4000, $0x38;
	[tilespmem:$0x1E900] =	vst v63  }
0x101: {  	_ =	swait.ge [sflag:s29], $0x4000  }
0x102: {  	[sflag:s29] =	ssyncset.done $0x0  }
0x103: {  	s24 =	rddreg [dreg:$0x15];
	[sflag:s29] =	ssyncadd.s32 $0xFFFFC000  }
0x104: {  	[tilespmem:s30], [sflag:$0xD] =	stream.linear.gather [spmem:s24], $0x4000, $0x38;
	[tilespmem:$0x1E900] =	vst v63  }
0x105: {  	_ =	swait.ge [sflag:s29], $0x4000  }
0x106: {  	[sflag:s29] =	ssyncset.done $0x0  }
0x107: {  	s25 =	rddreg [dreg:$0x10];
	[sflag:s29] =	ssyncadd.s32 $0xFFFFC000  }
0x108: {  	[hbm4b:s25+s3] =	stream.linear.scatter [tilespmem:s30], [sflag:$0xD], $0x4000, $0x38;
	[tilespmem:$0x1E900] =	vst v63  }
0x109: {  	_ =	swait.ge [sflag:s29], $0x4000  }
0x10a: {  	[sflag:s29] =	ssyncset.done $0x0  }
0x10b: {  	s23 =	rddreg [dreg:$0x16];
	[sflag:s29] =	ssyncadd.s32 $0xFFFFC000  }
0x10c: {  	[tilespmem:s30], [sflag:$0xD] =	stream.linear.gather [spmem:s23], $0x4000, $0x38;
	[tilespmem:$0x1E900] =	vst v63  }
0x10d: {  	_ =	swait.ge [sflag:s29], $0x4000  }
0x10e: {  	[sflag:s29] =	ssyncset.done $0x0  }
0x10f: {  	s24 =	rddreg [dreg:$0x11];
	[sflag:s29] =	ssyncadd.s32 $0xFFFFC000  }
0x110: {  	[hbm4b:s24+s3] =	stream.linear.scatter [tilespmem:s30], [sflag:$0xD], $0x4000, $0x38;
	[tilespmem:$0x1E900] =	vst v63  }
0x111: {  	_ =	swait.ge [sflag:s29], $0x4000  }
0x112: {  	s21 =	sadd.s32 $0x1, s21;
	s25 =	rddreg [dreg:$0x9]  }
0x113: {  	p0 =	sne.s32 s21, s25  }
.Ltmp2:
0x114: {  	_ = 	snop;
	(pc) =	sbr.rel @p0 .LBB2_1-.Ltmp2, $3  }
0x115: {  	_ =	sdelay $0x1  }
0x116: {  	[sflag:s29] =	ssyncset.done $0x0  }
0x117: {  	[sflag:s29] =	ssyncadd.s32 $0xFFFFC000  }
0x118: {  	_ =	sfence.sel $0x180000  }
0x119: {  	[bflag:$0x0] =	sbarrier.arrive $0xFFFF  }
0x11a: {  	_ =	strace $0x9000004A  }
0x11b: {  	s0 =	stileid.u32;
	[bflag:$0x2] =	sbarrier.arrive $0xFFFF  }
0x11c: {  	p0 =	sne.s32 s0, $0x0;
	s0 =	rddreg [dreg:$0x3]  }
0x11d: {  	s0 =	sadd.s32 @!p0 $0x100000, s0  }
0x11e: {  	[sflag:s0] =	ssyncadd.tile.s32 @!p0 $0x1;
	_ =	shalt  }
.Lfunc_end2:
_tile_overlayer_lowered:
.L_overlay_start_2:
0x11f: {  	(tag) =	ssettag $0x2  }
0x120: {  	s0 =	rddreg [dreg:$0x0];
	s2 =	stileid.u32  }
0x121: {  	s1 =	rddreg [dreg:$0x1];
	p0 =	sne.s32 s2, $0x0  }
0x122: {  	s3 =	rddreg [dreg:$0x2];
	[bflag:$0x3] =	sbarrier.arrive $0xFFFF;
	s2 =	simm.s32 @!p0 $0x1C0D  }
0x123: {  	[timem:s3], [sflag:s2] =	dma.local @!p0 [hbm:s0], s1  }
0x124: {  	s0 =	simm.s32 @!p0 $0xD  }
0x125: {  	_ =	swait.ge @!p0 [sflag:s0], s1  }
0x126: {  	s1 =	ssub.s32 @!p0 $0x0, s1;
	[sflag:s0] =	ssyncset.done @!p0 $0x0  }
0x127: {  	[sflag:s0] =	ssyncadd.s32 @!p0 s1  }
0x128: {  	[bflag:$0x3] =	sbarrier.arrive $0xFFFF  }
0x129: {  	_ =	shalt  }

// kernel: kernel.14.cloned.1.call-start
scs
__scs_entry_jumppad:
0x0: {  	(pc) =	sbr.rel $0x88, $3  }
0x1: {  	(tag) =	ssettag $0x0;
	lr =	simm.s32 $0x1  }
0x2: {  	[smem:$0x3F99] =	sst lr;
	_ =	strace $0xD0000000  }
0x3: {  	_ = 	snop  }
0x4: {  	_ = 	snop  }
0x5: {  	_ = 	snop  }
0x6: {  	_ = 	snop  }
0x7: {  	_ = 	snop  }
__scs_overlays_trampoline_lowered:
0x8: {  	[smem:$0x3FA8] =	sst s0  }
0x9: {  	[smem:$0x3FA9] =	sst s1  }
0xa: {  	[smem:$0x3FAA] =	sst s2  }
0xb: {  	[smem:$0x3FAB] =	sst s3  }
0xc: {  	[smem:$0x3FAC] =	sst s4  }
0xd: {  	[smem:$0x3FAD] =	sst s5  }
0xe: {  	[smem:$0x3FAE] =	sst s6  }
0xf: {  	[smem:$0x3FAF] =	sst s7  }
0x10: {  	[smem:$0x3FB0] =	sst s8  }
0x11: {  	[smem:$0x3FB1] =	sst s9;
	s0 =	simm.s32 @!p0 $0x0  }
0x12: {  	s1 =	sld [smem:$0x3F97];
	s0 =	simm.s32 @p0 $0x1  }
0x13: {  	[smem:$0x3FB2] =	sst s0;
	s0 =	simm.s32 @!p1 $0x0  }
0x14: {  	s2 =	sld [smem:$0x3F96];
	s0 =	simm.s32 @p1 $0x1  }
0x15: {  	[smem:$0x3FB3] =	sst s0;
	s0 =	simm.s32 @!p2 $0x0  }
0x16: {  	s3 =	sld [smem:$0x3FDB];
	s0 =	simm.s32 @p2 $0x1  }
0x17: {  	s4 =	simm.s32 $0x1BF5;
	[smem:$0x3FB5] =	sst s0  }
0x18: {  	s0 =	sld [smem:$0x3F98];
	_ =	swait.ge [sflag:s4], $0x0  }
0x19: {  	s7 =	sld [smem:$0x3F99]  }
0x1a: {  	s8 =	sadd.s32 $0xFFFFE003, lr  }
0x1b: {  	s9 =	sadd.s32 $0xFFFFFEF7, lr;
	s5 =	simm.s32 $0xFFFFFFFF;
	p2 =	slt.u32 s8, $0xFFFFF086  }
0x1c: {  	p1 =	slt.u32 s9, $0xF7A;
	s5 =	simm.s32 @!p2 $0x0  }
0x1d: {  	s5 =	simm.s32 @p1 $0x1;
	p0 =	seq.s32 s7, s2  }
0x1e: {  	s7 =	smul.u32 @!p0 $0xF7A, s2;
	p2 =	seq.s32 @!p0 s5, $0x0  }
0x1f: {  	s9 =	smul.u32 $0xF7A, s1;
	s8 =	simm.s32 @!p0 $0x1BF5;
	p2 =	por !p2, p0  }
0x20: {  	[sflag:s8] =	ssyncset.s32 @!p0 $0xFFFFF086;
	s6 =	sadd.s32 @!p0 s3, s7;
	s7 =	simm.s32 @!p0 $0x108  }
0x21: {  	s3 =	sadd.s32 s3, s9;
	s6 =	sadd.s32 @!p0 $0x88, s6;
	s7 =	simm.s32 @p2 $0x1082  }
0x22: {  	[simem:s7], [sflag:s8] =	dma.local @!p0 [hbm:s6], $0xF7A  }
0x23: {  	s9 =	sor.u32 $0xD0000000, s2;
	s6 =	simm.s32 $0x108;
	_ =	swait.ge @!p0 [sflag:s8], $0x0  }
0x24: {  	s3 =	sadd.s32 $0x88, s3;
	s6 =	simm.s32 @!p1 $0x1082;
	[sflag:s4] =	ssyncset.s32 $0xFFFFF086  }
0x25: {  	[simem:s6], [sflag:s4] =	dma.local [hbm:s3], $0xF7A  }
0x26: {  	[smem:$0x3F99] =	sst s1;
	(tag) =	ssettag s2;
	_ =	strace s9  }
0x27: {  	s1 =	sld [smem:$0x3FA9]  }
0x28: {  	s2 =	sld [smem:$0x3FAA]  }
0x29: {  	s4 =	sld [smem:$0x3FAC]  }
0x2a: {  	p0 =	seq.s32 s5, $0x0;
	s5 =	sld [smem:$0x3FAD]  }
0x2b: {  	s6 =	sld [smem:$0x3FAE]  }
0x2c: {  	s7 =	sld [smem:$0x3FAF]  }
0x2d: {  	s3 =	simm.s32 $0x108;
	s8 =	sld [smem:$0x3FB0]  }
0x2e: {  	s3 =	simm.s32 @!p0 $0x1082;
	s9 =	sld [smem:$0x3FB1]  }
0x2f: {  	lr =	sadd.s32 s0, s3;
	s0 =	sld [smem:$0x3FA8]  }
0x30: {  	s3 =	sld [smem:$0x3FAB]  }
0x31: {  	[smem:$0x3FB4] =	sst s10  }
0x32: {  	s10 =	sld [smem:$0x3FB2];
	_ =	sdelay $0x3  }
0x33: {  	p0 =	seq.s32 s10, $0x1;
	s10 =	sld [smem:$0x3FB4];
	_ =	sdelay $0x3  }
0x34: {  	[smem:$0x3FB4] =	sst s10  }
0x35: {  	s10 =	sld [smem:$0x3FB3];
	_ =	sdelay $0x3  }
0x36: {  	p1 =	seq.s32 s10, $0x1;
	s10 =	sld [smem:$0x3FB4];
	_ =	sdelay $0x3  }
0x37: {  	[smem:$0x3FB4] =	sst s10  }
0x38: {  	s10 =	sld [smem:$0x3FB5]  }
0x39: {  	_ = 	snop;
	(pc) =	sbr.ind lr, $3  }
0x3a: {  	_ = 	snop  }
0x3b: {  	_ = 	snop  }
0x3c: {  	p2 =	seq.s32 s10, $0x1;
	s10 =	sld [smem:$0x3FB4]  }
0x3d: {  	_ =	shalt  }
0x3e: {  	_ =	shalt  }
0x3f: {  	_ =	shalt  }
0x40: {  	_ =	shalt  }
0x41: {  	_ =	shalt  }
0x42: {  	_ =	shalt  }
0x43: {  	_ =	shalt  }
0x44: {  	_ =	shalt  }
0x45: {  	_ =	shalt  }
0x46: {  	_ =	shalt  }
0x47: {  	_ =	shalt  }
0x48: {  	_ =	shalt  }
0x49: {  	_ =	shalt  }
0x4a: {  	_ =	shalt  }
0x4b: {  	_ =	shalt  }
0x4c: {  	_ =	shalt  }
0x4d: {  	_ =	shalt  }
0x4e: {  	_ =	shalt  }
0x4f: {  	_ =	shalt  }
0x50: {  	_ =	shalt  }
0x51: {  	_ =	shalt  }
0x52: {  	_ =	shalt  }
0x53: {  	_ =	shalt  }
0x54: {  	_ =	shalt  }
0x55: {  	_ =	shalt  }
0x56: {  	_ =	shalt  }
0x57: {  	_ =	shalt  }
0x58: {  	_ =	shalt  }
0x59: {  	_ =	shalt  }
0x5a: {  	_ =	shalt  }
0x5b: {  	_ =	shalt  }
0x5c: {  	_ =	shalt  }
0x5d: {  	_ =	shalt  }
0x5e: {  	_ =	shalt  }
0x5f: {  	_ =	shalt  }
0x60: {  	_ =	shalt  }
0x61: {  	_ =	shalt  }
0x62: {  	_ =	shalt  }
0x63: {  	_ =	shalt  }
0x64: {  	_ =	shalt  }
0x65: {  	_ =	shalt  }
0x66: {  	_ =	shalt  }
0x67: {  	_ =	shalt  }
0x68: {  	_ =	shalt  }
0x69: {  	_ =	shalt  }
0x6a: {  	_ =	shalt  }
0x6b: {  	_ =	shalt  }
0x6c: {  	_ =	shalt  }
0x6d: {  	_ =	shalt  }
0x6e: {  	_ =	shalt  }
0x6f: {  	_ =	shalt  }
0x70: {  	_ =	shalt  }
0x71: {  	_ =	shalt  }
0x72: {  	_ =	shalt  }
0x73: {  	_ =	shalt  }
0x74: {  	_ =	shalt  }
0x75: {  	_ =	shalt  }
0x76: {  	_ =	shalt  }
0x77: {  	_ =	shalt  }
0x78: {  	_ =	shalt  }
0x79: {  	_ =	shalt  }
0x7a: {  	_ =	shalt  }
0x7b: {  	_ =	shalt  }
0x7c: {  	_ =	shalt  }
0x7d: {  	_ =	shalt  }
0x7e: {  	_ =	shalt  }
0x7f: {  	_ =	shalt  }
0x80: {  	_ =	shalt  }
0x81: {  	_ =	shalt  }
0x82: {  	_ =	shalt  }
0x83: {  	_ =	shalt  }
0x84: {  	_ =	shalt  }
0x85: {  	_ =	shalt  }
0x86: {  	_ =	shalt  }
0x87: {  	_ =	shalt  }
.Lfunc_end0:
.L_simem_size_0:
called_computation.2_lowered:
.L_overlay_start_0:
0x88: {  	s2 =	sld [smem:$0x3FD9]  }
0x89: {  	s3 =	sld [smem:$0x3FFE];
	_ =	sdelay $0x1  }
0x8a: {  	s1 =	srdreg.scid  }
0x8b: {  	s0 =	sand.u32 $0x1, s1  }
0x8c: {  	s17 =	sshll.u32 s0, $0xA;
	s2 =	sadd.s32 s3, s2  }
0x8d: {  	s2 =	sadd.s32 s2, s17  }
0x8e: {  	[smem:$0x3FC0] =	sst s2  }
0x8f: {  	_ = 	snop  }
0x90: {  	s2 =	sld [smem:$0x3FD0];
	(tm) =	ssettm $0x1  }
0x91: {  	s18 =	sld [smem:$0x3FFB];
	_ =	sdelay $0x3  }
0x92: {  	_ =	strace s18  }
0x93: {  	s3 =	sld [smem:$0x3FFC];
	_ =	sdelay $0x3  }
0x94: {  	_ =	strace s3  }
0x95: {  	s3 =	sld [smem:$0x3FFD];
	_ =	sdelay $0x3  }
0x96: {  	_ =	strace s3  }
0x97: {  	_ =	strace $0x8FFFFFFF  }
0x98: {  	s19 =	sld [smem:$0x3FDB];
	_ =	sdelay $0x1  }
0x99: {  	s4 =	simm.s32 $_scs_section_size  }
0x9a: {  	s5 =	simm.s32 $_size__tile_overlayer_lowered;
	s6 =	simm.s32 $_tile_overlayer_lowered  }
0x9b: {  	s22 =	simm.s32 $0x1BFF;
	s21 =	sshll.u32 s6, $0x1;
	s3 =	sadd.s32 s4, s19  }
0x9c: {  	s7 =	simm.s32 $0x0;
	s20 =	sshll.u32 s5, $0x1;
	s5 =	sadd.s32 s21, s3  }
0x9d: {  	[timem:s7], [sflag:s22] =	dma.local [hbm:s5], s20  }
0x9e: {  	_ =	swait.ge [sflag:s22], s20  }
0x9f: {  	s4 =	ssub.s32 $0x0, s20;
	[sflag:s22] =	ssyncset.done $0x0  }
0xa0: {  	[sflag:s22] =	ssyncadd.s32 s4;
	_ =	sdelay $0x1  }
0xa1: {  	s23 =	simm.s32 $0x1B8B  }
0xa2: {  	_ =	swait.ge [sflag:s23], $0x1  }
0xa3: {  	[sflag:s23] =	ssyncset.done $0x0  }
0xa4: {  	s25 =	simm.s32 $0x1B8E;
	s24 =	sld [smem:$0x3FFE];
	[sflag:s23] =	ssyncadd.s32 $0xFFFFFFFF  }
0xa5: {  	s26 =	simm.s32 $execute0_lowered;
	[smem:$0x3FD2] =	sst s25  }
0xa6: {  	s5 =	sshll.u32 s26, $0x1;
	_ =	strace $0x8000004C;
	[dreg:$0x1] =	wrdreg $0xFFFFFFFF  }
0xa7: {  	s28 =	simm.s32 $_size_execute0_lowered;
	s3 =	sadd.s32 s3, s5;
	[dreg:$0x0] =	wrdreg $0x0  }
0xa8: {  	s5 =	sshll.u32 s28, $0x1;
	[dreg:$0x2] =	wrdreg s3  }
0xa9: {  	[dreg:$0x3] =	wrdreg s5  }
0xaa: {  	[dreg:$0x4] =	wrdreg $0xC0  }
0xab: {  	_ =	task [dreg:s7], $0x5FFFF  }
0xac: {  	[dreg:$0x1] =	wrdreg $0xFFFFFFFF  }
0xad: {  	[dreg:$0x0] =	wrdreg $0x60  }
0xae: {  	[dreg:$0x2] =	wrdreg s24  }
0xaf: {  	[dreg:$0x3] =	wrdreg s2  }
0xb0: {  	[dreg:$0x4] =	wrdreg $0xAA000  }
0xb1: {  	[dreg:$0x5] =	wrdreg $0x9  }
0xb2: {  	_ =	task.clear_ibuf [dreg:s7], $0x6FFFF;
	_ =	strace $0x9000004C  }
0xb3: {  	s29 =	simm.s32 $0x9;
	_ =	strace $0x8000004E  }
0xb4: {  	_ =	swait.ge [sflag:s29], $0x1  }
0xb5: {  	[sflag:s29] =	ssyncadd.s32 $0xFFFFFFFF  }
0xb6: {  	_ =	strace $0x9000004E  }
0xb7: {  	_ =	sfence  }
0xb8: {  	s30 =	sld [smem:$0x0];
	_ =	sdelay $0x2  }
0xb9: {  	s31 =	sshll.u32 s1, $0xD;
	s1 =	sshrl.u32 s1, $0x2  }
0xba: {  	s3 =	sand.u32 $0x4000, s31;
	s1 =	sadd.s32 s1, s30  }
0xbb: {  	s0 =	sor.u32 s3, s0;
	s1 =	sshll.u32 s1, $0x11  }
0xbc: {  	s0 =	sor.u32 s1, s0  }
0xbd: {  	s0 =	sadd.s32 $0x8F2B, s0  }
0xbe: {  	[sflag:s0] =	ssyncadd.remote.s32 $0x1  }
0xbf: {  	_ =	sfence.sel $0xFFFF  }
0xc0: {  	[dreg:$0x0] =	wrdreg $0xFFFFFFFF;
	(pc) =	sbr.abs _section_cstart, $3  }
0xc1: {  	[dreg:$0x1] =	wrdreg $0xFFFFFFFF  }
0xc2: {  	_ =	task.clear_ibuf [dreg:s7], $0x2FFFF;
	_ =	strace $0x9FFFFFFF  }
0xc3: {  	(tm) =	ssettm $0x7FFFFFFF  }
tec
execute0_lowered:
.L_overlay_start_1:
0x0: {  	(tag) =	ssettag $0x1  }
0x1: {  	s0 =	rddreg [dreg:$0x0]  }
0x2: {  	s1 =	rddreg [dreg:$0x1]  }
0x3: {  	s2 =	rddreg [dreg:$0x2];
	s11 =	stileid.u32  }
0x4: {  	s4 =	srdreg.scid;
	s3 =	simm.s32 $0x0;
	s29 =	simm.s32 $0xD  }
0x5: {  	s30 =	simm.s32 $0x2A00;
	s31 =	simm.s32 $0x80;
	s5 =	smul.u32 $0x50, s11  }
0x6: {  	s28 =	simm.s32 $0x1;
	s8 =	sand.u32 $0x1, s4;
	s7 =	smul.u32 $0x28000, s11  }
0x7: {  	[smem:$0x7FF] =	sst s3;
	s4 =	sadd.s32 $0x5CE00, s0;
	s23 =	smul.u32 $0xA000, s11  }
0x8: {  	p0 =	seq.s32 s8, $0x0;
	_ =	strace $0x8000004D;
	s20 =	ssub.s32 $0x2, s8  }
0x9: {  	s25 =	smul.u32 $0xA0000, s8;
	s6 =	sadd.s32 $0x500, s5;
	s10 =	sshrl.u32 s20, $0x1  }
0xa: {  	s22 =	sshrl.u32 s7, $0x2;
	s13 =	sadd.s32 $0x2000, s23;
	s18 =	sadd.s32 $0x4000, s23  }
0xb: {  	s19 =	sadd.s32 $0x6000, s23;
	s6 =	smov.u32 @p0 s5;
	s10 =	ssub.s32 s20, s10  }
0xc: {  	s12 =	sadd.s32 s25, s23;
	s15 =	sadd.s32 s25, s13;
	s20 =	sadd.s32 s25, s18  }
0xd: {  	s5 =	sshll.u32 s6, $0x4;
	s6 =	sadd.s32 s22, s2;
	s10 =	smax.u32 s10, $0x1  }
0xe: {  	s8 =	sshrl.u32 s12, $0x3;
	s17 =	sshrl.u32 s15, $0x3;
	s12 =	sadd.s32 s25, s19  }
0xf: {  	s15 =	simm.s32 $0x6;
	s9 =	sadd.s32 s5, s0;
	s0 =	sadd.s32 $0x70E00, s0  }
0x10: {  	s7 =	sadd.s32 s1, s5;
	[dreg:$0x9] =	wrdreg s10;
	s11 =	sadd.s32 $0x2000, s6  }
0x11: {  	s14 =	sadd.s32 $0x4000, s6;
	s16 =	sadd.s32 $0x6000, s6;
	[dreg:$0xa] =	wrdreg s11  }
0x12: {  	s1 =	sadd.s32 $0x8000, s23;
	s12 =	sshrl.u32 s12, $0x3;
	[dreg:$0xb] =	wrdreg s14  }
0x13: {  	s22 =	sadd.s32 $0x8000, s6;
	s10 =	simm.s32 $0x6A00;
	[dreg:$0xc] =	wrdreg s16  }
0x14: {  	s21 =	sadd.s32 $0x2800, s9;
	s5 =	sadd.s32 $0x10, s7;
	[dreg:$0x12] =	wrdreg s22  }
0x15: {  	s24 =	sadd.s32 $0x20, s7;
	s26 =	sadd.s32 $0x30, s7;
	[dreg:$0x4] =	wrdreg s21  }
0x16: {  	s9 =	sadd.s32 s23, s2;
	s8 =	sadd.s32 s0, s8;
	[dreg:$0x5] =	wrdreg s5  }
0x17: {  	s11 =	sshrl.u32 s20, $0x3;
	s23 =	sadd.s32 s13, s2;
	[dreg:$0x6] =	wrdreg s24  }
0x18: {  	s13 =	simm.s32 $0x5;
	s14 =	simm.s32 $0x9;
	[dreg:$0x7] =	wrdreg s26  }
0x19: {  	s16 =	simm.s32 $0xA;
	s20 =	simm.s32 $0xC;
	[dreg:$0x8] =	wrdreg s9  }
0x1a: {  	[dreg:$0xd] =	wrdreg s8;
	s8 =	sadd.s32 s0, s17;
	s5 =	sadd.s32 s25, s1  }
0x1b: {  	s11 =	sadd.s32 s0, s11;
	s21 =	sadd.s32 s0, s12;
	[dreg:$0x13] =	wrdreg s23  }
0x1c: {  	s24 =	sadd.s32 s18, s2;
	s25 =	sadd.s32 s19, s2;
	[dreg:$0xe] =	wrdreg s8  }
0x1d: {  	s26 =	sadd.s32 s1, s2;
	s1 =	simm.s32 $0x100;
	[dreg:$0xf] =	wrdreg s11  }
0x1e: {  	s9 =	simm.s32 $0x3;
	s12 =	simm.s32 $0x8A00;
	[dreg:$0x10] =	wrdreg s21  }
0x1f: {  	s17 =	simm.s32 $0x7;
	s18 =	simm.s32 $0xB;
	[dreg:$0x14] =	wrdreg s24  }
0x20: {  	s19 =	simm.s32 $0x8;
	s5 =	sshrl.u32 s5, $0x3;
	[dreg:$0x15] =	wrdreg s25  }
0x21: {  	[dreg:$0x16] =	wrdreg s26;
	s26 =	sadd.s32 $0x70, s7;
	s8 =	simm.s32 $0x4A00  }
0x22: {  	s11 =	simm.s32 $0x4;
	s21 =	simm.s32 $0x0;
	s0 =	sadd.s32 s0, s5  }
0x23: {  	v0 =	vimm.f32 $0.0e+00;
	s5 =	simm.s32 $0x2;
	[dreg:$0x11] =	wrdreg s0;
	s0 =	simm.s32 $0x180  }
.LBB2_1:
0x24: {  	s22 =	rddreg [dreg:$0x4];
	s23 =	simm.s32 $0x200  }
0x25: {  	[tilespmem:s23], [sflag:$0xD] =	stream.linear.gather [hbm4b:s22+s3], $0x2800, $0x38;
	[tilespmem:$0x14A00] =	vst v63  }
0x26: {  	_ =	swait.ge [sflag:s29], $0x2800  }
0x27: {  	[sflag:s29] =	ssyncset.done $0x0  }
0x28: {  	s23 =	simm.s32 $0x100;
	s22 =	simm.s32 $0x0;
	[sflag:s29] =	ssyncadd.s32 $0xFFFFD800  }
.LBB2_2:
0x29: {  	p0 =	sne.s32 s23, $0x7F00;
	[tilespmem:s22+$0x2A30] =	vst v0;
	s24 =	smov.u32 s23;
	s23 =	sadd.s32 $0x100, s23  }
.Ltmp0:
0x2a: {  	[tilespmem:s22+$0x2A20] =	vst v0;
	(pc) =	sbr.rel @p0 .LBB2_2-.Ltmp0, $3  }
0x2b: {  	[tilespmem:s22+$0x2A00] =	vst v0  }
0x2c: {  	[tilespmem:s22+$0x2A10] =	vst v0;
	_ =	sdelay $0x1  }
0x2d: {  	s22 =	sshra.s32 s24, $0x2  }
0x2e: {  	[tilespmem:s22+$0x2A30] =	vst v0  }
0x2f: {  	[tilespmem:s22+$0x2A20] =	vst v0  }
0x30: {  	[tilespmem:s22+$0x2A00] =	vst v0  }
0x31: {  	[tilespmem:s22+$0x2A10] =	vst v0  }
0x32: {  	[spmem:s6] =	stream.linear.scatter [tilespmem:s30], [sflag:$0xD], $0x2000, $0x38;
	[tilespmem:$0x14A00] =	vst v63  }
0x33: {  	_ =	swait.ge [sflag:s29], $0x2000  }
0x34: {  	[sflag:s29] =	ssyncset.done $0x0  }
0x35: {  	s24 =	rddreg [dreg:$0xa];
	[sflag:s29] =	ssyncadd.s32 $0xFFFFE000  }
0x36: {  	[spmem:s24] =	stream.linear.scatter [tilespmem:s30], [sflag:$0xD], $0x2000, $0x38;
	[tilespmem:$0x14A00] =	vst v63  }
0x37: {  	_ =	swait.ge [sflag:s29], $0x2000  }
0x38: {  	[sflag:s29] =	ssyncset.done $0x0  }
0x39: {  	s25 =	rddreg [dreg:$0xb];
	[sflag:s29] =	ssyncadd.s32 $0xFFFFE000  }
0x3a: {  	[spmem:s25] =	stream.linear.scatter [tilespmem:s30], [sflag:$0xD], $0x2000, $0x38;
	[tilespmem:$0x14A00] =	vst v63  }
0x3b: {  	_ =	swait.ge [sflag:s29], $0x2000  }
0x3c: {  	[sflag:s29] =	ssyncset.done $0x0  }
0x3d: {  	s23 =	rddreg [dreg:$0xc];
	[sflag:s29] =	ssyncadd.s32 $0xFFFFE000  }
0x3e: {  	[spmem:s23] =	stream.linear.scatter [tilespmem:s30], [sflag:$0xD], $0x2000, $0x38;
	[tilespmem:$0x14A00] =	vst v63  }
0x3f: {  	_ =	swait.ge [sflag:s29], $0x2000  }
0x40: {  	[sflag:s29] =	ssyncset.done $0x0  }
0x41: {  	s24 =	rddreg [dreg:$0x12];
	[sflag:s29] =	ssyncadd.s32 $0xFFFFE000  }
0x42: {  	[spmem:s24] =	stream.linear.scatter [tilespmem:s30], [sflag:$0xD], $0x2000, $0x38;
	[tilespmem:$0x14A00] =	vst v63  }
0x43: {  	_ =	swait.ge [sflag:s29], $0x2000  }
0x44: {  	[sflag:s29] =	ssyncset.done $0x0  }
0x45: {  	[sflag:s29] =	ssyncadd.s32 $0xFFFFE000  }
0x46: {  	s22 =	simm.s32 $0x0;
	[bflag:$0x0] =	sbarrier.arrive $0xFFFF  }
0x47: {  	[tilespmem:s22], [sflag:$0x1] =	stream.linear.gather [hbm4b:s7+s22], $0x80, $0x38;
	[tilespmem:$0x14A00] =	vst v63  }
0x48: {  	s23 =	rddreg [dreg:$0x5]  }
0x49: {  	[tilespmem:s31], [sflag:$0x2] =	stream.linear.gather [hbm4b:s23+s22], $0x80, $0x38;
	[tilespmem:$0x14A00] =	vst v63  }
0x4a: {  	s25 =	rddreg [dreg:$0x6]  }
0x4b: {  	[tilespmem:s1], [sflag:$0x3] =	stream.linear.gather [hbm4b:s25+s22], $0x80, $0x38;
	[tilespmem:$0x14A00] =	vst v63  }
0x4c: {  	s24 =	rddreg [dreg:$0x7]  }
0x4d: {  	[tilespmem:s0], [sflag:$0x4] =	stream.linear.gather [hbm4b:s24+s22], $0x80, $0x38;
	[tilespmem:$0x14A00] =	vst v63  }
0x4e: {  	_ =	swait.ge [sflag:s28], $0x80  }
0x4f: {  	[sflag:s28] =	ssyncset.done $0x0  }
0x50: {  	[sflag:s28] =	ssyncadd.s32 $0xFFFFFF80  }
0x51: {  	[tilespmem:s30], [sflag:$0x5] =	stream.indirect.gather [hbm4b:s4+s31], $0x40, s22, s31, $0xb8;
	[tilespmem:$0x14A00] =	vst v63  }
0x52: {  	_ =	swait.ge [sflag:s5], $0x80  }
0x53: {  	[sflag:s5] =	ssyncset.done $0x0  }
0x54: {  	[sflag:s5] =	ssyncadd.s32 $0xFFFFFF80  }
0x55: {  	[tilespmem:s8], [sflag:$0x6] =	stream.indirect.gather [hbm4b:s4+s31], $0x40, s31, s31, $0xb8;
	[tilespmem:$0x14A00] =	vst v63  }
0x56: {  	_ =	swait.ge [sflag:s9], $0x80  }
0x57: {  	[sflag:s9] =	ssyncset.done $0x0  }
0x58: {  	[sflag:s9] =	ssyncadd.s32 $0xFFFFFF80  }
0x59: {  	[tilespmem:s10], [sflag:$0x7] =	stream.indirect.gather [hbm4b:s4+s31], $0x40, s1, s31, $0xb8;
	[tilespmem:$0x14A00] =	vst v63  }
0x5a: {  	_ =	swait.ge [sflag:s11], $0x80  }
0x5b: {  	[sflag:s11] =	ssyncset.done $0x0  }
0x5c: {  	[sflag:s11] =	ssyncadd.s32 $0xFFFFFF80  }
0x5d: {  	[tilespmem:s12], [sflag:$0x8] =	stream.indirect.gather [hbm4b:s4+s31], $0x40, s0, s31, $0xb8;
	[tilespmem:$0x14A00] =	vst v63  }
0x5e: {  	_ =	swait.ge [sflag:s13], $0x2000  }
0x5f: {  	[sflag:s13] =	ssyncset.done $0x0  }
0x60: {  	s25 =	simm.s32 $0x200;
	[sflag:s13] =	ssyncadd.s32 $0xFFFFE000  }
0x61: {  	[spmem:s2] =	stream.indirect.scatter.add.f32 [tilespmem:s30], [sflag:$0x9], $0x40, s25, s31, $0xb8;
	[tilespmem:$0x14A00] =	vst v63  }
0x62: {  	s23 =	sadd.s32 $0xFFFFFFD0, s26  }
0x63: {  	[tilespmem:s3], [sflag:$0x1] =	stream.linear.gather [hbm4b:s23+s3], $0x80, $0x38;
	[tilespmem:$0x14A00] =	vst v63  }
0x64: {  	_ =	swait.ge [sflag:s14], $0x2000  }
0x65: {  	[sflag:s14] =	ssyncset.done $0x0  }
0x66: {  	[sflag:s14] =	ssyncadd.s32 $0xFFFFE000  }
0x67: {  	_ =	swait.ge [sflag:s28], $0x80  }
0x68: {  	[sflag:s28] =	ssyncset.done $0x0  }
0x69: {  	[sflag:s28] =	ssyncadd.s32 $0xFFFFFF80  }
0x6a: {  	[tilespmem:s30], [sflag:$0x5] =	stream.indirect.gather [hbm4b:s4+s31], $0x40, s3, s31, $0xb8;
	[tilespmem:$0x14A00] =	vst v63  }
0x6b: {  	_ =	swait.ge [sflag:s15], $0x2000  }
0x6c: {  	[sflag:s15] =	ssyncset.done $0x0  }
0x6d: {  	s24 =	simm.s32 $0x280;
	[sflag:s15] =	ssyncadd.s32 $0xFFFFE000  }
0x6e: {  	[spmem:s2] =	stream.indirect.scatter.add.f32 [tilespmem:s8], [sflag:$0xA], $0x40, s24, s31, $0xb8;
	[tilespmem:$0x14A00] =	vst v63  }
0x6f: {  	s25 =	sadd.s32 $0xFFFFFFE0, s26  }
0x70: {  	[tilespmem:s31], [sflag:$0x2] =	stream.linear.gather [hbm4b:s25+s3], $0x80, $0x38;
	[tilespmem:$0x14A00] =	vst v63  }
0x71: {  	_ =	swait.ge [sflag:s16], $0x2000  }
0x72: {  	[sflag:s16] =	ssyncset.done $0x0  }
0x73: {  	[sflag:s16] =	ssyncadd.s32 $0xFFFFE000  }
0x74: {  	_ =	swait.ge [sflag:s5], $0x80  }
0x75: {  	[sflag:s5] =	ssyncset.done $0x0  }
0x76: {  	[sflag:s5] =	ssyncadd.s32 $0xFFFFFF80  }
0x77: {  	[tilespmem:s8], [sflag:$0x6] =	stream.indirect.gather [hbm4b:s4+s31], $0x40, s31, s31, $0xb8;
	[tilespmem:$0x14A00] =	vst v63  }
0x78: {  	_ =	swait.ge [sflag:s17], $0x2000  }
0x79: {  	[sflag:s17] =	ssyncset.done $0x0  }
0x7a: {  	s23 =	simm.s32 $0x300;
	[sflag:s17] =	ssyncadd.s32 $0xFFFFE000  }
0x7b: {  	[spmem:s2] =	stream.indirect.scatter.add.f32 [tilespmem:s10], [sflag:$0xB], $0x40, s23, s31, $0xb8;
	[tilespmem:$0x14A00] =	vst v63  }
0x7c: {  	s24 =	sadd.s32 $0xFFFFFFF0, s26  }
0x7d: {  	[tilespmem:s1], [sflag:$0x3] =	stream.linear.gather [hbm4b:s24+s3], $0x80, $0x38;
	[tilespmem:$0x14A00] =	vst v63  }
0x7e: {  	_ =	swait.ge [sflag:s18], $0x2000  }
0x7f: {  	[sflag:s18] =	ssyncset.done $0x0  }
0x80: {  	[sflag:s18] =	ssyncadd.s32 $0xFFFFE000  }
0x81: {  	_ =	swait.ge [sflag:s9], $0x80  }
0x82: {  	[sflag:s9] =	ssyncset.done $0x0  }
0x83: {  	[sflag:s9] =	ssyncadd.s32 $0xFFFFFF80  }
0x84: {  	[tilespmem:s10], [sflag:$0x7] =	stream.indirect.gather [hbm4b:s4+s31], $0x40, s1, s31, $0xb8;
	[tilespmem:$0x14A00] =	vst v63  }
0x85: {  	_ =	swait.ge [sflag:s19], $0x2000  }
0x86: {  	[sflag:s19] =	ssyncset.done $0x0  }
0x87: {  	s25 =	simm.s32 $0x380;
	[sflag:s19] =	ssyncadd.s32 $0xFFFFE000  }
0x88: {  	[spmem:s2] =	stream.indirect.scatter.add.f32 [tilespmem:s12], [sflag:$0xC], $0x40, s25, s31, $0xb8;
	[tilespmem:$0x14A00] =	vst v63  }
0x89: {  	_ = 	snop  }
0x8a: {  	[tilespmem:s0], [sflag:$0x4] =	stream.linear.gather [hbm4b:s26+s3], $0x80, $0x38;
	[tilespmem:$0x14A00] =	vst v63  }
0x8b: {  	_ =	swait.ge [sflag:s20], $0x2000  }
0x8c: {  	[sflag:s20] =	ssyncset.done $0x0  }
0x8d: {  	[sflag:s20] =	ssyncadd.s32 $0xFFFFE000  }
0x8e: {  	_ =	swait.ge [sflag:s11], $0x80  }
0x8f: {  	[sflag:s11] =	ssyncset.done $0x0  }
0x90: {  	s22 =	simm.s32 $0x800;
	s23 =	sadd.s32 $0x40, s26;
	[sflag:s11] =	ssyncadd.s32 $0xFFFFFF80  }
.LBB2_4:
0x91: {  	[tilespmem:s12], [sflag:$0x8] =	stream.indirect.gather [hbm4b:s4+s31], $0x40, s0, s31, $0xb8;
	[tilespmem:$0x14A00] =	vst v63  }
0x92: {  	s24 =	smov.u32 s22  }
0x93: {  	p0 =	sne.s32 s22, $0x9000;
	s22 =	sadd.s32 $0x800, s22;
	_ =	swait.ge [sflag:s13], $0x2000  }
0x94: {  	s24 =	sshra.s32 s24, $0x2;
	[sflag:s13] =	ssyncset.done $0x0  }
0x95: {  	s25 =	sadd.s32 $0x200, s24;
	[sflag:s13] =	ssyncadd.s32 $0xFFFFE000  }
0x96: {  	[spmem:s2] =	stream.indirect.scatter.add.f32 [tilespmem:s30], [sflag:$0x9], $0x40, s25, s31, $0xb8;
	[tilespmem:$0x14A00] =	vst v63  }
0x97: {  	s25 =	sadd.s32 $0xFFFFFFD0, s23  }
0x98: {  	[tilespmem:s3], [sflag:$0x1] =	stream.linear.gather [hbm4b:s25+s3], $0x80, $0x38;
	[tilespmem:$0x14A00] =	vst v63  }
0x99: {  	_ =	swait.ge [sflag:s14], $0x2000  }
0x9a: {  	[sflag:s14] =	ssyncset.done $0x0  }
0x9b: {  	[sflag:s14] =	ssyncadd.s32 $0xFFFFE000  }
0x9c: {  	_ =	swait.ge [sflag:s28], $0x80  }
0x9d: {  	[sflag:s28] =	ssyncset.done $0x0  }
0x9e: {  	[sflag:s28] =	ssyncadd.s32 $0xFFFFFF80  }
0x9f: {  	[tilespmem:s30], [sflag:$0x5] =	stream.indirect.gather [hbm4b:s4+s31], $0x40, s3, s31, $0xb8;
	[tilespmem:$0x14A00] =	vst v63  }
0xa0: {  	_ =	swait.ge [sflag:s15], $0x2000  }
0xa1: {  	[sflag:s15] =	ssyncset.done $0x0  }
0xa2: {  	s25 =	sadd.s32 $0x280, s24;
	[sflag:s15] =	ssyncadd.s32 $0xFFFFE000  }
0xa3: {  	[spmem:s2] =	stream.indirect.scatter.add.f32 [tilespmem:s8], [sflag:$0xA], $0x40, s25, s31, $0xb8;
	[tilespmem:$0x14A00] =	vst v63  }
0xa4: {  	s25 =	sadd.s32 $0xFFFFFFE0, s23  }
0xa5: {  	[tilespmem:s31], [sflag:$0x2] =	stream.linear.gather [hbm4b:s25+s3], $0x80, $0x38;
	[tilespmem:$0x14A00] =	vst v63  }
0xa6: {  	_ =	swait.ge [sflag:s16], $0x2000  }
0xa7: {  	[sflag:s16] =	ssyncset.done $0x0  }
0xa8: {  	[sflag:s16] =	ssyncadd.s32 $0xFFFFE000  }
0xa9: {  	_ =	swait.ge [sflag:s5], $0x80  }
0xaa: {  	[sflag:s5] =	ssyncset.done $0x0  }
0xab: {  	[sflag:s5] =	ssyncadd.s32 $0xFFFFFF80  }
0xac: {  	[tilespmem:s8], [sflag:$0x6] =	stream.indirect.gather [hbm4b:s4+s31], $0x40, s31, s31, $0xb8;
	[tilespmem:$0x14A00] =	vst v63  }
0xad: {  	_ =	swait.ge [sflag:s17], $0x2000  }
0xae: {  	[sflag:s17] =	ssyncset.done $0x0  }
0xaf: {  	s25 =	sadd.s32 $0x300, s24;
	[sflag:s17] =	ssyncadd.s32 $0xFFFFE000  }
0xb0: {  	[spmem:s2] =	stream.indirect.scatter.add.f32 [tilespmem:s10], [sflag:$0xB], $0x40, s25, s31, $0xb8;
	[tilespmem:$0x14A00] =	vst v63  }
0xb1: {  	s25 =	sadd.s32 $0xFFFFFFF0, s23  }
0xb2: {  	[tilespmem:s1], [sflag:$0x3] =	stream.linear.gather [hbm4b:s25+s3], $0x80, $0x38;
	[tilespmem:$0x14A00] =	vst v63  }
0xb3: {  	_ =	swait.ge [sflag:s18], $0x2000  }
0xb4: {  	[sflag:s18] =	ssyncset.done $0x0  }
0xb5: {  	[sflag:s18] =	ssyncadd.s32 $0xFFFFE000  }
0xb6: {  	_ =	swait.ge [sflag:s9], $0x80  }
0xb7: {  	[sflag:s9] =	ssyncset.done $0x0  }
0xb8: {  	[sflag:s9] =	ssyncadd.s32 $0xFFFFFF80  }
0xb9: {  	[tilespmem:s10], [sflag:$0x7] =	stream.indirect.gather [hbm4b:s4+s31], $0x40, s1, s31, $0xb8;
	[tilespmem:$0x14A00] =	vst v63  }
0xba: {  	_ =	swait.ge [sflag:s19], $0x2000  }
0xbb: {  	[sflag:s19] =	ssyncset.done $0x0  }
0xbc: {  	s24 =	sadd.s32 $0x380, s24;
	[sflag:s19] =	ssyncadd.s32 $0xFFFFE000  }
0xbd: {  	[spmem:s2] =	stream.indirect.scatter.add.f32 [tilespmem:s12], [sflag:$0xC], $0x40, s24, s31, $0xb8;
	[tilespmem:$0x14A00] =	vst v63  }
0xbe: {  	_ = 	snop  }
0xbf: {  	[tilespmem:s0], [sflag:$0x4] =	stream.linear.gather [hbm4b:s23+s3], $0x80, $0x38;
	[tilespmem:$0x14A00] =	vst v63  }
0xc0: {  	_ =	swait.ge [sflag:s20], $0x2000  }
.Ltmp1:
0xc1: {  	[sflag:s20] =	ssyncset.done $0x0;
	(pc) =	sbr.rel @p0 .LBB2_4-.Ltmp1, $4  }
0xc2: {  	[sflag:s20] =	ssyncadd.s32 $0xFFFFE000  }
0xc3: {  	_ =	swait.ge [sflag:s11], $0x80  }
0xc4: {  	[sflag:s11] =	ssyncset.done $0x0  }
0xc5: {  	s23 =	sadd.s32 $0x40, s23;
	[sflag:s11] =	ssyncadd.s32 $0xFFFFFF80  }
0xc6: {  	[tilespmem:s12], [sflag:$0x8] =	stream.indirect.gather [hbm4b:s4+s31], $0x40, s0, s31, $0xb8;
	[tilespmem:$0x14A00] =	vst v63  }
0xc7: {  	_ =	swait.ge [sflag:s13], $0x2000  }
0xc8: {  	[sflag:s13] =	ssyncset.done $0x0  }
0xc9: {  	s22 =	simm.s32 $0x2800;
	[sflag:s13] =	ssyncadd.s32 $0xFFFFE000  }
0xca: {  	[spmem:s2] =	stream.indirect.scatter.add.f32 [tilespmem:s30], [sflag:$0x9], $0x40, s22, s31, $0xb8;
	[tilespmem:$0x14A00] =	vst v63  }
0xcb: {  	_ =	swait.ge [sflag:s15], $0x2000  }
0xcc: {  	[sflag:s15] =	ssyncset.done $0x0  }
0xcd: {  	s24 =	simm.s32 $0x2880;
	[sflag:s15] =	ssyncadd.s32 $0xFFFFE000  }
0xce: {  	[spmem:s2] =	stream.indirect.scatter.add.f32 [tilespmem:s8], [sflag:$0xA], $0x40, s24, s31, $0xb8;
	[tilespmem:$0x14A00] =	vst v63  }
0xcf: {  	_ =	swait.ge [sflag:s17], $0x2000  }
0xd0: {  	[sflag:s17] =	ssyncset.done $0x0  }
0xd1: {  	s25 =	simm.s32 $0x2900;
	[sflag:s17] =	ssyncadd.s32 $0xFFFFE000  }
0xd2: {  	[spmem:s2] =	stream.indirect.scatter.add.f32 [tilespmem:s10], [sflag:$0xB], $0x40, s25, s31, $0xb8;
	[tilespmem:$0x14A00] =	vst v63  }
0xd3: {  	_ =	swait.ge [sflag:s19], $0x2000  }
0xd4: {  	[sflag:s19] =	ssyncset.done $0x0  }
0xd5: {  	s23 =	simm.s32 $0x2980;
	[sflag:s19] =	ssyncadd.s32 $0xFFFFE000  }
0xd6: {  	[spmem:s2] =	stream.indirect.scatter.add.f32 [tilespmem:s12], [sflag:$0xC], $0x40, s23, s31, $0xb8;
	[tilespmem:$0x14A00] =	vst v63  }
0xd7: {  	_ =	swait.ge [sflag:s14], $0x2000  }
0xd8: {  	[sflag:s14] =	ssyncset.done $0x0  }
0xd9: {  	[sflag:s14] =	ssyncadd.s32 $0xFFFFE000  }
0xda: {  	_ =	swait.ge [sflag:s16], $0x2000  }
0xdb: {  	[sflag:s16] =	ssyncset.done $0x0  }
0xdc: {  	[sflag:s16] =	ssyncadd.s32 $0xFFFFE000  }
0xdd: {  	_ =	swait.ge [sflag:s18], $0x2000  }
0xde: {  	[sflag:s18] =	ssyncset.done $0x0  }
0xdf: {  	[sflag:s18] =	ssyncadd.s32 $0xFFFFE000  }
0xe0: {  	_ =	swait.ge [sflag:s20], $0x2000  }
0xe1: {  	[sflag:s20] =	ssyncset.done $0x0  }
0xe2: {  	[sflag:s20] =	ssyncadd.s32 $0xFFFFE000  }
0xe3: {  	[bflag:$0x0] =	sbarrier.arrive $0xFFFF  }
0xe4: {  	s24 =	rddreg [dreg:$0x8]  }
0xe5: {  	[tilespmem:s30], [sflag:$0xD] =	stream.linear.gather [spmem:s24], $0x2000, $0x38;
	[tilespmem:$0x14A00] =	vst v63  }
0xe6: {  	_ =	swait.ge [sflag:s29], $0x2000  }
0xe7: {  	[sflag:s29] =	ssyncset.done $0x0  }
0xe8: {  	s25 =	rddreg [dreg:$0xd];
	[sflag:s29] =	ssyncadd.s32 $0xFFFFE000  }
0xe9: {  	[hbm4b:s25+s3] =	stream.linear.scatter [tilespmem:s30], [sflag:$0xD], $0x2000, $0x38;
	[tilespmem:$0x14A00] =	vst v63  }
0xea: {  	_ =	swait.ge [sflag:s29], $0x2000  }
0xeb: {  	[sflag:s29] =	ssyncset.done $0x0  }
0xec: {  	s23 =	rddreg [dreg:$0x13];
	[sflag:s29] =	ssyncadd.s32 $0xFFFFE000  }
0xed: {  	[tilespmem:s30], [sflag:$0xD] =	stream.linear.gather [spmem:s23], $0x2000, $0x38;
	[tilespmem:$0x14A00] =	vst v63  }
0xee: {  	_ =	swait.ge [sflag:s29], $0x2000  }
0xef: {  	[sflag:s29] =	ssyncset.done $0x0  }
0xf0: {  	s24 =	rddreg [dreg:$0xe];
	[sflag:s29] =	ssyncadd.s32 $0xFFFFE000  }
0xf1: {  	[hbm4b:s24+s3] =	stream.linear.scatter [tilespmem:s30], [sflag:$0xD], $0x2000, $0x38;
	[tilespmem:$0x14A00] =	vst v63  }
0xf2: {  	_ =	swait.ge [sflag:s29], $0x2000  }
0xf3: {  	[sflag:s29] =	ssyncset.done $0x0  }
0xf4: {  	s25 =	rddreg [dreg:$0x14];
	[sflag:s29] =	ssyncadd.s32 $0xFFFFE000  }
0xf5: {  	[tilespmem:s30], [sflag:$0xD] =	stream.linear.gather [spmem:s25], $0x2000, $0x38;
	[tilespmem:$0x14A00] =	vst v63  }
0xf6: {  	_ =	swait.ge [sflag:s29], $0x2000  }
0xf7: {  	[sflag:s29] =	ssyncset.done $0x0  }
0xf8: {  	s23 =	rddreg [dreg:$0xf];
	[sflag:s29] =	ssyncadd.s32 $0xFFFFE000  }
0xf9: {  	[hbm4b:s23+s3] =	stream.linear.scatter [tilespmem:s30], [sflag:$0xD], $0x2000, $0x38;
	[tilespmem:$0x14A00] =	vst v63  }
0xfa: {  	_ =	swait.ge [sflag:s29], $0x2000  }
0xfb: {  	[sflag:s29] =	ssyncset.done $0x0  }
0xfc: {  	s24 =	rddreg [dreg:$0x15];
	[sflag:s29] =	ssyncadd.s32 $0xFFFFE000  }
0xfd: {  	[tilespmem:s30], [sflag:$0xD] =	stream.linear.gather [spmem:s24], $0x2000, $0x38;
	[tilespmem:$0x14A00] =	vst v63  }
0xfe: {  	_ =	swait.ge [sflag:s29], $0x2000  }
0xff: {  	[sflag:s29] =	ssyncset.done $0x0  }
0x100: {  	s25 =	rddreg [dreg:$0x10];
	[sflag:s29] =	ssyncadd.s32 $0xFFFFE000  }
0x101: {  	[hbm4b:s25+s3] =	stream.linear.scatter [tilespmem:s30], [sflag:$0xD], $0x2000, $0x38;
	[tilespmem:$0x14A00] =	vst v63  }
0x102: {  	_ =	swait.ge [sflag:s29], $0x2000  }
0x103: {  	[sflag:s29] =	ssyncset.done $0x0  }
0x104: {  	s23 =	rddreg [dreg:$0x16];
	[sflag:s29] =	ssyncadd.s32 $0xFFFFE000  }
0x105: {  	[tilespmem:s30], [sflag:$0xD] =	stream.linear.gather [spmem:s23], $0x2000, $0x38;
	[tilespmem:$0x14A00] =	vst v63  }
0x106: {  	_ =	swait.ge [sflag:s29], $0x2000  }
0x107: {  	[sflag:s29] =	ssyncset.done $0x0  }
0x108: {  	s24 =	rddreg [dreg:$0x11];
	[sflag:s29] =	ssyncadd.s32 $0xFFFFE000  }
0x109: {  	[hbm4b:s24+s3] =	stream.linear.scatter [tilespmem:s30], [sflag:$0xD], $0x2000, $0x38;
	[tilespmem:$0x14A00] =	vst v63  }
0x10a: {  	_ =	swait.ge [sflag:s29], $0x2000  }
0x10b: {  	s21 =	sadd.s32 $0x1, s21;
	s25 =	rddreg [dreg:$0x9]  }
0x10c: {  	p0 =	sne.s32 s21, s25  }
.Ltmp2:
0x10d: {  	_ = 	snop;
	(pc) =	sbr.rel @p0 .LBB2_1-.Ltmp2, $3  }
0x10e: {  	_ =	sdelay $0x1  }
0x10f: {  	[sflag:s29] =	ssyncset.done $0x0  }
0x110: {  	[sflag:s29] =	ssyncadd.s32 $0xFFFFE000  }
0x111: {  	_ =	sfence.sel $0x180000  }
0x112: {  	[bflag:$0x0] =	sbarrier.arrive $0xFFFF  }
0x113: {  	_ =	strace $0x9000004D  }
0x114: {  	s0 =	stileid.u32;
	[bflag:$0x2] =	sbarrier.arrive $0xFFFF  }
0x115: {  	p0 =	sne.s32 s0, $0x0;
	s0 =	rddreg [dreg:$0x3]  }
0x116: {  	s0 =	sadd.s32 @!p0 $0x100000, s0  }
0x117: {  	[sflag:s0] =	ssyncadd.tile.s32 @!p0 $0x1;
	_ =	shalt  }
.Lfunc_end2:
_tile_overlayer_lowered:
.L_overlay_start_2:
0x118: {  	(tag) =	ssettag $0x2  }
0x119: {  	s0 =	rddreg [dreg:$0x0];
	s2 =	stileid.u32  }
0x11a: {  	s1 =	rddreg [dreg:$0x1];
	p0 =	sne.s32 s2, $0x0  }
0x11b: {  	s3 =	rddreg [dreg:$0x2];
	[bflag:$0x3] =	sbarrier.arrive $0xFFFF;
	s2 =	simm.s32 @!p0 $0x1C0D  }
0x11c: {  	[timem:s3], [sflag:s2] =	dma.local @!p0 [hbm:s0], s1  }
0x11d: {  	s0 =	simm.s32 @!p0 $0xD  }
0x11e: {  	_ =	swait.ge @!p0 [sflag:s0], s1  }
0x11f: {  	s1 =	ssub.s32 @!p0 $0x0, s1;
	[sflag:s0] =	ssyncset.done @!p0 $0x0  }
0x120: {  	[sflag:s0] =	ssyncadd.s32 @!p0 s1  }
0x121: {  	[bflag:$0x3] =	sbarrier.arrive $0xFFFF  }
0x122: {  	_ =	shalt  }

// kernel: kernel.8.cloned.1.call-start
scs
__scs_entry_jumppad:
0x0: {  	(pc) =	sbr.rel $0x88, $3  }
0x1: {  	(tag) =	ssettag $0x0;
	lr =	simm.s32 $0x1  }
0x2: {  	[smem:$0x3F99] =	sst lr;
	_ =	strace $0xD0000000  }
0x3: {  	_ = 	snop  }
0x4: {  	_ = 	snop  }
0x5: {  	_ = 	snop  }
0x6: {  	_ = 	snop  }
0x7: {  	_ = 	snop  }
__scs_overlays_trampoline_lowered:
0x8: {  	[smem:$0x3FA8] =	sst s0  }
0x9: {  	[smem:$0x3FA9] =	sst s1  }
0xa: {  	[smem:$0x3FAA] =	sst s2  }
0xb: {  	[smem:$0x3FAB] =	sst s3  }
0xc: {  	[smem:$0x3FAC] =	sst s4  }
0xd: {  	[smem:$0x3FAD] =	sst s5  }
0xe: {  	[smem:$0x3FAE] =	sst s6  }
0xf: {  	[smem:$0x3FAF] =	sst s7  }
0x10: {  	[smem:$0x3FB0] =	sst s8  }
0x11: {  	[smem:$0x3FB1] =	sst s9;
	s0 =	simm.s32 @!p0 $0x0  }
0x12: {  	s1 =	sld [smem:$0x3F97];
	s0 =	simm.s32 @p0 $0x1  }
0x13: {  	[smem:$0x3FB2] =	sst s0;
	s0 =	simm.s32 @!p1 $0x0  }
0x14: {  	s2 =	sld [smem:$0x3F96];
	s0 =	simm.s32 @p1 $0x1  }
0x15: {  	[smem:$0x3FB3] =	sst s0;
	s0 =	simm.s32 @!p2 $0x0  }
0x16: {  	s3 =	sld [smem:$0x3FDB];
	s0 =	simm.s32 @p2 $0x1  }
0x17: {  	s4 =	simm.s32 $0x1BF5;
	[smem:$0x3FB5] =	sst s0  }
0x18: {  	s0 =	sld [smem:$0x3F98];
	_ =	swait.ge [sflag:s4], $0x0  }
0x19: {  	s7 =	sld [smem:$0x3F99]  }
0x1a: {  	s8 =	sadd.s32 $0xFFFFE003, lr  }
0x1b: {  	s9 =	sadd.s32 $0xFFFFFEF7, lr;
	s5 =	simm.s32 $0xFFFFFFFF;
	p2 =	slt.u32 s8, $0xFFFFF086  }
0x1c: {  	p1 =	slt.u32 s9, $0xF7A;
	s5 =	simm.s32 @!p2 $0x0  }
0x1d: {  	s5 =	simm.s32 @p1 $0x1;
	p0 =	seq.s32 s7, s2  }
0x1e: {  	s7 =	smul.u32 @!p0 $0xF7A, s2;
	p2 =	seq.s32 @!p0 s5, $0x0  }
0x1f: {  	s9 =	smul.u32 $0xF7A, s1;
	s8 =	simm.s32 @!p0 $0x1BF5;
	p2 =	por !p2, p0  }
0x20: {  	[sflag:s8] =	ssyncset.s32 @!p0 $0xFFFFF086;
	s6 =	sadd.s32 @!p0 s3, s7;
	s7 =	simm.s32 @!p0 $0x108  }
0x21: {  	s3 =	sadd.s32 s3, s9;
	s6 =	sadd.s32 @!p0 $0x88, s6;
	s7 =	simm.s32 @p2 $0x1082  }
0x22: {  	[simem:s7], [sflag:s8] =	dma.local @!p0 [hbm:s6], $0xF7A  }
0x23: {  	s9 =	sor.u32 $0xD0000000, s2;
	s6 =	simm.s32 $0x108;
	_ =	swait.ge @!p0 [sflag:s8], $0x0  }
0x24: {  	s3 =	sadd.s32 $0x88, s3;
	s6 =	simm.s32 @!p1 $0x1082;
	[sflag:s4] =	ssyncset.s32 $0xFFFFF086  }
0x25: {  	[simem:s6], [sflag:s4] =	dma.local [hbm:s3], $0xF7A  }
0x26: {  	[smem:$0x3F99] =	sst s1;
	(tag) =	ssettag s2;
	_ =	strace s9  }
0x27: {  	s1 =	sld [smem:$0x3FA9]  }
0x28: {  	s2 =	sld [smem:$0x3FAA]  }
0x29: {  	s4 =	sld [smem:$0x3FAC]  }
0x2a: {  	p0 =	seq.s32 s5, $0x0;
	s5 =	sld [smem:$0x3FAD]  }
0x2b: {  	s6 =	sld [smem:$0x3FAE]  }
0x2c: {  	s7 =	sld [smem:$0x3FAF]  }
0x2d: {  	s3 =	simm.s32 $0x108;
	s8 =	sld [smem:$0x3FB0]  }
0x2e: {  	s3 =	simm.s32 @!p0 $0x1082;
	s9 =	sld [smem:$0x3FB1]  }
0x2f: {  	lr =	sadd.s32 s0, s3;
	s0 =	sld [smem:$0x3FA8]  }
0x30: {  	s3 =	sld [smem:$0x3FAB]  }
0x31: {  	[smem:$0x3FB4] =	sst s10  }
0x32: {  	s10 =	sld [smem:$0x3FB2];
	_ =	sdelay $0x3  }
0x33: {  	p0 =	seq.s32 s10, $0x1;
	s10 =	sld [smem:$0x3FB4];
	_ =	sdelay $0x3  }
0x34: {  	[smem:$0x3FB4] =	sst s10  }
0x35: {  	s10 =	sld [smem:$0x3FB3];
	_ =	sdelay $0x3  }
0x36: {  	p1 =	seq.s32 s10, $0x1;
	s10 =	sld [smem:$0x3FB4];
	_ =	sdelay $0x3  }
0x37: {  	[smem:$0x3FB4] =	sst s10  }
0x38: {  	s10 =	sld [smem:$0x3FB5]  }
0x39: {  	_ = 	snop;
	(pc) =	sbr.ind lr, $3  }
0x3a: {  	_ = 	snop  }
0x3b: {  	_ = 	snop  }
0x3c: {  	p2 =	seq.s32 s10, $0x1;
	s10 =	sld [smem:$0x3FB4]  }
0x3d: {  	_ =	shalt  }
0x3e: {  	_ =	shalt  }
0x3f: {  	_ =	shalt  }
0x40: {  	_ =	shalt  }
0x41: {  	_ =	shalt  }
0x42: {  	_ =	shalt  }
0x43: {  	_ =	shalt  }
0x44: {  	_ =	shalt  }
0x45: {  	_ =	shalt  }
0x46: {  	_ =	shalt  }
0x47: {  	_ =	shalt  }
0x48: {  	_ =	shalt  }
0x49: {  	_ =	shalt  }
0x4a: {  	_ =	shalt  }
0x4b: {  	_ =	shalt  }
0x4c: {  	_ =	shalt  }
0x4d: {  	_ =	shalt  }
0x4e: {  	_ =	shalt  }
0x4f: {  	_ =	shalt  }
0x50: {  	_ =	shalt  }
0x51: {  	_ =	shalt  }
0x52: {  	_ =	shalt  }
0x53: {  	_ =	shalt  }
0x54: {  	_ =	shalt  }
0x55: {  	_ =	shalt  }
0x56: {  	_ =	shalt  }
0x57: {  	_ =	shalt  }
0x58: {  	_ =	shalt  }
0x59: {  	_ =	shalt  }
0x5a: {  	_ =	shalt  }
0x5b: {  	_ =	shalt  }
0x5c: {  	_ =	shalt  }
0x5d: {  	_ =	shalt  }
0x5e: {  	_ =	shalt  }
0x5f: {  	_ =	shalt  }
0x60: {  	_ =	shalt  }
0x61: {  	_ =	shalt  }
0x62: {  	_ =	shalt  }
0x63: {  	_ =	shalt  }
0x64: {  	_ =	shalt  }
0x65: {  	_ =	shalt  }
0x66: {  	_ =	shalt  }
0x67: {  	_ =	shalt  }
0x68: {  	_ =	shalt  }
0x69: {  	_ =	shalt  }
0x6a: {  	_ =	shalt  }
0x6b: {  	_ =	shalt  }
0x6c: {  	_ =	shalt  }
0x6d: {  	_ =	shalt  }
0x6e: {  	_ =	shalt  }
0x6f: {  	_ =	shalt  }
0x70: {  	_ =	shalt  }
0x71: {  	_ =	shalt  }
0x72: {  	_ =	shalt  }
0x73: {  	_ =	shalt  }
0x74: {  	_ =	shalt  }
0x75: {  	_ =	shalt  }
0x76: {  	_ =	shalt  }
0x77: {  	_ =	shalt  }
0x78: {  	_ =	shalt  }
0x79: {  	_ =	shalt  }
0x7a: {  	_ =	shalt  }
0x7b: {  	_ =	shalt  }
0x7c: {  	_ =	shalt  }
0x7d: {  	_ =	shalt  }
0x7e: {  	_ =	shalt  }
0x7f: {  	_ =	shalt  }
0x80: {  	_ =	shalt  }
0x81: {  	_ =	shalt  }
0x82: {  	_ =	shalt  }
0x83: {  	_ =	shalt  }
0x84: {  	_ =	shalt  }
0x85: {  	_ =	shalt  }
0x86: {  	_ =	shalt  }
0x87: {  	_ =	shalt  }
.Lfunc_end0:
.L_simem_size_0:
called_computation_lowered:
.L_overlay_start_0:
0x88: {  	s2 =	sld [smem:$0x3FD9]  }
0x89: {  	s3 =	sld [smem:$0x3FFE];
	_ =	sdelay $0x1  }
0x8a: {  	s1 =	srdreg.scid  }
0x8b: {  	s0 =	sand.u32 $0x1, s1  }
0x8c: {  	s16 =	sshll.u32 s0, $0xA;
	s2 =	sadd.s32 s3, s2  }
0x8d: {  	s2 =	sadd.s32 s2, s16  }
0x8e: {  	[smem:$0x3FC0] =	sst s2  }
0x8f: {  	_ = 	snop  }
0x90: {  	(tm) =	ssettm $0x1  }
0x91: {  	s17 =	sld [smem:$0x3FFB];
	_ =	sdelay $0x3  }
0x92: {  	_ =	strace s17  }
0x93: {  	s2 =	sld [smem:$0x3FFC];
	_ =	sdelay $0x3  }
0x94: {  	_ =	strace s2  }
0x95: {  	s2 =	sld [smem:$0x3FFD];
	_ =	sdelay $0x3  }
0x96: {  	_ =	strace s2  }
0x97: {  	_ =	strace $0x8FFFFFFF  }
0x98: {  	s18 =	sld [smem:$0x3FDB];
	_ =	sdelay $0x1  }
0x99: {  	s19 =	simm.s32 $_scs_section_size  }
0x9a: {  	s4 =	simm.s32 $_size__tile_overlayer_lowered;
	s5 =	simm.s32 $_tile_overlayer_lowered  }
0x9b: {  	s22 =	simm.s32 $0x1BFF;
	s21 =	sshll.u32 s5, $0x1;
	s2 =	sadd.s32 s19, s18  }
0x9c: {  	s6 =	simm.s32 $0x0;
	s20 =	sshll.u32 s4, $0x1;
	s4 =	sadd.s32 s21, s2  }
0x9d: {  	[timem:s6], [sflag:s22] =	dma.local [hbm:s4], s20  }
0x9e: {  	_ =	swait.ge [sflag:s22], s20  }
0x9f: {  	s3 =	ssub.s32 $0x0, s20;
	[sflag:s22] =	ssyncset.done $0x0  }
0xa0: {  	[sflag:s22] =	ssyncadd.s32 s3;
	_ =	sdelay $0x1  }
0xa1: {  	s23 =	simm.s32 $0x1B8B  }
0xa2: {  	_ =	swait.ge [sflag:s23], $0x1  }
0xa3: {  	[sflag:s23] =	ssyncset.done $0x0  }
0xa4: {  	s25 =	simm.s32 $0x1B8E;
	s24 =	sld [smem:$0x3FFE];
	[sflag:s23] =	ssyncadd.s32 $0xFFFFFFFF  }
0xa5: {  	s26 =	simm.s32 $execute0_lowered;
	[smem:$0x3FD2] =	sst s25  }
0xa6: {  	s4 =	sshll.u32 s26, $0x1;
	_ =	strace $0x80000046;
	[dreg:$0x1] =	wrdreg $0xFFFFFFFF  }
0xa7: {  	s28 =	simm.s32 $_size_execute0_lowered;
	s2 =	sadd.s32 s2, s4;
	[dreg:$0x0] =	wrdreg $0x0  }
0xa8: {  	s4 =	sshll.u32 s28, $0x1;
	[dreg:$0x2] =	wrdreg s2  }
0xa9: {  	[dreg:$0x3] =	wrdreg s4  }
0xaa: {  	[dreg:$0x4] =	wrdreg $0xC0  }
0xab: {  	_ =	task [dreg:s6], $0x5FFFF  }
0xac: {  	[dreg:$0x1] =	wrdreg $0xFFFFFFFF  }
0xad: {  	[dreg:$0x0] =	wrdreg $0x60  }
0xae: {  	[dreg:$0x2] =	wrdreg s24  }
0xaf: {  	[dreg:$0x3] =	wrdreg $0x30000  }
0xb0: {  	[dreg:$0x4] =	wrdreg $0x9  }
0xb1: {  	_ =	task.clear_ibuf [dreg:s6], $0x5FFFF;
	_ =	strace $0x90000046  }
0xb2: {  	s29 =	simm.s32 $0x9;
	_ =	strace $0x80000048  }
0xb3: {  	_ =	swait.ge [sflag:s29], $0x1  }
0xb4: {  	[sflag:s29] =	ssyncadd.s32 $0xFFFFFFFF  }
0xb5: {  	_ =	strace $0x90000048  }
0xb6: {  	_ =	sfence  }
0xb7: {  	s30 =	sld [smem:$0x0];
	_ =	sdelay $0x2  }
0xb8: {  	s31 =	sshll.u32 s1, $0xD;
	s1 =	sshrl.u32 s1, $0x2  }
0xb9: {  	s3 =	sand.u32 $0x4000, s31;
	s1 =	sadd.s32 s1, s30  }
0xba: {  	s0 =	sor.u32 s3, s0;
	s1 =	sshll.u32 s1, $0x11  }
0xbb: {  	s0 =	sor.u32 s1, s0  }
0xbc: {  	s0 =	sadd.s32 $0x8F2B, s0  }
0xbd: {  	[sflag:s0] =	ssyncadd.remote.s32 $0x1  }
0xbe: {  	_ =	sfence.sel $0xFFFF  }
0xbf: {  	[dreg:$0x0] =	wrdreg $0xFFFFFFFF;
	(pc) =	sbr.abs _section_cstart, $3  }
0xc0: {  	[dreg:$0x1] =	wrdreg $0xFFFFFFFF  }
0xc1: {  	_ =	task.clear_ibuf [dreg:s6], $0x2FFFF;
	_ =	strace $0x9FFFFFFF  }
0xc2: {  	(tm) =	ssettm $0x7FFFFFFF  }
0xc3: {  	_ =	shalt  }
tec
execute0_lowered:
.L_overlay_start_1:
0x0: {  	(tag) =	ssettag $0x1  }
0x1: {  	s4 =	rddreg [dreg:$0x0]  }
0x2: {  	s2 =	rddreg [dreg:$0x1]  }
0x3: {  	s0 =	stileid.u32;
	s5 =	srdreg.scid  }
0x4: {  	s1 =	rddreg [dreg:$0x2];
	s3 =	simm.s32 $0x0;
	s23 =	simm.s32 $0x80  }
0x5: {  	s24 =	simm.s32 $0x1;
	s25 =	simm.s32 $0x0;
	s17 =	smul.u32 $0x2800, s0  }
0x6: {  	s6 =	sand.u32 $0x1, s5;
	[smem:$0x7FF] =	sst s3;
	s8 =	smul.u32 $0xA000, s0  }
0x7: {  	s20 =	sadd.s32 $0xCE00, s4;
	p0 =	seq.s32 s6, $0x0;
	_ =	strace $0x80000047  }
0x8: {  	s7 =	ssub.s32 $0x2, s6;
	s18 =	smul.u32 $0x28000, s6;
	s5 =	sadd.s32 $0x28000, s17  }
0x9: {  	s28 =	sshrl.u32 s7, $0x1;
	s29 =	sshrl.u32 s8, $0x2;
	s6 =	sadd.s32 s17, s2  }
0xa: {  	s13 =	sadd.s32 $0x800, s17;
	s15 =	sadd.s32 $0x1000, s17;
	s19 =	sadd.s32 $0x1800, s17  }
0xb: {  	s22 =	sadd.s32 $0x2000, s17;
	s5 =	smov.u32 @p0 s17;
	s7 =	ssub.s32 s7, s28  }
0xc: {  	s12 =	sadd.s32 s18, s17;
	s14 =	sadd.s32 s18, s13;
	s13 =	sadd.s32 s13, s2  }
0xd: {  	s16 =	sadd.s32 s18, s15;
	s15 =	sadd.s32 s15, s2;
	s21 =	sadd.s32 s18, s19  }
0xe: {  	s17 =	sadd.s32 s19, s2;
	s31 =	sadd.s32 s18, s22;
	s19 =	sadd.s32 s22, s2  }
0xf: {  	s22 =	simm.s32 $0x2800;
	s5 =	sshrl.u32 s5, $0x3;
	s7 =	smax.u32 s7, $0x1  }
0x10: {  	s12 =	sshrl.u32 s12, $0x3;
	s14 =	sshrl.u32 s14, $0x3;
	s16 =	sshrl.u32 s16, $0x3  }
0x11: {  	s30 =	sshrl.u32 s21, $0x3;
	s21 =	sshrl.u32 s31, $0x3;
	s5 =	sadd.s32 s5, s4  }
0x12: {  	s12 =	sadd.s32 s20, s12;
	s14 =	sadd.s32 s20, s14;
	s16 =	sadd.s32 s20, s16  }
0x13: {  	s18 =	sadd.s32 s20, s30;
	s4 =	sadd.s32 $0x2800, s5;
	s5 =	sadd.s32 s29, s2  }
0x14: {  	s20 =	sadd.s32 s20, s21;
	s21 =	simm.s32 $0x2;
	s8 =	sadd.s32 $0x800, s5  }
0x15: {  	v0 =	vimm.f32 $0.0e+00;
	v1 =	vimm.f32 $1.000000000e+00;
	s9 =	sadd.s32 $0x1000, s5;
	s10 =	sadd.s32 $0x1800, s5;
	s11 =	sadd.s32 $0x2000, s5  }
.LBB2_1:
0x16: {  	[tilespmem:s3], [sflag:$0x2] =	stream.linear.gather [hbm4b:s4+s3], $0x2800, $0x38;
	[tilespmem:$0x5800] =	vst v63  }
0x17: {  	_ =	swait.ge [sflag:s21], $0x2800  }
0x18: {  	[sflag:s21] =	ssyncset.done $0x0  }
0x19: {  	s26 =	simm.s32 $0x40;
	s28 =	simm.s32 $0x0;
	[sflag:s21] =	ssyncadd.s32 $0xFFFFD800  }
.LBB2_2:
0x1a: {  	p0 =	sne.s32 s26, $0x1FC0;
	[tilespmem:s28+$0x2800] =	vst v0;
	s28 =	smov.u32 s26;
	s26 =	sadd.s32 $0x40, s26  }
.Ltmp0:
0x1b: {  	(pc) =	sbr.rel @p0 .LBB2_2-.Ltmp0, $2  }
0x1c: {  	_ =	sdelay $0x2  }
0x1d: {  	s28 =	sshra.s32 s28, $0x2  }
0x1e: {  	[tilespmem:s28+$0x2800] =	vst v0  }
0x1f: {  	[spmem:s5] =	stream.linear.scatter [tilespmem:s22], [sflag:$0x2], $0x800, $0x38;
	[tilespmem:$0x5800] =	vst v63  }
0x20: {  	_ =	swait.ge [sflag:s21], $0x800  }
0x21: {  	[sflag:s21] =	ssyncset.done $0x0  }
0x22: {  	[sflag:s21] =	ssyncadd.s32 $0xFFFFF800  }
0x23: {  	[spmem:s8] =	stream.linear.scatter [tilespmem:s22], [sflag:$0x2], $0x800, $0x38;
	[tilespmem:$0x5800] =	vst v63  }
0x24: {  	_ =	swait.ge [sflag:s21], $0x800  }
0x25: {  	[sflag:s21] =	ssyncset.done $0x0  }
0x26: {  	[sflag:s21] =	ssyncadd.s32 $0xFFFFF800  }
0x27: {  	[spmem:s9] =	stream.linear.scatter [tilespmem:s22], [sflag:$0x2], $0x800, $0x38;
	[tilespmem:$0x5800] =	vst v63  }
0x28: {  	_ =	swait.ge [sflag:s21], $0x800  }
0x29: {  	[sflag:s21] =	ssyncset.done $0x0  }
0x2a: {  	[sflag:s21] =	ssyncadd.s32 $0xFFFFF800  }
0x2b: {  	[spmem:s10] =	stream.linear.scatter [tilespmem:s22], [sflag:$0x2], $0x800, $0x38;
	[tilespmem:$0x5800] =	vst v63  }
0x2c: {  	_ =	swait.ge [sflag:s21], $0x800  }
0x2d: {  	[sflag:s21] =	ssyncset.done $0x0  }
0x2e: {  	[sflag:s21] =	ssyncadd.s32 $0xFFFFF800  }
0x2f: {  	[spmem:s11] =	stream.linear.scatter [tilespmem:s22], [sflag:$0x2], $0x800, $0x38;
	[tilespmem:$0x5800] =	vst v63  }
0x30: {  	_ =	swait.ge [sflag:s21], $0x800  }
0x31: {  	[sflag:s21] =	ssyncset.done $0x0  }
0x32: {  	s26 =	simm.s32 $0x0;
	[sflag:s21] =	ssyncadd.s32 $0xFFFFF800  }
0x33: {  	s28 =	simm.s32 $0x40;
	s29 =	simm.s32 $0x0;
	[bflag:$0x0] =	sbarrier.arrive $0xFFFF  }
.LBB2_4:
0x34: {  	p0 =	sne.s32 s28, $0x1FC0;
	[tilespmem:s29+$0x2800] =	vst v1;
	s29 =	smov.u32 s28;
	s28 =	sadd.s32 $0x40, s28  }
.Ltmp1:
0x35: {  	(pc) =	sbr.rel @p0 .LBB2_4-.Ltmp1, $2  }
0x36: {  	_ =	sdelay $0x2  }
0x37: {  	s29 =	sshra.s32 s29, $0x2  }
0x38: {  	[tilespmem:s29+$0x2800] =	vst v1  }
.LBB2_6:
0x39: {  	p0 =	sne.s32 s26, $0x9E00  }
.Ltmp2:
0x3a: {  	_ = 	snop;
	(pc) =	sbr.rel @p0 .LBB2_6-.Ltmp2, $3  }
0x3b: {  	_ =	sdelay $0x1  }
0x3c: {  	s28 =	sshra.s32 s26, $0x2;
	s26 =	sadd.s32 $0x200, s26  }
0x3d: {  	[spmem:s2] =	stream.indirect.scatter.add.f32 [tilespmem:s22], [sflag:$0x1], $0x10, s28, s23, $0xb8;
	[tilespmem:$0x5800] =	vst v63  }
0x3e: {  	_ =	swait.ge [sflag:s24], $0x800  }
0x3f: {  	s26 =	simm.s32 $0x4F;
	[sflag:s24] =	ssyncset.done $0x0  }
.LBB2_8:
0x40: {  	p0 =	sne.s32 s26, $0x1;
	s26 =	sadd.s32 $0xFFFFFFFF, s26;
	[sflag:s24] =	ssyncadd.s32 $0xFFFFF800  }
.Ltmp3:
0x41: {  	(pc) =	sbr.rel @p0 .LBB2_8-.Ltmp3, $3  }
0x42: {  	_ =	sdelay $0x1  }
0x43: {  	_ =	swait.ge [sflag:s24], $0x800  }
0x44: {  	[sflag:s24] =	ssyncset.done $0x0  }
0x45: {  	[sflag:s24] =	ssyncadd.s32 $0xFFFFF800  }
0x46: {  	[bflag:$0x0] =	sbarrier.arrive $0xFFFF  }
0x47: {  	[tilespmem:s22], [sflag:$0x2] =	stream.linear.gather [spmem:s6], $0x800, $0x38;
	[tilespmem:$0x5800] =	vst v63  }
0x48: {  	_ =	swait.ge [sflag:s21], $0x800  }
0x49: {  	[sflag:s21] =	ssyncset.done $0x0  }
0x4a: {  	[sflag:s21] =	ssyncadd.s32 $0xFFFFF800  }
0x4b: {  	[hbm4b:s12+s3] =	stream.linear.scatter [tilespmem:s22], [sflag:$0x2], $0x800, $0x38;
	[tilespmem:$0x5800] =	vst v63  }
0x4c: {  	_ =	swait.ge [sflag:s21], $0x800  }
0x4d: {  	[sflag:s21] =	ssyncset.done $0x0  }
0x4e: {  	[sflag:s21] =	ssyncadd.s32 $0xFFFFF800  }
0x4f: {  	[tilespmem:s22], [sflag:$0x2] =	stream.linear.gather [spmem:s13], $0x800, $0x38;
	[tilespmem:$0x5800] =	vst v63  }
0x50: {  	_ =	swait.ge [sflag:s21], $0x800  }
0x51: {  	[sflag:s21] =	ssyncset.done $0x0  }
0x52: {  	[sflag:s21] =	ssyncadd.s32 $0xFFFFF800  }
0x53: {  	[hbm4b:s14+s3] =	stream.linear.scatter [tilespmem:s22], [sflag:$0x2], $0x800, $0x38;
	[tilespmem:$0x5800] =	vst v63  }
0x54: {  	_ =	swait.ge [sflag:s21], $0x800  }
0x55: {  	[sflag:s21] =	ssyncset.done $0x0  }
0x56: {  	[sflag:s21] =	ssyncadd.s32 $0xFFFFF800  }
0x57: {  	[tilespmem:s22], [sflag:$0x2] =	stream.linear.gather [spmem:s15], $0x800, $0x38;
	[tilespmem:$0x5800] =	vst v63  }
0x58: {  	_ =	swait.ge [sflag:s21], $0x800  }
0x59: {  	[sflag:s21] =	ssyncset.done $0x0  }
0x5a: {  	[sflag:s21] =	ssyncadd.s32 $0xFFFFF800  }
0x5b: {  	[hbm4b:s16+s3] =	stream.linear.scatter [tilespmem:s22], [sflag:$0x2], $0x800, $0x38;
	[tilespmem:$0x5800] =	vst v63  }
0x5c: {  	_ =	swait.ge [sflag:s21], $0x800  }
0x5d: {  	[sflag:s21] =	ssyncset.done $0x0  }
0x5e: {  	[sflag:s21] =	ssyncadd.s32 $0xFFFFF800  }
0x5f: {  	[tilespmem:s22], [sflag:$0x2] =	stream.linear.gather [spmem:s17], $0x800, $0x38;
	[tilespmem:$0x5800] =	vst v63  }
0x60: {  	_ =	swait.ge [sflag:s21], $0x800  }
0x61: {  	[sflag:s21] =	ssyncset.done $0x0  }
0x62: {  	[sflag:s21] =	ssyncadd.s32 $0xFFFFF800  }
0x63: {  	[hbm4b:s18+s3] =	stream.linear.scatter [tilespmem:s22], [sflag:$0x2], $0x800, $0x38;
	[tilespmem:$0x5800] =	vst v63  }
0x64: {  	_ =	swait.ge [sflag:s21], $0x800  }
0x65: {  	[sflag:s21] =	ssyncset.done $0x0  }
0x66: {  	[sflag:s21] =	ssyncadd.s32 $0xFFFFF800  }
0x67: {  	[tilespmem:s22], [sflag:$0x2] =	stream.linear.gather [spmem:s19], $0x800, $0x38;
	[tilespmem:$0x5800] =	vst v63  }
0x68: {  	s25 =	sadd.s32 $0x1, s25;
	_ =	swait.ge [sflag:s21], $0x800  }
0x69: {  	p0 =	sne.s32 s25, s7;
	[sflag:s21] =	ssyncset.done $0x0  }
.Ltmp4:
0x6a: {  	[sflag:s21] =	ssyncadd.s32 $0xFFFFF800;
	(pc) =	sbr.rel @p0 .LBB2_1-.Ltmp4, $4  }
0x6b: {  	[hbm4b:s20+s3] =	stream.linear.scatter [tilespmem:s22], [sflag:$0x2], $0x800, $0x38;
	[tilespmem:$0x5800] =	vst v63  }
0x6c: {  	_ =	swait.ge [sflag:s21], $0x800  }
0x6d: {  	[sflag:s21] =	ssyncset.done $0x0  }
0x6e: {  	[sflag:s21] =	ssyncadd.s32 $0xFFFFF800  }
0x6f: {  	_ =	sfence.sel $0x180000  }
0x70: {  	[bflag:$0x0] =	sbarrier.arrive $0xFFFF  }
0x71: {  	p0 =	sne.s32 s0, $0x0;
	_ =	strace $0x90000047  }
0x72: {  	s0 =	sadd.s32 @!p0 $0x100000, s1;
	[bflag:$0x2] =	sbarrier.arrive $0xFFFF  }
0x73: {  	[sflag:s0] =	ssyncadd.tile.s32 @!p0 $0x1;
	_ =	shalt  }
.Lfunc_end2:
_tile_overlayer_lowered:
.L_overlay_start_2:
0x74: {  	(tag) =	ssettag $0x2  }
0x75: {  	s0 =	rddreg [dreg:$0x0];
	s2 =	stileid.u32  }
0x76: {  	s1 =	rddreg [dreg:$0x1];
	p0 =	sne.s32 s2, $0x0  }
0x77: {  	s3 =	rddreg [dreg:$0x2];
	[bflag:$0x3] =	sbarrier.arrive $0xFFFF;
	s2 =	simm.s32 @!p0 $0x1C02  }
0x78: {  	[timem:s3], [sflag:s2] =	dma.local @!p0 [hbm:s0], s1  }
0x79: {  	s0 =	simm.s32 @!p0 $0x2  }
0x7a: {  	_ =	swait.ge @!p0 [sflag:s0], s1  }
0x7b: {  	s1 =	ssub.s32 @!p0 $0x0, s1;
	[sflag:s0] =	ssyncset.done @!p0 $0x0  }
0x7c: {  	[sflag:s0] =	ssyncadd.s32 @!p0 s1  }
0x7d: {  	[bflag:$0x3] =	sbarrier.arrive $0xFFFF  }
0x7e: {  	_ =	shalt  }

</sc_bundles>
